<compile_context>
chip_gen: v7x
topology: tpu7x:2x2x1
jax: 0.10.2.dev20260603
libtpu: 0.0.44.dev20260713+nightly
codegen_flags: <defaults>
</compile_context>

<pallas_src>
import functools
import jax
import jax.numpy as jnp
from jax import lax
from jax.experimental import pallas as pl
from jax.experimental.pallas import tpu as pltpu
from jax.experimental.pallas import tpu_sc as plsc

_N = 10000
_K = 32
_H = 128

_BLOCK = 200
_HEAD = 3600
_BLOCK_R = _HEAD // (_N // _BLOCK)

_NWORKERS = 32
_S = _N - _HEAD
_RPW = _S // _NWORKERS
_CH = 8
_NJ = _H // 16


def _tc_body(x_ref, mm_ref, mr_ref, w_ref, b_ref, m_ref, rh_ref):
    inv_k = 1.0 / _K
    acc_m = jnp.sum(mm_ref[...], axis=1) * inv_k
    rh_ref[...] = jnp.sum(mr_ref[...], axis=1) * inv_k
    z = jnp.dot(x_ref[...], w_ref[...], preferred_element_type=jnp.float32)
    m_ref[...] = jnp.maximum(z + b_ref[...] + acc_m, 0.0)


def _tc_m_and_head(x, mailbox_m, mailbox_root, wt, b2):
    n = x.shape[0]
    return pl.pallas_call(
        _tc_body,
        grid=(n // _BLOCK,),
        in_specs=[
            pl.BlockSpec((_BLOCK, _H), lambda i: (i, 0)),
            pl.BlockSpec((_BLOCK, _K, _H), lambda i: (i, 0, 0)),
            pl.BlockSpec((_BLOCK_R, _K, _H), lambda i: (i, 0, 0)),
            pl.BlockSpec((_H, _H), lambda i: (0, 0)),
            pl.BlockSpec((1, _H), lambda i: (0, 0)),
        ],
        out_specs=[
            pl.BlockSpec((_BLOCK, _H), lambda i: (i, 0)),
            pl.BlockSpec((_BLOCK_R, _H), lambda i: (i, 0)),
        ],
        out_shape=[
            jax.ShapeDtypeStruct((n, _H), jnp.float32),
            jax.ShapeDtypeStruct((_HEAD, _H), jnp.float32),
        ],
        compiler_params=pltpu.CompilerParams(
            dimension_semantics=("arbitrary",),
        ),
    )(x, mailbox_m, mailbox_root, wt, b2)


def _sc_root_body(mr_hbm, out_hbm, buf0, buf1, out_v, sem0, sem1):
    wid = lax.axis_index("s") * 2 + lax.axis_index("c")
    base = wid * _RPW
    nchunks = _RPW // _CH
    inv_k = 1.0 / _K

    def start(g, buf, sem):
        pltpu.async_copy(
            mr_hbm.at[pl.ds(_HEAD + base + g * _CH, _CH)], buf, sem
        )

    def wait(buf, sem):
        pltpu.make_async_copy(mr_hbm.at[pl.ds(_HEAD, _CH)], buf, sem).wait()

    def compute(buf, lg):
        def row(r, c):
            accs = tuple(buf[r, 0, pl.ds(16 * j, 16)] for j in range(_NJ))
            for k in range(1, _K):
                accs = tuple(
                    accs[j] + buf[r, k, pl.ds(16 * j, 16)] for j in range(_NJ)
                )
            for j in range(_NJ):
                out_v[lg + r, pl.ds(16 * j, 16)] = accs[j] * inv_k
            return c

        lax.fori_loop(0, _CH, row, 0)

    start(0, buf0, sem0)
    start(1, buf1, sem1)

    def pair(p, carry):
        for b, (buf, sem) in enumerate(((buf0, sem0), (buf1, sem1))):
            g = 2 * p + b

            @pl.when(g < nchunks)
            def _():
                wait(buf, sem)
                compute(buf, g * _CH)

                @pl.when(g + 2 < nchunks)
                def _():
                    start(g + 2, buf, sem)

        return carry

    lax.fori_loop(0, (nchunks + 1) // 2, pair, 0)

    pltpu.sync_copy(out_v, out_hbm.at[pl.ds(base, _RPW)])


def _sc_root_tail(mailbox_root):
    mesh = plsc.VectorSubcoreMesh(core_axis_name="c", subcore_axis_name="s")
    return pl.kernel(
        _sc_root_body,
        out_type=jax.ShapeDtypeStruct((_S, _H), jnp.float32),
        mesh=mesh,
        scratch_types=[
            pltpu.VMEM((_CH, _K, _H), jnp.float32),
            pltpu.VMEM((_CH, _K, _H), jnp.float32),
            pltpu.VMEM((_RPW, _H), jnp.float32),
            pltpu.SemaphoreType.DMA,
            pltpu.SemaphoreType.DMA,
        ],
    )(mailbox_root)


def kernel(x, mailbox_m, mailbox_root, W_z, b_z):
    wt = W_z.T
    b2 = b_z.reshape(1, _H)
    root_tail = _sc_root_tail(mailbox_root)
    m, root_head = _tc_m_and_head(x, mailbox_m, mailbox_root, wt, b2)
    root = jnp.concatenate([root_head, root_tail], axis=0)
    return (m, root)

# --- scband reference (transcript-rebuilt; emitter-appended) ---
"""Pipeline reference for scband-grureduce-5944234737766 (READ-ONLY COPY).

The authoritative reference and input builder live on the scoring server;
editing this copy changes nothing except your own understanding.
"""

import jax, jax.numpy as jnp
import numpy as np

N = 10000
K = 32
IN_FEATS = 128
HIDDEN = 128

def setup_inputs(seed: int = 0) -> dict:
    key = jax.random.key(seed)
    k1, k2, k3, k4, k5 = jax.random.split(key, 5)
    x = jax.random.normal(k1, (N, IN_FEATS), dtype=jnp.float32)
    mailbox_m = jax.random.normal(k2, (N, K, HIDDEN), dtype=jnp.float32)
    mailbox_root = jax.random.normal(k3, (N, K, HIDDEN), dtype=jnp.float32)
    # nn.Linear(in_feats, hidden_size): weight [hidden, in_feats], bias [hidden]
    bound = 1.0 / np.sqrt(IN_FEATS)
    W_z = jax.random.uniform(k4, (HIDDEN, IN_FEATS), minval=-bound, maxval=bound, dtype=jnp.float32)
    b_z = jax.random.uniform(k5, (HIDDEN,), minval=-bound, maxval=bound, dtype=jnp.float32)
    return {"x": x, "mailbox_m": mailbox_m, "mailbox_root": mailbox_root, "W_z": W_z, "b_z": b_z}

def reference(x, mailbox_m, mailbox_root, W_z, b_z):
    # mailbox-present branch of GRUReduce.forward:
    # m = relu(W_z(node.data['x']) + node.mailbox['m'].mean(dim=1))
    # root = node.mailbox['root'].mean(dim=1)
    m = jax.nn.relu(jnp.dot(x, W_z.T) + b_z + jnp.mean(mailbox_m, axis=1))
    root = jnp.mean(mailbox_root, axis=1)
    return (m, root)

if __name__ == "__main__":
    import jax
    _d = setup_inputs()
    print(jax.jit(kernel)(*tuple(_d.values())))

</pallas_src>

<mosaic_0001>
#map = affine_map<(d0, d1) -> (0, 0, 0)>
#map1 = affine_map<(d0, d1) -> (0, 0)>
module attributes {stable_mosaic.version = 14 : i64} {
  func.func @_sc_root_body(%arg0: i32, %arg1: i32, %arg2: memref<10000x32x128xf32, #tpu.memory_space<hbm>>, %arg3: memref<6400x128xf32, #tpu.memory_space<hbm>>, %arg4: memref<8x32x128xf32, #tpu.memory_space<vmem>>, %arg5: memref<8x32x128xf32, #tpu.memory_space<vmem>>, %arg6: memref<200x128xf32, #tpu.memory_space<vmem>>, %arg7: memref<!tpu.dma_semaphore, #tpu.memory_space<semaphore_mem>>, %arg8: memref<!tpu.dma_semaphore, #tpu.memory_space<semaphore_mem>>) attributes {dimension_semantics = [#tpu.dimension_semantics<core_parallel>, #tpu.dimension_semantics<subcore_parallel>], iteration_bounds = array<i64: 2, 16>, scalar_prefetch = 0 : i64, scratch_operands = 5 : i64, tpu.core_type = #tpu.core_type<sc_vector_subcore>, window_params = [{transform_indices = #map}, {transform_indices = #map1}]} {
    %mul3A = arith.constant 2 : i32
    %mul3A_0 = arith.muli %arg1, %mul3A : i32
    %add3A = arith.addi %mul3A_0, %arg0 : i32
    %mul3A_1 = arith.constant 200 : i32
    %mul3A_2 = arith.muli %add3A, %mul3A_1 : i32
    %add3A_3 = arith.constant 3600 : i32
    %add3A_4 = arith.addi %add3A_3, %mul3A_2 : i32
    %add3A_5 = arith.constant 0 : i32
    %add3A_6 = arith.addi %add3A_4, %add3A_5 : i32
    %dma_start3A = arith.constant 0 : i32
    %dma_start3A_7 = arith.constant 0 : i32
    %dma_start3A_8 = tpu.memref_slice %arg2[%add3A_6, %dma_start3A, %dma_start3A_7] : memref<10000x32x128xf32, #tpu.memory_space<hbm>> -> memref<8x32x128xf32, #tpu.memory_space<hbm>>
    %dma_start3A_9 = arith.constant 0 : i32
    %dma_start3A_10 = arith.constant 0 : i32
    %dma_start3A_11 = tpu.memref_slice %arg2[%add3A_6, %dma_start3A_9, %dma_start3A_10] : memref<10000x32x128xf32, #tpu.memory_space<hbm>> -> memref<8x32x128xf32, #tpu.memory_space<hbm>>
    tpu.enqueue_dma source(%dma_start3A_11 : memref<8x32x128xf32, #tpu.memory_space<hbm>>) target(%arg4 : memref<8x32x128xf32, #tpu.memory_space<vmem>>) target_semaphore(%arg7 : memref<!tpu.dma_semaphore, #tpu.memory_space<semaphore_mem>>)
    %add3A_12 = arith.constant 3600 : i32
    %add3A_13 = arith.addi %add3A_12, %mul3A_2 : i32
    %add3A_14 = arith.constant 8 : i32
    %add3A_15 = arith.addi %add3A_13, %add3A_14 : i32
    %dma_start3A_16 = arith.constant 0 : i32
    %dma_start3A_17 = arith.constant 0 : i32
    %dma_start3A_18 = tpu.memref_slice %arg2[%add3A_15, %dma_start3A_16, %dma_start3A_17] : memref<10000x32x128xf32, #tpu.memory_space<hbm>> -> memref<8x32x128xf32, #tpu.memory_space<hbm>>
    %dma_start3A_19 = arith.constant 0 : i32
    %dma_start3A_20 = arith.constant 0 : i32
    %dma_start3A_21 = tpu.memref_slice %arg2[%add3A_15, %dma_start3A_19, %dma_start3A_20] : memref<10000x32x128xf32, #tpu.memory_space<hbm>> -> memref<8x32x128xf32, #tpu.memory_space<hbm>>
    tpu.enqueue_dma source(%dma_start3A_21 : memref<8x32x128xf32, #tpu.memory_space<hbm>>) target(%arg5 : memref<8x32x128xf32, #tpu.memory_space<vmem>>) target_semaphore(%arg8 : memref<!tpu.dma_semaphore, #tpu.memory_space<semaphore_mem>>)
    %scan3A = arith.constant 0 : i32
    %scan3A_22 = arith.constant 0 : i32
    %scan3A_23 = arith.constant 13 : i32
    %scan3A_24 = arith.addi %scan3A_22, %scan3A_23 : i32
    %scan3A_25 = arith.constant 1 : i32
    scf.for %scan3A_27 = %scan3A_22 to %scan3A_24 step %scan3A_25  : i32 {
      %mul3A_28 = arith.constant 2 : i32
      %mul3A_29 = arith.muli %mul3A_28, %scan3A_27 : i32
      %add3A_30 = arith.constant 0 : i32
      %add3A_31 = arith.addi %mul3A_29, %add3A_30 : i32
      %lt3A = arith.constant 25 : i32
      %lt3A_32 = arith.cmpi slt, %add3A_31, %lt3A : i32
      %convert_element_type3A = arith.extui %lt3A_32 : i1 to i32
      %cond3A = arith.constant 0 : i32
      %cond3A_33 = arith.cmpi ne, %convert_element_type3A, %cond3A : i32
      scf.if %cond3A_33 {
        %dma_wait3A = arith.constant 3600 : i32
        %dma_wait3A_43 = arith.constant 0 : i32
        %dma_wait3A_44 = arith.constant 0 : i32
        %dma_wait3A_45 = tpu.memref_slice %arg2[%dma_wait3A, %dma_wait3A_43, %dma_wait3A_44] : memref<10000x32x128xf32, #tpu.memory_space<hbm>> -> memref<8x32x128xf32, #tpu.memory_space<hbm>>
        %dma_wait3A_46 = arith.constant 3600 : i32
        %dma_wait3A_47 = arith.constant 0 : i32
        %dma_wait3A_48 = arith.constant 0 : i32
        %dma_wait3A_49 = tpu.memref_slice %arg2[%dma_wait3A_46, %dma_wait3A_47, %dma_wait3A_48] : memref<10000x32x128xf32, #tpu.memory_space<hbm>> -> memref<8x32x128xf32, #tpu.memory_space<hbm>>
        tpu.wait_dma2 semaphore(%arg7 : memref<!tpu.dma_semaphore, #tpu.memory_space<semaphore_mem>>) src(%dma_wait3A_49 : memref<8x32x128xf32, #tpu.memory_space<hbm>>) dst(%arg4 : memref<8x32x128xf32, #tpu.memory_space<vmem>>)
        %mul3A_50 = arith.constant 8 : i32
        %mul3A_51 = arith.muli %add3A_31, %mul3A_50 : i32
        %scan3A_52 = arith.constant 0 : i32
        %scan3A_53 = arith.constant 0 : i32
        %scan3A_54 = arith.constant 8 : i32
        %scan3A_55 = arith.addi %scan3A_53, %scan3A_54 : i32
        %scan3A_56 = arith.constant 1 : i32
        scf.for %scan3A_65 = %scan3A_53 to %scan3A_55 step %scan3A_56  : i32 {
          %get3A = arith.constant 0 : i32
          %get3A_66 = arith.index_cast %scan3A_65 : i32 to index
          %get3A_67 = arith.index_cast %get3A : i32 to index
          %get3A_68 = arith.constant 0 : index
          %get3A_69 = tpu.vector_load %arg4[%get3A_66, %get3A_67, %get3A_68] {strides = array<i32>} : memref<8x32x128xf32, #tpu.memory_space<vmem>>, vector<1x1x16xf32>,
          %get3A_70 = vector.shape_cast %get3A_69 : vector<1x1x16xf32> to vector<16xf32>
          %get3A_71 = arith.constant 0 : i32
          %get3A_72 = arith.index_cast %scan3A_65 : i32 to index
          %get3A_73 = arith.index_cast %get3A_71 : i32 to index
          %get3A_74 = arith.constant 16 : index
          %get3A_75 = tpu.vector_load %arg4[%get3A_72, %get3A_73, %get3A_74] {strides = array<i32>} : memref<8x32x128xf32, #tpu.memory_space<vmem>>, vector<1x1x16xf32>,
          %get3A_76 = vector.shape_cast %get3A_75 : vector<1x1x16xf32> to vector<16xf32>
          %get3A_77 = arith.constant 0 : i32
          %get3A_78 = arith.index_cast %scan3A_65 : i32 to index
          %get3A_79 = arith.index_cast %get3A_77 : i32 to index
          %get3A_80 = arith.constant 32 : index
          %get3A_81 = tpu.vector_load %arg4[%get3A_78, %get3A_79, %get3A_80] {strides = array<i32>} : memref<8x32x128xf32, #tpu.memory_space<vmem>>, vector<1x1x16xf32>,
          %get3A_82 = vector.shape_cast %get3A_81 : vector<1x1x16xf32> to vector<16xf32>
          %get3A_83 = arith.constant 0 : i32
          %get3A_84 = arith.index_cast %scan3A_65 : i32 to index
          %get3A_85 = arith.index_cast %get3A_83 : i32 to index
          %get3A_86 = arith.constant 48 : index
          %get3A_87 = tpu.vector_load %arg4[%get3A_84, %get3A_85, %get3A_86] {strides = array<i32>} : memref<8x32x128xf32, #tpu.memory_space<vmem>>, vector<1x1x16xf32>,
          %get3A_88 = vector.shape_cast %get3A_87 : vector<1x1x16xf32> to vector<16xf32>
          %get3A_89 = arith.constant 0 : i32
          %get3A_90 = arith.index_cast %scan3A_65 : i32 to index
          %get3A_91 = arith.index_cast %get3A_89 : i32 to index
          %get3A_92 = arith.constant 64 : index
          %get3A_93 = tpu.vector_load %arg4[%get3A_90, %get3A_91, %get3A_92] {strides = array<i32>} : memref<8x32x128xf32, #tpu.memory_space<vmem>>, vector<1x1x16xf32>,
          %get3A_94 = vector.shape_cast %get3A_93 : vector<1x1x16xf32> to vector<16xf32>
          %get3A_95 = arith.constant 0 : i32
          %get3A_96 = arith.index_cast %scan3A_65 : i32 to index
          %get3A_97 = arith.index_cast %get3A_95 : i32 to index
          %get3A_98 = arith.constant 80 : index
          %get3A_99 = tpu.vector_load %arg4[%get3A_96, %get3A_97, %get3A_98] {strides = array<i32>} : memref<8x32x128xf32, #tpu.memory_space<vmem>>, vector<1x1x16xf32>,
          %get3A_100 = vector.shape_cast %get3A_99 : vector<1x1x16xf32> to vector<16xf32>
          %get3A_101 = arith.constant 0 : i32
          %get3A_102 = arith.index_cast %scan3A_65 : i32 to index
          %get3A_103 = arith.index_cast %get3A_101 : i32 to index
          %get3A_104 = arith.constant 96 : index
          %get3A_105 = tpu.vector_load %arg4[%get3A_102, %get3A_103, %get3A_104] {strides = array<i32>} : memref<8x32x128xf32, #tpu.memory_space<vmem>>, vector<1x1x16xf32>,
          %get3A_106 = vector.shape_cast %get3A_105 : vector<1x1x16xf32> to vector<16xf32>
          %get3A_107 = arith.constant 0 : i32
          %get3A_108 = arith.index_cast %scan3A_65 : i32 to index
          %get3A_109 = arith.index_cast %get3A_107 : i32 to index
          %get3A_110 = arith.constant 112 : index
          %get3A_111 = tpu.vector_load %arg4[%get3A_108, %get3A_109, %get3A_110] {strides = array<i32>} : memref<8x32x128xf32, #tpu.memory_space<vmem>>, vector<1x1x16xf32>,
          %get3A_112 = vector.shape_cast %get3A_111 : vector<1x1x16xf32> to vector<16xf32>
          %get3A_113 = arith.constant 1 : i32
          %get3A_114 = arith.index_cast %scan3A_65 : i32 to index
          %get3A_115 = arith.index_cast %get3A_113 : i32 to index
          %get3A_116 = arith.constant 0 : index
          %get3A_117 = tpu.vector_load %arg4[%get3A_114, %get3A_115, %get3A_116] {strides = array<i32>} : memref<8x32x128xf32, #tpu.memory_space<vmem>>, vector<1x1x16xf32>,
          %get3A_118 = vector.shape_cast %get3A_117 : vector<1x1x16xf32> to vector<16xf32>
          %add3A_119 = arith.addf %get3A_70, %get3A_118 : vector<16xf32>
          %get3A_120 = arith.constant 1 : i32
          %get3A_121 = arith.index_cast %scan3A_65 : i32 to index
          %get3A_122 = arith.index_cast %get3A_120 : i32 to index
          %get3A_123 = arith.constant 16 : index
          %get3A_124 = tpu.vector_load %arg4[%get3A_121, %get3A_122, %get3A_123] {strides = array<i32>} : memref<8x32x128xf32, #tpu.memory_space<vmem>>, vector<1x1x16xf32>,
          %get3A_125 = vector.shape_cast %get3A_124 : vector<1x1x16xf32> to vector<16xf32>
          %add3A_126 = arith.addf %get3A_76, %get3A_125 : vector<16xf32>
          %get3A_127 = arith.constant 1 : i32
          %get3A_128 = arith.index_cast %scan3A_65 : i32 to index
          %get3A_129 = arith.index_cast %get3A_127 : i32 to index
          %get3A_130 = arith.constant 32 : index
          %get3A_131 = tpu.vector_load %arg4[%get3A_128, %get3A_129, %get3A_130] {strides = array<i32>} : memref<8x32x128xf32, #tpu.memory_space<vmem>>, vector<1x1x16xf32>,
          %get3A_132 = vector.shape_cast %get3A_131 : vector<1x1x16xf32> to vector<16xf32>
          %add3A_133 = arith.addf %get3A_82, %get3A_132 : vector<16xf32>
          %get3A_134 = arith.constant 1 : i32
          %get3A_135 = arith.index_cast %scan3A_65 : i32 to index
          %get3A_136 = arith.index_cast %get3A_134 : i32 to index
          %get3A_137 = arith.constant 48 : index
          %get3A_138 = tpu.vector_load %arg4[%get3A_135, %get3A_136, %get3A_137] {strides = array<i32>} : memref<8x32x128xf32, #tpu.memory_space<vmem>>, vector<1x1x16xf32>,
          %get3A_139 = vector.shape_cast %get3A_138 : vector<1x1x16xf32> to vector<16xf32>
          %add3A_140 = arith.addf %get3A_88, %get3A_139 : vector<16xf32>
          %get3A_141 = arith.constant 1 : i32
          %get3A_142 = arith.index_cast %scan3A_65 : i32 to index
          %get3A_143 = arith.index_cast %get3A_141 : i32 to index
          %get3A_144 = arith.constant 64 : index
          %get3A_145 = tpu.vector_load %arg4[%get3A_142, %get3A_143, %get3A_144] {strides = array<i32>} : memref<8x32x128xf32, #tpu.memory_space<vmem>>, vector<1x1x16xf32>,
          %get3A_146 = vector.shape_cast %get3A_145 : vector<1x1x16xf32> to vector<16xf32>
          %add3A_147 = arith.addf %get3A_94, %get3A_146 : vector<16xf32>
          %get3A_148 = arith.constant 1 : i32
          %get3A_149 = arith.index_cast %scan3A_65 : i32 to index
          %get3A_150 = arith.index_cast %get3A_148 : i32 to index
          %get3A_151 = arith.constant 80 : index
          %get3A_152 = tpu.vector_load %arg4[%get3A_149, %get3A_150, %get3A_151] {strides = array<i32>} : memref<8x32x128xf32, #tpu.memory_space<vmem>>, vector<1x1x16xf32>,
          %get3A_153 = vector.shape_cast %get3A_152 : vector<1x1x16xf32> to vector<16xf32>
          %add3A_154 = arith.addf %get3A_100, %get3A_153 : vector<16xf32>
          %get3A_155 = arith.constant 1 : i32
          %get3A_156 = arith.index_cast %scan3A_65 : i32 to index
          %get3A_157 = arith.index_cast %get3A_155 : i32 to index
          %get3A_158 = arith.constant 96 : index
          %get3A_159 = tpu.vector_load %arg4[%get3A_156, %get3A_157, %get3A_158] {strides = array<i32>} : memref<8x32x128xf32, #tpu.memory_space<vmem>>, vector<1x1x16xf32>,
          %get3A_160 = vector.shape_cast %get3A_159 : vector<1x1x16xf32> to vector<16xf32>
          %add3A_161 = arith.addf %get3A_106, %get3A_160 : vector<16xf32>
          %get3A_162 = arith.constant 1 : i32
          %get3A_163 = arith.index_cast %scan3A_65 : i32 to index
          %get3A_164 = arith.index_cast %get3A_162 : i32 to index
          %get3A_165 = arith.constant 112 : index
          %get3A_166 = tpu.vector_load %arg4[%get3A_163, %get3A_164, %get3A_165] {strides = array<i32>} : memref<8x32x128xf32, #tpu.memory_space<vmem>>, vector<1x1x16xf32>,
          %get3A_167 = vector.shape_cast %get3A_166 : vector<1x1x16xf32> to vector<16xf32>
          %add3A_168 = arith.addf %get3A_112, %get3A_167 : vector<16xf32>
          %get3A_169 = arith.constant 2 : i32
          %get3A_170 = arith.index_cast %scan3A_65 : i32 to index
          %get3A_171 = arith.index_cast %get3A_169 : i32 to index
          %get3A_172 = arith.constant 0 : index
          %get3A_173 = tpu.vector_load %arg4[%get3A_170, %get3A_171, %get3A_172] {strides = array<i32>} : memref<8x32x128xf32, #tpu.memory_space<vmem>>, vector<1x1x16xf32>,
          %get3A_174 = vector.shape_cast %get3A_173 : vector<1x1x16xf32> to vector<16xf32>
          %add3A_175 = arith.addf %add3A_119, %get3A_174 : vector<16xf32>
          %get3A_176 = arith.constant 2 : i32
          %get3A_177 = arith.index_cast %scan3A_65 : i32 to index
          %get3A_178 = arith.index_cast %get3A_176 : i32 to index
          %get3A_179 = arith.constant 16 : index
          %get3A_180 = tpu.vector_load %arg4[%get3A_177, %get3A_178, %get3A_179] {strides = array<i32>} : memref<8x32x128xf32, #tpu.memory_space<vmem>>, vector<1x1x16xf32>,
          %get3A_181 = vector.shape_cast %get3A_180 : vector<1x1x16xf32> to vector<16xf32>
          %add3A_182 = arith.addf %add3A_126, %get3A_181 : vector<16xf32>
          %get3A_183 = arith.constant 2 : i32
          %get3A_184 = arith.index_cast %scan3A_65 : i32 to index
          %get3A_185 = arith.index_cast %get3A_183 : i32 to index
          %get3A_186 = arith.constant 32 : index
          %get3A_187 = tpu.vector_load %arg4[%get3A_184, %get3A_185, %get3A_186] {strides = array<i32>} : memref<8x32x128xf32, #tpu.memory_space<vmem>>, vector<1x1x16xf32>,
          %get3A_188 = vector.shape_cast %get3A_187 : vector<1x1x16xf32> to vector<16xf32>
          %add3A_189 = arith.addf %add3A_133, %get3A_188 : vector<16xf32>
          %get3A_190 = arith.constant 2 : i32
          %get3A_191 = arith.index_cast %scan3A_65 : i32 to index
          %get3A_192 = arith.index_cast %get3A_190 : i32 to index
          %get3A_193 = arith.constant 48 : index
          %get3A_194 = tpu.vector_load %arg4[%get3A_191, %get3A_192, %get3A_193] {strides = array<i32>} : memref<8x32x128xf32, #tpu.memory_space<vmem>>, vector<1x1x16xf32>,
          %get3A_195 = vector.shape_cast %get3A_194 : vector<1x1x16xf32> to vector<16xf32>
          %add3A_196 = arith.addf %add3A_140, %get3A_195 : vector<16xf32>
          %get3A_197 = arith.constant 2 : i32
          %get3A_198 = arith.index_cast %scan3A_65 : i32 to index
          %get3A_199 = arith.index_cast %get3A_197 : i32 to index
          %get3A_200 = arith.constant 64 : index
          %get3A_201 = tpu.vector_load %arg4[%get3A_198, %get3A_199, %get3A_200] {strides = array<i32>} : memref<8x32x128xf32, #tpu.memory_space<vmem>>, vector<1x1x16xf32>,
          %get3A_202 = vector.shape_cast %get3A_201 : vector<1x1x16xf32> to vector<16xf32>
          %add3A_203 = arith.addf %add3A_147, %get3A_202 : vector<16xf32>
          %get3A_204 = arith.constant 2 : i32
          %get3A_205 = arith.index_cast %scan3A_65 : i32 to index
          %get3A_206 = arith.index_cast %get3A_204 : i32 to index
          %get3A_207 = arith.constant 80 : index
          %get3A_208 = tpu.vector_load %arg4[%get3A_205, %get3A_206, %get3A_207] {strides = array<i32>} : memref<8x32x128xf32, #tpu.memory_space<vmem>>, vector<1x1x16xf32>,
          %get3A_209 = vector.shape_cast %get3A_208 : vector<1x1x16xf32> to vector<16xf32>
          %add3A_210 = arith.addf %add3A_154, %get3A_209 : vector<16xf32>
          %get3A_211 = arith.constant 2 : i32
          %get3A_212 = arith.index_cast %scan3A_65 : i32 to index
          %get3A_213 = arith.index_cast %get3A_211 : i32 to index
          %get3A_214 = arith.constant 96 : index
          %get3A_215 = tpu.vector_load %arg4[%get3A_212, %get3A_213, %get3A_214] {strides = array<i32>} : memref<8x32x128xf32, #tpu.memory_space<vmem>>, vector<1x1x16xf32>,
          %get3A_216 = vector.shape_cast %get3A_215 : vector<1x1x16xf32> to vector<16xf32>
          %add3A_217 = arith.addf %add3A_161, %get3A_216 : vector<16xf32>
          %get3A_218 = arith.constant 2 : i32
          %get3A_219 = arith.index_cast %scan3A_65 : i32 to index
          %get3A_220 = arith.index_cast %get3A_218 : i32 to index
          %get3A_221 = arith.constant 112 : index
          %get3A_222 = tpu.vector_load %arg4[%get3A_219, %get3A_220, %get3A_221] {strides = array<i32>} : memref<8x32x128xf32, #tpu.memory_space<vmem>>, vector<1x1x16xf32>,
          %get3A_223 = vector.shape_cast %get3A_222 : vector<1x1x16xf32> to vector<16xf32>
          %add3A_224 = arith.addf %add3A_168, %get3A_223 : vector<16xf32>
          %get3A_225 = arith.constant 3 : i32
          %get3A_226 = arith.index_cast %scan3A_65 : i32 to index
          %get3A_227 = arith.index_cast %get3A_225 : i32 to index
          %get3A_228 = arith.constant 0 : index
          %get3A_229 = tpu.vector_load %arg4[%get3A_226, %get3A_227, %get3A_228] {strides = array<i32>} : memref<8x32x128xf32, #tpu.memory_space<vmem>>, vector<1x1x16xf32>,
          %get3A_230 = vector.shape_cast %get3A_229 : vector<1x1x16xf32> to vector<16xf32>
          %add3A_231 = arith.addf %add3A_175, %get3A_230 : vector<16xf32>
          %get3A_232 = arith.constant 3 : i32
          %get3A_233 = arith.index_cast %scan3A_65 : i32 to index
          %get3A_234 = arith.index_cast %get3A_232 : i32 to index
          %get3A_235 = arith.constant 16 : index
          %get3A_236 = tpu.vector_load %arg4[%get3A_233, %get3A_234, %get3A_235] {strides = array<i32>} : memref<8x32x128xf32, #tpu.memory_space<vmem>>, vector<1x1x16xf32>,
          %get3A_237 = vector.shape_cast %get3A_236 : vector<1x1x16xf32> to vector<16xf32>
          %add3A_238 = arith.addf %add3A_182, %get3A_237 : vector<16xf32>
          %get3A_239 = arith.constant 3 : i32
          %get3A_240 = arith.index_cast %scan3A_65 : i32 to index
          %get3A_241 = arith.index_cast %get3A_239 : i32 to index
          %get3A_242 = arith.constant 32 : index
          %get3A_243 = tpu.vector_load %arg4[%get3A_240, %get3A_241, %get3A_242] {strides = array<i32>} : memref<8x32x128xf32, #tpu.memory_space<vmem>>, vector<1x1x16xf32>,
          %get3A_244 = vector.shape_cast %get3A_243 : vector<1x1x16xf32> to vector<16xf32>
          %add3A_245 = arith.addf %add3A_189, %get3A_244 : vector<16xf32>
          %get3A_246 = arith.constant 3 : i32
          %get3A_247 = arith.index_cast %scan3A_65 : i32 to index
          %get3A_248 = arith.index_cast %get3A_246 : i32 to index
          %get3A_249 = arith.constant 48 : index
          %get3A_250 = tpu.vector_load %arg4[%get3A_247, %get3A_248, %get3A_249] {strides = array<i32>} : memref<8x32x128xf32, #tpu.memory_space<vmem>>, vector<1x1x16xf32>,
          %get3A_251 = vector.shape_cast %get3A_250 : vector<1x1x16xf32> to vector<16xf32>
          %add3A_252 = arith.addf %add3A_196, %get3A_251 : vector<16xf32>
          %get3A_253 = arith.constant 3 : i32
          %get3A_254 = arith.index_cast %scan3A_65 : i32 to index
          %get3A_255 = arith.index_cast %get3A_253 : i32 to index
          %get3A_256 = arith.constant 64 : index
          %get3A_257 = tpu.vector_load %arg4[%get3A_254, %get3A_255, %get3A_256] {strides = array<i32>} : memref<8x32x128xf32, #tpu.memory_space<vmem>>, vector<1x1x16xf32>,
          %get3A_258 = vector.shape_cast %get3A_257 : vector<1x1x16xf32> to vector<16xf32>
          %add3A_259 = arith.addf %add3A_203, %get3A_258 : vector<16xf32>
          %get3A_260 = arith.constant 3 : i32
          %get3A_261 = arith.index_cast %scan3A_65 : i32 to index
          %get3A_262 = arith.index_cast %get3A_260 : i32 to index
          %get3A_263 = arith.constant 80 : index
          %get3A_264 = tpu.vector_load %arg4[%get3A_261, %get3A_262, %get3A_263] {strides = array<i32>} : memref<8x32x128xf32, #tpu.memory_space<vmem>>, vector<1x1x16xf32>,
          %get3A_265 = vector.shape_cast %get3A_264 : vector<1x1x16xf32> to vector<16xf32>
          %add3A_266 = arith.addf %add3A_210, %get3A_265 : vector<16xf32>
          %get3A_267 = arith.constant 3 : i32
          %get3A_268 = arith.index_cast %scan3A_65 : i32 to index
          %get3A_269 = arith.index_cast %get3A_267 : i32 to index
          %get3A_270 = arith.constant 96 : index
          %get3A_271 = tpu.vector_load %arg4[%get3A_268, %get3A_269, %get3A_270] {strides = array<i32>} : memref<8x32x128xf32, #tpu.memory_space<vmem>>, vector<1x1x16xf32>,
          %get3A_272 = vector.shape_cast %get3A_271 : vector<1x1x16xf32> to vector<16xf32>
          %add3A_273 = arith.addf %add3A_217, %get3A_272 : vector<16xf32>
          %get3A_274 = arith.constant 3 : i32
          %get3A_275 = arith.index_cast %scan3A_65 : i32 to index
          %get3A_276 = arith.index_cast %get3A_274 : i32 to index
          %get3A_277 = arith.constant 112 : index
          %get3A_278 = tpu.vector_load %arg4[%get3A_275, %get3A_276, %get3A_277] {strides = array<i32>} : memref<8x32x128xf32, #tpu.memory_space<vmem>>, vector<1x1x16xf32>,
          %get3A_279 = vector.shape_cast %get3A_278 : vector<1x1x16xf32> to vector<16xf32>
          %add3A_280 = arith.addf %add3A_224, %get3A_279 : vector<16xf32>
          %get3A_281 = arith.constant 4 : i32
          %get3A_282 = arith.index_cast %scan3A_65 : i32 to index
          %get3A_283 = arith.index_cast %get3A_281 : i32 to index
          %get3A_284 = arith.constant 0 : index
          %get3A_285 = tpu.vector_load %arg4[%get3A_282, %get3A_283, %get3A_284] {strides = array<i32>} : memref<8x32x128xf32, #tpu.memory_space<vmem>>, vector<1x1x16xf32>,
          %get3A_286 = vector.shape_cast %get3A_285 : vector<1x1x16xf32> to vector<16xf32>
          %add3A_287 = arith.addf %add3A_231, %get3A_286 : vector<16xf32>
          %get3A_288 = arith.constant 4 : i32
          %get3A_289 = arith.index_cast %scan3A_65 : i32 to index
          %get3A_290 = arith.index_cast %get3A_288 : i32 to index
          %get3A_291 = arith.constant 16 : index
          %get3A_292 = tpu.vector_load %arg4[%get3A_289, %get3A_290, %get3A_291] {strides = array<i32>} : memref<8x32x128xf32, #tpu.memory_space<vmem>>, vector<1x1x16xf32>,
          %get3A_293 = vector.shape_cast %get3A_292 : vector<1x1x16xf32> to vector<16xf32>
          %add3A_294 = arith.addf %add3A_238, %get3A_293 : vector<16xf32>
          %get3A_295 = arith.constant 4 : i32
          %get3A_296 = arith.index_cast %scan3A_65 : i32 to index
          %get3A_297 = arith.index_cast %get3A_295 : i32 to index
          %get3A_298 = arith.constant 32 : index
          %get3A_299 = tpu.vector_load %arg4[%get3A_296, %get3A_297, %get3A_298] {strides = array<i32>} : memref<8x32x128xf32, #tpu.memory_space<vmem>>, vector<1x1x16xf32>,
          %get3A_300 = vector.shape_cast %get3A_299 : vector<1x1x16xf32> to vector<16xf32>
          %add3A_301 = arith.addf %add3A_245, %get3A_300 : vector<16xf32>
          %get3A_302 = arith.constant 4 : i32
          %get3A_303 = arith.index_cast %scan3A_65 : i32 to index
          %get3A_304 = arith.index_cast %get3A_302 : i32 to index
          %get3A_305 = arith.constant 48 : index
          %get3A_306 = tpu.vector_load %arg4[%get3A_303, %get3A_304, %get3A_305] {strides = array<i32>} : memref<8x32x128xf32, #tpu.memory_space<vmem>>, vector<1x1x16xf32>,
          %get3A_307 = vector.shape_cast %get3A_306 : vector<1x1x16xf32> to vector<16xf32>
          %add3A_308 = arith.addf %add3A_252, %get3A_307 : vector<16xf32>
          %get3A_309 = arith.constant 4 : i32
          %get3A_310 = arith.index_cast %scan3A_65 : i32 to index
          %get3A_311 = arith.index_cast %get3A_309 : i32 to index
          %get3A_312 = arith.constant 64 : index
          %get3A_313 = tpu.vector_load %arg4[%get3A_310, %get3A_311, %get3A_312] {strides = array<i32>} : memref<8x32x128xf32, #tpu.memory_space<vmem>>, vector<1x1x16xf32>,
          %get3A_314 = vector.shape_cast %get3A_313 : vector<1x1x16xf32> to vector<16xf32>
          %add3A_315 = arith.addf %add3A_259, %get3A_314 : vector<16xf32>
          %get3A_316 = arith.constant 4 : i32
          %get3A_317 = arith.index_cast %scan3A_65 : i32 to index
          %get3A_318 = arith.index_cast %get3A_316 : i32 to index
          %get3A_319 = arith.constant 80 : index
          %get3A_320 = tpu.vector_load %arg4[%get3A_317, %get3A_318, %get3A_319] {strides = array<i32>} : memref<8x32x128xf32, #tpu.memory_space<vmem>>, vector<1x1x16xf32>,
          %get3A_321 = vector.shape_cast %get3A_320 : vector<1x1x16xf32> to vector<16xf32>
          %add3A_322 = arith.addf %add3A_266, %get3A_321 : vector<16xf32>
          %get3A_323 = arith.constant 4 : i32
          %get3A_324 = arith.index_cast %scan3A_65 : i32 to index
          %get3A_325 = arith.index_cast %get3A_323 : i32 to index
          %get3A_326 = arith.constant 96 : index
          %get3A_327 = tpu.vector_load %arg4[%get3A_324, %get3A_325, %get3A_326] {strides = array<i32>} : memref<8x32x128xf32, #tpu.memory_space<vmem>>, vector<1x1x16xf32>,
          %get3A_328 = vector.shape_cast %get3A_327 : vector<1x1x16xf32> to vector<16xf32>
          %add3A_329 = arith.addf %add3A_273, %get3A_328 : vector<16xf32>
          %get3A_330 = arith.constant 4 : i32
          %get3A_331 = arith.index_cast %scan3A_65 : i32 to index
          %get3A_332 = arith.index_cast %get3A_330 : i32 to index
          %get3A_333 = arith.constant 112 : index
          %get3A_334 = tpu.vector_load %arg4[%get3A_331, %get3A_332, %get3A_333] {strides = array<i32>} : memref<8x32x128xf32, #tpu.memory_space<vmem>>, vector<1x1x16xf32>,
          %get3A_335 = vector.shape_cast %get3A_334 : vector<1x1x16xf32> to vector<16xf32>
          %add3A_336 = arith.addf %add3A_280, %get3A_335 : vector<16xf32>
          %get3A_337 = arith.constant 5 : i32
          %get3A_338 = arith.index_cast %scan3A_65 : i32 to index
          %get3A_339 = arith.index_cast %get3A_337 : i32 to index
          %get3A_340 = arith.constant 0 : index
          %get3A_341 = tpu.vector_load %arg4[%get3A_338, %get3A_339, %get3A_340] {strides = array<i32>} : memref<8x32x128xf32, #tpu.memory_space<vmem>>, vector<1x1x16xf32>,
          %get3A_342 = vector.shape_cast %get3A_341 : vector<1x1x16xf32> to vector<16xf32>
          %add3A_343 = arith.addf %add3A_287, %get3A_342 : vector<16xf32>
          %get3A_344 = arith.constant 5 : i32
          %get3A_345 = arith.index_cast %scan3A_65 : i32 to index
          %get3A_346 = arith.index_cast %get3A_344 : i32 to index
          %get3A_347 = arith.constant 16 : index
          %get3A_348 = tpu.vector_load %arg4[%get3A_345, %get3A_346, %get3A_347] {strides = array<i32>} : memref<8x32x128xf32, #tpu.memory_space<vmem>>, vector<1x1x16xf32>,
          %get3A_349 = vector.shape_cast %get3A_348 : vector<1x1x16xf32> to vector<16xf32>
          %add3A_350 = arith.addf %add3A_294, %get3A_349 : vector<16xf32>
          %get3A_351 = arith.constant 5 : i32
          %get3A_352 = arith.index_cast %scan3A_65 : i32 to index
          %get3A_353 = arith.index_cast %get3A_351 : i32 to index
          %get3A_354 = arith.constant 32 : index
          %get3A_355 = tpu.vector_load %arg4[%get3A_352, %get3A_353, %get3A_354] {strides = array<i32>} : memref<8x32x128xf32, #tpu.memory_space<vmem>>, vector<1x1x16xf32>,
          %get3A_356 = vector.shape_cast %get3A_355 : vector<1x1x16xf32> to vector<16xf32>
          %add3A_357 = arith.addf %add3A_301, %get3A_356 : vector<16xf32>
          %get3A_358 = arith.constant 5 : i32
          %get3A_359 = arith.index_cast %scan3A_65 : i32 to index
          %get3A_360 = arith.index_cast %get3A_358 : i32 to index
          %get3A_361 = arith.constant 48 : index
          %get3A_362 = tpu.vector_load %arg4[%get3A_359, %get3A_360, %get3A_361] {strides = array<i32>} : memref<8x32x128xf32, #tpu.memory_space<vmem>>, vector<1x1x16xf32>,
          %get3A_363 = vector.shape_cast %get3A_362 : vector<1x1x16xf32> to vector<16xf32>
          %add3A_364 = arith.addf %add3A_308, %get3A_363 : vector<16xf32>
          %get3A_365 = arith.constant 5 : i32
          %get3A_366 = arith.index_cast %scan3A_65 : i32 to index
          %get3A_367 = arith.index_cast %get3A_365 : i32 to index
          %get3A_368 = arith.constant 64 : index
          %get3A_369 = tpu.vector_load %arg4[%get3A_366, %get3A_367, %get3A_368] {strides = array<i32>} : memref<8x32x128xf32, #tpu.memory_space<vmem>>, vector<1x1x16xf32>,
          %get3A_370 = vector.shape_cast %get3A_369 : vector<1x1x16xf32> to vector<16xf32>
          %add3A_371 = arith.addf %add3A_315, %get3A_370 : vector<16xf32>
          %get3A_372 = arith.constant 5 : i32
          %get3A_373 = arith.index_cast %scan3A_65 : i32 to index
          %get3A_374 = arith.index_cast %get3A_372 : i32 to index
          %get3A_375 = arith.constant 80 : index
          %get3A_376 = tpu.vector_load %arg4[%get3A_373, %get3A_374, %get3A_375] {strides = array<i32>} : memref<8x32x128xf32, #tpu.memory_space<vmem>>, vector<1x1x16xf32>,
          %get3A_377 = vector.shape_cast %get3A_376 : vector<1x1x16xf32> to vector<16xf32>
          %add3A_378 = arith.addf %add3A_322, %get3A_377 : vector<16xf32>
          %get3A_379 = arith.constant 5 : i32
          %get3A_380 = arith.index_cast %scan3A_65 : i32 to index
          %get3A_381 = arith.index_cast %get3A_379 : i32 to index
          %get3A_382 = arith.constant 96 : index
          %get3A_383 = tpu.vector_load %arg4[%get3A_380, %get3A_381, %get3A_382] {strides = array<i32>} : memref<8x32x128xf32, #tpu.memory_space<vmem>>, vector<1x1x16xf32>,
          %get3A_384 = vector.shape_cast %get3A_383 : vector<1x1x16xf32> to vector<16xf32>
          %add3A_385 = arith.addf %add3A_329, %get3A_384 : vector<16xf32>
          %get3A_386 = arith.constant 5 : i32
          %get3A_387 = arith.index_cast %scan3A_65 : i32 to index
          %get3A_388 = arith.index_cast %get3A_386 : i32 to index
          %get3A_389 = arith.constant 112 : index
          %get3A_390 = tpu.vector_load %arg4[%get3A_387, %get3A_388, %get3A_389] {strides = array<i32>} : memref<8x32x128xf32, #tpu.memory_space<vmem>>, vector<1x1x16xf32>,
          %get3A_391 = vector.shape_cast %get3A_390 : vector<1x1x16xf32> to vector<16xf32>
          %add3A_392 = arith.addf %add3A_336, %get3A_391 : vector<16xf32>
          %get3A_393 = arith.constant 6 : i32
          %get3A_394 = arith.index_cast %scan3A_65 : i32 to index
          %get3A_395 = arith.index_cast %get3A_393 : i32 to index
          %get3A_396 = arith.constant 0 : index
          %get3A_397 = tpu.vector_load %arg4[%get3A_394, %get3A_395, %get3A_396] {strides = array<i32>} : memref<8x32x128xf32, #tpu.memory_space<vmem>>, vector<1x1x16xf32>,
          %get3A_398 = vector.shape_cast %get3A_397 : vector<1x1x16xf32> to vector<16xf32>
          %add3A_399 = arith.addf %add3A_343, %get3A_398 : vector<16xf32>
          %get3A_400 = arith.constant 6 : i32
          %get3A_401 = arith.index_cast %scan3A_65 : i32 to index
          %get3A_402 = arith.index_cast %get3A_400 : i32 to index
          %get3A_403 = arith.constant 16 : index
          %get3A_404 = tpu.vector_load %arg4[%get3A_401, %get3A_402, %get3A_403] {strides = array<i32>} : memref<8x32x128xf32, #tpu.memory_space<vmem>>, vector<1x1x16xf32>,
          %get3A_405 = vector.shape_cast %get3A_404 : vector<1x1x16xf32> to vector<16xf32>
          %add3A_406 = arith.addf %add3A_350, %get3A_405 : vector<16xf32>
          %get3A_407 = arith.constant 6 : i32
          %get3A_408 = arith.index_cast %scan3A_65 : i32 to index
          %get3A_409 = arith.index_cast %get3A_407 : i32 to index
          %get3A_410 = arith.constant 32 : index
          %get3A_411 = tpu.vector_load %arg4[%get3A_408, %get3A_409, %get3A_410] {strides = array<i32>} : memref<8x32x128xf32, #tpu.memory_space<vmem>>, vector<1x1x16xf32>,
          %get3A_412 = vector.shape_cast %get3A_411 : vector<1x1x16xf32> to vector<16xf32>
          %add3A_413 = arith.addf %add3A_357, %get3A_412 : vector<16xf32>
          %get3A_414 = arith.constant 6 : i32
          %get3A_415 = arith.index_cast %scan3A_65 : i32 to index
          %get3A_416 = arith.index_cast %get3A_414 : i32 to index
          %get3A_417 = arith.constant 48 : index
          %get3A_418 = tpu.vector_load %arg4[%get3A_415, %get3A_416, %get3A_417] {strides = array<i32>} : memref<8x32x128xf32, #tpu.memory_space<vmem>>, vector<1x1x16xf32>,
          %get3A_419 = vector.shape_cast %get3A_418 : vector<1x1x16xf32> to vector<16xf32>
          %add3A_420 = arith.addf %add3A_364, %get3A_419 : vector<16xf32>
          %get3A_421 = arith.constant 6 : i32
          %get3A_422 = arith.index_cast %scan3A_65 : i32 to index
          %get3A_423 = arith.index_cast %get3A_421 : i32 to index
          %get3A_424 = arith.constant 64 : index
          %get3A_425 = tpu.vector_load %arg4[%get3A_422, %get3A_423, %get3A_424] {strides = array<i32>} : memref<8x32x128xf32, #tpu.memory_space<vmem>>, vector<1x1x16xf32>,
          %get3A_426 = vector.shape_cast %get3A_425 : vector<1x1x16xf32> to vector<16xf32>
          %add3A_427 = arith.addf %add3A_371, %get3A_426 : vector<16xf32>
          %get3A_428 = arith.constant 6 : i32
          %get3A_429 = arith.index_cast %scan3A_65 : i32 to index
          %get3A_430 = arith.index_cast %get3A_428 : i32 to index
          %get3A_431 = arith.constant 80 : index
          %get3A_432 = tpu.vector_load %arg4[%get3A_429, %get3A_430, %get3A_431] {strides = array<i32>} : memref<8x32x128xf32, #tpu.memory_space<vmem>>, vector<1x1x16xf32>,
          %get3A_433 = vector.shape_cast %get3A_432 : vector<1x1x16xf32> to vector<16xf32>
          %add3A_434 = arith.addf %add3A_378, %get3A_433 : vector<16xf32>
          %get3A_435 = arith.constant 6 : i32
          %get3A_436 = arith.index_cast %scan3A_65 : i32 to index
          %get3A_437 = arith.index_cast %get3A_435 : i32 to index
          %get3A_438 = arith.constant 96 : index
          %get3A_439 = tpu.vector_load %arg4[%get3A_436, %get3A_437, %get3A_438] {strides = array<i32>} : memref<8x32x128xf32, #tpu.memory_space<vmem>>, vector<1x1x16xf32>,
          %get3A_440 = vector.shape_cast %get3A_439 : vector<1x1x16xf32> to vector<16xf32>
          %add3A_441 = arith.addf %add3A_385, %get3A_440 : vector<16xf32>
          %get3A_442 = arith.constant 6 : i32
          %get3A_443 = arith.index_cast %scan3A_65 : i32 to index
          %get3A_444 = arith.index_cast %get3A_442 : i32 to index
          %get3A_445 = arith.constant 112 : index
          %get3A_446 = tpu.vector_load %arg4[%get3A_443, %get3A_444, %get3A_445] {strides = array<i32>} : memref<8x32x128xf32, #tpu.memory_space<vmem>>, vector<1x1x16xf32>,
          %get3A_447 = vector.shape_cast %get3A_446 : vector<1x1x16xf32> to vector<16xf32>
          %add3A_448 = arith.addf %add3A_392, %get3A_447 : vector<16xf32>
          %get3A_449 = arith.constant 7 : i32
          %get3A_450 = arith.index_cast %scan3A_65 : i32 to index
          %get3A_451 = arith.index_cast %get3A_449 : i32 to index
          %get3A_452 = arith.constant 0 : index
          %get3A_453 = tpu.vector_load %arg4[%get3A_450, %get3A_451, %get3A_452] {strides = array<i32>} : memref<8x32x128xf32, #tpu.memory_space<vmem>>, vector<1x1x16xf32>,
          %get3A_454 = vector.shape_cast %get3A_453 : vector<1x1x16xf32> to vector<16xf32>
          %add3A_455 = arith.addf %add3A_399, %get3A_454 : vector<16xf32>
          %get3A_456 = arith.constant 7 : i32
          %get3A_457 = arith.index_cast %scan3A_65 : i32 to index
          %get3A_458 = arith.index_cast %get3A_456 : i32 to index
          %get3A_459 = arith.constant 16 : index
          %get3A_460 = tpu.vector_load %arg4[%get3A_457, %get3A_458, %get3A_459] {strides = array<i32>} : memref<8x32x128xf32, #tpu.memory_space<vmem>>, vector<1x1x16xf32>,
          %get3A_461 = vector.shape_cast %get3A_460 : vector<1x1x16xf32> to vector<16xf32>
          %add3A_462 = arith.addf %add3A_406, %get3A_461 : vector<16xf32>
          %get3A_463 = arith.constant 7 : i32
          %get3A_464 = arith.index_cast %scan3A_65 : i32 to index
          %get3A_465 = arith.index_cast %get3A_463 : i32 to index
          %get3A_466 = arith.constant 32 : index
          %get3A_467 = tpu.vector_load %arg4[%get3A_464, %get3A_465, %get3A_466] {strides = array<i32>} : memref<8x32x128xf32, #tpu.memory_space<vmem>>, vector<1x1x16xf32>,
          %get3A_468 = vector.shape_cast %get3A_467 : vector<1x1x16xf32> to vector<16xf32>
          %add3A_469 = arith.addf %add3A_413, %get3A_468 : vector<16xf32>
          %get3A_470 = arith.constant 7 : i32
          %get3A_471 = arith.index_cast %scan3A_65 : i32 to index
          %get3A_472 = arith.index_cast %get3A_470 : i32 to index
          %get3A_473 = arith.constant 48 : index
          %get3A_474 = tpu.vector_load %arg4[%get3A_471, %get3A_472, %get3A_473] {strides = array<i32>} : memref<8x32x128xf32, #tpu.memory_space<vmem>>, vector<1x1x16xf32>,
          %get3A_475 = vector.shape_cast %get3A_474 : vector<1x1x16xf32> to vector<16xf32>
          %add3A_476 = arith.addf %add3A_420, %get3A_475 : vector<16xf32>
          %get3A_477 = arith.constant 7 : i32
          %get3A_478 = arith.index_cast %scan3A_65 : i32 to index
          %get3A_479 = arith.index_cast %get3A_477 : i32 to index
          %get3A_480 = arith.constant 64 : index
          %get3A_481 = tpu.vector_load %arg4[%get3A_478, %get3A_479, %get3A_480] {strides = array<i32>} : memref<8x32x128xf32, #tpu.memory_space<vmem>>, vector<1x1x16xf32>,
          %get3A_482 = vector.shape_cast %get3A_481 : vector<1x1x16xf32> to vector<16xf32>
          %add3A_483 = arith.addf %add3A_427, %get3A_482 : vector<16xf32>
          %get3A_484 = arith.constant 7 : i32
          %get3A_485 = arith.index_cast %scan3A_65 : i32 to index
          %get3A_486 = arith.index_cast %get3A_484 : i32 to index
          %get3A_487 = arith.constant 80 : index
          %get3A_488 = tpu.vector_load %arg4[%get3A_485, %get3A_486, %get3A_487] {strides = array<i32>} : memref<8x32x128xf32, #tpu.memory_space<vmem>>, vector<1x1x16xf32>,
          %get3A_489 = vector.shape_cast %get3A_488 : vector<1x1x16xf32> to vector<16xf32>
          %add3A_490 = arith.addf %add3A_434, %get3A_489 : vector<16xf32>
          %get3A_491 = arith.constant 7 : i32
          %get3A_492 = arith.index_cast %scan3A_65 : i32 to index
          %get3A_493 = arith.index_cast %get3A_491 : i32 to index
          %get3A_494 = arith.constant 96 : index
          %get3A_495 = tpu.vector_load %arg4[%get3A_492, %get3A_493, %get3A_494] {strides = array<i32>} : memref<8x32x128xf32, #tpu.memory_space<vmem>>, vector<1x1x16xf32>,
          %get3A_496 = vector.shape_cast %get3A_495 : vector<1x1x16xf32> to vector<16xf32>
          %add3A_497 = arith.addf %add3A_441, %get3A_496 : vector<16xf32>
          %get3A_498 = arith.constant 7 : i32
          %get3A_499 = arith.index_cast %scan3A_65 : i32 to index
          %get3A_500 = arith.index_cast %get3A_498 : i32 to index
          %get3A_501 = arith.constant 112 : index
          %get3A_502 = tpu.vector_load %arg4[%get3A_499, %get3A_500, %get3A_501] {strides = array<i32>} : memref<8x32x128xf32, #tpu.memory_space<vmem>>, vector<1x1x16xf32>,
          %get3A_503 = vector.shape_cast %get3A_502 : vector<1x1x16xf32> to vector<16xf32>
          %add3A_504 = arith.addf %add3A_448, %get3A_503 : vector<16xf32>
          %get3A_505 = arith.constant 8 : i32
          %get3A_506 = arith.index_cast %scan3A_65 : i32 to index
          %get3A_507 = arith.index_cast %get3A_505 : i32 to index
          %get3A_508 = arith.constant 0 : index
          %get3A_509 = tpu.vector_load %arg4[%get3A_506, %get3A_507, %get3A_508] {strides = array<i32>} : memref<8x32x128xf32, #tpu.memory_space<vmem>>, vector<1x1x16xf32>,
          %get3A_510 = vector.shape_cast %get3A_509 : vector<1x1x16xf32> to vector<16xf32>
          %add3A_511 = arith.addf %add3A_455, %get3A_510 : vector<16xf32>
          %get3A_512 = arith.constant 8 : i32
          %get3A_513 = arith.index_cast %scan3A_65 : i32 to index
          %get3A_514 = arith.index_cast %get3A_512 : i32 to index
          %get3A_515 = arith.constant 16 : index
          %get3A_516 = tpu.vector_load %arg4[%get3A_513, %get3A_514, %get3A_515] {strides = array<i32>} : memref<8x32x128xf32, #tpu.memory_space<vmem>>, vector<1x1x16xf32>,
          %get3A_517 = vector.shape_cast %get3A_516 : vector<1x1x16xf32> to vector<16xf32>
          %add3A_518 = arith.addf %add3A_462, %get3A_517 : vector<16xf32>
          %get3A_519 = arith.constant 8 : i32
          %get3A_520 = arith.index_cast %scan3A_65 : i32 to index
          %get3A_521 = arith.index_cast %get3A_519 : i32 to index
          %get3A_522 = arith.constant 32 : index
          %get3A_523 = tpu.vector_load %arg4[%get3A_520, %get3A_521, %get3A_522] {strides = array<i32>} : memref<8x32x128xf32, #tpu.memory_space<vmem>>, vector<1x1x16xf32>,
          %get3A_524 = vector.shape_cast %get3A_523 : vector<1x1x16xf32> to vector<16xf32>
          %add3A_525 = arith.addf %add3A_469, %get3A_524 : vector<16xf32>
          %get3A_526 = arith.constant 8 : i32
          %get3A_527 = arith.index_cast %scan3A_65 : i32 to index
          %get3A_528 = arith.index_cast %get3A_526 : i32 to index
          %get3A_529 = arith.constant 48 : index
          %get3A_530 = tpu.vector_load %arg4[%get3A_527, %get3A_528, %get3A_529] {strides = array<i32>} : memref<8x32x128xf32, #tpu.memory_space<vmem>>, vector<1x1x16xf32>,
          %get3A_531 = vector.shape_cast %get3A_530 : vector<1x1x16xf32> to vector<16xf32>
          %add3A_532 = arith.addf %add3A_476, %get3A_531 : vector<16xf32>
          %get3A_533 = arith.constant 8 : i32
          %get3A_534 = arith.index_cast %scan3A_65 : i32 to index
          %get3A_535 = arith.index_cast %get3A_533 : i32 to index
          %get3A_536 = arith.constant 64 : index
          %get3A_537 = tpu.vector_load %arg4[%get3A_534, %get3A_535, %get3A_536] {strides = array<i32>} : memref<8x32x128xf32, #tpu.memory_space<vmem>>, vector<1x1x16xf32>,
          %get3A_538 = vector.shape_cast %get3A_537 : vector<1x1x16xf32> to vector<16xf32>
          %add3A_539 = arith.addf %add3A_483, %get3A_538 : vector<16xf32>
          %get3A_540 = arith.constant 8 : i32
          %get3A_541 = arith.index_cast %scan3A_65 : i32 to index
          %get3A_542 = arith.index_cast %get3A_540 : i32 to index
          %get3A_543 = arith.constant 80 : index
          %get3A_544 = tpu.vector_load %arg4[%get3A_541, %get3A_542, %get3A_543] {strides = array<i32>} : memref<8x32x128xf32, #tpu.memory_space<vmem>>, vector<1x1x16xf32>,
          %get3A_545 = vector.shape_cast %get3A_544 : vector<1x1x16xf32> to vector<16xf32>
          %add3A_546 = arith.addf %add3A_490, %get3A_545 : vector<16xf32>
          %get3A_547 = arith.constant 8 : i32
          %get3A_548 = arith.index_cast %scan3A_65 : i32 to index
          %get3A_549 = arith.index_cast %get3A_547 : i32 to index
          %get3A_550 = arith.constant 96 : index
          %get3A_551 = tpu.vector_load %arg4[%get3A_548, %get3A_549, %get3A_550] {strides = array<i32>} : memref<8x32x128xf32, #tpu.memory_space<vmem>>, vector<1x1x16xf32>,
          %get3A_552 = vector.shape_cast %get3A_551 : vector<1x1x16xf32> to vector<16xf32>
          %add3A_553 = arith.addf %add3A_497, %get3A_552 : vector<16xf32>
          %get3A_554 = arith.constant 8 : i32
          %get3A_555 = arith.index_cast %scan3A_65 : i32 to index
          %get3A_556 = arith.index_cast %get3A_554 : i32 to index
          %get3A_557 = arith.constant 112 : index
          %get3A_558 = tpu.vector_load %arg4[%get3A_555, %get3A_556, %get3A_557] {strides = array<i32>} : memref<8x32x128xf32, #tpu.memory_space<vmem>>, vector<1x1x16xf32>,
          %get3A_559 = vector.shape_cast %get3A_558 : vector<1x1x16xf32> to vector<16xf32>
          %add3A_560 = arith.addf %add3A_504, %get3A_559 : vector<16xf32>
          %get3A_561 = arith.constant 9 : i32
          %get3A_562 = arith.index_cast %scan3A_65 : i32 to index
          %get3A_563 = arith.index_cast %get3A_561 : i32 to index
          %get3A_564 = arith.constant 0 : index
          %get3A_565 = tpu.vector_load %arg4[%get3A_562, %get3A_563, %get3A_564] {strides = array<i32>} : memref<8x32x128xf32, #tpu.memory_space<vmem>>, vector<1x1x16xf32>,
          %get3A_566 = vector.shape_cast %get3A_565 : vector<1x1x16xf32> to vector<16xf32>
          %add3A_567 = arith.addf %add3A_511, %get3A_566 : vector<16xf32>
          %get3A_568 = arith.constant 9 : i32
          %get3A_569 = arith.index_cast %scan3A_65 : i32 to index
          %get3A_570 = arith.index_cast %get3A_568 : i32 to index
          %get3A_571 = arith.constant 16 : index
          %get3A_572 = tpu.vector_load %arg4[%get3A_569, %get3A_570, %get3A_571] {strides = array<i32>} : memref<8x32x128xf32, #tpu.memory_space<vmem>>, vector<1x1x16xf32>,
          %get3A_573 = vector.shape_cast %get3A_572 : vector<1x1x16xf32> to vector<16xf32>
          %add3A_574 = arith.addf %add3A_518, %get3A_573 : vector<16xf32>
          %get3A_575 = arith.constant 9 : i32
          %get3A_576 = arith.index_cast %scan3A_65 : i32 to index
          %get3A_577 = arith.index_cast %get3A_575 : i32 to index
          %get3A_578 = arith.constant 32 : index
          %get3A_579 = tpu.vector_load %arg4[%get3A_576, %get3A_577, %get3A_578] {strides = array<i32>} : memref<8x32x128xf32, #tpu.memory_space<vmem>>, vector<1x1x16xf32>,
          %get3A_580 = vector.shape_cast %get3A_579 : vector<1x1x16xf32> to vector<16xf32>
          %add3A_581 = arith.addf %add3A_525, %get3A_580 : vector<16xf32>
          %get3A_582 = arith.constant 9 : i32
          %get3A_583 = arith.index_cast %scan3A_65 : i32 to index
          %get3A_584 = arith.index_cast %get3A_582 : i32 to index
          %get3A_585 = arith.constant 48 : index
          %get3A_586 = tpu.vector_load %arg4[%get3A_583, %get3A_584, %get3A_585] {strides = array<i32>} : memref<8x32x128xf32, #tpu.memory_space<vmem>>, vector<1x1x16xf32>,
          %get3A_587 = vector.shape_cast %get3A_586 : vector<1x1x16xf32> to vector<16xf32>
          %add3A_588 = arith.addf %add3A_532, %get3A_587 : vector<16xf32>
          %get3A_589 = arith.constant 9 : i32
          %get3A_590 = arith.index_cast %scan3A_65 : i32 to index
          %get3A_591 = arith.index_cast %get3A_589 : i32 to index
          %get3A_592 = arith.constant 64 : index
          %get3A_593 = tpu.vector_load %arg4[%get3A_590, %get3A_591, %get3A_592] {strides = array<i32>} : memref<8x32x128xf32, #tpu.memory_space<vmem>>, vector<1x1x16xf32>,
          %get3A_594 = vector.shape_cast %get3A_593 : vector<1x1x16xf32> to vector<16xf32>
          %add3A_595 = arith.addf %add3A_539, %get3A_594 : vector<16xf32>
          %get3A_596 = arith.constant 9 : i32
          %get3A_597 = arith.index_cast %scan3A_65 : i32 to index
          %get3A_598 = arith.index_cast %get3A_596 : i32 to index
          %get3A_599 = arith.constant 80 : index
          %get3A_600 = tpu.vector_load %arg4[%get3A_597, %get3A_598, %get3A_599] {strides = array<i32>} : memref<8x32x128xf32, #tpu.memory_space<vmem>>, vector<1x1x16xf32>,
          %get3A_601 = vector.shape_cast %get3A_600 : vector<1x1x16xf32> to vector<16xf32>
          %add3A_602 = arith.addf %add3A_546, %get3A_601 : vector<16xf32>
          %get3A_603 = arith.constant 9 : i32
          %get3A_604 = arith.index_cast %scan3A_65 : i32 to index
          %get3A_605 = arith.index_cast %get3A_603 : i32 to index
          %get3A_606 = arith.constant 96 : index
          %get3A_607 = tpu.vector_load %arg4[%get3A_604, %get3A_605, %get3A_606] {strides = array<i32>} : memref<8x32x128xf32, #tpu.memory_space<vmem>>, vector<1x1x16xf32>,
          %get3A_608 = vector.shape_cast %get3A_607 : vector<1x1x16xf32> to vector<16xf32>
          %add3A_609 = arith.addf %add3A_553, %get3A_608 : vector<16xf32>
          %get3A_610 = arith.constant 9 : i32
          %get3A_611 = arith.index_cast %scan3A_65 : i32 to index
          %get3A_612 = arith.index_cast %get3A_610 : i32 to index
          %get3A_613 = arith.constant 112 : index
          %get3A_614 = tpu.vector_load %arg4[%get3A_611, %get3A_612, %get3A_613] {strides = array<i32>} : memref<8x32x128xf32, #tpu.memory_space<vmem>>, vector<1x1x16xf32>,
          %get3A_615 = vector.shape_cast %get3A_614 : vector<1x1x16xf32> to vector<16xf32>
          %add3A_616 = arith.addf %add3A_560, %get3A_615 : vector<16xf32>
          %get3A_617 = arith.constant 10 : i32
          %get3A_618 = arith.index_cast %scan3A_65 : i32 to index
          %get3A_619 = arith.index_cast %get3A_617 : i32 to index
          %get3A_620 = arith.constant 0 : index
          %get3A_621 = tpu.vector_load %arg4[%get3A_618, %get3A_619, %get3A_620] {strides = array<i32>} : memref<8x32x128xf32, #tpu.memory_space<vmem>>, vector<1x1x16xf32>,
          %get3A_622 = vector.shape_cast %get3A_621 : vector<1x1x16xf32> to vector<16xf32>
          %add3A_623 = arith.addf %add3A_567, %get3A_622 : vector<16xf32>
          %get3A_624 = arith.constant 10 : i32
          %get3A_625 = arith.index_cast %scan3A_65 : i32 to index
          %get3A_626 = arith.index_cast %get3A_624 : i32 to index
          %get3A_627 = arith.constant 16 : index
          %get3A_628 = tpu.vector_load %arg4[%get3A_625, %get3A_626, %get3A_627] {strides = array<i32>} : memref<8x32x128xf32, #tpu.memory_space<vmem>>, vector<1x1x16xf32>,
          %get3A_629 = vector.shape_cast %get3A_628 : vector<1x1x16xf32> to vector<16xf32>
          %add3A_630 = arith.addf %add3A_574, %get3A_629 : vector<16xf32>
          %get3A_631 = arith.constant 10 : i32
          %get3A_632 = arith.index_cast %scan3A_65 : i32 to index
          %get3A_633 = arith.index_cast %get3A_631 : i32 to index
          %get3A_634 = arith.constant 32 : index
          %get3A_635 = tpu.vector_load %arg4[%get3A_632, %get3A_633, %get3A_634] {strides = array<i32>} : memref<8x32x128xf32, #tpu.memory_space<vmem>>, vector<1x1x16xf32>,
          %get3A_636 = vector.shape_cast %get3A_635 : vector<1x1x16xf32> to vector<16xf32>
          %add3A_637 = arith.addf %add3A_581, %get3A_636 : vector<16xf32>
          %get3A_638 = arith.constant 10 : i32
          %get3A_639 = arith.index_cast %scan3A_65 : i32 to index
          %get3A_640 = arith.index_cast %get3A_638 : i32 to index
          %get3A_641 = arith.constant 48 : index
          %get3A_642 = tpu.vector_load %arg4[%get3A_639, %get3A_640, %get3A_641] {strides = array<i32>} : memref<8x32x128xf32, #tpu.memory_space<vmem>>, vector<1x1x16xf32>,
          %get3A_643 = vector.shape_cast %get3A_642 : vector<1x1x16xf32> to vector<16xf32>
          %add3A_644 = arith.addf %add3A_588, %get3A_643 : vector<16xf32>
          %get3A_645 = arith.constant 10 : i32
          %get3A_646 = arith.index_cast %scan3A_65 : i32 to index
          %get3A_647 = arith.index_cast %get3A_645 : i32 to index
          %get3A_648 = arith.constant 64 : index
          %get3A_649 = tpu.vector_load %arg4[%get3A_646, %get3A_647, %get3A_648] {strides = array<i32>} : memref<8x32x128xf32, #tpu.memory_space<vmem>>, vector<1x1x16xf32>,
          %get3A_650 = vector.shape_cast %get3A_649 : vector<1x1x16xf32> to vector<16xf32>
          %add3A_651 = arith.addf %add3A_595, %get3A_650 : vector<16xf32>
          %get3A_652 = arith.constant 10 : i32
          %get3A_653 = arith.index_cast %scan3A_65 : i32 to index
          %get3A_654 = arith.index_cast %get3A_652 : i32 to index
          %get3A_655 = arith.constant 80 : index
          %get3A_656 = tpu.vector_load %arg4[%get3A_653, %get3A_654, %get3A_655] {strides = array<i32>} : memref<8x32x128xf32, #tpu.memory_space<vmem>>, vector<1x1x16xf32>,
          %get3A_657 = vector.shape_cast %get3A_656 : vector<1x1x16xf32> to vector<16xf32>
          %add3A_658 = arith.addf %add3A_602, %get3A_657 : vector<16xf32>
          %get3A_659 = arith.constant 10 : i32
          %get3A_660 = arith.index_cast %scan3A_65 : i32 to index
          %get3A_661 = arith.index_cast %get3A_659 : i32 to index
          %get3A_662 = arith.constant 96 : index
          %get3A_663 = tpu.vector_load %arg4[%get3A_660, %get3A_661, %get3A_662] {strides = array<i32>} : memref<8x32x128xf32, #tpu.memory_space<vmem>>, vector<1x1x16xf32>,
          %get3A_664 = vector.shape_cast %get3A_663 : vector<1x1x16xf32> to vector<16xf32>
          %add3A_665 = arith.addf %add3A_609, %get3A_664 : vector<16xf32>
          %get3A_666 = arith.constant 10 : i32
          %get3A_667 = arith.index_cast %scan3A_65 : i32 to index
          %get3A_668 = arith.index_cast %get3A_666 : i32 to index
          %get3A_669 = arith.constant 112 : index
          %get3A_670 = tpu.vector_load %arg4[%get3A_667, %get3A_668, %get3A_669] {strides = array<i32>} : memref<8x32x128xf32, #tpu.memory_space<vmem>>, vector<1x1x16xf32>,
          %get3A_671 = vector.shape_cast %get3A_670 : vector<1x1x16xf32> to vector<16xf32>
          %add3A_672 = arith.addf %add3A_616, %get3A_671 : vector<16xf32>
          %get3A_673 = arith.constant 11 : i32
          %get3A_674 = arith.index_cast %scan3A_65 : i32 to index
          %get3A_675 = arith.index_cast %get3A_673 : i32 to index
          %get3A_676 = arith.constant 0 : index
          %get3A_677 = tpu.vector_load %arg4[%get3A_674, %get3A_675, %get3A_676] {strides = array<i32>} : memref<8x32x128xf32, #tpu.memory_space<vmem>>, vector<1x1x16xf32>,
          %get3A_678 = vector.shape_cast %get3A_677 : vector<1x1x16xf32> to vector<16xf32>
          %add3A_679 = arith.addf %add3A_623, %get3A_678 : vector<16xf32>
          %get3A_680 = arith.constant 11 : i32
          %get3A_681 = arith.index_cast %scan3A_65 : i32 to index
          %get3A_682 = arith.index_cast %get3A_680 : i32 to index
          %get3A_683 = arith.constant 16 : index
          %get3A_684 = tpu.vector_load %arg4[%get3A_681, %get3A_682, %get3A_683] {strides = array<i32>} : memref<8x32x128xf32, #tpu.memory_space<vmem>>, vector<1x1x16xf32>,
          %get3A_685 = vector.shape_cast %get3A_684 : vector<1x1x16xf32> to vector<16xf32>
          %add3A_686 = arith.addf %add3A_630, %get3A_685 : vector<16xf32>
          %get3A_687 = arith.constant 11 : i32
          %get3A_688 = arith.index_cast %scan3A_65 : i32 to index
          %get3A_689 = arith.index_cast %get3A_687 : i32 to index
          %get3A_690 = arith.constant 32 : index
          %get3A_691 = tpu.vector_load %arg4[%get3A_688, %get3A_689, %get3A_690] {strides = array<i32>} : memref<8x32x128xf32, #tpu.memory_space<vmem>>, vector<1x1x16xf32>,
          %get3A_692 = vector.shape_cast %get3A_691 : vector<1x1x16xf32> to vector<16xf32>
          %add3A_693 = arith.addf %add3A_637, %get3A_692 : vector<16xf32>
          %get3A_694 = arith.constant 11 : i32
          %get3A_695 = arith.index_cast %scan3A_65 : i32 to index
          %get3A_696 = arith.index_cast %get3A_694 : i32 to index
          %get3A_697 = arith.constant 48 : index
          %get3A_698 = tpu.vector_load %arg4[%get3A_695, %get3A_696, %get3A_697] {strides = array<i32>} : memref<8x32x128xf32, #tpu.memory_space<vmem>>, vector<1x1x16xf32>,
          %get3A_699 = vector.shape_cast %get3A_698 : vector<1x1x16xf32> to vector<16xf32>
          %add3A_700 = arith.addf %add3A_644, %get3A_699 : vector<16xf32>
          %get3A_701 = arith.constant 11 : i32
          %get3A_702 = arith.index_cast %scan3A_65 : i32 to index
          %get3A_703 = arith.index_cast %get3A_701 : i32 to index
          %get3A_704 = arith.constant 64 : index
          %get3A_705 = tpu.vector_load %arg4[%get3A_702, %get3A_703, %get3A_704] {strides = array<i32>} : memref<8x32x128xf32, #tpu.memory_space<vmem>>, vector<1x1x16xf32>,
          %get3A_706 = vector.shape_cast %get3A_705 : vector<1x1x16xf32> to vector<16xf32>
          %add3A_707 = arith.addf %add3A_651, %get3A_706 : vector<16xf32>
          %get3A_708 = arith.constant 11 : i32
          %get3A_709 = arith.index_cast %scan3A_65 : i32 to index
          %get3A_710 = arith.index_cast %get3A_708 : i32 to index
          %get3A_711 = arith.constant 80 : index
          %get3A_712 = tpu.vector_load %arg4[%get3A_709, %get3A_710, %get3A_711] {strides = array<i32>} : memref<8x32x128xf32, #tpu.memory_space<vmem>>, vector<1x1x16xf32>,
          %get3A_713 = vector.shape_cast %get3A_712 : vector<1x1x16xf32> to vector<16xf32>
          %add3A_714 = arith.addf %add3A_658, %get3A_713 : vector<16xf32>
          %get3A_715 = arith.constant 11 : i32
          %get3A_716 = arith.index_cast %scan3A_65 : i32 to index
          %get3A_717 = arith.index_cast %get3A_715 : i32 to index
          %get3A_718 = arith.constant 96 : index
          %get3A_719 = tpu.vector_load %arg4[%get3A_716, %get3A_717, %get3A_718] {strides = array<i32>} : memref<8x32x128xf32, #tpu.memory_space<vmem>>, vector<1x1x16xf32>,
          %get3A_720 = vector.shape_cast %get3A_719 : vector<1x1x16xf32> to vector<16xf32>
          %add3A_721 = arith.addf %add3A_665, %get3A_720 : vector<16xf32>
          %get3A_722 = arith.constant 11 : i32
          %get3A_723 = arith.index_cast %scan3A_65 : i32 to index
          %get3A_724 = arith.index_cast %get3A_722 : i32 to index
          %get3A_725 = arith.constant 112 : index
          %get3A_726 = tpu.vector_load %arg4[%get3A_723, %get3A_724, %get3A_725] {strides = array<i32>} : memref<8x32x128xf32, #tpu.memory_space<vmem>>, vector<1x1x16xf32>,
          %get3A_727 = vector.shape_cast %get3A_726 : vector<1x1x16xf32> to vector<16xf32>
          %add3A_728 = arith.addf %add3A_672, %get3A_727 : vector<16xf32>
          %get3A_729 = arith.constant 12 : i32
          %get3A_730 = arith.index_cast %scan3A_65 : i32 to index
          %get3A_731 = arith.index_cast %get3A_729 : i32 to index
          %get3A_732 = arith.constant 0 : index
          %get3A_733 = tpu.vector_load %arg4[%get3A_730, %get3A_731, %get3A_732] {strides = array<i32>} : memref<8x32x128xf32, #tpu.memory_space<vmem>>, vector<1x1x16xf32>,
          %get3A_734 = vector.shape_cast %get3A_733 : vector<1x1x16xf32> to vector<16xf32>
          %add3A_735 = arith.addf %add3A_679, %get3A_734 : vector<16xf32>
          %get3A_736 = arith.constant 12 : i32
          %get3A_737 = arith.index_cast %scan3A_65 : i32 to index
          %get3A_738 = arith.index_cast %get3A_736 : i32 to index
          %get3A_739 = arith.constant 16 : index
          %get3A_740 = tpu.vector_load %arg4[%get3A_737, %get3A_738, %get3A_739] {strides = array<i32>} : memref<8x32x128xf32, #tpu.memory_space<vmem>>, vector<1x1x16xf32>,
          %get3A_741 = vector.shape_cast %get3A_740 : vector<1x1x16xf32> to vector<16xf32>
          %add3A_742 = arith.addf %add3A_686, %get3A_741 : vector<16xf32>
          %get3A_743 = arith.constant 12 : i32
          %get3A_744 = arith.index_cast %scan3A_65 : i32 to index
          %get3A_745 = arith.index_cast %get3A_743 : i32 to index
          %get3A_746 = arith.constant 32 : index
          %get3A_747 = tpu.vector_load %arg4[%get3A_744, %get3A_745, %get3A_746] {strides = array<i32>} : memref<8x32x128xf32, #tpu.memory_space<vmem>>, vector<1x1x16xf32>,
          %get3A_748 = vector.shape_cast %get3A_747 : vector<1x1x16xf32> to vector<16xf32>
          %add3A_749 = arith.addf %add3A_693, %get3A_748 : vector<16xf32>
          %get3A_750 = arith.constant 12 : i32
          %get3A_751 = arith.index_cast %scan3A_65 : i32 to index
          %get3A_752 = arith.index_cast %get3A_750 : i32 to index
          %get3A_753 = arith.constant 48 : index
          %get3A_754 = tpu.vector_load %arg4[%get3A_751, %get3A_752, %get3A_753] {strides = array<i32>} : memref<8x32x128xf32, #tpu.memory_space<vmem>>, vector<1x1x16xf32>,
          %get3A_755 = vector.shape_cast %get3A_754 : vector<1x1x16xf32> to vector<16xf32>
          %add3A_756 = arith.addf %add3A_700, %get3A_755 : vector<16xf32>
          %get3A_757 = arith.constant 12 : i32
          %get3A_758 = arith.index_cast %scan3A_65 : i32 to index
          %get3A_759 = arith.index_cast %get3A_757 : i32 to index
          %get3A_760 = arith.constant 64 : index
          %get3A_761 = tpu.vector_load %arg4[%get3A_758, %get3A_759, %get3A_760] {strides = array<i32>} : memref<8x32x128xf32, #tpu.memory_space<vmem>>, vector<1x1x16xf32>,
          %get3A_762 = vector.shape_cast %get3A_761 : vector<1x1x16xf32> to vector<16xf32>
          %add3A_763 = arith.addf %add3A_707, %get3A_762 : vector<16xf32>
          %get3A_764 = arith.constant 12 : i32
          %get3A_765 = arith.index_cast %scan3A_65 : i32 to index
          %get3A_766 = arith.index_cast %get3A_764 : i32 to index
          %get3A_767 = arith.constant 80 : index
          %get3A_768 = tpu.vector_load %arg4[%get3A_765, %get3A_766, %get3A_767] {strides = array<i32>} : memref<8x32x128xf32, #tpu.memory_space<vmem>>, vector<1x1x16xf32>,
          %get3A_769 = vector.shape_cast %get3A_768 : vector<1x1x16xf32> to vector<16xf32>
          %add3A_770 = arith.addf %add3A_714, %get3A_769 : vector<16xf32>
          %get3A_771 = arith.constant 12 : i32
          %get3A_772 = arith.index_cast %scan3A_65 : i32 to index
          %get3A_773 = arith.index_cast %get3A_771 : i32 to index
          %get3A_774 = arith.constant 96 : index
          %get3A_775 = tpu.vector_load %arg4[%get3A_772, %get3A_773, %get3A_774] {strides = array<i32>} : memref<8x32x128xf32, #tpu.memory_space<vmem>>, vector<1x1x16xf32>,
          %get3A_776 = vector.shape_cast %get3A_775 : vector<1x1x16xf32> to vector<16xf32>
          %add3A_777 = arith.addf %add3A_721, %get3A_776 : vector<16xf32>
          %get3A_778 = arith.constant 12 : i32
          %get3A_779 = arith.index_cast %scan3A_65 : i32 to index
          %get3A_780 = arith.index_cast %get3A_778 : i32 to index
          %get3A_781 = arith.constant 112 : index
          %get3A_782 = tpu.vector_load %arg4[%get3A_779, %get3A_780, %get3A_781] {strides = array<i32>} : memref<8x32x128xf32, #tpu.memory_space<vmem>>, vector<1x1x16xf32>,
          %get3A_783 = vector.shape_cast %get3A_782 : vector<1x1x16xf32> to vector<16xf32>
          %add3A_784 = arith.addf %add3A_728, %get3A_783 : vector<16xf32>
          %get3A_785 = arith.constant 13 : i32
          %get3A_786 = arith.index_cast %scan3A_65 : i32 to index
          %get3A_787 = arith.index_cast %get3A_785 : i32 to index
          %get3A_788 = arith.constant 0 : index
          %get3A_789 = tpu.vector_load %arg4[%get3A_786, %get3A_787, %get3A_788] {strides = array<i32>} : memref<8x32x128xf32, #tpu.memory_space<vmem>>, vector<1x1x16xf32>,
          %get3A_790 = vector.shape_cast %get3A_789 : vector<1x1x16xf32> to vector<16xf32>
          %add3A_791 = arith.addf %add3A_735, %get3A_790 : vector<16xf32>
          %get3A_792 = arith.constant 13 : i32
          %get3A_793 = arith.index_cast %scan3A_65 : i32 to index
          %get3A_794 = arith.index_cast %get3A_792 : i32 to index
          %get3A_795 = arith.constant 16 : index
          %get3A_796 = tpu.vector_load %arg4[%get3A_793, %get3A_794, %get3A_795] {strides = array<i32>} : memref<8x32x128xf32, #tpu.memory_space<vmem>>, vector<1x1x16xf32>,
          %get3A_797 = vector.shape_cast %get3A_796 : vector<1x1x16xf32> to vector<16xf32>
          %add3A_798 = arith.addf %add3A_742, %get3A_797 : vector<16xf32>
          %get3A_799 = arith.constant 13 : i32
          %get3A_800 = arith.index_cast %scan3A_65 : i32 to index
          %get3A_801 = arith.index_cast %get3A_799 : i32 to index
          %get3A_802 = arith.constant 32 : index
          %get3A_803 = tpu.vector_load %arg4[%get3A_800, %get3A_801, %get3A_802] {strides = array<i32>} : memref<8x32x128xf32, #tpu.memory_space<vmem>>, vector<1x1x16xf32>,
          %get3A_804 = vector.shape_cast %get3A_803 : vector<1x1x16xf32> to vector<16xf32>
          %add3A_805 = arith.addf %add3A_749, %get3A_804 : vector<16xf32>
          %get3A_806 = arith.constant 13 : i32
          %get3A_807 = arith.index_cast %scan3A_65 : i32 to index
          %get3A_808 = arith.index_cast %get3A_806 : i32 to index
          %get3A_809 = arith.constant 48 : index
          %get3A_810 = tpu.vector_load %arg4[%get3A_807, %get3A_808, %get3A_809] {strides = array<i32>} : memref<8x32x128xf32, #tpu.memory_space<vmem>>, vector<1x1x16xf32>,
          %get3A_811 = vector.shape_cast %get3A_810 : vector<1x1x16xf32> to vector<16xf32>
          %add3A_812 = arith.addf %add3A_756, %get3A_811 : vector<16xf32>
          %get3A_813 = arith.constant 13 : i32
          %get3A_814 = arith.index_cast %scan3A_65 : i32 to index
          %get3A_815 = arith.index_cast %get3A_813 : i32 to index
          %get3A_816 = arith.constant 64 : index
          %get3A_817 = tpu.vector_load %arg4[%get3A_814, %get3A_815, %get3A_816] {strides = array<i32>} : memref<8x32x128xf32, #tpu.memory_space<vmem>>, vector<1x1x16xf32>,
          %get3A_818 = vector.shape_cast %get3A_817 : vector<1x1x16xf32> to vector<16xf32>
          %add3A_819 = arith.addf %add3A_763, %get3A_818 : vector<16xf32>
          %get3A_820 = arith.constant 13 : i32
          %get3A_821 = arith.index_cast %scan3A_65 : i32 to index
          %get3A_822 = arith.index_cast %get3A_820 : i32 to index
          %get3A_823 = arith.constant 80 : index
          %get3A_824 = tpu.vector_load %arg4[%get3A_821, %get3A_822, %get3A_823] {strides = array<i32>} : memref<8x32x128xf32, #tpu.memory_space<vmem>>, vector<1x1x16xf32>,
          %get3A_825 = vector.shape_cast %get3A_824 : vector<1x1x16xf32> to vector<16xf32>
          %add3A_826 = arith.addf %add3A_770, %get3A_825 : vector<16xf32>
          %get3A_827 = arith.constant 13 : i32
          %get3A_828 = arith.index_cast %scan3A_65 : i32 to index
          %get3A_829 = arith.index_cast %get3A_827 : i32 to index
          %get3A_830 = arith.constant 96 : index
          %get3A_831 = tpu.vector_load %arg4[%get3A_828, %get3A_829, %get3A_830] {strides = array<i32>} : memref<8x32x128xf32, #tpu.memory_space<vmem>>, vector<1x1x16xf32>,
          %get3A_832 = vector.shape_cast %get3A_831 : vector<1x1x16xf32> to vector<16xf32>
          %add3A_833 = arith.addf %add3A_777, %get3A_832 : vector<16xf32>
          %get3A_834 = arith.constant 13 : i32
          %get3A_835 = arith.index_cast %scan3A_65 : i32 to index
          %get3A_836 = arith.index_cast %get3A_834 : i32 to index
          %get3A_837 = arith.constant 112 : index
          %get3A_838 = tpu.vector_load %arg4[%get3A_835, %get3A_836, %get3A_837] {strides = array<i32>} : memref<8x32x128xf32, #tpu.memory_space<vmem>>, vector<1x1x16xf32>,
          %get3A_839 = vector.shape_cast %get3A_838 : vector<1x1x16xf32> to vector<16xf32>
          %add3A_840 = arith.addf %add3A_784, %get3A_839 : vector<16xf32>
          %get3A_841 = arith.constant 14 : i32
          %get3A_842 = arith.index_cast %scan3A_65 : i32 to index
          %get3A_843 = arith.index_cast %get3A_841 : i32 to index
          %get3A_844 = arith.constant 0 : index
          %get3A_845 = tpu.vector_load %arg4[%get3A_842, %get3A_843, %get3A_844] {strides = array<i32>} : memref<8x32x128xf32, #tpu.memory_space<vmem>>, vector<1x1x16xf32>,
          %get3A_846 = vector.shape_cast %get3A_845 : vector<1x1x16xf32> to vector<16xf32>
          %add3A_847 = arith.addf %add3A_791, %get3A_846 : vector<16xf32>
          %get3A_848 = arith.constant 14 : i32
          %get3A_849 = arith.index_cast %scan3A_65 : i32 to index
          %get3A_850 = arith.index_cast %get3A_848 : i32 to index
          %get3A_851 = arith.constant 16 : index
          %get3A_852 = tpu.vector_load %arg4[%get3A_849, %get3A_850, %get3A_851] {strides = array<i32>} : memref<8x32x128xf32, #tpu.memory_space<vmem>>, vector<1x1x16xf32>,
          %get3A_853 = vector.shape_cast %get3A_852 : vector<1x1x16xf32> to vector<16xf32>
          %add3A_854 = arith.addf %add3A_798, %get3A_853 : vector<16xf32>
          %get3A_855 = arith.constant 14 : i32
          %get3A_856 = arith.index_cast %scan3A_65 : i32 to index
          %get3A_857 = arith.index_cast %get3A_855 : i32 to index
          %get3A_858 = arith.constant 32 : index
          %get3A_859 = tpu.vector_load %arg4[%get3A_856, %get3A_857, %get3A_858] {strides = array<i32>} : memref<8x32x128xf32, #tpu.memory_space<vmem>>, vector<1x1x16xf32>,
          %get3A_860 = vector.shape_cast %get3A_859 : vector<1x1x16xf32> to vector<16xf32>
          %add3A_861 = arith.addf %add3A_805, %get3A_860 : vector<16xf32>
          %get3A_862 = arith.constant 14 : i32
          %get3A_863 = arith.index_cast %scan3A_65 : i32 to index
          %get3A_864 = arith.index_cast %get3A_862 : i32 to index
          %get3A_865 = arith.constant 48 : index
          %get3A_866 = tpu.vector_load %arg4[%get3A_863, %get3A_864, %get3A_865] {strides = array<i32>} : memref<8x32x128xf32, #tpu.memory_space<vmem>>, vector<1x1x16xf32>,
          %get3A_867 = vector.shape_cast %get3A_866 : vector<1x1x16xf32> to vector<16xf32>
          %add3A_868 = arith.addf %add3A_812, %get3A_867 : vector<16xf32>
          %get3A_869 = arith.constant 14 : i32
          %get3A_870 = arith.index_cast %scan3A_65 : i32 to index
          %get3A_871 = arith.index_cast %get3A_869 : i32 to index
          %get3A_872 = arith.constant 64 : index
          %get3A_873 = tpu.vector_load %arg4[%get3A_870, %get3A_871, %get3A_872] {strides = array<i32>} : memref<8x32x128xf32, #tpu.memory_space<vmem>>, vector<1x1x16xf32>,
          %get3A_874 = vector.shape_cast %get3A_873 : vector<1x1x16xf32> to vector<16xf32>
          %add3A_875 = arith.addf %add3A_819, %get3A_874 : vector<16xf32>
          %get3A_876 = arith.constant 14 : i32
          %get3A_877 = arith.index_cast %scan3A_65 : i32 to index
          %get3A_878 = arith.index_cast %get3A_876 : i32 to index
          %get3A_879 = arith.constant 80 : index
          %get3A_880 = tpu.vector_load %arg4[%get3A_877, %get3A_878, %get3A_879] {strides = array<i32>} : memref<8x32x128xf32, #tpu.memory_space<vmem>>, vector<1x1x16xf32>,
          %get3A_881 = vector.shape_cast %get3A_880 : vector<1x1x16xf32> to vector<16xf32>
          %add3A_882 = arith.addf %add3A_826, %get3A_881 : vector<16xf32>
          %get3A_883 = arith.constant 14 : i32
          %get3A_884 = arith.index_cast %scan3A_65 : i32 to index
          %get3A_885 = arith.index_cast %get3A_883 : i32 to index
          %get3A_886 = arith.constant 96 : index
          %get3A_887 = tpu.vector_load %arg4[%get3A_884, %get3A_885, %get3A_886] {strides = array<i32>} : memref<8x32x128xf32, #tpu.memory_space<vmem>>, vector<1x1x16xf32>,
          %get3A_888 = vector.shape_cast %get3A_887 : vector<1x1x16xf32> to vector<16xf32>
          %add3A_889 = arith.addf %add3A_833, %get3A_888 : vector<16xf32>
          %get3A_890 = arith.constant 14 : i32
          %get3A_891 = arith.index_cast %scan3A_65 : i32 to index
          %get3A_892 = arith.index_cast %get3A_890 : i32 to index
          %get3A_893 = arith.constant 112 : index
          %get3A_894 = tpu.vector_load %arg4[%get3A_891, %get3A_892, %get3A_893] {strides = array<i32>} : memref<8x32x128xf32, #tpu.memory_space<vmem>>, vector<1x1x16xf32>,
          %get3A_895 = vector.shape_cast %get3A_894 : vector<1x1x16xf32> to vector<16xf32>
          %add3A_896 = arith.addf %add3A_840, %get3A_895 : vector<16xf32>
          %get3A_897 = arith.constant 15 : i32
          %get3A_898 = arith.index_cast %scan3A_65 : i32 to index
          %get3A_899 = arith.index_cast %get3A_897 : i32 to index
          %get3A_900 = arith.constant 0 : index
          %get3A_901 = tpu.vector_load %arg4[%get3A_898, %get3A_899, %get3A_900] {strides = array<i32>} : memref<8x32x128xf32, #tpu.memory_space<vmem>>, vector<1x1x16xf32>,
          %get3A_902 = vector.shape_cast %get3A_901 : vector<1x1x16xf32> to vector<16xf32>
          %add3A_903 = arith.addf %add3A_847, %get3A_902 : vector<16xf32>
          %get3A_904 = arith.constant 15 : i32
          %get3A_905 = arith.index_cast %scan3A_65 : i32 to index
          %get3A_906 = arith.index_cast %get3A_904 : i32 to index
          %get3A_907 = arith.constant 16 : index
          %get3A_908 = tpu.vector_load %arg4[%get3A_905, %get3A_906, %get3A_907] {strides = array<i32>} : memref<8x32x128xf32, #tpu.memory_space<vmem>>, vector<1x1x16xf32>,
          %get3A_909 = vector.shape_cast %get3A_908 : vector<1x1x16xf32> to vector<16xf32>
          %add3A_910 = arith.addf %add3A_854, %get3A_909 : vector<16xf32>
          %get3A_911 = arith.constant 15 : i32
          %get3A_912 = arith.index_cast %scan3A_65 : i32 to index
          %get3A_913 = arith.index_cast %get3A_911 : i32 to index
          %get3A_914 = arith.constant 32 : index
          %get3A_915 = tpu.vector_load %arg4[%get3A_912, %get3A_913, %get3A_914] {strides = array<i32>} : memref<8x32x128xf32, #tpu.memory_space<vmem>>, vector<1x1x16xf32>,
          %get3A_916 = vector.shape_cast %get3A_915 : vector<1x1x16xf32> to vector<16xf32>
          %add3A_917 = arith.addf %add3A_861, %get3A_916 : vector<16xf32>
          %get3A_918 = arith.constant 15 : i32
          %get3A_919 = arith.index_cast %scan3A_65 : i32 to index
          %get3A_920 = arith.index_cast %get3A_918 : i32 to index
          %get3A_921 = arith.constant 48 : index
          %get3A_922 = tpu.vector_load %arg4[%get3A_919, %get3A_920, %get3A_921] {strides = array<i32>} : memref<8x32x128xf32, #tpu.memory_space<vmem>>, vector<1x1x16xf32>,
          %get3A_923 = vector.shape_cast %get3A_922 : vector<1x1x16xf32> to vector<16xf32>
          %add3A_924 = arith.addf %add3A_868, %get3A_923 : vector<16xf32>
          %get3A_925 = arith.constant 15 : i32
          %get3A_926 = arith.index_cast %scan3A_65 : i32 to index
          %get3A_927 = arith.index_cast %get3A_925 : i32 to index
          %get3A_928 = arith.constant 64 : index
          %get3A_929 = tpu.vector_load %arg4[%get3A_926, %get3A_927, %get3A_928] {strides = array<i32>} : memref<8x32x128xf32, #tpu.memory_space<vmem>>, vector<1x1x16xf32>,
          %get3A_930 = vector.shape_cast %get3A_929 : vector<1x1x16xf32> to vector<16xf32>
          %add3A_931 = arith.addf %add3A_875, %get3A_930 : vector<16xf32>
          %get3A_932 = arith.constant 15 : i32
          %get3A_933 = arith.index_cast %scan3A_65 : i32 to index
          %get3A_934 = arith.index_cast %get3A_932 : i32 to index
          %get3A_935 = arith.constant 80 : index
          %get3A_936 = tpu.vector_load %arg4[%get3A_933, %get3A_934, %get3A_935] {strides = array<i32>} : memref<8x32x128xf32, #tpu.memory_space<vmem>>, vector<1x1x16xf32>,
          %get3A_937 = vector.shape_cast %get3A_936 : vector<1x1x16xf32> to vector<16xf32>
          %add3A_938 = arith.addf %add3A_882, %get3A_937 : vector<16xf32>
          %get3A_939 = arith.constant 15 : i32
          %get3A_940 = arith.index_cast %scan3A_65 : i32 to index
          %get3A_941 = arith.index_cast %get3A_939 : i32 to index
          %get3A_942 = arith.constant 96 : index
          %get3A_943 = tpu.vector_load %arg4[%get3A_940, %get3A_941, %get3A_942] {strides = array<i32>} : memref<8x32x128xf32, #tpu.memory_space<vmem>>, vector<1x1x16xf32>,
          %get3A_944 = vector.shape_cast %get3A_943 : vector<1x1x16xf32> to vector<16xf32>
          %add3A_945 = arith.addf %add3A_889, %get3A_944 : vector<16xf32>
          %get3A_946 = arith.constant 15 : i32
          %get3A_947 = arith.index_cast %scan3A_65 : i32 to index
          %get3A_948 = arith.index_cast %get3A_946 : i32 to index
          %get3A_949 = arith.constant 112 : index
          %get3A_950 = tpu.vector_load %arg4[%get3A_947, %get3A_948, %get3A_949] {strides = array<i32>} : memref<8x32x128xf32, #tpu.memory_space<vmem>>, vector<1x1x16xf32>,
          %get3A_951 = vector.shape_cast %get3A_950 : vector<1x1x16xf32> to vector<16xf32>
          %add3A_952 = arith.addf %add3A_896, %get3A_951 : vector<16xf32>
          %get3A_953 = arith.constant 16 : i32
          %get3A_954 = arith.index_cast %scan3A_65 : i32 to index
          %get3A_955 = arith.index_cast %get3A_953 : i32 to index
          %get3A_956 = arith.constant 0 : index
          %get3A_957 = tpu.vector_load %arg4[%get3A_954, %get3A_955, %get3A_956] {strides = array<i32>} : memref<8x32x128xf32, #tpu.memory_space<vmem>>, vector<1x1x16xf32>,
          %get3A_958 = vector.shape_cast %get3A_957 : vector<1x1x16xf32> to vector<16xf32>
          %add3A_959 = arith.addf %add3A_903, %get3A_958 : vector<16xf32>
          %get3A_960 = arith.constant 16 : i32
          %get3A_961 = arith.index_cast %scan3A_65 : i32 to index
          %get3A_962 = arith.index_cast %get3A_960 : i32 to index
          %get3A_963 = arith.constant 16 : index
          %get3A_964 = tpu.vector_load %arg4[%get3A_961, %get3A_962, %get3A_963] {strides = array<i32>} : memref<8x32x128xf32, #tpu.memory_space<vmem>>, vector<1x1x16xf32>,
          %get3A_965 = vector.shape_cast %get3A_964 : vector<1x1x16xf32> to vector<16xf32>
          %add3A_966 = arith.addf %add3A_910, %get3A_965 : vector<16xf32>
          %get3A_967 = arith.constant 16 : i32
          %get3A_968 = arith.index_cast %scan3A_65 : i32 to index
          %get3A_969 = arith.index_cast %get3A_967 : i32 to index
          %get3A_970 = arith.constant 32 : index
          %get3A_971 = tpu.vector_load %arg4[%get3A_968, %get3A_969, %get3A_970] {strides = array<i32>} : memref<8x32x128xf32, #tpu.memory_space<vmem>>, vector<1x1x16xf32>,
          %get3A_972 = vector.shape_cast %get3A_971 : vector<1x1x16xf32> to vector<16xf32>
          %add3A_973 = arith.addf %add3A_917, %get3A_972 : vector<16xf32>
          %get3A_974 = arith.constant 16 : i32
          %get3A_975 = arith.index_cast %scan3A_65 : i32 to index
          %get3A_976 = arith.index_cast %get3A_974 : i32 to index
          %get3A_977 = arith.constant 48 : index
          %get3A_978 = tpu.vector_load %arg4[%get3A_975, %get3A_976, %get3A_977] {strides = array<i32>} : memref<8x32x128xf32, #tpu.memory_space<vmem>>, vector<1x1x16xf32>,
          %get3A_979 = vector.shape_cast %get3A_978 : vector<1x1x16xf32> to vector<16xf32>
          %add3A_980 = arith.addf %add3A_924, %get3A_979 : vector<16xf32>
          %get3A_981 = arith.constant 16 : i32
          %get3A_982 = arith.index_cast %scan3A_65 : i32 to index
          %get3A_983 = arith.index_cast %get3A_981 : i32 to index
          %get3A_984 = arith.constant 64 : index
          %get3A_985 = tpu.vector_load %arg4[%get3A_982, %get3A_983, %get3A_984] {strides = array<i32>} : memref<8x32x128xf32, #tpu.memory_space<vmem>>, vector<1x1x16xf32>,
          %get3A_986 = vector.shape_cast %get3A_985 : vector<1x1x16xf32> to vector<16xf32>
          %add3A_987 = arith.addf %add3A_931, %get3A_986 : vector<16xf32>
          %get3A_988 = arith.constant 16 : i32
          %get3A_989 = arith.index_cast %scan3A_65 : i32 to index
          %get3A_990 = arith.index_cast %get3A_988 : i32 to index
          %get3A_991 = arith.constant 80 : index
          %get3A_992 = tpu.vector_load %arg4[%get3A_989, %get3A_990, %get3A_991] {strides = array<i32>} : memref<8x32x128xf32, #tpu.memory_space<vmem>>, vector<1x1x16xf32>,
          %get3A_993 = vector.shape_cast %get3A_992 : vector<1x1x16xf32> to vector<16xf32>
          %add3A_994 = arith.addf %add3A_938, %get3A_993 : vector<16xf32>
          %get3A_995 = arith.constant 16 : i32
          %get3A_996 = arith.index_cast %scan3A_65 : i32 to index
          %get3A_997 = arith.index_cast %get3A_995 : i32 to index
          %get3A_998 = arith.constant 96 : index
          %get3A_999 = tpu.vector_load %arg4[%get3A_996, %get3A_997, %get3A_998] {strides = array<i32>} : memref<8x32x128xf32, #tpu.memory_space<vmem>>, vector<1x1x16xf32>,
          %get3A_1000 = vector.shape_cast %get3A_999 : vector<1x1x16xf32> to vector<16xf32>
          %add3A_1001 = arith.addf %add3A_945, %get3A_1000 : vector<16xf32>
          %get3A_1002 = arith.constant 16 : i32
          %get3A_1003 = arith.index_cast %scan3A_65 : i32 to index
          %get3A_1004 = arith.index_cast %get3A_1002 : i32 to index
          %get3A_1005 = arith.constant 112 : index
          %get3A_1006 = tpu.vector_load %arg4[%get3A_1003, %get3A_1004, %get3A_1005] {strides = array<i32>} : memref<8x32x128xf32, #tpu.memory_space<vmem>>, vector<1x1x16xf32>,
          %get3A_1007 = vector.shape_cast %get3A_1006 : vector<1x1x16xf32> to vector<16xf32>
          %add3A_1008 = arith.addf %add3A_952, %get3A_1007 : vector<16xf32>
          %get3A_1009 = arith.constant 17 : i32
          %get3A_1010 = arith.index_cast %scan3A_65 : i32 to index
          %get3A_1011 = arith.index_cast %get3A_1009 : i32 to index
          %get3A_1012 = arith.constant 0 : index
          %get3A_1013 = tpu.vector_load %arg4[%get3A_1010, %get3A_1011, %get3A_1012] {strides = array<i32>} : memref<8x32x128xf32, #tpu.memory_space<vmem>>, vector<1x1x16xf32>,
          %get3A_1014 = vector.shape_cast %get3A_1013 : vector<1x1x16xf32> to vector<16xf32>
          %add3A_1015 = arith.addf %add3A_959, %get3A_1014 : vector<16xf32>
          %get3A_1016 = arith.constant 17 : i32
          %get3A_1017 = arith.index_cast %scan3A_65 : i32 to index
          %get3A_1018 = arith.index_cast %get3A_1016 : i32 to index
          %get3A_1019 = arith.constant 16 : index
          %get3A_1020 = tpu.vector_load %arg4[%get3A_1017, %get3A_1018, %get3A_1019] {strides = array<i32>} : memref<8x32x128xf32, #tpu.memory_space<vmem>>, vector<1x1x16xf32>,
          %get3A_1021 = vector.shape_cast %get3A_1020 : vector<1x1x16xf32> to vector<16xf32>
          %add3A_1022 = arith.addf %add3A_966, %get3A_1021 : vector<16xf32>
          %get3A_1023 = arith.constant 17 : i32
          %get3A_1024 = arith.index_cast %scan3A_65 : i32 to index
          %get3A_1025 = arith.index_cast %get3A_1023 : i32 to index
          %get3A_1026 = arith.constant 32 : index
          %get3A_1027 = tpu.vector_load %arg4[%get3A_1024, %get3A_1025, %get3A_1026] {strides = array<i32>} : memref<8x32x128xf32, #tpu.memory_space<vmem>>, vector<1x1x16xf32>,
          %get3A_1028 = vector.shape_cast %get3A_1027 : vector<1x1x16xf32> to vector<16xf32>
          %add3A_1029 = arith.addf %add3A_973, %get3A_1028 : vector<16xf32>
          %get3A_1030 = arith.constant 17 : i32
          %get3A_1031 = arith.index_cast %scan3A_65 : i32 to index
          %get3A_1032 = arith.index_cast %get3A_1030 : i32 to index
          %get3A_1033 = arith.constant 48 : index
          %get3A_1034 = tpu.vector_load %arg4[%get3A_1031, %get3A_1032, %get3A_1033] {strides = array<i32>} : memref<8x32x128xf32, #tpu.memory_space<vmem>>, vector<1x1x16xf32>,
          %get3A_1035 = vector.shape_cast %get3A_1034 : vector<1x1x16xf32> to vector<16xf32>
          %add3A_1036 = arith.addf %add3A_980, %get3A_1035 : vector<16xf32>
          %get3A_1037 = arith.constant 17 : i32
          %get3A_1038 = arith.index_cast %scan3A_65 : i32 to index
          %get3A_1039 = arith.index_cast %get3A_1037 : i32 to index
          %get3A_1040 = arith.constant 64 : index
          %get3A_1041 = tpu.vector_load %arg4[%get3A_1038, %get3A_1039, %get3A_1040] {strides = array<i32>} : memref<8x32x128xf32, #tpu.memory_space<vmem>>, vector<1x1x16xf32>,
          %get3A_1042 = vector.shape_cast %get3A_1041 : vector<1x1x16xf32> to vector<16xf32>
          %add3A_1043 = arith.addf %add3A_987, %get3A_1042 : vector<16xf32>
          %get3A_1044 = arith.constant 17 : i32
          %get3A_1045 = arith.index_cast %scan3A_65 : i32 to index
          %get3A_1046 = arith.index_cast %get3A_1044 : i32 to index
          %get3A_1047 = arith.constant 80 : index
          %get3A_1048 = tpu.vector_load %arg4[%get3A_1045, %get3A_1046, %get3A_1047] {strides = array<i32>} : memref<8x32x128xf32, #tpu.memory_space<vmem>>, vector<1x1x16xf32>,
          %get3A_1049 = vector.shape_cast %get3A_1048 : vector<1x1x16xf32> to vector<16xf32>
          %add3A_1050 = arith.addf %add3A_994, %get3A_1049 : vector<16xf32>
          %get3A_1051 = arith.constant 17 : i32
          %get3A_1052 = arith.index_cast %scan3A_65 : i32 to index
          %get3A_1053 = arith.index_cast %get3A_1051 : i32 to index
          %get3A_1054 = arith.constant 96 : index
          %get3A_1055 = tpu.vector_load %arg4[%get3A_1052, %get3A_1053, %get3A_1054] {strides = array<i32>} : memref<8x32x128xf32, #tpu.memory_space<vmem>>, vector<1x1x16xf32>,
          %get3A_1056 = vector.shape_cast %get3A_1055 : vector<1x1x16xf32> to vector<16xf32>
          %add3A_1057 = arith.addf %add3A_1001, %get3A_1056 : vector<16xf32>
          %get3A_1058 = arith.constant 17 : i32
          %get3A_1059 = arith.index_cast %scan3A_65 : i32 to index
          %get3A_1060 = arith.index_cast %get3A_1058 : i32 to index
          %get3A_1061 = arith.constant 112 : index
          %get3A_1062 = tpu.vector_load %arg4[%get3A_1059, %get3A_1060, %get3A_1061] {strides = array<i32>} : memref<8x32x128xf32, #tpu.memory_space<vmem>>, vector<1x1x16xf32>,
          %get3A_1063 = vector.shape_cast %get3A_1062 : vector<1x1x16xf32> to vector<16xf32>
          %add3A_1064 = arith.addf %add3A_1008, %get3A_1063 : vector<16xf32>
          %get3A_1065 = arith.constant 18 : i32
          %get3A_1066 = arith.index_cast %scan3A_65 : i32 to index
          %get3A_1067 = arith.index_cast %get3A_1065 : i32 to index
          %get3A_1068 = arith.constant 0 : index
          %get3A_1069 = tpu.vector_load %arg4[%get3A_1066, %get3A_1067, %get3A_1068] {strides = array<i32>} : memref<8x32x128xf32, #tpu.memory_space<vmem>>, vector<1x1x16xf32>,
          %get3A_1070 = vector.shape_cast %get3A_1069 : vector<1x1x16xf32> to vector<16xf32>
          %add3A_1071 = arith.addf %add3A_1015, %get3A_1070 : vector<16xf32>
          %get3A_1072 = arith.constant 18 : i32
          %get3A_1073 = arith.index_cast %scan3A_65 : i32 to index
          %get3A_1074 = arith.index_cast %get3A_1072 : i32 to index
          %get3A_1075 = arith.constant 16 : index
          %get3A_1076 = tpu.vector_load %arg4[%get3A_1073, %get3A_1074, %get3A_1075] {strides = array<i32>} : memref<8x32x128xf32, #tpu.memory_space<vmem>>, vector<1x1x16xf32>,
          %get3A_1077 = vector.shape_cast %get3A_1076 : vector<1x1x16xf32> to vector<16xf32>
          %add3A_1078 = arith.addf %add3A_1022, %get3A_1077 : vector<16xf32>
          %get3A_1079 = arith.constant 18 : i32
          %get3A_1080 = arith.index_cast %scan3A_65 : i32 to index
          %get3A_1081 = arith.index_cast %get3A_1079 : i32 to index
          %get3A_1082 = arith.constant 32 : index
          %get3A_1083 = tpu.vector_load %arg4[%get3A_1080, %get3A_1081, %get3A_1082] {strides = array<i32>} : memref<8x32x128xf32, #tpu.memory_space<vmem>>, vector<1x1x16xf32>,
          %get3A_1084 = vector.shape_cast %get3A_1083 : vector<1x1x16xf32> to vector<16xf32>
          %add3A_1085 = arith.addf %add3A_1029, %get3A_1084 : vector<16xf32>
          %get3A_1086 = arith.constant 18 : i32
          %get3A_1087 = arith.index_cast %scan3A_65 : i32 to index
          %get3A_1088 = arith.index_cast %get3A_1086 : i32 to index
          %get3A_1089 = arith.constant 48 : index
          %get3A_1090 = tpu.vector_load %arg4[%get3A_1087, %get3A_1088, %get3A_1089] {strides = array<i32>} : memref<8x32x128xf32, #tpu.memory_space<vmem>>, vector<1x1x16xf32>,
          %get3A_1091 = vector.shape_cast %get3A_1090 : vector<1x1x16xf32> to vector<16xf32>
          %add3A_1092 = arith.addf %add3A_1036, %get3A_1091 : vector<16xf32>
          %get3A_1093 = arith.constant 18 : i32
          %get3A_1094 = arith.index_cast %scan3A_65 : i32 to index
          %get3A_1095 = arith.index_cast %get3A_1093 : i32 to index
          %get3A_1096 = arith.constant 64 : index
          %get3A_1097 = tpu.vector_load %arg4[%get3A_1094, %get3A_1095, %get3A_1096] {strides = array<i32>} : memref<8x32x128xf32, #tpu.memory_space<vmem>>, vector<1x1x16xf32>,
          %get3A_1098 = vector.shape_cast %get3A_1097 : vector<1x1x16xf32> to vector<16xf32>
          %add3A_1099 = arith.addf %add3A_1043, %get3A_1098 : vector<16xf32>
          %get3A_1100 = arith.constant 18 : i32
          %get3A_1101 = arith.index_cast %scan3A_65 : i32 to index
          %get3A_1102 = arith.index_cast %get3A_1100 : i32 to index
          %get3A_1103 = arith.constant 80 : index
          %get3A_1104 = tpu.vector_load %arg4[%get3A_1101, %get3A_1102, %get3A_1103] {strides = array<i32>} : memref<8x32x128xf32, #tpu.memory_space<vmem>>, vector<1x1x16xf32>,
          %get3A_1105 = vector.shape_cast %get3A_1104 : vector<1x1x16xf32> to vector<16xf32>
          %add3A_1106 = arith.addf %add3A_1050, %get3A_1105 : vector<16xf32>
          %get3A_1107 = arith.constant 18 : i32
          %get3A_1108 = arith.index_cast %scan3A_65 : i32 to index
          %get3A_1109 = arith.index_cast %get3A_1107 : i32 to index
          %get3A_1110 = arith.constant 96 : index
          %get3A_1111 = tpu.vector_load %arg4[%get3A_1108, %get3A_1109, %get3A_1110] {strides = array<i32>} : memref<8x32x128xf32, #tpu.memory_space<vmem>>, vector<1x1x16xf32>,
          %get3A_1112 = vector.shape_cast %get3A_1111 : vector<1x1x16xf32> to vector<16xf32>
          %add3A_1113 = arith.addf %add3A_1057, %get3A_1112 : vector<16xf32>
          %get3A_1114 = arith.constant 18 : i32
          %get3A_1115 = arith.index_cast %scan3A_65 : i32 to index
          %get3A_1116 = arith.index_cast %get3A_1114 : i32 to index
          %get3A_1117 = arith.constant 112 : index
          %get3A_1118 = tpu.vector_load %arg4[%get3A_1115, %get3A_1116, %get3A_1117] {strides = array<i32>} : memref<8x32x128xf32, #tpu.memory_space<vmem>>, vector<1x1x16xf32>,
          %get3A_1119 = vector.shape_cast %get3A_1118 : vector<1x1x16xf32> to vector<16xf32>
          %add3A_1120 = arith.addf %add3A_1064, %get3A_1119 : vector<16xf32>
          %get3A_1121 = arith.constant 19 : i32
          %get3A_1122 = arith.index_cast %scan3A_65 : i32 to index
          %get3A_1123 = arith.index_cast %get3A_1121 : i32 to index
          %get3A_1124 = arith.constant 0 : index
          %get3A_1125 = tpu.vector_load %arg4[%get3A_1122, %get3A_1123, %get3A_1124] {strides = array<i32>} : memref<8x32x128xf32, #tpu.memory_space<vmem>>, vector<1x1x16xf32>,
          %get3A_1126 = vector.shape_cast %get3A_1125 : vector<1x1x16xf32> to vector<16xf32>
          %add3A_1127 = arith.addf %add3A_1071, %get3A_1126 : vector<16xf32>
          %get3A_1128 = arith.constant 19 : i32
          %get3A_1129 = arith.index_cast %scan3A_65 : i32 to index
          %get3A_1130 = arith.index_cast %get3A_1128 : i32 to index
          %get3A_1131 = arith.constant 16 : index
          %get3A_1132 = tpu.vector_load %arg4[%get3A_1129, %get3A_1130, %get3A_1131] {strides = array<i32>} : memref<8x32x128xf32, #tpu.memory_space<vmem>>, vector<1x1x16xf32>,
          %get3A_1133 = vector.shape_cast %get3A_1132 : vector<1x1x16xf32> to vector<16xf32>
          %add3A_1134 = arith.addf %add3A_1078, %get3A_1133 : vector<16xf32>
          %get3A_1135 = arith.constant 19 : i32
          %get3A_1136 = arith.index_cast %scan3A_65 : i32 to index
          %get3A_1137 = arith.index_cast %get3A_1135 : i32 to index
          %get3A_1138 = arith.constant 32 : index
          %get3A_1139 = tpu.vector_load %arg4[%get3A_1136, %get3A_1137, %get3A_1138] {strides = array<i32>} : memref<8x32x128xf32, #tpu.memory_space<vmem>>, vector<1x1x16xf32>,
          %get3A_1140 = vector.shape_cast %get3A_1139 : vector<1x1x16xf32> to vector<16xf32>
          %add3A_1141 = arith.addf %add3A_1085, %get3A_1140 : vector<16xf32>
          %get3A_1142 = arith.constant 19 : i32
          %get3A_1143 = arith.index_cast %scan3A_65 : i32 to index
          %get3A_1144 = arith.index_cast %get3A_1142 : i32 to index
          %get3A_1145 = arith.constant 48 : index
          %get3A_1146 = tpu.vector_load %arg4[%get3A_1143, %get3A_1144, %get3A_1145] {strides = array<i32>} : memref<8x32x128xf32, #tpu.memory_space<vmem>>, vector<1x1x16xf32>,
          %get3A_1147 = vector.shape_cast %get3A_1146 : vector<1x1x16xf32> to vector<16xf32>
          %add3A_1148 = arith.addf %add3A_1092, %get3A_1147 : vector<16xf32>
          %get3A_1149 = arith.constant 19 : i32
          %get3A_1150 = arith.index_cast %scan3A_65 : i32 to index
          %get3A_1151 = arith.index_cast %get3A_1149 : i32 to index
          %get3A_1152 = arith.constant 64 : index
          %get3A_1153 = tpu.vector_load %arg4[%get3A_1150, %get3A_1151, %get3A_1152] {strides = array<i32>} : memref<8x32x128xf32, #tpu.memory_space<vmem>>, vector<1x1x16xf32>,
          %get3A_1154 = vector.shape_cast %get3A_1153 : vector<1x1x16xf32> to vector<16xf32>
          %add3A_1155 = arith.addf %add3A_1099, %get3A_1154 : vector<16xf32>
          %get3A_1156 = arith.constant 19 : i32
          %get3A_1157 = arith.index_cast %scan3A_65 : i32 to index
          %get3A_1158 = arith.index_cast %get3A_1156 : i32 to index
          %get3A_1159 = arith.constant 80 : index
          %get3A_1160 = tpu.vector_load %arg4[%get3A_1157, %get3A_1158, %get3A_1159] {strides = array<i32>} : memref<8x32x128xf32, #tpu.memory_space<vmem>>, vector<1x1x16xf32>,
          %get3A_1161 = vector.shape_cast %get3A_1160 : vector<1x1x16xf32> to vector<16xf32>
          %add3A_1162 = arith.addf %add3A_1106, %get3A_1161 : vector<16xf32>
          %get3A_1163 = arith.constant 19 : i32
          %get3A_1164 = arith.index_cast %scan3A_65 : i32 to index
          %get3A_1165 = arith.index_cast %get3A_1163 : i32 to index
          %get3A_1166 = arith.constant 96 : index
          %get3A_1167 = tpu.vector_load %arg4[%get3A_1164, %get3A_1165, %get3A_1166] {strides = array<i32>} : memref<8x32x128xf32, #tpu.memory_space<vmem>>, vector<1x1x16xf32>,
          %get3A_1168 = vector.shape_cast %get3A_1167 : vector<1x1x16xf32> to vector<16xf32>
          %add3A_1169 = arith.addf %add3A_1113, %get3A_1168 : vector<16xf32>
          %get3A_1170 = arith.constant 19 : i32
          %get3A_1171 = arith.index_cast %scan3A_65 : i32 to index
          %get3A_1172 = arith.index_cast %get3A_1170 : i32 to index
          %get3A_1173 = arith.constant 112 : index
          %get3A_1174 = tpu.vector_load %arg4[%get3A_1171, %get3A_1172, %get3A_1173] {strides = array<i32>} : memref<8x32x128xf32, #tpu.memory_space<vmem>>, vector<1x1x16xf32>,
          %get3A_1175 = vector.shape_cast %get3A_1174 : vector<1x1x16xf32> to vector<16xf32>
          %add3A_1176 = arith.addf %add3A_1120, %get3A_1175 : vector<16xf32>
          %get3A_1177 = arith.constant 20 : i32
          %get3A_1178 = arith.index_cast %scan3A_65 : i32 to index
          %get3A_1179 = arith.index_cast %get3A_1177 : i32 to index
          %get3A_1180 = arith.constant 0 : index
          %get3A_1181 = tpu.vector_load %arg4[%get3A_1178, %get3A_1179, %get3A_1180] {strides = array<i32>} : memref<8x32x128xf32, #tpu.memory_space<vmem>>, vector<1x1x16xf32>,
          %get3A_1182 = vector.shape_cast %get3A_1181 : vector<1x1x16xf32> to vector<16xf32>
          %add3A_1183 = arith.addf %add3A_1127, %get3A_1182 : vector<16xf32>
          %get3A_1184 = arith.constant 20 : i32
          %get3A_1185 = arith.index_cast %scan3A_65 : i32 to index
          %get3A_1186 = arith.index_cast %get3A_1184 : i32 to index
          %get3A_1187 = arith.constant 16 : index
          %get3A_1188 = tpu.vector_load %arg4[%get3A_1185, %get3A_1186, %get3A_1187] {strides = array<i32>} : memref<8x32x128xf32, #tpu.memory_space<vmem>>, vector<1x1x16xf32>,
          %get3A_1189 = vector.shape_cast %get3A_1188 : vector<1x1x16xf32> to vector<16xf32>
          %add3A_1190 = arith.addf %add3A_1134, %get3A_1189 : vector<16xf32>
          %get3A_1191 = arith.constant 20 : i32
          %get3A_1192 = arith.index_cast %scan3A_65 : i32 to index
          %get3A_1193 = arith.index_cast %get3A_1191 : i32 to index
          %get3A_1194 = arith.constant 32 : index
          %get3A_1195 = tpu.vector_load %arg4[%get3A_1192, %get3A_1193, %get3A_1194] {strides = array<i32>} : memref<8x32x128xf32, #tpu.memory_space<vmem>>, vector<1x1x16xf32>,
          %get3A_1196 = vector.shape_cast %get3A_1195 : vector<1x1x16xf32> to vector<16xf32>
          %add3A_1197 = arith.addf %add3A_1141, %get3A_1196 : vector<16xf32>
          %get3A_1198 = arith.constant 20 : i32
          %get3A_1199 = arith.index_cast %scan3A_65 : i32 to index
          %get3A_1200 = arith.index_cast %get3A_1198 : i32 to index
          %get3A_1201 = arith.constant 48 : index
          %get3A_1202 = tpu.vector_load %arg4[%get3A_1199, %get3A_1200, %get3A_1201] {strides = array<i32>} : memref<8x32x128xf32, #tpu.memory_space<vmem>>, vector<1x1x16xf32>,
          %get3A_1203 = vector.shape_cast %get3A_1202 : vector<1x1x16xf32> to vector<16xf32>
          %add3A_1204 = arith.addf %add3A_1148, %get3A_1203 : vector<16xf32>
          %get3A_1205 = arith.constant 20 : i32
          %get3A_1206 = arith.index_cast %scan3A_65 : i32 to index
          %get3A_1207 = arith.index_cast %get3A_1205 : i32 to index
          %get3A_1208 = arith.constant 64 : index
          %get3A_1209 = tpu.vector_load %arg4[%get3A_1206, %get3A_1207, %get3A_1208] {strides = array<i32>} : memref<8x32x128xf32, #tpu.memory_space<vmem>>, vector<1x1x16xf32>,
          %get3A_1210 = vector.shape_cast %get3A_1209 : vector<1x1x16xf32> to vector<16xf32>
          %add3A_1211 = arith.addf %add3A_1155, %get3A_1210 : vector<16xf32>
          %get3A_1212 = arith.constant 20 : i32
          %get3A_1213 = arith.index_cast %scan3A_65 : i32 to index
          %get3A_1214 = arith.index_cast %get3A_1212 : i32 to index
          %get3A_1215 = arith.constant 80 : index
          %get3A_1216 = tpu.vector_load %arg4[%get3A_1213, %get3A_1214, %get3A_1215] {strides = array<i32>} : memref<8x32x128xf32, #tpu.memory_space<vmem>>, vector<1x1x16xf32>,
          %get3A_1217 = vector.shape_cast %get3A_1216 : vector<1x1x16xf32> to vector<16xf32>
          %add3A_1218 = arith.addf %add3A_1162, %get3A_1217 : vector<16xf32>
          %get3A_1219 = arith.constant 20 : i32
          %get3A_1220 = arith.index_cast %scan3A_65 : i32 to index
          %get3A_1221 = arith.index_cast %get3A_1219 : i32 to index
          %get3A_1222 = arith.constant 96 : index
          %get3A_1223 = tpu.vector_load %arg4[%get3A_1220, %get3A_1221, %get3A_1222] {strides = array<i32>} : memref<8x32x128xf32, #tpu.memory_space<vmem>>, vector<1x1x16xf32>,
          %get3A_1224 = vector.shape_cast %get3A_1223 : vector<1x1x16xf32> to vector<16xf32>
          %add3A_1225 = arith.addf %add3A_1169, %get3A_1224 : vector<16xf32>
          %get3A_1226 = arith.constant 20 : i32
          %get3A_1227 = arith.index_cast %scan3A_65 : i32 to index
          %get3A_1228 = arith.index_cast %get3A_1226 : i32 to index
          %get3A_1229 = arith.constant 112 : index
          %get3A_1230 = tpu.vector_load %arg4[%get3A_1227, %get3A_1228, %get3A_1229] {strides = array<i32>} : memref<8x32x128xf32, #tpu.memory_space<vmem>>, vector<1x1x16xf32>,
          %get3A_1231 = vector.shape_cast %get3A_1230 : vector<1x1x16xf32> to vector<16xf32>
          %add3A_1232 = arith.addf %add3A_1176, %get3A_1231 : vector<16xf32>
          %get3A_1233 = arith.constant 21 : i32
          %get3A_1234 = arith.index_cast %scan3A_65 : i32 to index
          %get3A_1235 = arith.index_cast %get3A_1233 : i32 to index
          %get3A_1236 = arith.constant 0 : index
          %get3A_1237 = tpu.vector_load %arg4[%get3A_1234, %get3A_1235, %get3A_1236] {strides = array<i32>} : memref<8x32x128xf32, #tpu.memory_space<vmem>>, vector<1x1x16xf32>,
          %get3A_1238 = vector.shape_cast %get3A_1237 : vector<1x1x16xf32> to vector<16xf32>
          %add3A_1239 = arith.addf %add3A_1183, %get3A_1238 : vector<16xf32>
          %get3A_1240 = arith.constant 21 : i32
          %get3A_1241 = arith.index_cast %scan3A_65 : i32 to index
          %get3A_1242 = arith.index_cast %get3A_1240 : i32 to index
          %get3A_1243 = arith.constant 16 : index
          %get3A_1244 = tpu.vector_load %arg4[%get3A_1241, %get3A_1242, %get3A_1243] {strides = array<i32>} : memref<8x32x128xf32, #tpu.memory_space<vmem>>, vector<1x1x16xf32>,
          %get3A_1245 = vector.shape_cast %get3A_1244 : vector<1x1x16xf32> to vector<16xf32>
          %add3A_1246 = arith.addf %add3A_1190, %get3A_1245 : vector<16xf32>
          %get3A_1247 = arith.constant 21 : i32
          %get3A_1248 = arith.index_cast %scan3A_65 : i32 to index
          %get3A_1249 = arith.index_cast %get3A_1247 : i32 to index
          %get3A_1250 = arith.constant 32 : index
          %get3A_1251 = tpu.vector_load %arg4[%get3A_1248, %get3A_1249, %get3A_1250] {strides = array<i32>} : memref<8x32x128xf32, #tpu.memory_space<vmem>>, vector<1x1x16xf32>,
          %get3A_1252 = vector.shape_cast %get3A_1251 : vector<1x1x16xf32> to vector<16xf32>
          %add3A_1253 = arith.addf %add3A_1197, %get3A_1252 : vector<16xf32>
          %get3A_1254 = arith.constant 21 : i32
          %get3A_1255 = arith.index_cast %scan3A_65 : i32 to index
          %get3A_1256 = arith.index_cast %get3A_1254 : i32 to index
          %get3A_1257 = arith.constant 48 : index
          %get3A_1258 = tpu.vector_load %arg4[%get3A_1255, %get3A_1256, %get3A_1257] {strides = array<i32>} : memref<8x32x128xf32, #tpu.memory_space<vmem>>, vector<1x1x16xf32>,
          %get3A_1259 = vector.shape_cast %get3A_1258 : vector<1x1x16xf32> to vector<16xf32>
          %add3A_1260 = arith.addf %add3A_1204, %get3A_1259 : vector<16xf32>
          %get3A_1261 = arith.constant 21 : i32
          %get3A_1262 = arith.index_cast %scan3A_65 : i32 to index
          %get3A_1263 = arith.index_cast %get3A_1261 : i32 to index
          %get3A_1264 = arith.constant 64 : index
          %get3A_1265 = tpu.vector_load %arg4[%get3A_1262, %get3A_1263, %get3A_1264] {strides = array<i32>} : memref<8x32x128xf32, #tpu.memory_space<vmem>>, vector<1x1x16xf32>,
          %get3A_1266 = vector.shape_cast %get3A_1265 : vector<1x1x16xf32> to vector<16xf32>
          %add3A_1267 = arith.addf %add3A_1211, %get3A_1266 : vector<16xf32>
          %get3A_1268 = arith.constant 21 : i32
          %get3A_1269 = arith.index_cast %scan3A_65 : i32 to index
          %get3A_1270 = arith.index_cast %get3A_1268 : i32 to index
          %get3A_1271 = arith.constant 80 : index
          %get3A_1272 = tpu.vector_load %arg4[%get3A_1269, %get3A_1270, %get3A_1271] {strides = array<i32>} : memref<8x32x128xf32, #tpu.memory_space<vmem>>, vector<1x1x16xf32>,
          %get3A_1273 = vector.shape_cast %get3A_1272 : vector<1x1x16xf32> to vector<16xf32>
          %add3A_1274 = arith.addf %add3A_1218, %get3A_1273 : vector<16xf32>
          %get3A_1275 = arith.constant 21 : i32
          %get3A_1276 = arith.index_cast %scan3A_65 : i32 to index
          %get3A_1277 = arith.index_cast %get3A_1275 : i32 to index
          %get3A_1278 = arith.constant 96 : index
          %get3A_1279 = tpu.vector_load %arg4[%get3A_1276, %get3A_1277, %get3A_1278] {strides = array<i32>} : memref<8x32x128xf32, #tpu.memory_space<vmem>>, vector<1x1x16xf32>,
          %get3A_1280 = vector.shape_cast %get3A_1279 : vector<1x1x16xf32> to vector<16xf32>
          %add3A_1281 = arith.addf %add3A_1225, %get3A_1280 : vector<16xf32>
          %get3A_1282 = arith.constant 21 : i32
          %get3A_1283 = arith.index_cast %scan3A_65 : i32 to index
          %get3A_1284 = arith.index_cast %get3A_1282 : i32 to index
          %get3A_1285 = arith.constant 112 : index
          %get3A_1286 = tpu.vector_load %arg4[%get3A_1283, %get3A_1284, %get3A_1285] {strides = array<i32>} : memref<8x32x128xf32, #tpu.memory_space<vmem>>, vector<1x1x16xf32>,
          %get3A_1287 = vector.shape_cast %get3A_1286 : vector<1x1x16xf32> to vector<16xf32>
          %add3A_1288 = arith.addf %add3A_1232, %get3A_1287 : vector<16xf32>
          %get3A_1289 = arith.constant 22 : i32
          %get3A_1290 = arith.index_cast %scan3A_65 : i32 to index
          %get3A_1291 = arith.index_cast %get3A_1289 : i32 to index
          %get3A_1292 = arith.constant 0 : index
          %get3A_1293 = tpu.vector_load %arg4[%get3A_1290, %get3A_1291, %get3A_1292] {strides = array<i32>} : memref<8x32x128xf32, #tpu.memory_space<vmem>>, vector<1x1x16xf32>,
          %get3A_1294 = vector.shape_cast %get3A_1293 : vector<1x1x16xf32> to vector<16xf32>
          %add3A_1295 = arith.addf %add3A_1239, %get3A_1294 : vector<16xf32>
          %get3A_1296 = arith.constant 22 : i32
          %get3A_1297 = arith.index_cast %scan3A_65 : i32 to index
          %get3A_1298 = arith.index_cast %get3A_1296 : i32 to index
          %get3A_1299 = arith.constant 16 : index
          %get3A_1300 = tpu.vector_load %arg4[%get3A_1297, %get3A_1298, %get3A_1299] {strides = array<i32>} : memref<8x32x128xf32, #tpu.memory_space<vmem>>, vector<1x1x16xf32>,
          %get3A_1301 = vector.shape_cast %get3A_1300 : vector<1x1x16xf32> to vector<16xf32>
          %add3A_1302 = arith.addf %add3A_1246, %get3A_1301 : vector<16xf32>
          %get3A_1303 = arith.constant 22 : i32
          %get3A_1304 = arith.index_cast %scan3A_65 : i32 to index
          %get3A_1305 = arith.index_cast %get3A_1303 : i32 to index
          %get3A_1306 = arith.constant 32 : index
          %get3A_1307 = tpu.vector_load %arg4[%get3A_1304, %get3A_1305, %get3A_1306] {strides = array<i32>} : memref<8x32x128xf32, #tpu.memory_space<vmem>>, vector<1x1x16xf32>,
          %get3A_1308 = vector.shape_cast %get3A_1307 : vector<1x1x16xf32> to vector<16xf32>
          %add3A_1309 = arith.addf %add3A_1253, %get3A_1308 : vector<16xf32>
          %get3A_1310 = arith.constant 22 : i32
          %get3A_1311 = arith.index_cast %scan3A_65 : i32 to index
          %get3A_1312 = arith.index_cast %get3A_1310 : i32 to index
          %get3A_1313 = arith.constant 48 : index
          %get3A_1314 = tpu.vector_load %arg4[%get3A_1311, %get3A_1312, %get3A_1313] {strides = array<i32>} : memref<8x32x128xf32, #tpu.memory_space<vmem>>, vector<1x1x16xf32>,
          %get3A_1315 = vector.shape_cast %get3A_1314 : vector<1x1x16xf32> to vector<16xf32>
          %add3A_1316 = arith.addf %add3A_1260, %get3A_1315 : vector<16xf32>
          %get3A_1317 = arith.constant 22 : i32
          %get3A_1318 = arith.index_cast %scan3A_65 : i32 to index
          %get3A_1319 = arith.index_cast %get3A_1317 : i32 to index
          %get3A_1320 = arith.constant 64 : index
          %get3A_1321 = tpu.vector_load %arg4[%get3A_1318, %get3A_1319, %get3A_1320] {strides = array<i32>} : memref<8x32x128xf32, #tpu.memory_space<vmem>>, vector<1x1x16xf32>,
          %get3A_1322 = vector.shape_cast %get3A_1321 : vector<1x1x16xf32> to vector<16xf32>
          %add3A_1323 = arith.addf %add3A_1267, %get3A_1322 : vector<16xf32>
          %get3A_1324 = arith.constant 22 : i32
          %get3A_1325 = arith.index_cast %scan3A_65 : i32 to index
          %get3A_1326 = arith.index_cast %get3A_1324 : i32 to index
          %get3A_1327 = arith.constant 80 : index
          %get3A_1328 = tpu.vector_load %arg4[%get3A_1325, %get3A_1326, %get3A_1327] {strides = array<i32>} : memref<8x32x128xf32, #tpu.memory_space<vmem>>, vector<1x1x16xf32>,
          %get3A_1329 = vector.shape_cast %get3A_1328 : vector<1x1x16xf32> to vector<16xf32>
          %add3A_1330 = arith.addf %add3A_1274, %get3A_1329 : vector<16xf32>
          %get3A_1331 = arith.constant 22 : i32
          %get3A_1332 = arith.index_cast %scan3A_65 : i32 to index
          %get3A_1333 = arith.index_cast %get3A_1331 : i32 to index
          %get3A_1334 = arith.constant 96 : index
          %get3A_1335 = tpu.vector_load %arg4[%get3A_1332, %get3A_1333, %get3A_1334] {strides = array<i32>} : memref<8x32x128xf32, #tpu.memory_space<vmem>>, vector<1x1x16xf32>,
          %get3A_1336 = vector.shape_cast %get3A_1335 : vector<1x1x16xf32> to vector<16xf32>
          %add3A_1337 = arith.addf %add3A_1281, %get3A_1336 : vector<16xf32>
          %get3A_1338 = arith.constant 22 : i32
          %get3A_1339 = arith.index_cast %scan3A_65 : i32 to index
          %get3A_1340 = arith.index_cast %get3A_1338 : i32 to index
          %get3A_1341 = arith.constant 112 : index
          %get3A_1342 = tpu.vector_load %arg4[%get3A_1339, %get3A_1340, %get3A_1341] {strides = array<i32>} : memref<8x32x128xf32, #tpu.memory_space<vmem>>, vector<1x1x16xf32>,
          %get3A_1343 = vector.shape_cast %get3A_1342 : vector<1x1x16xf32> to vector<16xf32>
          %add3A_1344 = arith.addf %add3A_1288, %get3A_1343 : vector<16xf32>
          %get3A_1345 = arith.constant 23 : i32
          %get3A_1346 = arith.index_cast %scan3A_65 : i32 to index
          %get3A_1347 = arith.index_cast %get3A_1345 : i32 to index
          %get3A_1348 = arith.constant 0 : index
          %get3A_1349 = tpu.vector_load %arg4[%get3A_1346, %get3A_1347, %get3A_1348] {strides = array<i32>} : memref<8x32x128xf32, #tpu.memory_space<vmem>>, vector<1x1x16xf32>,
          %get3A_1350 = vector.shape_cast %get3A_1349 : vector<1x1x16xf32> to vector<16xf32>
          %add3A_1351 = arith.addf %add3A_1295, %get3A_1350 : vector<16xf32>
          %get3A_1352 = arith.constant 23 : i32
          %get3A_1353 = arith.index_cast %scan3A_65 : i32 to index
          %get3A_1354 = arith.index_cast %get3A_1352 : i32 to index
          %get3A_1355 = arith.constant 16 : index
          %get3A_1356 = tpu.vector_load %arg4[%get3A_1353, %get3A_1354, %get3A_1355] {strides = array<i32>} : memref<8x32x128xf32, #tpu.memory_space<vmem>>, vector<1x1x16xf32>,
          %get3A_1357 = vector.shape_cast %get3A_1356 : vector<1x1x16xf32> to vector<16xf32>
          %add3A_1358 = arith.addf %add3A_1302, %get3A_1357 : vector<16xf32>
          %get3A_1359 = arith.constant 23 : i32
          %get3A_1360 = arith.index_cast %scan3A_65 : i32 to index
          %get3A_1361 = arith.index_cast %get3A_1359 : i32 to index
          %get3A_1362 = arith.constant 32 : index
          %get3A_1363 = tpu.vector_load %arg4[%get3A_1360, %get3A_1361, %get3A_1362] {strides = array<i32>} : memref<8x32x128xf32, #tpu.memory_space<vmem>>, vector<1x1x16xf32>,
          %get3A_1364 = vector.shape_cast %get3A_1363 : vector<1x1x16xf32> to vector<16xf32>
          %add3A_1365 = arith.addf %add3A_1309, %get3A_1364 : vector<16xf32>
          %get3A_1366 = arith.constant 23 : i32
          %get3A_1367 = arith.index_cast %scan3A_65 : i32 to index
          %get3A_1368 = arith.index_cast %get3A_1366 : i32 to index
          %get3A_1369 = arith.constant 48 : index
          %get3A_1370 = tpu.vector_load %arg4[%get3A_1367, %get3A_1368, %get3A_1369] {strides = array<i32>} : memref<8x32x128xf32, #tpu.memory_space<vmem>>, vector<1x1x16xf32>,
          %get3A_1371 = vector.shape_cast %get3A_1370 : vector<1x1x16xf32> to vector<16xf32>
          %add3A_1372 = arith.addf %add3A_1316, %get3A_1371 : vector<16xf32>
          %get3A_1373 = arith.constant 23 : i32
          %get3A_1374 = arith.index_cast %scan3A_65 : i32 to index
          %get3A_1375 = arith.index_cast %get3A_1373 : i32 to index
          %get3A_1376 = arith.constant 64 : index
          %get3A_1377 = tpu.vector_load %arg4[%get3A_1374, %get3A_1375, %get3A_1376] {strides = array<i32>} : memref<8x32x128xf32, #tpu.memory_space<vmem>>, vector<1x1x16xf32>,
          %get3A_1378 = vector.shape_cast %get3A_1377 : vector<1x1x16xf32> to vector<16xf32>
          %add3A_1379 = arith.addf %add3A_1323, %get3A_1378 : vector<16xf32>
          %get3A_1380 = arith.constant 23 : i32
          %get3A_1381 = arith.index_cast %scan3A_65 : i32 to index
          %get3A_1382 = arith.index_cast %get3A_1380 : i32 to index
          %get3A_1383 = arith.constant 80 : index
          %get3A_1384 = tpu.vector_load %arg4[%get3A_1381, %get3A_1382, %get3A_1383] {strides = array<i32>} : memref<8x32x128xf32, #tpu.memory_space<vmem>>, vector<1x1x16xf32>,
          %get3A_1385 = vector.shape_cast %get3A_1384 : vector<1x1x16xf32> to vector<16xf32>
          %add3A_1386 = arith.addf %add3A_1330, %get3A_1385 : vector<16xf32>
          %get3A_1387 = arith.constant 23 : i32
          %get3A_1388 = arith.index_cast %scan3A_65 : i32 to index
          %get3A_1389 = arith.index_cast %get3A_1387 : i32 to index
          %get3A_1390 = arith.constant 96 : index
          %get3A_1391 = tpu.vector_load %arg4[%get3A_1388, %get3A_1389, %get3A_1390] {strides = array<i32>} : memref<8x32x128xf32, #tpu.memory_space<vmem>>, vector<1x1x16xf32>,
          %get3A_1392 = vector.shape_cast %get3A_1391 : vector<1x1x16xf32> to vector<16xf32>
          %add3A_1393 = arith.addf %add3A_1337, %get3A_1392 : vector<16xf32>
          %get3A_1394 = arith.constant 23 : i32
          %get3A_1395 = arith.index_cast %scan3A_65 : i32 to index
          %get3A_1396 = arith.index_cast %get3A_1394 : i32 to index
          %get3A_1397 = arith.constant 112 : index
          %get3A_1398 = tpu.vector_load %arg4[%get3A_1395, %get3A_1396, %get3A_1397] {strides = array<i32>} : memref<8x32x128xf32, #tpu.memory_space<vmem>>, vector<1x1x16xf32>,
          %get3A_1399 = vector.shape_cast %get3A_1398 : vector<1x1x16xf32> to vector<16xf32>
          %add3A_1400 = arith.addf %add3A_1344, %get3A_1399 : vector<16xf32>
          %get3A_1401 = arith.constant 24 : i32
          %get3A_1402 = arith.index_cast %scan3A_65 : i32 to index
          %get3A_1403 = arith.index_cast %get3A_1401 : i32 to index
          %get3A_1404 = arith.constant 0 : index
          %get3A_1405 = tpu.vector_load %arg4[%get3A_1402, %get3A_1403, %get3A_1404] {strides = array<i32>} : memref<8x32x128xf32, #tpu.memory_space<vmem>>, vector<1x1x16xf32>,
          %get3A_1406 = vector.shape_cast %get3A_1405 : vector<1x1x16xf32> to vector<16xf32>
          %add3A_1407 = arith.addf %add3A_1351, %get3A_1406 : vector<16xf32>
          %get3A_1408 = arith.constant 24 : i32
          %get3A_1409 = arith.index_cast %scan3A_65 : i32 to index
          %get3A_1410 = arith.index_cast %get3A_1408 : i32 to index
          %get3A_1411 = arith.constant 16 : index
          %get3A_1412 = tpu.vector_load %arg4[%get3A_1409, %get3A_1410, %get3A_1411] {strides = array<i32>} : memref<8x32x128xf32, #tpu.memory_space<vmem>>, vector<1x1x16xf32>,
          %get3A_1413 = vector.shape_cast %get3A_1412 : vector<1x1x16xf32> to vector<16xf32>
          %add3A_1414 = arith.addf %add3A_1358, %get3A_1413 : vector<16xf32>
          %get3A_1415 = arith.constant 24 : i32
          %get3A_1416 = arith.index_cast %scan3A_65 : i32 to index
          %get3A_1417 = arith.index_cast %get3A_1415 : i32 to index
          %get3A_1418 = arith.constant 32 : index
          %get3A_1419 = tpu.vector_load %arg4[%get3A_1416, %get3A_1417, %get3A_1418] {strides = array<i32>} : memref<8x32x128xf32, #tpu.memory_space<vmem>>, vector<1x1x16xf32>,
          %get3A_1420 = vector.shape_cast %get3A_1419 : vector<1x1x16xf32> to vector<16xf32>
          %add3A_1421 = arith.addf %add3A_1365, %get3A_1420 : vector<16xf32>
          %get3A_1422 = arith.constant 24 : i32
          %get3A_1423 = arith.index_cast %scan3A_65 : i32 to index
          %get3A_1424 = arith.index_cast %get3A_1422 : i32 to index
          %get3A_1425 = arith.constant 48 : index
          %get3A_1426 = tpu.vector_load %arg4[%get3A_1423, %get3A_1424, %get3A_1425] {strides = array<i32>} : memref<8x32x128xf32, #tpu.memory_space<vmem>>, vector<1x1x16xf32>,
          %get3A_1427 = vector.shape_cast %get3A_1426 : vector<1x1x16xf32> to vector<16xf32>
          %add3A_1428 = arith.addf %add3A_1372, %get3A_1427 : vector<16xf32>
          %get3A_1429 = arith.constant 24 : i32
          %get3A_1430 = arith.index_cast %scan3A_65 : i32 to index
          %get3A_1431 = arith.index_cast %get3A_1429 : i32 to index
          %get3A_1432 = arith.constant 64 : index
          %get3A_1433 = tpu.vector_load %arg4[%get3A_1430, %get3A_1431, %get3A_1432] {strides = array<i32>} : memref<8x32x128xf32, #tpu.memory_space<vmem>>, vector<1x1x16xf32>,
          %get3A_1434 = vector.shape_cast %get3A_1433 : vector<1x1x16xf32> to vector<16xf32>
          %add3A_1435 = arith.addf %add3A_1379, %get3A_1434 : vector<16xf32>
          %get3A_1436 = arith.constant 24 : i32
          %get3A_1437 = arith.index_cast %scan3A_65 : i32 to index
          %get3A_1438 = arith.index_cast %get3A_1436 : i32 to index
          %get3A_1439 = arith.constant 80 : index
          %get3A_1440 = tpu.vector_load %arg4[%get3A_1437, %get3A_1438, %get3A_1439] {strides = array<i32>} : memref<8x32x128xf32, #tpu.memory_space<vmem>>, vector<1x1x16xf32>,
          %get3A_1441 = vector.shape_cast %get3A_1440 : vector<1x1x16xf32> to vector<16xf32>
          %add3A_1442 = arith.addf %add3A_1386, %get3A_1441 : vector<16xf32>
          %get3A_1443 = arith.constant 24 : i32
          %get3A_1444 = arith.index_cast %scan3A_65 : i32 to index
          %get3A_1445 = arith.index_cast %get3A_1443 : i32 to index
          %get3A_1446 = arith.constant 96 : index
          %get3A_1447 = tpu.vector_load %arg4[%get3A_1444, %get3A_1445, %get3A_1446] {strides = array<i32>} : memref<8x32x128xf32, #tpu.memory_space<vmem>>, vector<1x1x16xf32>,
          %get3A_1448 = vector.shape_cast %get3A_1447 : vector<1x1x16xf32> to vector<16xf32>
          %add3A_1449 = arith.addf %add3A_1393, %get3A_1448 : vector<16xf32>
          %get3A_1450 = arith.constant 24 : i32
          %get3A_1451 = arith.index_cast %scan3A_65 : i32 to index
          %get3A_1452 = arith.index_cast %get3A_1450 : i32 to index
          %get3A_1453 = arith.constant 112 : index
          %get3A_1454 = tpu.vector_load %arg4[%get3A_1451, %get3A_1452, %get3A_1453] {strides = array<i32>} : memref<8x32x128xf32, #tpu.memory_space<vmem>>, vector<1x1x16xf32>,
          %get3A_1455 = vector.shape_cast %get3A_1454 : vector<1x1x16xf32> to vector<16xf32>
          %add3A_1456 = arith.addf %add3A_1400, %get3A_1455 : vector<16xf32>
          %get3A_1457 = arith.constant 25 : i32
          %get3A_1458 = arith.index_cast %scan3A_65 : i32 to index
          %get3A_1459 = arith.index_cast %get3A_1457 : i32 to index
          %get3A_1460 = arith.constant 0 : index
          %get3A_1461 = tpu.vector_load %arg4[%get3A_1458, %get3A_1459, %get3A_1460] {strides = array<i32>} : memref<8x32x128xf32, #tpu.memory_space<vmem>>, vector<1x1x16xf32>,
          %get3A_1462 = vector.shape_cast %get3A_1461 : vector<1x1x16xf32> to vector<16xf32>
          %add3A_1463 = arith.addf %add3A_1407, %get3A_1462 : vector<16xf32>
          %get3A_1464 = arith.constant 25 : i32
          %get3A_1465 = arith.index_cast %scan3A_65 : i32 to index
          %get3A_1466 = arith.index_cast %get3A_1464 : i32 to index
          %get3A_1467 = arith.constant 16 : index
          %get3A_1468 = tpu.vector_load %arg4[%get3A_1465, %get3A_1466, %get3A_1467] {strides = array<i32>} : memref<8x32x128xf32, #tpu.memory_space<vmem>>, vector<1x1x16xf32>,
          %get3A_1469 = vector.shape_cast %get3A_1468 : vector<1x1x16xf32> to vector<16xf32>
          %add3A_1470 = arith.addf %add3A_1414, %get3A_1469 : vector<16xf32>
          %get3A_1471 = arith.constant 25 : i32
          %get3A_1472 = arith.index_cast %scan3A_65 : i32 to index
          %get3A_1473 = arith.index_cast %get3A_1471 : i32 to index
          %get3A_1474 = arith.constant 32 : index
          %get3A_1475 = tpu.vector_load %arg4[%get3A_1472, %get3A_1473, %get3A_1474] {strides = array<i32>} : memref<8x32x128xf32, #tpu.memory_space<vmem>>, vector<1x1x16xf32>,
          %get3A_1476 = vector.shape_cast %get3A_1475 : vector<1x1x16xf32> to vector<16xf32>
          %add3A_1477 = arith.addf %add3A_1421, %get3A_1476 : vector<16xf32>
          %get3A_1478 = arith.constant 25 : i32
          %get3A_1479 = arith.index_cast %scan3A_65 : i32 to index
          %get3A_1480 = arith.index_cast %get3A_1478 : i32 to index
          %get3A_1481 = arith.constant 48 : index
          %get3A_1482 = tpu.vector_load %arg4[%get3A_1479, %get3A_1480, %get3A_1481] {strides = array<i32>} : memref<8x32x128xf32, #tpu.memory_space<vmem>>, vector<1x1x16xf32>,
          %get3A_1483 = vector.shape_cast %get3A_1482 : vector<1x1x16xf32> to vector<16xf32>
          %add3A_1484 = arith.addf %add3A_1428, %get3A_1483 : vector<16xf32>
          %get3A_1485 = arith.constant 25 : i32
          %get3A_1486 = arith.index_cast %scan3A_65 : i32 to index
          %get3A_1487 = arith.index_cast %get3A_1485 : i32 to index
          %get3A_1488 = arith.constant 64 : index
          %get3A_1489 = tpu.vector_load %arg4[%get3A_1486, %get3A_1487, %get3A_1488] {strides = array<i32>} : memref<8x32x128xf32, #tpu.memory_space<vmem>>, vector<1x1x16xf32>,
          %get3A_1490 = vector.shape_cast %get3A_1489 : vector<1x1x16xf32> to vector<16xf32>
          %add3A_1491 = arith.addf %add3A_1435, %get3A_1490 : vector<16xf32>
          %get3A_1492 = arith.constant 25 : i32
          %get3A_1493 = arith.index_cast %scan3A_65 : i32 to index
          %get3A_1494 = arith.index_cast %get3A_1492 : i32 to index
          %get3A_1495 = arith.constant 80 : index
          %get3A_1496 = tpu.vector_load %arg4[%get3A_1493, %get3A_1494, %get3A_1495] {strides = array<i32>} : memref<8x32x128xf32, #tpu.memory_space<vmem>>, vector<1x1x16xf32>,
          %get3A_1497 = vector.shape_cast %get3A_1496 : vector<1x1x16xf32> to vector<16xf32>
          %add3A_1498 = arith.addf %add3A_1442, %get3A_1497 : vector<16xf32>
          %get3A_1499 = arith.constant 25 : i32
          %get3A_1500 = arith.index_cast %scan3A_65 : i32 to index
          %get3A_1501 = arith.index_cast %get3A_1499 : i32 to index
          %get3A_1502 = arith.constant 96 : index
          %get3A_1503 = tpu.vector_load %arg4[%get3A_1500, %get3A_1501, %get3A_1502] {strides = array<i32>} : memref<8x32x128xf32, #tpu.memory_space<vmem>>, vector<1x1x16xf32>,
          %get3A_1504 = vector.shape_cast %get3A_1503 : vector<1x1x16xf32> to vector<16xf32>
          %add3A_1505 = arith.addf %add3A_1449, %get3A_1504 : vector<16xf32>
          %get3A_1506 = arith.constant 25 : i32
          %get3A_1507 = arith.index_cast %scan3A_65 : i32 to index
          %get3A_1508 = arith.index_cast %get3A_1506 : i32 to index
          %get3A_1509 = arith.constant 112 : index
          %get3A_1510 = tpu.vector_load %arg4[%get3A_1507, %get3A_1508, %get3A_1509] {strides = array<i32>} : memref<8x32x128xf32, #tpu.memory_space<vmem>>, vector<1x1x16xf32>,
          %get3A_1511 = vector.shape_cast %get3A_1510 : vector<1x1x16xf32> to vector<16xf32>
          %add3A_1512 = arith.addf %add3A_1456, %get3A_1511 : vector<16xf32>
          %get3A_1513 = arith.constant 26 : i32
          %get3A_1514 = arith.index_cast %scan3A_65 : i32 to index
          %get3A_1515 = arith.index_cast %get3A_1513 : i32 to index
          %get3A_1516 = arith.constant 0 : index
          %get3A_1517 = tpu.vector_load %arg4[%get3A_1514, %get3A_1515, %get3A_1516] {strides = array<i32>} : memref<8x32x128xf32, #tpu.memory_space<vmem>>, vector<1x1x16xf32>,
          %get3A_1518 = vector.shape_cast %get3A_1517 : vector<1x1x16xf32> to vector<16xf32>
          %add3A_1519 = arith.addf %add3A_1463, %get3A_1518 : vector<16xf32>
          %get3A_1520 = arith.constant 26 : i32
          %get3A_1521 = arith.index_cast %scan3A_65 : i32 to index
          %get3A_1522 = arith.index_cast %get3A_1520 : i32 to index
          %get3A_1523 = arith.constant 16 : index
          %get3A_1524 = tpu.vector_load %arg4[%get3A_1521, %get3A_1522, %get3A_1523] {strides = array<i32>} : memref<8x32x128xf32, #tpu.memory_space<vmem>>, vector<1x1x16xf32>,
          %get3A_1525 = vector.shape_cast %get3A_1524 : vector<1x1x16xf32> to vector<16xf32>
          %add3A_1526 = arith.addf %add3A_1470, %get3A_1525 : vector<16xf32>
          %get3A_1527 = arith.constant 26 : i32
          %get3A_1528 = arith.index_cast %scan3A_65 : i32 to index
          %get3A_1529 = arith.index_cast %get3A_1527 : i32 to index
          %get3A_1530 = arith.constant 32 : index
          %get3A_1531 = tpu.vector_load %arg4[%get3A_1528, %get3A_1529, %get3A_1530] {strides = array<i32>} : memref<8x32x128xf32, #tpu.memory_space<vmem>>, vector<1x1x16xf32>,
          %get3A_1532 = vector.shape_cast %get3A_1531 : vector<1x1x16xf32> to vector<16xf32>
          %add3A_1533 = arith.addf %add3A_1477, %get3A_1532 : vector<16xf32>
          %get3A_1534 = arith.constant 26 : i32
          %get3A_1535 = arith.index_cast %scan3A_65 : i32 to index
          %get3A_1536 = arith.index_cast %get3A_1534 : i32 to index
          %get3A_1537 = arith.constant 48 : index
          %get3A_1538 = tpu.vector_load %arg4[%get3A_1535, %get3A_1536, %get3A_1537] {strides = array<i32>} : memref<8x32x128xf32, #tpu.memory_space<vmem>>, vector<1x1x16xf32>,
          %get3A_1539 = vector.shape_cast %get3A_1538 : vector<1x1x16xf32> to vector<16xf32>
          %add3A_1540 = arith.addf %add3A_1484, %get3A_1539 : vector<16xf32>
          %get3A_1541 = arith.constant 26 : i32
          %get3A_1542 = arith.index_cast %scan3A_65 : i32 to index
          %get3A_1543 = arith.index_cast %get3A_1541 : i32 to index
          %get3A_1544 = arith.constant 64 : index
          %get3A_1545 = tpu.vector_load %arg4[%get3A_1542, %get3A_1543, %get3A_1544] {strides = array<i32>} : memref<8x32x128xf32, #tpu.memory_space<vmem>>, vector<1x1x16xf32>,
          %get3A_1546 = vector.shape_cast %get3A_1545 : vector<1x1x16xf32> to vector<16xf32>
          %add3A_1547 = arith.addf %add3A_1491, %get3A_1546 : vector<16xf32>
          %get3A_1548 = arith.constant 26 : i32
          %get3A_1549 = arith.index_cast %scan3A_65 : i32 to index
          %get3A_1550 = arith.index_cast %get3A_1548 : i32 to index
          %get3A_1551 = arith.constant 80 : index
          %get3A_1552 = tpu.vector_load %arg4[%get3A_1549, %get3A_1550, %get3A_1551] {strides = array<i32>} : memref<8x32x128xf32, #tpu.memory_space<vmem>>, vector<1x1x16xf32>,
          %get3A_1553 = vector.shape_cast %get3A_1552 : vector<1x1x16xf32> to vector<16xf32>
          %add3A_1554 = arith.addf %add3A_1498, %get3A_1553 : vector<16xf32>
          %get3A_1555 = arith.constant 26 : i32
          %get3A_1556 = arith.index_cast %scan3A_65 : i32 to index
          %get3A_1557 = arith.index_cast %get3A_1555 : i32 to index
          %get3A_1558 = arith.constant 96 : index
          %get3A_1559 = tpu.vector_load %arg4[%get3A_1556, %get3A_1557, %get3A_1558] {strides = array<i32>} : memref<8x32x128xf32, #tpu.memory_space<vmem>>, vector<1x1x16xf32>,
          %get3A_1560 = vector.shape_cast %get3A_1559 : vector<1x1x16xf32> to vector<16xf32>
          %add3A_1561 = arith.addf %add3A_1505, %get3A_1560 : vector<16xf32>
          %get3A_1562 = arith.constant 26 : i32
          %get3A_1563 = arith.index_cast %scan3A_65 : i32 to index
          %get3A_1564 = arith.index_cast %get3A_1562 : i32 to index
          %get3A_1565 = arith.constant 112 : index
          %get3A_1566 = tpu.vector_load %arg4[%get3A_1563, %get3A_1564, %get3A_1565] {strides = array<i32>} : memref<8x32x128xf32, #tpu.memory_space<vmem>>, vector<1x1x16xf32>,
          %get3A_1567 = vector.shape_cast %get3A_1566 : vector<1x1x16xf32> to vector<16xf32>
          %add3A_1568 = arith.addf %add3A_1512, %get3A_1567 : vector<16xf32>
          %get3A_1569 = arith.constant 27 : i32
          %get3A_1570 = arith.index_cast %scan3A_65 : i32 to index
          %get3A_1571 = arith.index_cast %get3A_1569 : i32 to index
          %get3A_1572 = arith.constant 0 : index
          %get3A_1573 = tpu.vector_load %arg4[%get3A_1570, %get3A_1571, %get3A_1572] {strides = array<i32>} : memref<8x32x128xf32, #tpu.memory_space<vmem>>, vector<1x1x16xf32>,
          %get3A_1574 = vector.shape_cast %get3A_1573 : vector<1x1x16xf32> to vector<16xf32>
          %add3A_1575 = arith.addf %add3A_1519, %get3A_1574 : vector<16xf32>
          %get3A_1576 = arith.constant 27 : i32
          %get3A_1577 = arith.index_cast %scan3A_65 : i32 to index
          %get3A_1578 = arith.index_cast %get3A_1576 : i32 to index
          %get3A_1579 = arith.constant 16 : index
          %get3A_1580 = tpu.vector_load %arg4[%get3A_1577, %get3A_1578, %get3A_1579] {strides = array<i32>} : memref<8x32x128xf32, #tpu.memory_space<vmem>>, vector<1x1x16xf32>,
          %get3A_1581 = vector.shape_cast %get3A_1580 : vector<1x1x16xf32> to vector<16xf32>
          %add3A_1582 = arith.addf %add3A_1526, %get3A_1581 : vector<16xf32>
          %get3A_1583 = arith.constant 27 : i32
          %get3A_1584 = arith.index_cast %scan3A_65 : i32 to index
          %get3A_1585 = arith.index_cast %get3A_1583 : i32 to index
          %get3A_1586 = arith.constant 32 : index
          %get3A_1587 = tpu.vector_load %arg4[%get3A_1584, %get3A_1585, %get3A_1586] {strides = array<i32>} : memref<8x32x128xf32, #tpu.memory_space<vmem>>, vector<1x1x16xf32>,
          %get3A_1588 = vector.shape_cast %get3A_1587 : vector<1x1x16xf32> to vector<16xf32>
          %add3A_1589 = arith.addf %add3A_1533, %get3A_1588 : vector<16xf32>
          %get3A_1590 = arith.constant 27 : i32
          %get3A_1591 = arith.index_cast %scan3A_65 : i32 to index
          %get3A_1592 = arith.index_cast %get3A_1590 : i32 to index
          %get3A_1593 = arith.constant 48 : index
          %get3A_1594 = tpu.vector_load %arg4[%get3A_1591, %get3A_1592, %get3A_1593] {strides = array<i32>} : memref<8x32x128xf32, #tpu.memory_space<vmem>>, vector<1x1x16xf32>,
          %get3A_1595 = vector.shape_cast %get3A_1594 : vector<1x1x16xf32> to vector<16xf32>
          %add3A_1596 = arith.addf %add3A_1540, %get3A_1595 : vector<16xf32>
          %get3A_1597 = arith.constant 27 : i32
          %get3A_1598 = arith.index_cast %scan3A_65 : i32 to index
          %get3A_1599 = arith.index_cast %get3A_1597 : i32 to index
          %get3A_1600 = arith.constant 64 : index
          %get3A_1601 = tpu.vector_load %arg4[%get3A_1598, %get3A_1599, %get3A_1600] {strides = array<i32>} : memref<8x32x128xf32, #tpu.memory_space<vmem>>, vector<1x1x16xf32>,
          %get3A_1602 = vector.shape_cast %get3A_1601 : vector<1x1x16xf32> to vector<16xf32>
          %add3A_1603 = arith.addf %add3A_1547, %get3A_1602 : vector<16xf32>
          %get3A_1604 = arith.constant 27 : i32
          %get3A_1605 = arith.index_cast %scan3A_65 : i32 to index
          %get3A_1606 = arith.index_cast %get3A_1604 : i32 to index
          %get3A_1607 = arith.constant 80 : index
          %get3A_1608 = tpu.vector_load %arg4[%get3A_1605, %get3A_1606, %get3A_1607] {strides = array<i32>} : memref<8x32x128xf32, #tpu.memory_space<vmem>>, vector<1x1x16xf32>,
          %get3A_1609 = vector.shape_cast %get3A_1608 : vector<1x1x16xf32> to vector<16xf32>
          %add3A_1610 = arith.addf %add3A_1554, %get3A_1609 : vector<16xf32>
          %get3A_1611 = arith.constant 27 : i32
          %get3A_1612 = arith.index_cast %scan3A_65 : i32 to index
          %get3A_1613 = arith.index_cast %get3A_1611 : i32 to index
          %get3A_1614 = arith.constant 96 : index
          %get3A_1615 = tpu.vector_load %arg4[%get3A_1612, %get3A_1613, %get3A_1614] {strides = array<i32>} : memref<8x32x128xf32, #tpu.memory_space<vmem>>, vector<1x1x16xf32>,
          %get3A_1616 = vector.shape_cast %get3A_1615 : vector<1x1x16xf32> to vector<16xf32>
          %add3A_1617 = arith.addf %add3A_1561, %get3A_1616 : vector<16xf32>
          %get3A_1618 = arith.constant 27 : i32
          %get3A_1619 = arith.index_cast %scan3A_65 : i32 to index
          %get3A_1620 = arith.index_cast %get3A_1618 : i32 to index
          %get3A_1621 = arith.constant 112 : index
          %get3A_1622 = tpu.vector_load %arg4[%get3A_1619, %get3A_1620, %get3A_1621] {strides = array<i32>} : memref<8x32x128xf32, #tpu.memory_space<vmem>>, vector<1x1x16xf32>,
          %get3A_1623 = vector.shape_cast %get3A_1622 : vector<1x1x16xf32> to vector<16xf32>
          %add3A_1624 = arith.addf %add3A_1568, %get3A_1623 : vector<16xf32>
          %get3A_1625 = arith.constant 28 : i32
          %get3A_1626 = arith.index_cast %scan3A_65 : i32 to index
          %get3A_1627 = arith.index_cast %get3A_1625 : i32 to index
          %get3A_1628 = arith.constant 0 : index
          %get3A_1629 = tpu.vector_load %arg4[%get3A_1626, %get3A_1627, %get3A_1628] {strides = array<i32>} : memref<8x32x128xf32, #tpu.memory_space<vmem>>, vector<1x1x16xf32>,
          %get3A_1630 = vector.shape_cast %get3A_1629 : vector<1x1x16xf32> to vector<16xf32>
          %add3A_1631 = arith.addf %add3A_1575, %get3A_1630 : vector<16xf32>
          %get3A_1632 = arith.constant 28 : i32
          %get3A_1633 = arith.index_cast %scan3A_65 : i32 to index
          %get3A_1634 = arith.index_cast %get3A_1632 : i32 to index
          %get3A_1635 = arith.constant 16 : index
          %get3A_1636 = tpu.vector_load %arg4[%get3A_1633, %get3A_1634, %get3A_1635] {strides = array<i32>} : memref<8x32x128xf32, #tpu.memory_space<vmem>>, vector<1x1x16xf32>,
          %get3A_1637 = vector.shape_cast %get3A_1636 : vector<1x1x16xf32> to vector<16xf32>
          %add3A_1638 = arith.addf %add3A_1582, %get3A_1637 : vector<16xf32>
          %get3A_1639 = arith.constant 28 : i32
          %get3A_1640 = arith.index_cast %scan3A_65 : i32 to index
          %get3A_1641 = arith.index_cast %get3A_1639 : i32 to index
          %get3A_1642 = arith.constant 32 : index
          %get3A_1643 = tpu.vector_load %arg4[%get3A_1640, %get3A_1641, %get3A_1642] {strides = array<i32>} : memref<8x32x128xf32, #tpu.memory_space<vmem>>, vector<1x1x16xf32>,
          %get3A_1644 = vector.shape_cast %get3A_1643 : vector<1x1x16xf32> to vector<16xf32>
          %add3A_1645 = arith.addf %add3A_1589, %get3A_1644 : vector<16xf32>
          %get3A_1646 = arith.constant 28 : i32
          %get3A_1647 = arith.index_cast %scan3A_65 : i32 to index
          %get3A_1648 = arith.index_cast %get3A_1646 : i32 to index
          %get3A_1649 = arith.constant 48 : index
          %get3A_1650 = tpu.vector_load %arg4[%get3A_1647, %get3A_1648, %get3A_1649] {strides = array<i32>} : memref<8x32x128xf32, #tpu.memory_space<vmem>>, vector<1x1x16xf32>,
          %get3A_1651 = vector.shape_cast %get3A_1650 : vector<1x1x16xf32> to vector<16xf32>
          %add3A_1652 = arith.addf %add3A_1596, %get3A_1651 : vector<16xf32>
          %get3A_1653 = arith.constant 28 : i32
          %get3A_1654 = arith.index_cast %scan3A_65 : i32 to index
          %get3A_1655 = arith.index_cast %get3A_1653 : i32 to index
          %get3A_1656 = arith.constant 64 : index
          %get3A_1657 = tpu.vector_load %arg4[%get3A_1654, %get3A_1655, %get3A_1656] {strides = array<i32>} : memref<8x32x128xf32, #tpu.memory_space<vmem>>, vector<1x1x16xf32>,
          %get3A_1658 = vector.shape_cast %get3A_1657 : vector<1x1x16xf32> to vector<16xf32>
          %add3A_1659 = arith.addf %add3A_1603, %get3A_1658 : vector<16xf32>
          %get3A_1660 = arith.constant 28 : i32
          %get3A_1661 = arith.index_cast %scan3A_65 : i32 to index
          %get3A_1662 = arith.index_cast %get3A_1660 : i32 to index
          %get3A_1663 = arith.constant 80 : index
          %get3A_1664 = tpu.vector_load %arg4[%get3A_1661, %get3A_1662, %get3A_1663] {strides = array<i32>} : memref<8x32x128xf32, #tpu.memory_space<vmem>>, vector<1x1x16xf32>,
          %get3A_1665 = vector.shape_cast %get3A_1664 : vector<1x1x16xf32> to vector<16xf32>
          %add3A_1666 = arith.addf %add3A_1610, %get3A_1665 : vector<16xf32>
          %get3A_1667 = arith.constant 28 : i32
          %get3A_1668 = arith.index_cast %scan3A_65 : i32 to index
          %get3A_1669 = arith.index_cast %get3A_1667 : i32 to index
          %get3A_1670 = arith.constant 96 : index
          %get3A_1671 = tpu.vector_load %arg4[%get3A_1668, %get3A_1669, %get3A_1670] {strides = array<i32>} : memref<8x32x128xf32, #tpu.memory_space<vmem>>, vector<1x1x16xf32>,
          %get3A_1672 = vector.shape_cast %get3A_1671 : vector<1x1x16xf32> to vector<16xf32>
          %add3A_1673 = arith.addf %add3A_1617, %get3A_1672 : vector<16xf32>
          %get3A_1674 = arith.constant 28 : i32
          %get3A_1675 = arith.index_cast %scan3A_65 : i32 to index
          %get3A_1676 = arith.index_cast %get3A_1674 : i32 to index
          %get3A_1677 = arith.constant 112 : index
          %get3A_1678 = tpu.vector_load %arg4[%get3A_1675, %get3A_1676, %get3A_1677] {strides = array<i32>} : memref<8x32x128xf32, #tpu.memory_space<vmem>>, vector<1x1x16xf32>,
          %get3A_1679 = vector.shape_cast %get3A_1678 : vector<1x1x16xf32> to vector<16xf32>
          %add3A_1680 = arith.addf %add3A_1624, %get3A_1679 : vector<16xf32>
          %get3A_1681 = arith.constant 29 : i32
          %get3A_1682 = arith.index_cast %scan3A_65 : i32 to index
          %get3A_1683 = arith.index_cast %get3A_1681 : i32 to index
          %get3A_1684 = arith.constant 0 : index
          %get3A_1685 = tpu.vector_load %arg4[%get3A_1682, %get3A_1683, %get3A_1684] {strides = array<i32>} : memref<8x32x128xf32, #tpu.memory_space<vmem>>, vector<1x1x16xf32>,
          %get3A_1686 = vector.shape_cast %get3A_1685 : vector<1x1x16xf32> to vector<16xf32>
          %add3A_1687 = arith.addf %add3A_1631, %get3A_1686 : vector<16xf32>
          %get3A_1688 = arith.constant 29 : i32
          %get3A_1689 = arith.index_cast %scan3A_65 : i32 to index
          %get3A_1690 = arith.index_cast %get3A_1688 : i32 to index
          %get3A_1691 = arith.constant 16 : index
          %get3A_1692 = tpu.vector_load %arg4[%get3A_1689, %get3A_1690, %get3A_1691] {strides = array<i32>} : memref<8x32x128xf32, #tpu.memory_space<vmem>>, vector<1x1x16xf32>,
          %get3A_1693 = vector.shape_cast %get3A_1692 : vector<1x1x16xf32> to vector<16xf32>
          %add3A_1694 = arith.addf %add3A_1638, %get3A_1693 : vector<16xf32>
          %get3A_1695 = arith.constant 29 : i32
          %get3A_1696 = arith.index_cast %scan3A_65 : i32 to index
          %get3A_1697 = arith.index_cast %get3A_1695 : i32 to index
          %get3A_1698 = arith.constant 32 : index
          %get3A_1699 = tpu.vector_load %arg4[%get3A_1696, %get3A_1697, %get3A_1698] {strides = array<i32>} : memref<8x32x128xf32, #tpu.memory_space<vmem>>, vector<1x1x16xf32>,
          %get3A_1700 = vector.shape_cast %get3A_1699 : vector<1x1x16xf32> to vector<16xf32>
          %add3A_1701 = arith.addf %add3A_1645, %get3A_1700 : vector<16xf32>
          %get3A_1702 = arith.constant 29 : i32
          %get3A_1703 = arith.index_cast %scan3A_65 : i32 to index
          %get3A_1704 = arith.index_cast %get3A_1702 : i32 to index
          %get3A_1705 = arith.constant 48 : index
          %get3A_1706 = tpu.vector_load %arg4[%get3A_1703, %get3A_1704, %get3A_1705] {strides = array<i32>} : memref<8x32x128xf32, #tpu.memory_space<vmem>>, vector<1x1x16xf32>,
          %get3A_1707 = vector.shape_cast %get3A_1706 : vector<1x1x16xf32> to vector<16xf32>
          %add3A_1708 = arith.addf %add3A_1652, %get3A_1707 : vector<16xf32>
          %get3A_1709 = arith.constant 29 : i32
          %get3A_1710 = arith.index_cast %scan3A_65 : i32 to index
          %get3A_1711 = arith.index_cast %get3A_1709 : i32 to index
          %get3A_1712 = arith.constant 64 : index
          %get3A_1713 = tpu.vector_load %arg4[%get3A_1710, %get3A_1711, %get3A_1712] {strides = array<i32>} : memref<8x32x128xf32, #tpu.memory_space<vmem>>, vector<1x1x16xf32>,
          %get3A_1714 = vector.shape_cast %get3A_1713 : vector<1x1x16xf32> to vector<16xf32>
          %add3A_1715 = arith.addf %add3A_1659, %get3A_1714 : vector<16xf32>
          %get3A_1716 = arith.constant 29 : i32
          %get3A_1717 = arith.index_cast %scan3A_65 : i32 to index
          %get3A_1718 = arith.index_cast %get3A_1716 : i32 to index
          %get3A_1719 = arith.constant 80 : index
          %get3A_1720 = tpu.vector_load %arg4[%get3A_1717, %get3A_1718, %get3A_1719] {strides = array<i32>} : memref<8x32x128xf32, #tpu.memory_space<vmem>>, vector<1x1x16xf32>,
          %get3A_1721 = vector.shape_cast %get3A_1720 : vector<1x1x16xf32> to vector<16xf32>
          %add3A_1722 = arith.addf %add3A_1666, %get3A_1721 : vector<16xf32>
          %get3A_1723 = arith.constant 29 : i32
          %get3A_1724 = arith.index_cast %scan3A_65 : i32 to index
          %get3A_1725 = arith.index_cast %get3A_1723 : i32 to index
          %get3A_1726 = arith.constant 96 : index
          %get3A_1727 = tpu.vector_load %arg4[%get3A_1724, %get3A_1725, %get3A_1726] {strides = array<i32>} : memref<8x32x128xf32, #tpu.memory_space<vmem>>, vector<1x1x16xf32>,
          %get3A_1728 = vector.shape_cast %get3A_1727 : vector<1x1x16xf32> to vector<16xf32>
          %add3A_1729 = arith.addf %add3A_1673, %get3A_1728 : vector<16xf32>
          %get3A_1730 = arith.constant 29 : i32
          %get3A_1731 = arith.index_cast %scan3A_65 : i32 to index
          %get3A_1732 = arith.index_cast %get3A_1730 : i32 to index
          %get3A_1733 = arith.constant 112 : index
          %get3A_1734 = tpu.vector_load %arg4[%get3A_1731, %get3A_1732, %get3A_1733] {strides = array<i32>} : memref<8x32x128xf32, #tpu.memory_space<vmem>>, vector<1x1x16xf32>,
          %get3A_1735 = vector.shape_cast %get3A_1734 : vector<1x1x16xf32> to vector<16xf32>
          %add3A_1736 = arith.addf %add3A_1680, %get3A_1735 : vector<16xf32>
          %get3A_1737 = arith.constant 30 : i32
          %get3A_1738 = arith.index_cast %scan3A_65 : i32 to index
          %get3A_1739 = arith.index_cast %get3A_1737 : i32 to index
          %get3A_1740 = arith.constant 0 : index
          %get3A_1741 = tpu.vector_load %arg4[%get3A_1738, %get3A_1739, %get3A_1740] {strides = array<i32>} : memref<8x32x128xf32, #tpu.memory_space<vmem>>, vector<1x1x16xf32>,
          %get3A_1742 = vector.shape_cast %get3A_1741 : vector<1x1x16xf32> to vector<16xf32>
          %add3A_1743 = arith.addf %add3A_1687, %get3A_1742 : vector<16xf32>
          %get3A_1744 = arith.constant 30 : i32
          %get3A_1745 = arith.index_cast %scan3A_65 : i32 to index
          %get3A_1746 = arith.index_cast %get3A_1744 : i32 to index
          %get3A_1747 = arith.constant 16 : index
          %get3A_1748 = tpu.vector_load %arg4[%get3A_1745, %get3A_1746, %get3A_1747] {strides = array<i32>} : memref<8x32x128xf32, #tpu.memory_space<vmem>>, vector<1x1x16xf32>,
          %get3A_1749 = vector.shape_cast %get3A_1748 : vector<1x1x16xf32> to vector<16xf32>
          %add3A_1750 = arith.addf %add3A_1694, %get3A_1749 : vector<16xf32>
          %get3A_1751 = arith.constant 30 : i32
          %get3A_1752 = arith.index_cast %scan3A_65 : i32 to index
          %get3A_1753 = arith.index_cast %get3A_1751 : i32 to index
          %get3A_1754 = arith.constant 32 : index
          %get3A_1755 = tpu.vector_load %arg4[%get3A_1752, %get3A_1753, %get3A_1754] {strides = array<i32>} : memref<8x32x128xf32, #tpu.memory_space<vmem>>, vector<1x1x16xf32>,
          %get3A_1756 = vector.shape_cast %get3A_1755 : vector<1x1x16xf32> to vector<16xf32>
          %add3A_1757 = arith.addf %add3A_1701, %get3A_1756 : vector<16xf32>
          %get3A_1758 = arith.constant 30 : i32
          %get3A_1759 = arith.index_cast %scan3A_65 : i32 to index
          %get3A_1760 = arith.index_cast %get3A_1758 : i32 to index
          %get3A_1761 = arith.constant 48 : index
          %get3A_1762 = tpu.vector_load %arg4[%get3A_1759, %get3A_1760, %get3A_1761] {strides = array<i32>} : memref<8x32x128xf32, #tpu.memory_space<vmem>>, vector<1x1x16xf32>,
          %get3A_1763 = vector.shape_cast %get3A_1762 : vector<1x1x16xf32> to vector<16xf32>
          %add3A_1764 = arith.addf %add3A_1708, %get3A_1763 : vector<16xf32>
          %get3A_1765 = arith.constant 30 : i32
          %get3A_1766 = arith.index_cast %scan3A_65 : i32 to index
          %get3A_1767 = arith.index_cast %get3A_1765 : i32 to index
          %get3A_1768 = arith.constant 64 : index
          %get3A_1769 = tpu.vector_load %arg4[%get3A_1766, %get3A_1767, %get3A_1768] {strides = array<i32>} : memref<8x32x128xf32, #tpu.memory_space<vmem>>, vector<1x1x16xf32>,
          %get3A_1770 = vector.shape_cast %get3A_1769 : vector<1x1x16xf32> to vector<16xf32>
          %add3A_1771 = arith.addf %add3A_1715, %get3A_1770 : vector<16xf32>
          %get3A_1772 = arith.constant 30 : i32
          %get3A_1773 = arith.index_cast %scan3A_65 : i32 to index
          %get3A_1774 = arith.index_cast %get3A_1772 : i32 to index
          %get3A_1775 = arith.constant 80 : index
          %get3A_1776 = tpu.vector_load %arg4[%get3A_1773, %get3A_1774, %get3A_1775] {strides = array<i32>} : memref<8x32x128xf32, #tpu.memory_space<vmem>>, vector<1x1x16xf32>,
          %get3A_1777 = vector.shape_cast %get3A_1776 : vector<1x1x16xf32> to vector<16xf32>
          %add3A_1778 = arith.addf %add3A_1722, %get3A_1777 : vector<16xf32>
          %get3A_1779 = arith.constant 30 : i32
          %get3A_1780 = arith.index_cast %scan3A_65 : i32 to index
          %get3A_1781 = arith.index_cast %get3A_1779 : i32 to index
          %get3A_1782 = arith.constant 96 : index
          %get3A_1783 = tpu.vector_load %arg4[%get3A_1780, %get3A_1781, %get3A_1782] {strides = array<i32>} : memref<8x32x128xf32, #tpu.memory_space<vmem>>, vector<1x1x16xf32>,
          %get3A_1784 = vector.shape_cast %get3A_1783 : vector<1x1x16xf32> to vector<16xf32>
          %add3A_1785 = arith.addf %add3A_1729, %get3A_1784 : vector<16xf32>
          %get3A_1786 = arith.constant 30 : i32
          %get3A_1787 = arith.index_cast %scan3A_65 : i32 to index
          %get3A_1788 = arith.index_cast %get3A_1786 : i32 to index
          %get3A_1789 = arith.constant 112 : index
          %get3A_1790 = tpu.vector_load %arg4[%get3A_1787, %get3A_1788, %get3A_1789] {strides = array<i32>} : memref<8x32x128xf32, #tpu.memory_space<vmem>>, vector<1x1x16xf32>,
          %get3A_1791 = vector.shape_cast %get3A_1790 : vector<1x1x16xf32> to vector<16xf32>
          %add3A_1792 = arith.addf %add3A_1736, %get3A_1791 : vector<16xf32>
          %get3A_1793 = arith.constant 31 : i32
          %get3A_1794 = arith.index_cast %scan3A_65 : i32 to index
          %get3A_1795 = arith.index_cast %get3A_1793 : i32 to index
          %get3A_1796 = arith.constant 0 : index
          %get3A_1797 = tpu.vector_load %arg4[%get3A_1794, %get3A_1795, %get3A_1796] {strides = array<i32>} : memref<8x32x128xf32, #tpu.memory_space<vmem>>, vector<1x1x16xf32>,
          %get3A_1798 = vector.shape_cast %get3A_1797 : vector<1x1x16xf32> to vector<16xf32>
          %add3A_1799 = arith.addf %add3A_1743, %get3A_1798 : vector<16xf32>
          %get3A_1800 = arith.constant 31 : i32
          %get3A_1801 = arith.index_cast %scan3A_65 : i32 to index
          %get3A_1802 = arith.index_cast %get3A_1800 : i32 to index
          %get3A_1803 = arith.constant 16 : index
          %get3A_1804 = tpu.vector_load %arg4[%get3A_1801, %get3A_1802, %get3A_1803] {strides = array<i32>} : memref<8x32x128xf32, #tpu.memory_space<vmem>>, vector<1x1x16xf32>,
          %get3A_1805 = vector.shape_cast %get3A_1804 : vector<1x1x16xf32> to vector<16xf32>
          %add3A_1806 = arith.addf %add3A_1750, %get3A_1805 : vector<16xf32>
          %get3A_1807 = arith.constant 31 : i32
          %get3A_1808 = arith.index_cast %scan3A_65 : i32 to index
          %get3A_1809 = arith.index_cast %get3A_1807 : i32 to index
          %get3A_1810 = arith.constant 32 : index
          %get3A_1811 = tpu.vector_load %arg4[%get3A_1808, %get3A_1809, %get3A_1810] {strides = array<i32>} : memref<8x32x128xf32, #tpu.memory_space<vmem>>, vector<1x1x16xf32>,
          %get3A_1812 = vector.shape_cast %get3A_1811 : vector<1x1x16xf32> to vector<16xf32>
          %add3A_1813 = arith.addf %add3A_1757, %get3A_1812 : vector<16xf32>
          %get3A_1814 = arith.constant 31 : i32
          %get3A_1815 = arith.index_cast %scan3A_65 : i32 to index
          %get3A_1816 = arith.index_cast %get3A_1814 : i32 to index
          %get3A_1817 = arith.constant 48 : index
          %get3A_1818 = tpu.vector_load %arg4[%get3A_1815, %get3A_1816, %get3A_1817] {strides = array<i32>} : memref<8x32x128xf32, #tpu.memory_space<vmem>>, vector<1x1x16xf32>,
          %get3A_1819 = vector.shape_cast %get3A_1818 : vector<1x1x16xf32> to vector<16xf32>
          %add3A_1820 = arith.addf %add3A_1764, %get3A_1819 : vector<16xf32>
          %get3A_1821 = arith.constant 31 : i32
          %get3A_1822 = arith.index_cast %scan3A_65 : i32 to index
          %get3A_1823 = arith.index_cast %get3A_1821 : i32 to index
          %get3A_1824 = arith.constant 64 : index
          %get3A_1825 = tpu.vector_load %arg4[%get3A_1822, %get3A_1823, %get3A_1824] {strides = array<i32>} : memref<8x32x128xf32, #tpu.memory_space<vmem>>, vector<1x1x16xf32>,
          %get3A_1826 = vector.shape_cast %get3A_1825 : vector<1x1x16xf32> to vector<16xf32>
          %add3A_1827 = arith.addf %add3A_1771, %get3A_1826 : vector<16xf32>
          %get3A_1828 = arith.constant 31 : i32
          %get3A_1829 = arith.index_cast %scan3A_65 : i32 to index
          %get3A_1830 = arith.index_cast %get3A_1828 : i32 to index
          %get3A_1831 = arith.constant 80 : index
          %get3A_1832 = tpu.vector_load %arg4[%get3A_1829, %get3A_1830, %get3A_1831] {strides = array<i32>} : memref<8x32x128xf32, #tpu.memory_space<vmem>>, vector<1x1x16xf32>,
          %get3A_1833 = vector.shape_cast %get3A_1832 : vector<1x1x16xf32> to vector<16xf32>
          %add3A_1834 = arith.addf %add3A_1778, %get3A_1833 : vector<16xf32>
          %get3A_1835 = arith.constant 31 : i32
          %get3A_1836 = arith.index_cast %scan3A_65 : i32 to index
          %get3A_1837 = arith.index_cast %get3A_1835 : i32 to index
          %get3A_1838 = arith.constant 96 : index
          %get3A_1839 = tpu.vector_load %arg4[%get3A_1836, %get3A_1837, %get3A_1838] {strides = array<i32>} : memref<8x32x128xf32, #tpu.memory_space<vmem>>, vector<1x1x16xf32>,
          %get3A_1840 = vector.shape_cast %get3A_1839 : vector<1x1x16xf32> to vector<16xf32>
          %add3A_1841 = arith.addf %add3A_1785, %get3A_1840 : vector<16xf32>
          %get3A_1842 = arith.constant 31 : i32
          %get3A_1843 = arith.index_cast %scan3A_65 : i32 to index
          %get3A_1844 = arith.index_cast %get3A_1842 : i32 to index
          %get3A_1845 = arith.constant 112 : index
          %get3A_1846 = tpu.vector_load %arg4[%get3A_1843, %get3A_1844, %get3A_1845] {strides = array<i32>} : memref<8x32x128xf32, #tpu.memory_space<vmem>>, vector<1x1x16xf32>,
          %get3A_1847 = vector.shape_cast %get3A_1846 : vector<1x1x16xf32> to vector<16xf32>
          %add3A_1848 = arith.addf %add3A_1792, %get3A_1847 : vector<16xf32>
          %mul3A_1849 = arith.constant 3.125000e-02 : f32
          %mul3A_1850 = vector.broadcast %mul3A_1849 : f32 to vector<16xf32>
          %mul3A_1851 = arith.mulf %add3A_1799, %mul3A_1850 : vector<16xf32>
          %add3A_1852 = arith.addi %mul3A_51, %scan3A_65 : i32
          %swap3A = arith.index_cast %add3A_1852 : i32 to index
          %swap3A_1853 = arith.constant 0 : index
          %swap3A_1854 = tpu.vector_load %arg6[%swap3A, %swap3A_1853] {strides = array<i32>} : memref<200x128xf32, #tpu.memory_space<vmem>>, vector<1x16xf32>,
          %swap3A_1855 = vector.shape_cast %swap3A_1854 : vector<1x16xf32> to vector<16xf32>
          %swap3A_1856 = vector.shape_cast %mul3A_1851 : vector<16xf32> to vector<1x16xf32>
          tpu.vector_store %arg6[%swap3A, %swap3A_1853], %swap3A_1856 {strides = array<i32>} : memref<200x128xf32, #tpu.memory_space<vmem>>, vector<1x16xf32>,
          %mul3A_1857 = arith.constant 3.125000e-02 : f32
          %mul3A_1858 = vector.broadcast %mul3A_1857 : f32 to vector<16xf32>
          %mul3A_1859 = arith.mulf %add3A_1806, %mul3A_1858 : vector<16xf32>
          %add3A_1860 = arith.addi %mul3A_51, %scan3A_65 : i32
          %swap3A_1861 = arith.index_cast %add3A_1860 : i32 to index
          %swap3A_1862 = arith.constant 16 : index
          %swap3A_1863 = tpu.vector_load %arg6[%swap3A_1861, %swap3A_1862] {strides = array<i32>} : memref<200x128xf32, #tpu.memory_space<vmem>>, vector<1x16xf32>,
          %swap3A_1864 = vector.shape_cast %swap3A_1863 : vector<1x16xf32> to vector<16xf32>
          %swap3A_1865 = vector.shape_cast %mul3A_1859 : vector<16xf32> to vector<1x16xf32>
          tpu.vector_store %arg6[%swap3A_1861, %swap3A_1862], %swap3A_1865 {strides = array<i32>} : memref<200x128xf32, #tpu.memory_space<vmem>>, vector<1x16xf32>,
          %mul3A_1866 = arith.constant 3.125000e-02 : f32
          %mul3A_1867 = vector.broadcast %mul3A_1866 : f32 to vector<16xf32>
          %mul3A_1868 = arith.mulf %add3A_1813, %mul3A_1867 : vector<16xf32>
          %add3A_1869 = arith.addi %mul3A_51, %scan3A_65 : i32
          %swap3A_1870 = arith.index_cast %add3A_1869 : i32 to index
          %swap3A_1871 = arith.constant 32 : index
          %swap3A_1872 = tpu.vector_load %arg6[%swap3A_1870, %swap3A_1871] {strides = array<i32>} : memref<200x128xf32, #tpu.memory_space<vmem>>, vector<1x16xf32>,
          %swap3A_1873 = vector.shape_cast %swap3A_1872 : vector<1x16xf32> to vector<16xf32>
          %swap3A_1874 = vector.shape_cast %mul3A_1868 : vector<16xf32> to vector<1x16xf32>
          tpu.vector_store %arg6[%swap3A_1870, %swap3A_1871], %swap3A_1874 {strides = array<i32>} : memref<200x128xf32, #tpu.memory_space<vmem>>, vector<1x16xf32>,
          %mul3A_1875 = arith.constant 3.125000e-02 : f32
          %mul3A_1876 = vector.broadcast %mul3A_1875 : f32 to vector<16xf32>
          %mul3A_1877 = arith.mulf %add3A_1820, %mul3A_1876 : vector<16xf32>
          %add3A_1878 = arith.addi %mul3A_51, %scan3A_65 : i32
          %swap3A_1879 = arith.index_cast %add3A_1878 : i32 to index
          %swap3A_1880 = arith.constant 48 : index
          %swap3A_1881 = tpu.vector_load %arg6[%swap3A_1879, %swap3A_1880] {strides = array<i32>} : memref<200x128xf32, #tpu.memory_space<vmem>>, vector<1x16xf32>,
          %swap3A_1882 = vector.shape_cast %swap3A_1881 : vector<1x16xf32> to vector<16xf32>
          %swap3A_1883 = vector.shape_cast %mul3A_1877 : vector<16xf32> to vector<1x16xf32>
          tpu.vector_store %arg6[%swap3A_1879, %swap3A_1880], %swap3A_1883 {strides = array<i32>} : memref<200x128xf32, #tpu.memory_space<vmem>>, vector<1x16xf32>,
          %mul3A_1884 = arith.constant 3.125000e-02 : f32
          %mul3A_1885 = vector.broadcast %mul3A_1884 : f32 to vector<16xf32>
          %mul3A_1886 = arith.mulf %add3A_1827, %mul3A_1885 : vector<16xf32>
          %add3A_1887 = arith.addi %mul3A_51, %scan3A_65 : i32
          %swap3A_1888 = arith.index_cast %add3A_1887 : i32 to index
          %swap3A_1889 = arith.constant 64 : index
          %swap3A_1890 = tpu.vector_load %arg6[%swap3A_1888, %swap3A_1889] {strides = array<i32>} : memref<200x128xf32, #tpu.memory_space<vmem>>, vector<1x16xf32>,
          %swap3A_1891 = vector.shape_cast %swap3A_1890 : vector<1x16xf32> to vector<16xf32>
          %swap3A_1892 = vector.shape_cast %mul3A_1886 : vector<16xf32> to vector<1x16xf32>
          tpu.vector_store %arg6[%swap3A_1888, %swap3A_1889], %swap3A_1892 {strides = array<i32>} : memref<200x128xf32, #tpu.memory_space<vmem>>, vector<1x16xf32>,
          %mul3A_1893 = arith.constant 3.125000e-02 : f32
          %mul3A_1894 = vector.broadcast %mul3A_1893 : f32 to vector<16xf32>
          %mul3A_1895 = arith.mulf %add3A_1834, %mul3A_1894 : vector<16xf32>
          %add3A_1896 = arith.addi %mul3A_51, %scan3A_65 : i32
          %swap3A_1897 = arith.index_cast %add3A_1896 : i32 to index
          %swap3A_1898 = arith.constant 80 : index
          %swap3A_1899 = tpu.vector_load %arg6[%swap3A_1897, %swap3A_1898] {strides = array<i32>} : memref<200x128xf32, #tpu.memory_space<vmem>>, vector<1x16xf32>,
          %swap3A_1900 = vector.shape_cast %swap3A_1899 : vector<1x16xf32> to vector<16xf32>
          %swap3A_1901 = vector.shape_cast %mul3A_1895 : vector<16xf32> to vector<1x16xf32>
          tpu.vector_store %arg6[%swap3A_1897, %swap3A_1898], %swap3A_1901 {strides = array<i32>} : memref<200x128xf32, #tpu.memory_space<vmem>>, vector<1x16xf32>,
          %mul3A_1902 = arith.constant 3.125000e-02 : f32
          %mul3A_1903 = vector.broadcast %mul3A_1902 : f32 to vector<16xf32>
          %mul3A_1904 = arith.mulf %add3A_1841, %mul3A_1903 : vector<16xf32>
          %add3A_1905 = arith.addi %mul3A_51, %scan3A_65 : i32
          %swap3A_1906 = arith.index_cast %add3A_1905 : i32 to index
          %swap3A_1907 = arith.constant 96 : index
          %swap3A_1908 = tpu.vector_load %arg6[%swap3A_1906, %swap3A_1907] {strides = array<i32>} : memref<200x128xf32, #tpu.memory_space<vmem>>, vector<1x16xf32>,
          %swap3A_1909 = vector.shape_cast %swap3A_1908 : vector<1x16xf32> to vector<16xf32>
          %swap3A_1910 = vector.shape_cast %mul3A_1904 : vector<16xf32> to vector<1x16xf32>
          tpu.vector_store %arg6[%swap3A_1906, %swap3A_1907], %swap3A_1910 {strides = array<i32>} : memref<200x128xf32, #tpu.memory_space<vmem>>, vector<1x16xf32>,
          %mul3A_1911 = arith.constant 3.125000e-02 : f32
          %mul3A_1912 = vector.broadcast %mul3A_1911 : f32 to vector<16xf32>
          %mul3A_1913 = arith.mulf %add3A_1848, %mul3A_1912 : vector<16xf32>
          %add3A_1914 = arith.addi %mul3A_51, %scan3A_65 : i32
          %swap3A_1915 = arith.index_cast %add3A_1914 : i32 to index
          %swap3A_1916 = arith.constant 112 : index
          %swap3A_1917 = tpu.vector_load %arg6[%swap3A_1915, %swap3A_1916] {strides = array<i32>} : memref<200x128xf32, #tpu.memory_space<vmem>>, vector<1x16xf32>,
          %swap3A_1918 = vector.shape_cast %swap3A_1917 : vector<1x16xf32> to vector<16xf32>
          %swap3A_1919 = vector.shape_cast %mul3A_1913 : vector<16xf32> to vector<1x16xf32>
          tpu.vector_store %arg6[%swap3A_1915, %swap3A_1916], %swap3A_1919 {strides = array<i32>} : memref<200x128xf32, #tpu.memory_space<vmem>>, vector<1x16xf32>,
        }
        %scan3A_57 = arith.constant 8 : i32
        %add3A_58 = arith.constant 2 : i32
        %add3A_59 = arith.addi %add3A_31, %add3A_58 : i32
        %lt3A_60 = arith.constant 25 : i32
        %lt3A_61 = arith.cmpi slt, %add3A_59, %lt3A_60 : i32
        %convert_element_type3A_62 = arith.extui %lt3A_61 : i1 to i32
        %cond3A_63 = arith.constant 0 : i32
        %cond3A_64 = arith.cmpi ne, %convert_element_type3A_62, %cond3A_63 : i32
        scf.if %cond3A_64 {
          %add3A_65 = arith.constant 2 : i32
          %add3A_66 = arith.addi %add3A_31, %add3A_65 : i32
          %add3A_67 = arith.constant 3600 : i32
          %add3A_68 = arith.addi %add3A_67, %mul3A_2 : i32
          %mul3A_69 = arith.constant 8 : i32
          %mul3A_70 = arith.muli %add3A_66, %mul3A_69 : i32
          %add3A_71 = arith.addi %add3A_68, %mul3A_70 : i32
          %dma_start3A_72 = arith.constant 0 : i32
          %dma_start3A_73 = arith.constant 0 : i32
          %dma_start3A_74 = tpu.memref_slice %arg2[%add3A_71, %dma_start3A_72, %dma_start3A_73] : memref<10000x32x128xf32, #tpu.memory_space<hbm>> -> memref<8x32x128xf32, #tpu.memory_space<hbm>>
          %dma_start3A_75 = arith.constant 0 : i32
          %dma_start3A_76 = arith.constant 0 : i32
          %dma_start3A_77 = tpu.memref_slice %arg2[%add3A_71, %dma_start3A_75, %dma_start3A_76] : memref<10000x32x128xf32, #tpu.memory_space<hbm>> -> memref<8x32x128xf32, #tpu.memory_space<hbm>>
          tpu.enqueue_dma source(%dma_start3A_77 : memref<8x32x128xf32, #tpu.memory_space<hbm>>) target(%arg4 : memref<8x32x128xf32, #tpu.memory_space<vmem>>) target_semaphore(%arg7 : memref<!tpu.dma_semaphore, #tpu.memory_space<semaphore_mem>>)
        } else {
        }
      } else {
      }
      %mul3A_34 = arith.constant 2 : i32
      %mul3A_35 = arith.muli %mul3A_34, %scan3A_27 : i32
      %add3A_36 = arith.constant 1 : i32
      %add3A_37 = arith.addi %mul3A_35, %add3A_36 : i32
      %lt3A_38 = arith.constant 25 : i32
      %lt3A_39 = arith.cmpi slt, %add3A_37, %lt3A_38 : i32
      %convert_element_type3A_40 = arith.extui %lt3A_39 : i1 to i32
      %cond3A_41 = arith.constant 0 : i32
      %cond3A_42 = arith.cmpi ne, %convert_element_type3A_40, %cond3A_41 : i32
      scf.if %cond3A_42 {
        %dma_wait3A = arith.constant 3600 : i32
        %dma_wait3A_43 = arith.constant 0 : i32
        %dma_wait3A_44 = arith.constant 0 : i32
        %dma_wait3A_45 = tpu.memref_slice %arg2[%dma_wait3A, %dma_wait3A_43, %dma_wait3A_44] : memref<10000x32x128xf32, #tpu.memory_space<hbm>> -> memref<8x32x128xf32, #tpu.memory_space<hbm>>
        %dma_wait3A_46 = arith.constant 3600 : i32
        %dma_wait3A_47 = arith.constant 0 : i32
        %dma_wait3A_48 = arith.constant 0 : i32
        %dma_wait3A_49 = tpu.memref_slice %arg2[%dma_wait3A_46, %dma_wait3A_47, %dma_wait3A_48] : memref<10000x32x128xf32, #tpu.memory_space<hbm>> -> memref<8x32x128xf32, #tpu.memory_space<hbm>>
        tpu.wait_dma2 semaphore(%arg8 : memref<!tpu.dma_semaphore, #tpu.memory_space<semaphore_mem>>) src(%dma_wait3A_49 : memref<8x32x128xf32, #tpu.memory_space<hbm>>) dst(%arg5 : memref<8x32x128xf32, #tpu.memory_space<vmem>>)
        %mul3A_50 = arith.constant 8 : i32
        %mul3A_51 = arith.muli %add3A_37, %mul3A_50 : i32
        %scan3A_52 = arith.constant 0 : i32
        %scan3A_53 = arith.constant 0 : i32
        %scan3A_54 = arith.constant 8 : i32
        %scan3A_55 = arith.addi %scan3A_53, %scan3A_54 : i32
        %scan3A_56 = arith.constant 1 : i32
        scf.for %scan3A_65 = %scan3A_53 to %scan3A_55 step %scan3A_56  : i32 {
          %get3A = arith.constant 0 : i32
          %get3A_66 = arith.index_cast %scan3A_65 : i32 to index
          %get3A_67 = arith.index_cast %get3A : i32 to index
          %get3A_68 = arith.constant 0 : index
          %get3A_69 = tpu.vector_load %arg5[%get3A_66, %get3A_67, %get3A_68] {strides = array<i32>} : memref<8x32x128xf32, #tpu.memory_space<vmem>>, vector<1x1x16xf32>,
          %get3A_70 = vector.shape_cast %get3A_69 : vector<1x1x16xf32> to vector<16xf32>
          %get3A_71 = arith.constant 0 : i32
          %get3A_72 = arith.index_cast %scan3A_65 : i32 to index
          %get3A_73 = arith.index_cast %get3A_71 : i32 to index
          %get3A_74 = arith.constant 16 : index
          %get3A_75 = tpu.vector_load %arg5[%get3A_72, %get3A_73, %get3A_74] {strides = array<i32>} : memref<8x32x128xf32, #tpu.memory_space<vmem>>, vector<1x1x16xf32>,
          %get3A_76 = vector.shape_cast %get3A_75 : vector<1x1x16xf32> to vector<16xf32>
          %get3A_77 = arith.constant 0 : i32
          %get3A_78 = arith.index_cast %scan3A_65 : i32 to index
          %get3A_79 = arith.index_cast %get3A_77 : i32 to index
          %get3A_80 = arith.constant 32 : index
          %get3A_81 = tpu.vector_load %arg5[%get3A_78, %get3A_79, %get3A_80] {strides = array<i32>} : memref<8x32x128xf32, #tpu.memory_space<vmem>>, vector<1x1x16xf32>,
          %get3A_82 = vector.shape_cast %get3A_81 : vector<1x1x16xf32> to vector<16xf32>
          %get3A_83 = arith.constant 0 : i32
          %get3A_84 = arith.index_cast %scan3A_65 : i32 to index
          %get3A_85 = arith.index_cast %get3A_83 : i32 to index
          %get3A_86 = arith.constant 48 : index
          %get3A_87 = tpu.vector_load %arg5[%get3A_84, %get3A_85, %get3A_86] {strides = array<i32>} : memref<8x32x128xf32, #tpu.memory_space<vmem>>, vector<1x1x16xf32>,
          %get3A_88 = vector.shape_cast %get3A_87 : vector<1x1x16xf32> to vector<16xf32>
          %get3A_89 = arith.constant 0 : i32
          %get3A_90 = arith.index_cast %scan3A_65 : i32 to index
          %get3A_91 = arith.index_cast %get3A_89 : i32 to index
          %get3A_92 = arith.constant 64 : index
          %get3A_93 = tpu.vector_load %arg5[%get3A_90, %get3A_91, %get3A_92] {strides = array<i32>} : memref<8x32x128xf32, #tpu.memory_space<vmem>>, vector<1x1x16xf32>,
          %get3A_94 = vector.shape_cast %get3A_93 : vector<1x1x16xf32> to vector<16xf32>
          %get3A_95 = arith.constant 0 : i32
          %get3A_96 = arith.index_cast %scan3A_65 : i32 to index
          %get3A_97 = arith.index_cast %get3A_95 : i32 to index
          %get3A_98 = arith.constant 80 : index
          %get3A_99 = tpu.vector_load %arg5[%get3A_96, %get3A_97, %get3A_98] {strides = array<i32>} : memref<8x32x128xf32, #tpu.memory_space<vmem>>, vector<1x1x16xf32>,
          %get3A_100 = vector.shape_cast %get3A_99 : vector<1x1x16xf32> to vector<16xf32>
          %get3A_101 = arith.constant 0 : i32
          %get3A_102 = arith.index_cast %scan3A_65 : i32 to index
          %get3A_103 = arith.index_cast %get3A_101 : i32 to index
          %get3A_104 = arith.constant 96 : index
          %get3A_105 = tpu.vector_load %arg5[%get3A_102, %get3A_103, %get3A_104] {strides = array<i32>} : memref<8x32x128xf32, #tpu.memory_space<vmem>>, vector<1x1x16xf32>,
          %get3A_106 = vector.shape_cast %get3A_105 : vector<1x1x16xf32> to vector<16xf32>
          %get3A_107 = arith.constant 0 : i32
          %get3A_108 = arith.index_cast %scan3A_65 : i32 to index
          %get3A_109 = arith.index_cast %get3A_107 : i32 to index
          %get3A_110 = arith.constant 112 : index
          %get3A_111 = tpu.vector_load %arg5[%get3A_108, %get3A_109, %get3A_110] {strides = array<i32>} : memref<8x32x128xf32, #tpu.memory_space<vmem>>, vector<1x1x16xf32>,
          %get3A_112 = vector.shape_cast %get3A_111 : vector<1x1x16xf32> to vector<16xf32>
          %get3A_113 = arith.constant 1 : i32
          %get3A_114 = arith.index_cast %scan3A_65 : i32 to index
          %get3A_115 = arith.index_cast %get3A_113 : i32 to index
          %get3A_116 = arith.constant 0 : index
          %get3A_117 = tpu.vector_load %arg5[%get3A_114, %get3A_115, %get3A_116] {strides = array<i32>} : memref<8x32x128xf32, #tpu.memory_space<vmem>>, vector<1x1x16xf32>,
          %get3A_118 = vector.shape_cast %get3A_117 : vector<1x1x16xf32> to vector<16xf32>
          %add3A_119 = arith.addf %get3A_70, %get3A_118 : vector<16xf32>
          %get3A_120 = arith.constant 1 : i32
          %get3A_121 = arith.index_cast %scan3A_65 : i32 to index
          %get3A_122 = arith.index_cast %get3A_120 : i32 to index
          %get3A_123 = arith.constant 16 : index
          %get3A_124 = tpu.vector_load %arg5[%get3A_121, %get3A_122, %get3A_123] {strides = array<i32>} : memref<8x32x128xf32, #tpu.memory_space<vmem>>, vector<1x1x16xf32>,
          %get3A_125 = vector.shape_cast %get3A_124 : vector<1x1x16xf32> to vector<16xf32>
          %add3A_126 = arith.addf %get3A_76, %get3A_125 : vector<16xf32>
          %get3A_127 = arith.constant 1 : i32
          %get3A_128 = arith.index_cast %scan3A_65 : i32 to index
          %get3A_129 = arith.index_cast %get3A_127 : i32 to index
          %get3A_130 = arith.constant 32 : index
          %get3A_131 = tpu.vector_load %arg5[%get3A_128, %get3A_129, %get3A_130] {strides = array<i32>} : memref<8x32x128xf32, #tpu.memory_space<vmem>>, vector<1x1x16xf32>,
          %get3A_132 = vector.shape_cast %get3A_131 : vector<1x1x16xf32> to vector<16xf32>
          %add3A_133 = arith.addf %get3A_82, %get3A_132 : vector<16xf32>
          %get3A_134 = arith.constant 1 : i32
          %get3A_135 = arith.index_cast %scan3A_65 : i32 to index
          %get3A_136 = arith.index_cast %get3A_134 : i32 to index
          %get3A_137 = arith.constant 48 : index
          %get3A_138 = tpu.vector_load %arg5[%get3A_135, %get3A_136, %get3A_137] {strides = array<i32>} : memref<8x32x128xf32, #tpu.memory_space<vmem>>, vector<1x1x16xf32>,
          %get3A_139 = vector.shape_cast %get3A_138 : vector<1x1x16xf32> to vector<16xf32>
          %add3A_140 = arith.addf %get3A_88, %get3A_139 : vector<16xf32>
          %get3A_141 = arith.constant 1 : i32
          %get3A_142 = arith.index_cast %scan3A_65 : i32 to index
          %get3A_143 = arith.index_cast %get3A_141 : i32 to index
          %get3A_144 = arith.constant 64 : index
          %get3A_145 = tpu.vector_load %arg5[%get3A_142, %get3A_143, %get3A_144] {strides = array<i32>} : memref<8x32x128xf32, #tpu.memory_space<vmem>>, vector<1x1x16xf32>,
          %get3A_146 = vector.shape_cast %get3A_145 : vector<1x1x16xf32> to vector<16xf32>
          %add3A_147 = arith.addf %get3A_94, %get3A_146 : vector<16xf32>
          %get3A_148 = arith.constant 1 : i32
          %get3A_149 = arith.index_cast %scan3A_65 : i32 to index
          %get3A_150 = arith.index_cast %get3A_148 : i32 to index
          %get3A_151 = arith.constant 80 : index
          %get3A_152 = tpu.vector_load %arg5[%get3A_149, %get3A_150, %get3A_151] {strides = array<i32>} : memref<8x32x128xf32, #tpu.memory_space<vmem>>, vector<1x1x16xf32>,
          %get3A_153 = vector.shape_cast %get3A_152 : vector<1x1x16xf32> to vector<16xf32>
          %add3A_154 = arith.addf %get3A_100, %get3A_153 : vector<16xf32>
          %get3A_155 = arith.constant 1 : i32
          %get3A_156 = arith.index_cast %scan3A_65 : i32 to index
          %get3A_157 = arith.index_cast %get3A_155 : i32 to index
          %get3A_158 = arith.constant 96 : index
          %get3A_159 = tpu.vector_load %arg5[%get3A_156, %get3A_157, %get3A_158] {strides = array<i32>} : memref<8x32x128xf32, #tpu.memory_space<vmem>>, vector<1x1x16xf32>,
          %get3A_160 = vector.shape_cast %get3A_159 : vector<1x1x16xf32> to vector<16xf32>
          %add3A_161 = arith.addf %get3A_106, %get3A_160 : vector<16xf32>
          %get3A_162 = arith.constant 1 : i32
          %get3A_163 = arith.index_cast %scan3A_65 : i32 to index
          %get3A_164 = arith.index_cast %get3A_162 : i32 to index
          %get3A_165 = arith.constant 112 : index
          %get3A_166 = tpu.vector_load %arg5[%get3A_163, %get3A_164, %get3A_165] {strides = array<i32>} : memref<8x32x128xf32, #tpu.memory_space<vmem>>, vector<1x1x16xf32>,
          %get3A_167 = vector.shape_cast %get3A_166 : vector<1x1x16xf32> to vector<16xf32>
          %add3A_168 = arith.addf %get3A_112, %get3A_167 : vector<16xf32>
          %get3A_169 = arith.constant 2 : i32
          %get3A_170 = arith.index_cast %scan3A_65 : i32 to index
          %get3A_171 = arith.index_cast %get3A_169 : i32 to index
          %get3A_172 = arith.constant 0 : index
          %get3A_173 = tpu.vector_load %arg5[%get3A_170, %get3A_171, %get3A_172] {strides = array<i32>} : memref<8x32x128xf32, #tpu.memory_space<vmem>>, vector<1x1x16xf32>,
          %get3A_174 = vector.shape_cast %get3A_173 : vector<1x1x16xf32> to vector<16xf32>
          %add3A_175 = arith.addf %add3A_119, %get3A_174 : vector<16xf32>
          %get3A_176 = arith.constant 2 : i32
          %get3A_177 = arith.index_cast %scan3A_65 : i32 to index
          %get3A_178 = arith.index_cast %get3A_176 : i32 to index
          %get3A_179 = arith.constant 16 : index
          %get3A_180 = tpu.vector_load %arg5[%get3A_177, %get3A_178, %get3A_179] {strides = array<i32>} : memref<8x32x128xf32, #tpu.memory_space<vmem>>, vector<1x1x16xf32>,
          %get3A_181 = vector.shape_cast %get3A_180 : vector<1x1x16xf32> to vector<16xf32>
          %add3A_182 = arith.addf %add3A_126, %get3A_181 : vector<16xf32>
          %get3A_183 = arith.constant 2 : i32
          %get3A_184 = arith.index_cast %scan3A_65 : i32 to index
          %get3A_185 = arith.index_cast %get3A_183 : i32 to index
          %get3A_186 = arith.constant 32 : index
          %get3A_187 = tpu.vector_load %arg5[%get3A_184, %get3A_185, %get3A_186] {strides = array<i32>} : memref<8x32x128xf32, #tpu.memory_space<vmem>>, vector<1x1x16xf32>,
          %get3A_188 = vector.shape_cast %get3A_187 : vector<1x1x16xf32> to vector<16xf32>
          %add3A_189 = arith.addf %add3A_133, %get3A_188 : vector<16xf32>
          %get3A_190 = arith.constant 2 : i32
          %get3A_191 = arith.index_cast %scan3A_65 : i32 to index
          %get3A_192 = arith.index_cast %get3A_190 : i32 to index
          %get3A_193 = arith.constant 48 : index
          %get3A_194 = tpu.vector_load %arg5[%get3A_191, %get3A_192, %get3A_193] {strides = array<i32>} : memref<8x32x128xf32, #tpu.memory_space<vmem>>, vector<1x1x16xf32>,
          %get3A_195 = vector.shape_cast %get3A_194 : vector<1x1x16xf32> to vector<16xf32>
          %add3A_196 = arith.addf %add3A_140, %get3A_195 : vector<16xf32>
          %get3A_197 = arith.constant 2 : i32
          %get3A_198 = arith.index_cast %scan3A_65 : i32 to index
          %get3A_199 = arith.index_cast %get3A_197 : i32 to index
          %get3A_200 = arith.constant 64 : index
          %get3A_201 = tpu.vector_load %arg5[%get3A_198, %get3A_199, %get3A_200] {strides = array<i32>} : memref<8x32x128xf32, #tpu.memory_space<vmem>>, vector<1x1x16xf32>,
          %get3A_202 = vector.shape_cast %get3A_201 : vector<1x1x16xf32> to vector<16xf32>
          %add3A_203 = arith.addf %add3A_147, %get3A_202 : vector<16xf32>
          %get3A_204 = arith.constant 2 : i32
          %get3A_205 = arith.index_cast %scan3A_65 : i32 to index
          %get3A_206 = arith.index_cast %get3A_204 : i32 to index
          %get3A_207 = arith.constant 80 : index
          %get3A_208 = tpu.vector_load %arg5[%get3A_205, %get3A_206, %get3A_207] {strides = array<i32>} : memref<8x32x128xf32, #tpu.memory_space<vmem>>, vector<1x1x16xf32>,
          %get3A_209 = vector.shape_cast %get3A_208 : vector<1x1x16xf32> to vector<16xf32>
          %add3A_210 = arith.addf %add3A_154, %get3A_209 : vector<16xf32>
          %get3A_211 = arith.constant 2 : i32
          %get3A_212 = arith.index_cast %scan3A_65 : i32 to index
          %get3A_213 = arith.index_cast %get3A_211 : i32 to index
          %get3A_214 = arith.constant 96 : index
          %get3A_215 = tpu.vector_load %arg5[%get3A_212, %get3A_213, %get3A_214] {strides = array<i32>} : memref<8x32x128xf32, #tpu.memory_space<vmem>>, vector<1x1x16xf32>,
          %get3A_216 = vector.shape_cast %get3A_215 : vector<1x1x16xf32> to vector<16xf32>
          %add3A_217 = arith.addf %add3A_161, %get3A_216 : vector<16xf32>
          %get3A_218 = arith.constant 2 : i32
          %get3A_219 = arith.index_cast %scan3A_65 : i32 to index
          %get3A_220 = arith.index_cast %get3A_218 : i32 to index
          %get3A_221 = arith.constant 112 : index
          %get3A_222 = tpu.vector_load %arg5[%get3A_219, %get3A_220, %get3A_221] {strides = array<i32>} : memref<8x32x128xf32, #tpu.memory_space<vmem>>, vector<1x1x16xf32>,
          %get3A_223 = vector.shape_cast %get3A_222 : vector<1x1x16xf32> to vector<16xf32>
          %add3A_224 = arith.addf %add3A_168, %get3A_223 : vector<16xf32>
          %get3A_225 = arith.constant 3 : i32
          %get3A_226 = arith.index_cast %scan3A_65 : i32 to index
          %get3A_227 = arith.index_cast %get3A_225 : i32 to index
          %get3A_228 = arith.constant 0 : index
          %get3A_229 = tpu.vector_load %arg5[%get3A_226, %get3A_227, %get3A_228] {strides = array<i32>} : memref<8x32x128xf32, #tpu.memory_space<vmem>>, vector<1x1x16xf32>,
          %get3A_230 = vector.shape_cast %get3A_229 : vector<1x1x16xf32> to vector<16xf32>
          %add3A_231 = arith.addf %add3A_175, %get3A_230 : vector<16xf32>
          %get3A_232 = arith.constant 3 : i32
          %get3A_233 = arith.index_cast %scan3A_65 : i32 to index
          %get3A_234 = arith.index_cast %get3A_232 : i32 to index
          %get3A_235 = arith.constant 16 : index
          %get3A_236 = tpu.vector_load %arg5[%get3A_233, %get3A_234, %get3A_235] {strides = array<i32>} : memref<8x32x128xf32, #tpu.memory_space<vmem>>, vector<1x1x16xf32>,
          %get3A_237 = vector.shape_cast %get3A_236 : vector<1x1x16xf32> to vector<16xf32>
          %add3A_238 = arith.addf %add3A_182, %get3A_237 : vector<16xf32>
          %get3A_239 = arith.constant 3 : i32
          %get3A_240 = arith.index_cast %scan3A_65 : i32 to index
          %get3A_241 = arith.index_cast %get3A_239 : i32 to index
          %get3A_242 = arith.constant 32 : index
          %get3A_243 = tpu.vector_load %arg5[%get3A_240, %get3A_241, %get3A_242] {strides = array<i32>} : memref<8x32x128xf32, #tpu.memory_space<vmem>>, vector<1x1x16xf32>,
          %get3A_244 = vector.shape_cast %get3A_243 : vector<1x1x16xf32> to vector<16xf32>
          %add3A_245 = arith.addf %add3A_189, %get3A_244 : vector<16xf32>
          %get3A_246 = arith.constant 3 : i32
          %get3A_247 = arith.index_cast %scan3A_65 : i32 to index
          %get3A_248 = arith.index_cast %get3A_246 : i32 to index
          %get3A_249 = arith.constant 48 : index
          %get3A_250 = tpu.vector_load %arg5[%get3A_247, %get3A_248, %get3A_249] {strides = array<i32>} : memref<8x32x128xf32, #tpu.memory_space<vmem>>, vector<1x1x16xf32>,
          %get3A_251 = vector.shape_cast %get3A_250 : vector<1x1x16xf32> to vector<16xf32>
          %add3A_252 = arith.addf %add3A_196, %get3A_251 : vector<16xf32>
          %get3A_253 = arith.constant 3 : i32
          %get3A_254 = arith.index_cast %scan3A_65 : i32 to index
          %get3A_255 = arith.index_cast %get3A_253 : i32 to index
          %get3A_256 = arith.constant 64 : index
          %get3A_257 = tpu.vector_load %arg5[%get3A_254, %get3A_255, %get3A_256] {strides = array<i32>} : memref<8x32x128xf32, #tpu.memory_space<vmem>>, vector<1x1x16xf32>,
          %get3A_258 = vector.shape_cast %get3A_257 : vector<1x1x16xf32> to vector<16xf32>
          %add3A_259 = arith.addf %add3A_203, %get3A_258 : vector<16xf32>
          %get3A_260 = arith.constant 3 : i32
          %get3A_261 = arith.index_cast %scan3A_65 : i32 to index
          %get3A_262 = arith.index_cast %get3A_260 : i32 to index
          %get3A_263 = arith.constant 80 : index
          %get3A_264 = tpu.vector_load %arg5[%get3A_261, %get3A_262, %get3A_263] {strides = array<i32>} : memref<8x32x128xf32, #tpu.memory_space<vmem>>, vector<1x1x16xf32>,
          %get3A_265 = vector.shape_cast %get3A_264 : vector<1x1x16xf32> to vector<16xf32>
          %add3A_266 = arith.addf %add3A_210, %get3A_265 : vector<16xf32>
          %get3A_267 = arith.constant 3 : i32
          %get3A_268 = arith.index_cast %scan3A_65 : i32 to index
          %get3A_269 = arith.index_cast %get3A_267 : i32 to index
          %get3A_270 = arith.constant 96 : index
          %get3A_271 = tpu.vector_load %arg5[%get3A_268, %get3A_269, %get3A_270] {strides = array<i32>} : memref<8x32x128xf32, #tpu.memory_space<vmem>>, vector<1x1x16xf32>,
          %get3A_272 = vector.shape_cast %get3A_271 : vector<1x1x16xf32> to vector<16xf32>
          %add3A_273 = arith.addf %add3A_217, %get3A_272 : vector<16xf32>
          %get3A_274 = arith.constant 3 : i32
          %get3A_275 = arith.index_cast %scan3A_65 : i32 to index
          %get3A_276 = arith.index_cast %get3A_274 : i32 to index
          %get3A_277 = arith.constant 112 : index
          %get3A_278 = tpu.vector_load %arg5[%get3A_275, %get3A_276, %get3A_277] {strides = array<i32>} : memref<8x32x128xf32, #tpu.memory_space<vmem>>, vector<1x1x16xf32>,
          %get3A_279 = vector.shape_cast %get3A_278 : vector<1x1x16xf32> to vector<16xf32>
          %add3A_280 = arith.addf %add3A_224, %get3A_279 : vector<16xf32>
          %get3A_281 = arith.constant 4 : i32
          %get3A_282 = arith.index_cast %scan3A_65 : i32 to index
          %get3A_283 = arith.index_cast %get3A_281 : i32 to index
          %get3A_284 = arith.constant 0 : index
          %get3A_285 = tpu.vector_load %arg5[%get3A_282, %get3A_283, %get3A_284] {strides = array<i32>} : memref<8x32x128xf32, #tpu.memory_space<vmem>>, vector<1x1x16xf32>,
          %get3A_286 = vector.shape_cast %get3A_285 : vector<1x1x16xf32> to vector<16xf32>
          %add3A_287 = arith.addf %add3A_231, %get3A_286 : vector<16xf32>
          %get3A_288 = arith.constant 4 : i32
          %get3A_289 = arith.index_cast %scan3A_65 : i32 to index
          %get3A_290 = arith.index_cast %get3A_288 : i32 to index
          %get3A_291 = arith.constant 16 : index
          %get3A_292 = tpu.vector_load %arg5[%get3A_289, %get3A_290, %get3A_291] {strides = array<i32>} : memref<8x32x128xf32, #tpu.memory_space<vmem>>, vector<1x1x16xf32>,
          %get3A_293 = vector.shape_cast %get3A_292 : vector<1x1x16xf32> to vector<16xf32>
          %add3A_294 = arith.addf %add3A_238, %get3A_293 : vector<16xf32>
          %get3A_295 = arith.constant 4 : i32
          %get3A_296 = arith.index_cast %scan3A_65 : i32 to index
          %get3A_297 = arith.index_cast %get3A_295 : i32 to index
          %get3A_298 = arith.constant 32 : index
          %get3A_299 = tpu.vector_load %arg5[%get3A_296, %get3A_297, %get3A_298] {strides = array<i32>} : memref<8x32x128xf32, #tpu.memory_space<vmem>>, vector<1x1x16xf32>,
          %get3A_300 = vector.shape_cast %get3A_299 : vector<1x1x16xf32> to vector<16xf32>
          %add3A_301 = arith.addf %add3A_245, %get3A_300 : vector<16xf32>
          %get3A_302 = arith.constant 4 : i32
          %get3A_303 = arith.index_cast %scan3A_65 : i32 to index
          %get3A_304 = arith.index_cast %get3A_302 : i32 to index
          %get3A_305 = arith.constant 48 : index
          %get3A_306 = tpu.vector_load %arg5[%get3A_303, %get3A_304, %get3A_305] {strides = array<i32>} : memref<8x32x128xf32, #tpu.memory_space<vmem>>, vector<1x1x16xf32>,
          %get3A_307 = vector.shape_cast %get3A_306 : vector<1x1x16xf32> to vector<16xf32>
          %add3A_308 = arith.addf %add3A_252, %get3A_307 : vector<16xf32>
          %get3A_309 = arith.constant 4 : i32
          %get3A_310 = arith.index_cast %scan3A_65 : i32 to index
          %get3A_311 = arith.index_cast %get3A_309 : i32 to index
          %get3A_312 = arith.constant 64 : index
          %get3A_313 = tpu.vector_load %arg5[%get3A_310, %get3A_311, %get3A_312] {strides = array<i32>} : memref<8x32x128xf32, #tpu.memory_space<vmem>>, vector<1x1x16xf32>,
          %get3A_314 = vector.shape_cast %get3A_313 : vector<1x1x16xf32> to vector<16xf32>
          %add3A_315 = arith.addf %add3A_259, %get3A_314 : vector<16xf32>
          %get3A_316 = arith.constant 4 : i32
          %get3A_317 = arith.index_cast %scan3A_65 : i32 to index
          %get3A_318 = arith.index_cast %get3A_316 : i32 to index
          %get3A_319 = arith.constant 80 : index
          %get3A_320 = tpu.vector_load %arg5[%get3A_317, %get3A_318, %get3A_319] {strides = array<i32>} : memref<8x32x128xf32, #tpu.memory_space<vmem>>, vector<1x1x16xf32>,
          %get3A_321 = vector.shape_cast %get3A_320 : vector<1x1x16xf32> to vector<16xf32>
          %add3A_322 = arith.addf %add3A_266, %get3A_321 : vector<16xf32>
          %get3A_323 = arith.constant 4 : i32
          %get3A_324 = arith.index_cast %scan3A_65 : i32 to index
          %get3A_325 = arith.index_cast %get3A_323 : i32 to index
          %get3A_326 = arith.constant 96 : index
          %get3A_327 = tpu.vector_load %arg5[%get3A_324, %get3A_325, %get3A_326] {strides = array<i32>} : memref<8x32x128xf32, #tpu.memory_space<vmem>>, vector<1x1x16xf32>,
          %get3A_328 = vector.shape_cast %get3A_327 : vector<1x1x16xf32> to vector<16xf32>
          %add3A_329 = arith.addf %add3A_273, %get3A_328 : vector<16xf32>
          %get3A_330 = arith.constant 4 : i32
          %get3A_331 = arith.index_cast %scan3A_65 : i32 to index
          %get3A_332 = arith.index_cast %get3A_330 : i32 to index
          %get3A_333 = arith.constant 112 : index
          %get3A_334 = tpu.vector_load %arg5[%get3A_331, %get3A_332, %get3A_333] {strides = array<i32>} : memref<8x32x128xf32, #tpu.memory_space<vmem>>, vector<1x1x16xf32>,
          %get3A_335 = vector.shape_cast %get3A_334 : vector<1x1x16xf32> to vector<16xf32>
          %add3A_336 = arith.addf %add3A_280, %get3A_335 : vector<16xf32>
          %get3A_337 = arith.constant 5 : i32
          %get3A_338 = arith.index_cast %scan3A_65 : i32 to index
          %get3A_339 = arith.index_cast %get3A_337 : i32 to index
          %get3A_340 = arith.constant 0 : index
          %get3A_341 = tpu.vector_load %arg5[%get3A_338, %get3A_339, %get3A_340] {strides = array<i32>} : memref<8x32x128xf32, #tpu.memory_space<vmem>>, vector<1x1x16xf32>,
          %get3A_342 = vector.shape_cast %get3A_341 : vector<1x1x16xf32> to vector<16xf32>
          %add3A_343 = arith.addf %add3A_287, %get3A_342 : vector<16xf32>
          %get3A_344 = arith.constant 5 : i32
          %get3A_345 = arith.index_cast %scan3A_65 : i32 to index
          %get3A_346 = arith.index_cast %get3A_344 : i32 to index
          %get3A_347 = arith.constant 16 : index
          %get3A_348 = tpu.vector_load %arg5[%get3A_345, %get3A_346, %get3A_347] {strides = array<i32>} : memref<8x32x128xf32, #tpu.memory_space<vmem>>, vector<1x1x16xf32>,
          %get3A_349 = vector.shape_cast %get3A_348 : vector<1x1x16xf32> to vector<16xf32>
          %add3A_350 = arith.addf %add3A_294, %get3A_349 : vector<16xf32>
          %get3A_351 = arith.constant 5 : i32
          %get3A_352 = arith.index_cast %scan3A_65 : i32 to index
          %get3A_353 = arith.index_cast %get3A_351 : i32 to index
          %get3A_354 = arith.constant 32 : index
          %get3A_355 = tpu.vector_load %arg5[%get3A_352, %get3A_353, %get3A_354] {strides = array<i32>} : memref<8x32x128xf32, #tpu.memory_space<vmem>>, vector<1x1x16xf32>,
          %get3A_356 = vector.shape_cast %get3A_355 : vector<1x1x16xf32> to vector<16xf32>
          %add3A_357 = arith.addf %add3A_301, %get3A_356 : vector<16xf32>
          %get3A_358 = arith.constant 5 : i32
          %get3A_359 = arith.index_cast %scan3A_65 : i32 to index
          %get3A_360 = arith.index_cast %get3A_358 : i32 to index
          %get3A_361 = arith.constant 48 : index
          %get3A_362 = tpu.vector_load %arg5[%get3A_359, %get3A_360, %get3A_361] {strides = array<i32>} : memref<8x32x128xf32, #tpu.memory_space<vmem>>, vector<1x1x16xf32>,
          %get3A_363 = vector.shape_cast %get3A_362 : vector<1x1x16xf32> to vector<16xf32>
          %add3A_364 = arith.addf %add3A_308, %get3A_363 : vector<16xf32>
          %get3A_365 = arith.constant 5 : i32
          %get3A_366 = arith.index_cast %scan3A_65 : i32 to index
          %get3A_367 = arith.index_cast %get3A_365 : i32 to index
          %get3A_368 = arith.constant 64 : index
          %get3A_369 = tpu.vector_load %arg5[%get3A_366, %get3A_367, %get3A_368] {strides = array<i32>} : memref<8x32x128xf32, #tpu.memory_space<vmem>>, vector<1x1x16xf32>,
          %get3A_370 = vector.shape_cast %get3A_369 : vector<1x1x16xf32> to vector<16xf32>
          %add3A_371 = arith.addf %add3A_315, %get3A_370 : vector<16xf32>
          %get3A_372 = arith.constant 5 : i32
          %get3A_373 = arith.index_cast %scan3A_65 : i32 to index
          %get3A_374 = arith.index_cast %get3A_372 : i32 to index
          %get3A_375 = arith.constant 80 : index
          %get3A_376 = tpu.vector_load %arg5[%get3A_373, %get3A_374, %get3A_375] {strides = array<i32>} : memref<8x32x128xf32, #tpu.memory_space<vmem>>, vector<1x1x16xf32>,
          %get3A_377 = vector.shape_cast %get3A_376 : vector<1x1x16xf32> to vector<16xf32>
          %add3A_378 = arith.addf %add3A_322, %get3A_377 : vector<16xf32>
          %get3A_379 = arith.constant 5 : i32
          %get3A_380 = arith.index_cast %scan3A_65 : i32 to index
          %get3A_381 = arith.index_cast %get3A_379 : i32 to index
          %get3A_382 = arith.constant 96 : index
          %get3A_383 = tpu.vector_load %arg5[%get3A_380, %get3A_381, %get3A_382] {strides = array<i32>} : memref<8x32x128xf32, #tpu.memory_space<vmem>>, vector<1x1x16xf32>,
          %get3A_384 = vector.shape_cast %get3A_383 : vector<1x1x16xf32> to vector<16xf32>
          %add3A_385 = arith.addf %add3A_329, %get3A_384 : vector<16xf32>
          %get3A_386 = arith.constant 5 : i32
          %get3A_387 = arith.index_cast %scan3A_65 : i32 to index
          %get3A_388 = arith.index_cast %get3A_386 : i32 to index
          %get3A_389 = arith.constant 112 : index
          %get3A_390 = tpu.vector_load %arg5[%get3A_387, %get3A_388, %get3A_389] {strides = array<i32>} : memref<8x32x128xf32, #tpu.memory_space<vmem>>, vector<1x1x16xf32>,
          %get3A_391 = vector.shape_cast %get3A_390 : vector<1x1x16xf32> to vector<16xf32>
          %add3A_392 = arith.addf %add3A_336, %get3A_391 : vector<16xf32>
          %get3A_393 = arith.constant 6 : i32
          %get3A_394 = arith.index_cast %scan3A_65 : i32 to index
          %get3A_395 = arith.index_cast %get3A_393 : i32 to index
          %get3A_396 = arith.constant 0 : index
          %get3A_397 = tpu.vector_load %arg5[%get3A_394, %get3A_395, %get3A_396] {strides = array<i32>} : memref<8x32x128xf32, #tpu.memory_space<vmem>>, vector<1x1x16xf32>,
          %get3A_398 = vector.shape_cast %get3A_397 : vector<1x1x16xf32> to vector<16xf32>
          %add3A_399 = arith.addf %add3A_343, %get3A_398 : vector<16xf32>
          %get3A_400 = arith.constant 6 : i32
          %get3A_401 = arith.index_cast %scan3A_65 : i32 to index
          %get3A_402 = arith.index_cast %get3A_400 : i32 to index
          %get3A_403 = arith.constant 16 : index
          %get3A_404 = tpu.vector_load %arg5[%get3A_401, %get3A_402, %get3A_403] {strides = array<i32>} : memref<8x32x128xf32, #tpu.memory_space<vmem>>, vector<1x1x16xf32>,
          %get3A_405 = vector.shape_cast %get3A_404 : vector<1x1x16xf32> to vector<16xf32>
          %add3A_406 = arith.addf %add3A_350, %get3A_405 : vector<16xf32>
          %get3A_407 = arith.constant 6 : i32
          %get3A_408 = arith.index_cast %scan3A_65 : i32 to index
          %get3A_409 = arith.index_cast %get3A_407 : i32 to index
          %get3A_410 = arith.constant 32 : index
          %get3A_411 = tpu.vector_load %arg5[%get3A_408, %get3A_409, %get3A_410] {strides = array<i32>} : memref<8x32x128xf32, #tpu.memory_space<vmem>>, vector<1x1x16xf32>,
          %get3A_412 = vector.shape_cast %get3A_411 : vector<1x1x16xf32> to vector<16xf32>
          %add3A_413 = arith.addf %add3A_357, %get3A_412 : vector<16xf32>
          %get3A_414 = arith.constant 6 : i32
          %get3A_415 = arith.index_cast %scan3A_65 : i32 to index
          %get3A_416 = arith.index_cast %get3A_414 : i32 to index
          %get3A_417 = arith.constant 48 : index
          %get3A_418 = tpu.vector_load %arg5[%get3A_415, %get3A_416, %get3A_417] {strides = array<i32>} : memref<8x32x128xf32, #tpu.memory_space<vmem>>, vector<1x1x16xf32>,
          %get3A_419 = vector.shape_cast %get3A_418 : vector<1x1x16xf32> to vector<16xf32>
          %add3A_420 = arith.addf %add3A_364, %get3A_419 : vector<16xf32>
          %get3A_421 = arith.constant 6 : i32
          %get3A_422 = arith.index_cast %scan3A_65 : i32 to index
          %get3A_423 = arith.index_cast %get3A_421 : i32 to index
          %get3A_424 = arith.constant 64 : index
          %get3A_425 = tpu.vector_load %arg5[%get3A_422, %get3A_423, %get3A_424] {strides = array<i32>} : memref<8x32x128xf32, #tpu.memory_space<vmem>>, vector<1x1x16xf32>,
          %get3A_426 = vector.shape_cast %get3A_425 : vector<1x1x16xf32> to vector<16xf32>
          %add3A_427 = arith.addf %add3A_371, %get3A_426 : vector<16xf32>
          %get3A_428 = arith.constant 6 : i32
          %get3A_429 = arith.index_cast %scan3A_65 : i32 to index
          %get3A_430 = arith.index_cast %get3A_428 : i32 to index
          %get3A_431 = arith.constant 80 : index
          %get3A_432 = tpu.vector_load %arg5[%get3A_429, %get3A_430, %get3A_431] {strides = array<i32>} : memref<8x32x128xf32, #tpu.memory_space<vmem>>, vector<1x1x16xf32>,
          %get3A_433 = vector.shape_cast %get3A_432 : vector<1x1x16xf32> to vector<16xf32>
          %add3A_434 = arith.addf %add3A_378, %get3A_433 : vector<16xf32>
          %get3A_435 = arith.constant 6 : i32
          %get3A_436 = arith.index_cast %scan3A_65 : i32 to index
          %get3A_437 = arith.index_cast %get3A_435 : i32 to index
          %get3A_438 = arith.constant 96 : index
          %get3A_439 = tpu.vector_load %arg5[%get3A_436, %get3A_437, %get3A_438] {strides = array<i32>} : memref<8x32x128xf32, #tpu.memory_space<vmem>>, vector<1x1x16xf32>,
          %get3A_440 = vector.shape_cast %get3A_439 : vector<1x1x16xf32> to vector<16xf32>
          %add3A_441 = arith.addf %add3A_385, %get3A_440 : vector<16xf32>
          %get3A_442 = arith.constant 6 : i32
          %get3A_443 = arith.index_cast %scan3A_65 : i32 to index
          %get3A_444 = arith.index_cast %get3A_442 : i32 to index
          %get3A_445 = arith.constant 112 : index
          %get3A_446 = tpu.vector_load %arg5[%get3A_443, %get3A_444, %get3A_445] {strides = array<i32>} : memref<8x32x128xf32, #tpu.memory_space<vmem>>, vector<1x1x16xf32>,
          %get3A_447 = vector.shape_cast %get3A_446 : vector<1x1x16xf32> to vector<16xf32>
          %add3A_448 = arith.addf %add3A_392, %get3A_447 : vector<16xf32>
          %get3A_449 = arith.constant 7 : i32
          %get3A_450 = arith.index_cast %scan3A_65 : i32 to index
          %get3A_451 = arith.index_cast %get3A_449 : i32 to index
          %get3A_452 = arith.constant 0 : index
          %get3A_453 = tpu.vector_load %arg5[%get3A_450, %get3A_451, %get3A_452] {strides = array<i32>} : memref<8x32x128xf32, #tpu.memory_space<vmem>>, vector<1x1x16xf32>,
          %get3A_454 = vector.shape_cast %get3A_453 : vector<1x1x16xf32> to vector<16xf32>
          %add3A_455 = arith.addf %add3A_399, %get3A_454 : vector<16xf32>
          %get3A_456 = arith.constant 7 : i32
          %get3A_457 = arith.index_cast %scan3A_65 : i32 to index
          %get3A_458 = arith.index_cast %get3A_456 : i32 to index
          %get3A_459 = arith.constant 16 : index
          %get3A_460 = tpu.vector_load %arg5[%get3A_457, %get3A_458, %get3A_459] {strides = array<i32>} : memref<8x32x128xf32, #tpu.memory_space<vmem>>, vector<1x1x16xf32>,
          %get3A_461 = vector.shape_cast %get3A_460 : vector<1x1x16xf32> to vector<16xf32>
          %add3A_462 = arith.addf %add3A_406, %get3A_461 : vector<16xf32>
          %get3A_463 = arith.constant 7 : i32
          %get3A_464 = arith.index_cast %scan3A_65 : i32 to index
          %get3A_465 = arith.index_cast %get3A_463 : i32 to index
          %get3A_466 = arith.constant 32 : index
          %get3A_467 = tpu.vector_load %arg5[%get3A_464, %get3A_465, %get3A_466] {strides = array<i32>} : memref<8x32x128xf32, #tpu.memory_space<vmem>>, vector<1x1x16xf32>,
          %get3A_468 = vector.shape_cast %get3A_467 : vector<1x1x16xf32> to vector<16xf32>
          %add3A_469 = arith.addf %add3A_413, %get3A_468 : vector<16xf32>
          %get3A_470 = arith.constant 7 : i32
          %get3A_471 = arith.index_cast %scan3A_65 : i32 to index
          %get3A_472 = arith.index_cast %get3A_470 : i32 to index
          %get3A_473 = arith.constant 48 : index
          %get3A_474 = tpu.vector_load %arg5[%get3A_471, %get3A_472, %get3A_473] {strides = array<i32>} : memref<8x32x128xf32, #tpu.memory_space<vmem>>, vector<1x1x16xf32>,
          %get3A_475 = vector.shape_cast %get3A_474 : vector<1x1x16xf32> to vector<16xf32>
          %add3A_476 = arith.addf %add3A_420, %get3A_475 : vector<16xf32>
          %get3A_477 = arith.constant 7 : i32
          %get3A_478 = arith.index_cast %scan3A_65 : i32 to index
          %get3A_479 = arith.index_cast %get3A_477 : i32 to index
          %get3A_480 = arith.constant 64 : index
          %get3A_481 = tpu.vector_load %arg5[%get3A_478, %get3A_479, %get3A_480] {strides = array<i32>} : memref<8x32x128xf32, #tpu.memory_space<vmem>>, vector<1x1x16xf32>,
          %get3A_482 = vector.shape_cast %get3A_481 : vector<1x1x16xf32> to vector<16xf32>
          %add3A_483 = arith.addf %add3A_427, %get3A_482 : vector<16xf32>
          %get3A_484 = arith.constant 7 : i32
          %get3A_485 = arith.index_cast %scan3A_65 : i32 to index
          %get3A_486 = arith.index_cast %get3A_484 : i32 to index
          %get3A_487 = arith.constant 80 : index
          %get3A_488 = tpu.vector_load %arg5[%get3A_485, %get3A_486, %get3A_487] {strides = array<i32>} : memref<8x32x128xf32, #tpu.memory_space<vmem>>, vector<1x1x16xf32>,
          %get3A_489 = vector.shape_cast %get3A_488 : vector<1x1x16xf32> to vector<16xf32>
          %add3A_490 = arith.addf %add3A_434, %get3A_489 : vector<16xf32>
          %get3A_491 = arith.constant 7 : i32
          %get3A_492 = arith.index_cast %scan3A_65 : i32 to index
          %get3A_493 = arith.index_cast %get3A_491 : i32 to index
          %get3A_494 = arith.constant 96 : index
          %get3A_495 = tpu.vector_load %arg5[%get3A_492, %get3A_493, %get3A_494] {strides = array<i32>} : memref<8x32x128xf32, #tpu.memory_space<vmem>>, vector<1x1x16xf32>,
          %get3A_496 = vector.shape_cast %get3A_495 : vector<1x1x16xf32> to vector<16xf32>
          %add3A_497 = arith.addf %add3A_441, %get3A_496 : vector<16xf32>
          %get3A_498 = arith.constant 7 : i32
          %get3A_499 = arith.index_cast %scan3A_65 : i32 to index
          %get3A_500 = arith.index_cast %get3A_498 : i32 to index
          %get3A_501 = arith.constant 112 : index
          %get3A_502 = tpu.vector_load %arg5[%get3A_499, %get3A_500, %get3A_501] {strides = array<i32>} : memref<8x32x128xf32, #tpu.memory_space<vmem>>, vector<1x1x16xf32>,
          %get3A_503 = vector.shape_cast %get3A_502 : vector<1x1x16xf32> to vector<16xf32>
          %add3A_504 = arith.addf %add3A_448, %get3A_503 : vector<16xf32>
          %get3A_505 = arith.constant 8 : i32
          %get3A_506 = arith.index_cast %scan3A_65 : i32 to index
          %get3A_507 = arith.index_cast %get3A_505 : i32 to index
          %get3A_508 = arith.constant 0 : index
          %get3A_509 = tpu.vector_load %arg5[%get3A_506, %get3A_507, %get3A_508] {strides = array<i32>} : memref<8x32x128xf32, #tpu.memory_space<vmem>>, vector<1x1x16xf32>,
          %get3A_510 = vector.shape_cast %get3A_509 : vector<1x1x16xf32> to vector<16xf32>
          %add3A_511 = arith.addf %add3A_455, %get3A_510 : vector<16xf32>
          %get3A_512 = arith.constant 8 : i32
          %get3A_513 = arith.index_cast %scan3A_65 : i32 to index
          %get3A_514 = arith.index_cast %get3A_512 : i32 to index
          %get3A_515 = arith.constant 16 : index
          %get3A_516 = tpu.vector_load %arg5[%get3A_513, %get3A_514, %get3A_515] {strides = array<i32>} : memref<8x32x128xf32, #tpu.memory_space<vmem>>, vector<1x1x16xf32>,
          %get3A_517 = vector.shape_cast %get3A_516 : vector<1x1x16xf32> to vector<16xf32>
          %add3A_518 = arith.addf %add3A_462, %get3A_517 : vector<16xf32>
          %get3A_519 = arith.constant 8 : i32
          %get3A_520 = arith.index_cast %scan3A_65 : i32 to index
          %get3A_521 = arith.index_cast %get3A_519 : i32 to index
          %get3A_522 = arith.constant 32 : index
          %get3A_523 = tpu.vector_load %arg5[%get3A_520, %get3A_521, %get3A_522] {strides = array<i32>} : memref<8x32x128xf32, #tpu.memory_space<vmem>>, vector<1x1x16xf32>,
          %get3A_524 = vector.shape_cast %get3A_523 : vector<1x1x16xf32> to vector<16xf32>
          %add3A_525 = arith.addf %add3A_469, %get3A_524 : vector<16xf32>
          %get3A_526 = arith.constant 8 : i32
          %get3A_527 = arith.index_cast %scan3A_65 : i32 to index
          %get3A_528 = arith.index_cast %get3A_526 : i32 to index
          %get3A_529 = arith.constant 48 : index
          %get3A_530 = tpu.vector_load %arg5[%get3A_527, %get3A_528, %get3A_529] {strides = array<i32>} : memref<8x32x128xf32, #tpu.memory_space<vmem>>, vector<1x1x16xf32>,
          %get3A_531 = vector.shape_cast %get3A_530 : vector<1x1x16xf32> to vector<16xf32>
          %add3A_532 = arith.addf %add3A_476, %get3A_531 : vector<16xf32>
          %get3A_533 = arith.constant 8 : i32
          %get3A_534 = arith.index_cast %scan3A_65 : i32 to index
          %get3A_535 = arith.index_cast %get3A_533 : i32 to index
          %get3A_536 = arith.constant 64 : index
          %get3A_537 = tpu.vector_load %arg5[%get3A_534, %get3A_535, %get3A_536] {strides = array<i32>} : memref<8x32x128xf32, #tpu.memory_space<vmem>>, vector<1x1x16xf32>,
          %get3A_538 = vector.shape_cast %get3A_537 : vector<1x1x16xf32> to vector<16xf32>
          %add3A_539 = arith.addf %add3A_483, %get3A_538 : vector<16xf32>
          %get3A_540 = arith.constant 8 : i32
          %get3A_541 = arith.index_cast %scan3A_65 : i32 to index
          %get3A_542 = arith.index_cast %get3A_540 : i32 to index
          %get3A_543 = arith.constant 80 : index
          %get3A_544 = tpu.vector_load %arg5[%get3A_541, %get3A_542, %get3A_543] {strides = array<i32>} : memref<8x32x128xf32, #tpu.memory_space<vmem>>, vector<1x1x16xf32>,
          %get3A_545 = vector.shape_cast %get3A_544 : vector<1x1x16xf32> to vector<16xf32>
          %add3A_546 = arith.addf %add3A_490, %get3A_545 : vector<16xf32>
          %get3A_547 = arith.constant 8 : i32
          %get3A_548 = arith.index_cast %scan3A_65 : i32 to index
          %get3A_549 = arith.index_cast %get3A_547 : i32 to index
          %get3A_550 = arith.constant 96 : index
          %get3A_551 = tpu.vector_load %arg5[%get3A_548, %get3A_549, %get3A_550] {strides = array<i32>} : memref<8x32x128xf32, #tpu.memory_space<vmem>>, vector<1x1x16xf32>,
          %get3A_552 = vector.shape_cast %get3A_551 : vector<1x1x16xf32> to vector<16xf32>
          %add3A_553 = arith.addf %add3A_497, %get3A_552 : vector<16xf32>
          %get3A_554 = arith.constant 8 : i32
          %get3A_555 = arith.index_cast %scan3A_65 : i32 to index
          %get3A_556 = arith.index_cast %get3A_554 : i32 to index
          %get3A_557 = arith.constant 112 : index
          %get3A_558 = tpu.vector_load %arg5[%get3A_555, %get3A_556, %get3A_557] {strides = array<i32>} : memref<8x32x128xf32, #tpu.memory_space<vmem>>, vector<1x1x16xf32>,
          %get3A_559 = vector.shape_cast %get3A_558 : vector<1x1x16xf32> to vector<16xf32>
          %add3A_560 = arith.addf %add3A_504, %get3A_559 : vector<16xf32>
          %get3A_561 = arith.constant 9 : i32
          %get3A_562 = arith.index_cast %scan3A_65 : i32 to index
          %get3A_563 = arith.index_cast %get3A_561 : i32 to index
          %get3A_564 = arith.constant 0 : index
          %get3A_565 = tpu.vector_load %arg5[%get3A_562, %get3A_563, %get3A_564] {strides = array<i32>} : memref<8x32x128xf32, #tpu.memory_space<vmem>>, vector<1x1x16xf32>,
          %get3A_566 = vector.shape_cast %get3A_565 : vector<1x1x16xf32> to vector<16xf32>
          %add3A_567 = arith.addf %add3A_511, %get3A_566 : vector<16xf32>
          %get3A_568 = arith.constant 9 : i32
          %get3A_569 = arith.index_cast %scan3A_65 : i32 to index
          %get3A_570 = arith.index_cast %get3A_568 : i32 to index
          %get3A_571 = arith.constant 16 : index
          %get3A_572 = tpu.vector_load %arg5[%get3A_569, %get3A_570, %get3A_571] {strides = array<i32>} : memref<8x32x128xf32, #tpu.memory_space<vmem>>, vector<1x1x16xf32>,
          %get3A_573 = vector.shape_cast %get3A_572 : vector<1x1x16xf32> to vector<16xf32>
          %add3A_574 = arith.addf %add3A_518, %get3A_573 : vector<16xf32>
          %get3A_575 = arith.constant 9 : i32
          %get3A_576 = arith.index_cast %scan3A_65 : i32 to index
          %get3A_577 = arith.index_cast %get3A_575 : i32 to index
          %get3A_578 = arith.constant 32 : index
          %get3A_579 = tpu.vector_load %arg5[%get3A_576, %get3A_577, %get3A_578] {strides = array<i32>} : memref<8x32x128xf32, #tpu.memory_space<vmem>>, vector<1x1x16xf32>,
          %get3A_580 = vector.shape_cast %get3A_579 : vector<1x1x16xf32> to vector<16xf32>
          %add3A_581 = arith.addf %add3A_525, %get3A_580 : vector<16xf32>
          %get3A_582 = arith.constant 9 : i32
          %get3A_583 = arith.index_cast %scan3A_65 : i32 to index
          %get3A_584 = arith.index_cast %get3A_582 : i32 to index
          %get3A_585 = arith.constant 48 : index
          %get3A_586 = tpu.vector_load %arg5[%get3A_583, %get3A_584, %get3A_585] {strides = array<i32>} : memref<8x32x128xf32, #tpu.memory_space<vmem>>, vector<1x1x16xf32>,
          %get3A_587 = vector.shape_cast %get3A_586 : vector<1x1x16xf32> to vector<16xf32>
          %add3A_588 = arith.addf %add3A_532, %get3A_587 : vector<16xf32>
          %get3A_589 = arith.constant 9 : i32
          %get3A_590 = arith.index_cast %scan3A_65 : i32 to index
          %get3A_591 = arith.index_cast %get3A_589 : i32 to index
          %get3A_592 = arith.constant 64 : index
          %get3A_593 = tpu.vector_load %arg5[%get3A_590, %get3A_591, %get3A_592] {strides = array<i32>} : memref<8x32x128xf32, #tpu.memory_space<vmem>>, vector<1x1x16xf32>,
          %get3A_594 = vector.shape_cast %get3A_593 : vector<1x1x16xf32> to vector<16xf32>
          %add3A_595 = arith.addf %add3A_539, %get3A_594 : vector<16xf32>
          %get3A_596 = arith.constant 9 : i32
          %get3A_597 = arith.index_cast %scan3A_65 : i32 to index
          %get3A_598 = arith.index_cast %get3A_596 : i32 to index
          %get3A_599 = arith.constant 80 : index
          %get3A_600 = tpu.vector_load %arg5[%get3A_597, %get3A_598, %get3A_599] {strides = array<i32>} : memref<8x32x128xf32, #tpu.memory_space<vmem>>, vector<1x1x16xf32>,
          %get3A_601 = vector.shape_cast %get3A_600 : vector<1x1x16xf32> to vector<16xf32>
          %add3A_602 = arith.addf %add3A_546, %get3A_601 : vector<16xf32>
          %get3A_603 = arith.constant 9 : i32
          %get3A_604 = arith.index_cast %scan3A_65 : i32 to index
          %get3A_605 = arith.index_cast %get3A_603 : i32 to index
          %get3A_606 = arith.constant 96 : index
          %get3A_607 = tpu.vector_load %arg5[%get3A_604, %get3A_605, %get3A_606] {strides = array<i32>} : memref<8x32x128xf32, #tpu.memory_space<vmem>>, vector<1x1x16xf32>,
          %get3A_608 = vector.shape_cast %get3A_607 : vector<1x1x16xf32> to vector<16xf32>
          %add3A_609 = arith.addf %add3A_553, %get3A_608 : vector<16xf32>
          %get3A_610 = arith.constant 9 : i32
          %get3A_611 = arith.index_cast %scan3A_65 : i32 to index
          %get3A_612 = arith.index_cast %get3A_610 : i32 to index
          %get3A_613 = arith.constant 112 : index
          %get3A_614 = tpu.vector_load %arg5[%get3A_611, %get3A_612, %get3A_613] {strides = array<i32>} : memref<8x32x128xf32, #tpu.memory_space<vmem>>, vector<1x1x16xf32>,
          %get3A_615 = vector.shape_cast %get3A_614 : vector<1x1x16xf32> to vector<16xf32>
          %add3A_616 = arith.addf %add3A_560, %get3A_615 : vector<16xf32>
          %get3A_617 = arith.constant 10 : i32
          %get3A_618 = arith.index_cast %scan3A_65 : i32 to index
          %get3A_619 = arith.index_cast %get3A_617 : i32 to index
          %get3A_620 = arith.constant 0 : index
          %get3A_621 = tpu.vector_load %arg5[%get3A_618, %get3A_619, %get3A_620] {strides = array<i32>} : memref<8x32x128xf32, #tpu.memory_space<vmem>>, vector<1x1x16xf32>,
          %get3A_622 = vector.shape_cast %get3A_621 : vector<1x1x16xf32> to vector<16xf32>
          %add3A_623 = arith.addf %add3A_567, %get3A_622 : vector<16xf32>
          %get3A_624 = arith.constant 10 : i32
          %get3A_625 = arith.index_cast %scan3A_65 : i32 to index
          %get3A_626 = arith.index_cast %get3A_624 : i32 to index
          %get3A_627 = arith.constant 16 : index
          %get3A_628 = tpu.vector_load %arg5[%get3A_625, %get3A_626, %get3A_627] {strides = array<i32>} : memref<8x32x128xf32, #tpu.memory_space<vmem>>, vector<1x1x16xf32>,
          %get3A_629 = vector.shape_cast %get3A_628 : vector<1x1x16xf32> to vector<16xf32>
          %add3A_630 = arith.addf %add3A_574, %get3A_629 : vector<16xf32>
          %get3A_631 = arith.constant 10 : i32
          %get3A_632 = arith.index_cast %scan3A_65 : i32 to index
          %get3A_633 = arith.index_cast %get3A_631 : i32 to index
          %get3A_634 = arith.constant 32 : index
          %get3A_635 = tpu.vector_load %arg5[%get3A_632, %get3A_633, %get3A_634] {strides = array<i32>} : memref<8x32x128xf32, #tpu.memory_space<vmem>>, vector<1x1x16xf32>,
          %get3A_636 = vector.shape_cast %get3A_635 : vector<1x1x16xf32> to vector<16xf32>
          %add3A_637 = arith.addf %add3A_581, %get3A_636 : vector<16xf32>
          %get3A_638 = arith.constant 10 : i32
          %get3A_639 = arith.index_cast %scan3A_65 : i32 to index
          %get3A_640 = arith.index_cast %get3A_638 : i32 to index
          %get3A_641 = arith.constant 48 : index
          %get3A_642 = tpu.vector_load %arg5[%get3A_639, %get3A_640, %get3A_641] {strides = array<i32>} : memref<8x32x128xf32, #tpu.memory_space<vmem>>, vector<1x1x16xf32>,
          %get3A_643 = vector.shape_cast %get3A_642 : vector<1x1x16xf32> to vector<16xf32>
          %add3A_644 = arith.addf %add3A_588, %get3A_643 : vector<16xf32>
          %get3A_645 = arith.constant 10 : i32
          %get3A_646 = arith.index_cast %scan3A_65 : i32 to index
          %get3A_647 = arith.index_cast %get3A_645 : i32 to index
          %get3A_648 = arith.constant 64 : index
          %get3A_649 = tpu.vector_load %arg5[%get3A_646, %get3A_647, %get3A_648] {strides = array<i32>} : memref<8x32x128xf32, #tpu.memory_space<vmem>>, vector<1x1x16xf32>,
          %get3A_650 = vector.shape_cast %get3A_649 : vector<1x1x16xf32> to vector<16xf32>
          %add3A_651 = arith.addf %add3A_595, %get3A_650 : vector<16xf32>
          %get3A_652 = arith.constant 10 : i32
          %get3A_653 = arith.index_cast %scan3A_65 : i32 to index
          %get3A_654 = arith.index_cast %get3A_652 : i32 to index
          %get3A_655 = arith.constant 80 : index
          %get3A_656 = tpu.vector_load %arg5[%get3A_653, %get3A_654, %get3A_655] {strides = array<i32>} : memref<8x32x128xf32, #tpu.memory_space<vmem>>, vector<1x1x16xf32>,
          %get3A_657 = vector.shape_cast %get3A_656 : vector<1x1x16xf32> to vector<16xf32>
          %add3A_658 = arith.addf %add3A_602, %get3A_657 : vector<16xf32>
          %get3A_659 = arith.constant 10 : i32
          %get3A_660 = arith.index_cast %scan3A_65 : i32 to index
          %get3A_661 = arith.index_cast %get3A_659 : i32 to index
          %get3A_662 = arith.constant 96 : index
          %get3A_663 = tpu.vector_load %arg5[%get3A_660, %get3A_661, %get3A_662] {strides = array<i32>} : memref<8x32x128xf32, #tpu.memory_space<vmem>>, vector<1x1x16xf32>,
          %get3A_664 = vector.shape_cast %get3A_663 : vector<1x1x16xf32> to vector<16xf32>
          %add3A_665 = arith.addf %add3A_609, %get3A_664 : vector<16xf32>
          %get3A_666 = arith.constant 10 : i32
          %get3A_667 = arith.index_cast %scan3A_65 : i32 to index
          %get3A_668 = arith.index_cast %get3A_666 : i32 to index
          %get3A_669 = arith.constant 112 : index
          %get3A_670 = tpu.vector_load %arg5[%get3A_667, %get3A_668, %get3A_669] {strides = array<i32>} : memref<8x32x128xf32, #tpu.memory_space<vmem>>, vector<1x1x16xf32>,
          %get3A_671 = vector.shape_cast %get3A_670 : vector<1x1x16xf32> to vector<16xf32>
          %add3A_672 = arith.addf %add3A_616, %get3A_671 : vector<16xf32>
          %get3A_673 = arith.constant 11 : i32
          %get3A_674 = arith.index_cast %scan3A_65 : i32 to index
          %get3A_675 = arith.index_cast %get3A_673 : i32 to index
          %get3A_676 = arith.constant 0 : index
          %get3A_677 = tpu.vector_load %arg5[%get3A_674, %get3A_675, %get3A_676] {strides = array<i32>} : memref<8x32x128xf32, #tpu.memory_space<vmem>>, vector<1x1x16xf32>,
          %get3A_678 = vector.shape_cast %get3A_677 : vector<1x1x16xf32> to vector<16xf32>
          %add3A_679 = arith.addf %add3A_623, %get3A_678 : vector<16xf32>
          %get3A_680 = arith.constant 11 : i32
          %get3A_681 = arith.index_cast %scan3A_65 : i32 to index
          %get3A_682 = arith.index_cast %get3A_680 : i32 to index
          %get3A_683 = arith.constant 16 : index
          %get3A_684 = tpu.vector_load %arg5[%get3A_681, %get3A_682, %get3A_683] {strides = array<i32>} : memref<8x32x128xf32, #tpu.memory_space<vmem>>, vector<1x1x16xf32>,
          %get3A_685 = vector.shape_cast %get3A_684 : vector<1x1x16xf32> to vector<16xf32>
          %add3A_686 = arith.addf %add3A_630, %get3A_685 : vector<16xf32>
          %get3A_687 = arith.constant 11 : i32
          %get3A_688 = arith.index_cast %scan3A_65 : i32 to index
          %get3A_689 = arith.index_cast %get3A_687 : i32 to index
          %get3A_690 = arith.constant 32 : index
          %get3A_691 = tpu.vector_load %arg5[%get3A_688, %get3A_689, %get3A_690] {strides = array<i32>} : memref<8x32x128xf32, #tpu.memory_space<vmem>>, vector<1x1x16xf32>,
          %get3A_692 = vector.shape_cast %get3A_691 : vector<1x1x16xf32> to vector<16xf32>
          %add3A_693 = arith.addf %add3A_637, %get3A_692 : vector<16xf32>
          %get3A_694 = arith.constant 11 : i32
          %get3A_695 = arith.index_cast %scan3A_65 : i32 to index
          %get3A_696 = arith.index_cast %get3A_694 : i32 to index
          %get3A_697 = arith.constant 48 : index
          %get3A_698 = tpu.vector_load %arg5[%get3A_695, %get3A_696, %get3A_697] {strides = array<i32>} : memref<8x32x128xf32, #tpu.memory_space<vmem>>, vector<1x1x16xf32>,
          %get3A_699 = vector.shape_cast %get3A_698 : vector<1x1x16xf32> to vector<16xf32>
          %add3A_700 = arith.addf %add3A_644, %get3A_699 : vector<16xf32>
          %get3A_701 = arith.constant 11 : i32
          %get3A_702 = arith.index_cast %scan3A_65 : i32 to index
          %get3A_703 = arith.index_cast %get3A_701 : i32 to index
          %get3A_704 = arith.constant 64 : index
          %get3A_705 = tpu.vector_load %arg5[%get3A_702, %get3A_703, %get3A_704] {strides = array<i32>} : memref<8x32x128xf32, #tpu.memory_space<vmem>>, vector<1x1x16xf32>,
          %get3A_706 = vector.shape_cast %get3A_705 : vector<1x1x16xf32> to vector<16xf32>
          %add3A_707 = arith.addf %add3A_651, %get3A_706 : vector<16xf32>
          %get3A_708 = arith.constant 11 : i32
          %get3A_709 = arith.index_cast %scan3A_65 : i32 to index
          %get3A_710 = arith.index_cast %get3A_708 : i32 to index
          %get3A_711 = arith.constant 80 : index
          %get3A_712 = tpu.vector_load %arg5[%get3A_709, %get3A_710, %get3A_711] {strides = array<i32>} : memref<8x32x128xf32, #tpu.memory_space<vmem>>, vector<1x1x16xf32>,
          %get3A_713 = vector.shape_cast %get3A_712 : vector<1x1x16xf32> to vector<16xf32>
          %add3A_714 = arith.addf %add3A_658, %get3A_713 : vector<16xf32>
          %get3A_715 = arith.constant 11 : i32
          %get3A_716 = arith.index_cast %scan3A_65 : i32 to index
          %get3A_717 = arith.index_cast %get3A_715 : i32 to index
          %get3A_718 = arith.constant 96 : index
          %get3A_719 = tpu.vector_load %arg5[%get3A_716, %get3A_717, %get3A_718] {strides = array<i32>} : memref<8x32x128xf32, #tpu.memory_space<vmem>>, vector<1x1x16xf32>,
          %get3A_720 = vector.shape_cast %get3A_719 : vector<1x1x16xf32> to vector<16xf32>
          %add3A_721 = arith.addf %add3A_665, %get3A_720 : vector<16xf32>
          %get3A_722 = arith.constant 11 : i32
          %get3A_723 = arith.index_cast %scan3A_65 : i32 to index
          %get3A_724 = arith.index_cast %get3A_722 : i32 to index
          %get3A_725 = arith.constant 112 : index
          %get3A_726 = tpu.vector_load %arg5[%get3A_723, %get3A_724, %get3A_725] {strides = array<i32>} : memref<8x32x128xf32, #tpu.memory_space<vmem>>, vector<1x1x16xf32>,
          %get3A_727 = vector.shape_cast %get3A_726 : vector<1x1x16xf32> to vector<16xf32>
          %add3A_728 = arith.addf %add3A_672, %get3A_727 : vector<16xf32>
          %get3A_729 = arith.constant 12 : i32
          %get3A_730 = arith.index_cast %scan3A_65 : i32 to index
          %get3A_731 = arith.index_cast %get3A_729 : i32 to index
          %get3A_732 = arith.constant 0 : index
          %get3A_733 = tpu.vector_load %arg5[%get3A_730, %get3A_731, %get3A_732] {strides = array<i32>} : memref<8x32x128xf32, #tpu.memory_space<vmem>>, vector<1x1x16xf32>,
          %get3A_734 = vector.shape_cast %get3A_733 : vector<1x1x16xf32> to vector<16xf32>
          %add3A_735 = arith.addf %add3A_679, %get3A_734 : vector<16xf32>
          %get3A_736 = arith.constant 12 : i32
          %get3A_737 = arith.index_cast %scan3A_65 : i32 to index
          %get3A_738 = arith.index_cast %get3A_736 : i32 to index
          %get3A_739 = arith.constant 16 : index
          %get3A_740 = tpu.vector_load %arg5[%get3A_737, %get3A_738, %get3A_739] {strides = array<i32>} : memref<8x32x128xf32, #tpu.memory_space<vmem>>, vector<1x1x16xf32>,
          %get3A_741 = vector.shape_cast %get3A_740 : vector<1x1x16xf32> to vector<16xf32>
          %add3A_742 = arith.addf %add3A_686, %get3A_741 : vector<16xf32>
          %get3A_743 = arith.constant 12 : i32
          %get3A_744 = arith.index_cast %scan3A_65 : i32 to index
          %get3A_745 = arith.index_cast %get3A_743 : i32 to index
          %get3A_746 = arith.constant 32 : index
          %get3A_747 = tpu.vector_load %arg5[%get3A_744, %get3A_745, %get3A_746] {strides = array<i32>} : memref<8x32x128xf32, #tpu.memory_space<vmem>>, vector<1x1x16xf32>,
          %get3A_748 = vector.shape_cast %get3A_747 : vector<1x1x16xf32> to vector<16xf32>
          %add3A_749 = arith.addf %add3A_693, %get3A_748 : vector<16xf32>
          %get3A_750 = arith.constant 12 : i32
          %get3A_751 = arith.index_cast %scan3A_65 : i32 to index
          %get3A_752 = arith.index_cast %get3A_750 : i32 to index
          %get3A_753 = arith.constant 48 : index
          %get3A_754 = tpu.vector_load %arg5[%get3A_751, %get3A_752, %get3A_753] {strides = array<i32>} : memref<8x32x128xf32, #tpu.memory_space<vmem>>, vector<1x1x16xf32>,
          %get3A_755 = vector.shape_cast %get3A_754 : vector<1x1x16xf32> to vector<16xf32>
          %add3A_756 = arith.addf %add3A_700, %get3A_755 : vector<16xf32>
          %get3A_757 = arith.constant 12 : i32
          %get3A_758 = arith.index_cast %scan3A_65 : i32 to index
          %get3A_759 = arith.index_cast %get3A_757 : i32 to index
          %get3A_760 = arith.constant 64 : index
          %get3A_761 = tpu.vector_load %arg5[%get3A_758, %get3A_759, %get3A_760] {strides = array<i32>} : memref<8x32x128xf32, #tpu.memory_space<vmem>>, vector<1x1x16xf32>,
          %get3A_762 = vector.shape_cast %get3A_761 : vector<1x1x16xf32> to vector<16xf32>
          %add3A_763 = arith.addf %add3A_707, %get3A_762 : vector<16xf32>
          %get3A_764 = arith.constant 12 : i32
          %get3A_765 = arith.index_cast %scan3A_65 : i32 to index
          %get3A_766 = arith.index_cast %get3A_764 : i32 to index
          %get3A_767 = arith.constant 80 : index
          %get3A_768 = tpu.vector_load %arg5[%get3A_765, %get3A_766, %get3A_767] {strides = array<i32>} : memref<8x32x128xf32, #tpu.memory_space<vmem>>, vector<1x1x16xf32>,
          %get3A_769 = vector.shape_cast %get3A_768 : vector<1x1x16xf32> to vector<16xf32>
          %add3A_770 = arith.addf %add3A_714, %get3A_769 : vector<16xf32>
          %get3A_771 = arith.constant 12 : i32
          %get3A_772 = arith.index_cast %scan3A_65 : i32 to index
          %get3A_773 = arith.index_cast %get3A_771 : i32 to index
          %get3A_774 = arith.constant 96 : index
          %get3A_775 = tpu.vector_load %arg5[%get3A_772, %get3A_773, %get3A_774] {strides = array<i32>} : memref<8x32x128xf32, #tpu.memory_space<vmem>>, vector<1x1x16xf32>,
          %get3A_776 = vector.shape_cast %get3A_775 : vector<1x1x16xf32> to vector<16xf32>
          %add3A_777 = arith.addf %add3A_721, %get3A_776 : vector<16xf32>
          %get3A_778 = arith.constant 12 : i32
          %get3A_779 = arith.index_cast %scan3A_65 : i32 to index
          %get3A_780 = arith.index_cast %get3A_778 : i32 to index
          %get3A_781 = arith.constant 112 : index
          %get3A_782 = tpu.vector_load %arg5[%get3A_779, %get3A_780, %get3A_781] {strides = array<i32>} : memref<8x32x128xf32, #tpu.memory_space<vmem>>, vector<1x1x16xf32>,
          %get3A_783 = vector.shape_cast %get3A_782 : vector<1x1x16xf32> to vector<16xf32>
          %add3A_784 = arith.addf %add3A_728, %get3A_783 : vector<16xf32>
          %get3A_785 = arith.constant 13 : i32
          %get3A_786 = arith.index_cast %scan3A_65 : i32 to index
          %get3A_787 = arith.index_cast %get3A_785 : i32 to index
          %get3A_788 = arith.constant 0 : index
          %get3A_789 = tpu.vector_load %arg5[%get3A_786, %get3A_787, %get3A_788] {strides = array<i32>} : memref<8x32x128xf32, #tpu.memory_space<vmem>>, vector<1x1x16xf32>,
          %get3A_790 = vector.shape_cast %get3A_789 : vector<1x1x16xf32> to vector<16xf32>
          %add3A_791 = arith.addf %add3A_735, %get3A_790 : vector<16xf32>
          %get3A_792 = arith.constant 13 : i32
          %get3A_793 = arith.index_cast %scan3A_65 : i32 to index
          %get3A_794 = arith.index_cast %get3A_792 : i32 to index
          %get3A_795 = arith.constant 16 : index
          %get3A_796 = tpu.vector_load %arg5[%get3A_793, %get3A_794, %get3A_795] {strides = array<i32>} : memref<8x32x128xf32, #tpu.memory_space<vmem>>, vector<1x1x16xf32>,
          %get3A_797 = vector.shape_cast %get3A_796 : vector<1x1x16xf32> to vector<16xf32>
          %add3A_798 = arith.addf %add3A_742, %get3A_797 : vector<16xf32>
          %get3A_799 = arith.constant 13 : i32
          %get3A_800 = arith.index_cast %scan3A_65 : i32 to index
          %get3A_801 = arith.index_cast %get3A_799 : i32 to index
          %get3A_802 = arith.constant 32 : index
          %get3A_803 = tpu.vector_load %arg5[%get3A_800, %get3A_801, %get3A_802] {strides = array<i32>} : memref<8x32x128xf32, #tpu.memory_space<vmem>>, vector<1x1x16xf32>,
          %get3A_804 = vector.shape_cast %get3A_803 : vector<1x1x16xf32> to vector<16xf32>
          %add3A_805 = arith.addf %add3A_749, %get3A_804 : vector<16xf32>
          %get3A_806 = arith.constant 13 : i32
          %get3A_807 = arith.index_cast %scan3A_65 : i32 to index
          %get3A_808 = arith.index_cast %get3A_806 : i32 to index
          %get3A_809 = arith.constant 48 : index
          %get3A_810 = tpu.vector_load %arg5[%get3A_807, %get3A_808, %get3A_809] {strides = array<i32>} : memref<8x32x128xf32, #tpu.memory_space<vmem>>, vector<1x1x16xf32>,
          %get3A_811 = vector.shape_cast %get3A_810 : vector<1x1x16xf32> to vector<16xf32>
          %add3A_812 = arith.addf %add3A_756, %get3A_811 : vector<16xf32>
          %get3A_813 = arith.constant 13 : i32
          %get3A_814 = arith.index_cast %scan3A_65 : i32 to index
          %get3A_815 = arith.index_cast %get3A_813 : i32 to index
          %get3A_816 = arith.constant 64 : index
          %get3A_817 = tpu.vector_load %arg5[%get3A_814, %get3A_815, %get3A_816] {strides = array<i32>} : memref<8x32x128xf32, #tpu.memory_space<vmem>>, vector<1x1x16xf32>,
          %get3A_818 = vector.shape_cast %get3A_817 : vector<1x1x16xf32> to vector<16xf32>
          %add3A_819 = arith.addf %add3A_763, %get3A_818 : vector<16xf32>
          %get3A_820 = arith.constant 13 : i32
          %get3A_821 = arith.index_cast %scan3A_65 : i32 to index
          %get3A_822 = arith.index_cast %get3A_820 : i32 to index
          %get3A_823 = arith.constant 80 : index
          %get3A_824 = tpu.vector_load %arg5[%get3A_821, %get3A_822, %get3A_823] {strides = array<i32>} : memref<8x32x128xf32, #tpu.memory_space<vmem>>, vector<1x1x16xf32>,
          %get3A_825 = vector.shape_cast %get3A_824 : vector<1x1x16xf32> to vector<16xf32>
          %add3A_826 = arith.addf %add3A_770, %get3A_825 : vector<16xf32>
          %get3A_827 = arith.constant 13 : i32
          %get3A_828 = arith.index_cast %scan3A_65 : i32 to index
          %get3A_829 = arith.index_cast %get3A_827 : i32 to index
          %get3A_830 = arith.constant 96 : index
          %get3A_831 = tpu.vector_load %arg5[%get3A_828, %get3A_829, %get3A_830] {strides = array<i32>} : memref<8x32x128xf32, #tpu.memory_space<vmem>>, vector<1x1x16xf32>,
          %get3A_832 = vector.shape_cast %get3A_831 : vector<1x1x16xf32> to vector<16xf32>
          %add3A_833 = arith.addf %add3A_777, %get3A_832 : vector<16xf32>
          %get3A_834 = arith.constant 13 : i32
          %get3A_835 = arith.index_cast %scan3A_65 : i32 to index
          %get3A_836 = arith.index_cast %get3A_834 : i32 to index
          %get3A_837 = arith.constant 112 : index
          %get3A_838 = tpu.vector_load %arg5[%get3A_835, %get3A_836, %get3A_837] {strides = array<i32>} : memref<8x32x128xf32, #tpu.memory_space<vmem>>, vector<1x1x16xf32>,
          %get3A_839 = vector.shape_cast %get3A_838 : vector<1x1x16xf32> to vector<16xf32>
          %add3A_840 = arith.addf %add3A_784, %get3A_839 : vector<16xf32>
          %get3A_841 = arith.constant 14 : i32
          %get3A_842 = arith.index_cast %scan3A_65 : i32 to index
          %get3A_843 = arith.index_cast %get3A_841 : i32 to index
          %get3A_844 = arith.constant 0 : index
          %get3A_845 = tpu.vector_load %arg5[%get3A_842, %get3A_843, %get3A_844] {strides = array<i32>} : memref<8x32x128xf32, #tpu.memory_space<vmem>>, vector<1x1x16xf32>,
          %get3A_846 = vector.shape_cast %get3A_845 : vector<1x1x16xf32> to vector<16xf32>
          %add3A_847 = arith.addf %add3A_791, %get3A_846 : vector<16xf32>
          %get3A_848 = arith.constant 14 : i32
          %get3A_849 = arith.index_cast %scan3A_65 : i32 to index
          %get3A_850 = arith.index_cast %get3A_848 : i32 to index
          %get3A_851 = arith.constant 16 : index
          %get3A_852 = tpu.vector_load %arg5[%get3A_849, %get3A_850, %get3A_851] {strides = array<i32>} : memref<8x32x128xf32, #tpu.memory_space<vmem>>, vector<1x1x16xf32>,
          %get3A_853 = vector.shape_cast %get3A_852 : vector<1x1x16xf32> to vector<16xf32>
          %add3A_854 = arith.addf %add3A_798, %get3A_853 : vector<16xf32>
          %get3A_855 = arith.constant 14 : i32
          %get3A_856 = arith.index_cast %scan3A_65 : i32 to index
          %get3A_857 = arith.index_cast %get3A_855 : i32 to index
          %get3A_858 = arith.constant 32 : index
          %get3A_859 = tpu.vector_load %arg5[%get3A_856, %get3A_857, %get3A_858] {strides = array<i32>} : memref<8x32x128xf32, #tpu.memory_space<vmem>>, vector<1x1x16xf32>,
          %get3A_860 = vector.shape_cast %get3A_859 : vector<1x1x16xf32> to vector<16xf32>
          %add3A_861 = arith.addf %add3A_805, %get3A_860 : vector<16xf32>
          %get3A_862 = arith.constant 14 : i32
          %get3A_863 = arith.index_cast %scan3A_65 : i32 to index
          %get3A_864 = arith.index_cast %get3A_862 : i32 to index
          %get3A_865 = arith.constant 48 : index
          %get3A_866 = tpu.vector_load %arg5[%get3A_863, %get3A_864, %get3A_865] {strides = array<i32>} : memref<8x32x128xf32, #tpu.memory_space<vmem>>, vector<1x1x16xf32>,
          %get3A_867 = vector.shape_cast %get3A_866 : vector<1x1x16xf32> to vector<16xf32>
          %add3A_868 = arith.addf %add3A_812, %get3A_867 : vector<16xf32>
          %get3A_869 = arith.constant 14 : i32
          %get3A_870 = arith.index_cast %scan3A_65 : i32 to index
          %get3A_871 = arith.index_cast %get3A_869 : i32 to index
          %get3A_872 = arith.constant 64 : index
          %get3A_873 = tpu.vector_load %arg5[%get3A_870, %get3A_871, %get3A_872] {strides = array<i32>} : memref<8x32x128xf32, #tpu.memory_space<vmem>>, vector<1x1x16xf32>,
          %get3A_874 = vector.shape_cast %get3A_873 : vector<1x1x16xf32> to vector<16xf32>
          %add3A_875 = arith.addf %add3A_819, %get3A_874 : vector<16xf32>
          %get3A_876 = arith.constant 14 : i32
          %get3A_877 = arith.index_cast %scan3A_65 : i32 to index
          %get3A_878 = arith.index_cast %get3A_876 : i32 to index
          %get3A_879 = arith.constant 80 : index
          %get3A_880 = tpu.vector_load %arg5[%get3A_877, %get3A_878, %get3A_879] {strides = array<i32>} : memref<8x32x128xf32, #tpu.memory_space<vmem>>, vector<1x1x16xf32>,
          %get3A_881 = vector.shape_cast %get3A_880 : vector<1x1x16xf32> to vector<16xf32>
          %add3A_882 = arith.addf %add3A_826, %get3A_881 : vector<16xf32>
          %get3A_883 = arith.constant 14 : i32
          %get3A_884 = arith.index_cast %scan3A_65 : i32 to index
          %get3A_885 = arith.index_cast %get3A_883 : i32 to index
          %get3A_886 = arith.constant 96 : index
          %get3A_887 = tpu.vector_load %arg5[%get3A_884, %get3A_885, %get3A_886] {strides = array<i32>} : memref<8x32x128xf32, #tpu.memory_space<vmem>>, vector<1x1x16xf32>,
          %get3A_888 = vector.shape_cast %get3A_887 : vector<1x1x16xf32> to vector<16xf32>
          %add3A_889 = arith.addf %add3A_833, %get3A_888 : vector<16xf32>
          %get3A_890 = arith.constant 14 : i32
          %get3A_891 = arith.index_cast %scan3A_65 : i32 to index
          %get3A_892 = arith.index_cast %get3A_890 : i32 to index
          %get3A_893 = arith.constant 112 : index
          %get3A_894 = tpu.vector_load %arg5[%get3A_891, %get3A_892, %get3A_893] {strides = array<i32>} : memref<8x32x128xf32, #tpu.memory_space<vmem>>, vector<1x1x16xf32>,
          %get3A_895 = vector.shape_cast %get3A_894 : vector<1x1x16xf32> to vector<16xf32>
          %add3A_896 = arith.addf %add3A_840, %get3A_895 : vector<16xf32>
          %get3A_897 = arith.constant 15 : i32
          %get3A_898 = arith.index_cast %scan3A_65 : i32 to index
          %get3A_899 = arith.index_cast %get3A_897 : i32 to index
          %get3A_900 = arith.constant 0 : index
          %get3A_901 = tpu.vector_load %arg5[%get3A_898, %get3A_899, %get3A_900] {strides = array<i32>} : memref<8x32x128xf32, #tpu.memory_space<vmem>>, vector<1x1x16xf32>,
          %get3A_902 = vector.shape_cast %get3A_901 : vector<1x1x16xf32> to vector<16xf32>
          %add3A_903 = arith.addf %add3A_847, %get3A_902 : vector<16xf32>
          %get3A_904 = arith.constant 15 : i32
          %get3A_905 = arith.index_cast %scan3A_65 : i32 to index
          %get3A_906 = arith.index_cast %get3A_904 : i32 to index
          %get3A_907 = arith.constant 16 : index
          %get3A_908 = tpu.vector_load %arg5[%get3A_905, %get3A_906, %get3A_907] {strides = array<i32>} : memref<8x32x128xf32, #tpu.memory_space<vmem>>, vector<1x1x16xf32>,
          %get3A_909 = vector.shape_cast %get3A_908 : vector<1x1x16xf32> to vector<16xf32>
          %add3A_910 = arith.addf %add3A_854, %get3A_909 : vector<16xf32>
          %get3A_911 = arith.constant 15 : i32
          %get3A_912 = arith.index_cast %scan3A_65 : i32 to index
          %get3A_913 = arith.index_cast %get3A_911 : i32 to index
          %get3A_914 = arith.constant 32 : index
          %get3A_915 = tpu.vector_load %arg5[%get3A_912, %get3A_913, %get3A_914] {strides = array<i32>} : memref<8x32x128xf32, #tpu.memory_space<vmem>>, vector<1x1x16xf32>,
          %get3A_916 = vector.shape_cast %get3A_915 : vector<1x1x16xf32> to vector<16xf32>
          %add3A_917 = arith.addf %add3A_861, %get3A_916 : vector<16xf32>
          %get3A_918 = arith.constant 15 : i32
          %get3A_919 = arith.index_cast %scan3A_65 : i32 to index
          %get3A_920 = arith.index_cast %get3A_918 : i32 to index
          %get3A_921 = arith.constant 48 : index
          %get3A_922 = tpu.vector_load %arg5[%get3A_919, %get3A_920, %get3A_921] {strides = array<i32>} : memref<8x32x128xf32, #tpu.memory_space<vmem>>, vector<1x1x16xf32>,
          %get3A_923 = vector.shape_cast %get3A_922 : vector<1x1x16xf32> to vector<16xf32>
          %add3A_924 = arith.addf %add3A_868, %get3A_923 : vector<16xf32>
          %get3A_925 = arith.constant 15 : i32
          %get3A_926 = arith.index_cast %scan3A_65 : i32 to index
          %get3A_927 = arith.index_cast %get3A_925 : i32 to index
          %get3A_928 = arith.constant 64 : index
          %get3A_929 = tpu.vector_load %arg5[%get3A_926, %get3A_927, %get3A_928] {strides = array<i32>} : memref<8x32x128xf32, #tpu.memory_space<vmem>>, vector<1x1x16xf32>,
          %get3A_930 = vector.shape_cast %get3A_929 : vector<1x1x16xf32> to vector<16xf32>
          %add3A_931 = arith.addf %add3A_875, %get3A_930 : vector<16xf32>
          %get3A_932 = arith.constant 15 : i32
          %get3A_933 = arith.index_cast %scan3A_65 : i32 to index
          %get3A_934 = arith.index_cast %get3A_932 : i32 to index
          %get3A_935 = arith.constant 80 : index
          %get3A_936 = tpu.vector_load %arg5[%get3A_933, %get3A_934, %get3A_935] {strides = array<i32>} : memref<8x32x128xf32, #tpu.memory_space<vmem>>, vector<1x1x16xf32>,
          %get3A_937 = vector.shape_cast %get3A_936 : vector<1x1x16xf32> to vector<16xf32>
          %add3A_938 = arith.addf %add3A_882, %get3A_937 : vector<16xf32>
          %get3A_939 = arith.constant 15 : i32
          %get3A_940 = arith.index_cast %scan3A_65 : i32 to index
          %get3A_941 = arith.index_cast %get3A_939 : i32 to index
          %get3A_942 = arith.constant 96 : index
          %get3A_943 = tpu.vector_load %arg5[%get3A_940, %get3A_941, %get3A_942] {strides = array<i32>} : memref<8x32x128xf32, #tpu.memory_space<vmem>>, vector<1x1x16xf32>,
          %get3A_944 = vector.shape_cast %get3A_943 : vector<1x1x16xf32> to vector<16xf32>
          %add3A_945 = arith.addf %add3A_889, %get3A_944 : vector<16xf32>
          %get3A_946 = arith.constant 15 : i32
          %get3A_947 = arith.index_cast %scan3A_65 : i32 to index
          %get3A_948 = arith.index_cast %get3A_946 : i32 to index
          %get3A_949 = arith.constant 112 : index
          %get3A_950 = tpu.vector_load %arg5[%get3A_947, %get3A_948, %get3A_949] {strides = array<i32>} : memref<8x32x128xf32, #tpu.memory_space<vmem>>, vector<1x1x16xf32>,
          %get3A_951 = vector.shape_cast %get3A_950 : vector<1x1x16xf32> to vector<16xf32>
          %add3A_952 = arith.addf %add3A_896, %get3A_951 : vector<16xf32>
          %get3A_953 = arith.constant 16 : i32
          %get3A_954 = arith.index_cast %scan3A_65 : i32 to index
          %get3A_955 = arith.index_cast %get3A_953 : i32 to index
          %get3A_956 = arith.constant 0 : index
          %get3A_957 = tpu.vector_load %arg5[%get3A_954, %get3A_955, %get3A_956] {strides = array<i32>} : memref<8x32x128xf32, #tpu.memory_space<vmem>>, vector<1x1x16xf32>,
          %get3A_958 = vector.shape_cast %get3A_957 : vector<1x1x16xf32> to vector<16xf32>
          %add3A_959 = arith.addf %add3A_903, %get3A_958 : vector<16xf32>
          %get3A_960 = arith.constant 16 : i32
          %get3A_961 = arith.index_cast %scan3A_65 : i32 to index
          %get3A_962 = arith.index_cast %get3A_960 : i32 to index
          %get3A_963 = arith.constant 16 : index
          %get3A_964 = tpu.vector_load %arg5[%get3A_961, %get3A_962, %get3A_963] {strides = array<i32>} : memref<8x32x128xf32, #tpu.memory_space<vmem>>, vector<1x1x16xf32>,
          %get3A_965 = vector.shape_cast %get3A_964 : vector<1x1x16xf32> to vector<16xf32>
          %add3A_966 = arith.addf %add3A_910, %get3A_965 : vector<16xf32>
          %get3A_967 = arith.constant 16 : i32
          %get3A_968 = arith.index_cast %scan3A_65 : i32 to index
          %get3A_969 = arith.index_cast %get3A_967 : i32 to index
          %get3A_970 = arith.constant 32 : index
          %get3A_971 = tpu.vector_load %arg5[%get3A_968, %get3A_969, %get3A_970] {strides = array<i32>} : memref<8x32x128xf32, #tpu.memory_space<vmem>>, vector<1x1x16xf32>,
          %get3A_972 = vector.shape_cast %get3A_971 : vector<1x1x16xf32> to vector<16xf32>
          %add3A_973 = arith.addf %add3A_917, %get3A_972 : vector<16xf32>
          %get3A_974 = arith.constant 16 : i32
          %get3A_975 = arith.index_cast %scan3A_65 : i32 to index
          %get3A_976 = arith.index_cast %get3A_974 : i32 to index
          %get3A_977 = arith.constant 48 : index
          %get3A_978 = tpu.vector_load %arg5[%get3A_975, %get3A_976, %get3A_977] {strides = array<i32>} : memref<8x32x128xf32, #tpu.memory_space<vmem>>, vector<1x1x16xf32>,
          %get3A_979 = vector.shape_cast %get3A_978 : vector<1x1x16xf32> to vector<16xf32>
          %add3A_980 = arith.addf %add3A_924, %get3A_979 : vector<16xf32>
          %get3A_981 = arith.constant 16 : i32
          %get3A_982 = arith.index_cast %scan3A_65 : i32 to index
          %get3A_983 = arith.index_cast %get3A_981 : i32 to index
          %get3A_984 = arith.constant 64 : index
          %get3A_985 = tpu.vector_load %arg5[%get3A_982, %get3A_983, %get3A_984] {strides = array<i32>} : memref<8x32x128xf32, #tpu.memory_space<vmem>>, vector<1x1x16xf32>,
          %get3A_986 = vector.shape_cast %get3A_985 : vector<1x1x16xf32> to vector<16xf32>
          %add3A_987 = arith.addf %add3A_931, %get3A_986 : vector<16xf32>
          %get3A_988 = arith.constant 16 : i32
          %get3A_989 = arith.index_cast %scan3A_65 : i32 to index
          %get3A_990 = arith.index_cast %get3A_988 : i32 to index
          %get3A_991 = arith.constant 80 : index
          %get3A_992 = tpu.vector_load %arg5[%get3A_989, %get3A_990, %get3A_991] {strides = array<i32>} : memref<8x32x128xf32, #tpu.memory_space<vmem>>, vector<1x1x16xf32>,
          %get3A_993 = vector.shape_cast %get3A_992 : vector<1x1x16xf32> to vector<16xf32>
          %add3A_994 = arith.addf %add3A_938, %get3A_993 : vector<16xf32>
          %get3A_995 = arith.constant 16 : i32
          %get3A_996 = arith.index_cast %scan3A_65 : i32 to index
          %get3A_997 = arith.index_cast %get3A_995 : i32 to index
          %get3A_998 = arith.constant 96 : index
          %get3A_999 = tpu.vector_load %arg5[%get3A_996, %get3A_997, %get3A_998] {strides = array<i32>} : memref<8x32x128xf32, #tpu.memory_space<vmem>>, vector<1x1x16xf32>,
          %get3A_1000 = vector.shape_cast %get3A_999 : vector<1x1x16xf32> to vector<16xf32>
          %add3A_1001 = arith.addf %add3A_945, %get3A_1000 : vector<16xf32>
          %get3A_1002 = arith.constant 16 : i32
          %get3A_1003 = arith.index_cast %scan3A_65 : i32 to index
          %get3A_1004 = arith.index_cast %get3A_1002 : i32 to index
          %get3A_1005 = arith.constant 112 : index
          %get3A_1006 = tpu.vector_load %arg5[%get3A_1003, %get3A_1004, %get3A_1005] {strides = array<i32>} : memref<8x32x128xf32, #tpu.memory_space<vmem>>, vector<1x1x16xf32>,
          %get3A_1007 = vector.shape_cast %get3A_1006 : vector<1x1x16xf32> to vector<16xf32>
          %add3A_1008 = arith.addf %add3A_952, %get3A_1007 : vector<16xf32>
          %get3A_1009 = arith.constant 17 : i32
          %get3A_1010 = arith.index_cast %scan3A_65 : i32 to index
          %get3A_1011 = arith.index_cast %get3A_1009 : i32 to index
          %get3A_1012 = arith.constant 0 : index
          %get3A_1013 = tpu.vector_load %arg5[%get3A_1010, %get3A_1011, %get3A_1012] {strides = array<i32>} : memref<8x32x128xf32, #tpu.memory_space<vmem>>, vector<1x1x16xf32>,
          %get3A_1014 = vector.shape_cast %get3A_1013 : vector<1x1x16xf32> to vector<16xf32>
          %add3A_1015 = arith.addf %add3A_959, %get3A_1014 : vector<16xf32>
          %get3A_1016 = arith.constant 17 : i32
          %get3A_1017 = arith.index_cast %scan3A_65 : i32 to index
          %get3A_1018 = arith.index_cast %get3A_1016 : i32 to index
          %get3A_1019 = arith.constant 16 : index
          %get3A_1020 = tpu.vector_load %arg5[%get3A_1017, %get3A_1018, %get3A_1019] {strides = array<i32>} : memref<8x32x128xf32, #tpu.memory_space<vmem>>, vector<1x1x16xf32>,
          %get3A_1021 = vector.shape_cast %get3A_1020 : vector<1x1x16xf32> to vector<16xf32>
          %add3A_1022 = arith.addf %add3A_966, %get3A_1021 : vector<16xf32>
          %get3A_1023 = arith.constant 17 : i32
          %get3A_1024 = arith.index_cast %scan3A_65 : i32 to index
          %get3A_1025 = arith.index_cast %get3A_1023 : i32 to index
          %get3A_1026 = arith.constant 32 : index
          %get3A_1027 = tpu.vector_load %arg5[%get3A_1024, %get3A_1025, %get3A_1026] {strides = array<i32>} : memref<8x32x128xf32, #tpu.memory_space<vmem>>, vector<1x1x16xf32>,
          %get3A_1028 = vector.shape_cast %get3A_1027 : vector<1x1x16xf32> to vector<16xf32>
          %add3A_1029 = arith.addf %add3A_973, %get3A_1028 : vector<16xf32>
          %get3A_1030 = arith.constant 17 : i32
          %get3A_1031 = arith.index_cast %scan3A_65 : i32 to index
          %get3A_1032 = arith.index_cast %get3A_1030 : i32 to index
          %get3A_1033 = arith.constant 48 : index
          %get3A_1034 = tpu.vector_load %arg5[%get3A_1031, %get3A_1032, %get3A_1033] {strides = array<i32>} : memref<8x32x128xf32, #tpu.memory_space<vmem>>, vector<1x1x16xf32>,
          %get3A_1035 = vector.shape_cast %get3A_1034 : vector<1x1x16xf32> to vector<16xf32>
          %add3A_1036 = arith.addf %add3A_980, %get3A_1035 : vector<16xf32>
          %get3A_1037 = arith.constant 17 : i32
          %get3A_1038 = arith.index_cast %scan3A_65 : i32 to index
          %get3A_1039 = arith.index_cast %get3A_1037 : i32 to index
          %get3A_1040 = arith.constant 64 : index
          %get3A_1041 = tpu.vector_load %arg5[%get3A_1038, %get3A_1039, %get3A_1040] {strides = array<i32>} : memref<8x32x128xf32, #tpu.memory_space<vmem>>, vector<1x1x16xf32>,
          %get3A_1042 = vector.shape_cast %get3A_1041 : vector<1x1x16xf32> to vector<16xf32>
          %add3A_1043 = arith.addf %add3A_987, %get3A_1042 : vector<16xf32>
          %get3A_1044 = arith.constant 17 : i32
          %get3A_1045 = arith.index_cast %scan3A_65 : i32 to index
          %get3A_1046 = arith.index_cast %get3A_1044 : i32 to index
          %get3A_1047 = arith.constant 80 : index
          %get3A_1048 = tpu.vector_load %arg5[%get3A_1045, %get3A_1046, %get3A_1047] {strides = array<i32>} : memref<8x32x128xf32, #tpu.memory_space<vmem>>, vector<1x1x16xf32>,
          %get3A_1049 = vector.shape_cast %get3A_1048 : vector<1x1x16xf32> to vector<16xf32>
          %add3A_1050 = arith.addf %add3A_994, %get3A_1049 : vector<16xf32>
          %get3A_1051 = arith.constant 17 : i32
          %get3A_1052 = arith.index_cast %scan3A_65 : i32 to index
          %get3A_1053 = arith.index_cast %get3A_1051 : i32 to index
          %get3A_1054 = arith.constant 96 : index
          %get3A_1055 = tpu.vector_load %arg5[%get3A_1052, %get3A_1053, %get3A_1054] {strides = array<i32>} : memref<8x32x128xf32, #tpu.memory_space<vmem>>, vector<1x1x16xf32>,
          %get3A_1056 = vector.shape_cast %get3A_1055 : vector<1x1x16xf32> to vector<16xf32>
          %add3A_1057 = arith.addf %add3A_1001, %get3A_1056 : vector<16xf32>
          %get3A_1058 = arith.constant 17 : i32
          %get3A_1059 = arith.index_cast %scan3A_65 : i32 to index
          %get3A_1060 = arith.index_cast %get3A_1058 : i32 to index
          %get3A_1061 = arith.constant 112 : index
          %get3A_1062 = tpu.vector_load %arg5[%get3A_1059, %get3A_1060, %get3A_1061] {strides = array<i32>} : memref<8x32x128xf32, #tpu.memory_space<vmem>>, vector<1x1x16xf32>,
          %get3A_1063 = vector.shape_cast %get3A_1062 : vector<1x1x16xf32> to vector<16xf32>
          %add3A_1064 = arith.addf %add3A_1008, %get3A_1063 : vector<16xf32>
          %get3A_1065 = arith.constant 18 : i32
          %get3A_1066 = arith.index_cast %scan3A_65 : i32 to index
          %get3A_1067 = arith.index_cast %get3A_1065 : i32 to index
          %get3A_1068 = arith.constant 0 : index
          %get3A_1069 = tpu.vector_load %arg5[%get3A_1066, %get3A_1067, %get3A_1068] {strides = array<i32>} : memref<8x32x128xf32, #tpu.memory_space<vmem>>, vector<1x1x16xf32>,
          %get3A_1070 = vector.shape_cast %get3A_1069 : vector<1x1x16xf32> to vector<16xf32>
          %add3A_1071 = arith.addf %add3A_1015, %get3A_1070 : vector<16xf32>
          %get3A_1072 = arith.constant 18 : i32
          %get3A_1073 = arith.index_cast %scan3A_65 : i32 to index
          %get3A_1074 = arith.index_cast %get3A_1072 : i32 to index
          %get3A_1075 = arith.constant 16 : index
          %get3A_1076 = tpu.vector_load %arg5[%get3A_1073, %get3A_1074, %get3A_1075] {strides = array<i32>} : memref<8x32x128xf32, #tpu.memory_space<vmem>>, vector<1x1x16xf32>,
          %get3A_1077 = vector.shape_cast %get3A_1076 : vector<1x1x16xf32> to vector<16xf32>
          %add3A_1078 = arith.addf %add3A_1022, %get3A_1077 : vector<16xf32>
          %get3A_1079 = arith.constant 18 : i32
          %get3A_1080 = arith.index_cast %scan3A_65 : i32 to index
          %get3A_1081 = arith.index_cast %get3A_1079 : i32 to index
          %get3A_1082 = arith.constant 32 : index
          %get3A_1083 = tpu.vector_load %arg5[%get3A_1080, %get3A_1081, %get3A_1082] {strides = array<i32>} : memref<8x32x128xf32, #tpu.memory_space<vmem>>, vector<1x1x16xf32>,
          %get3A_1084 = vector.shape_cast %get3A_1083 : vector<1x1x16xf32> to vector<16xf32>
          %add3A_1085 = arith.addf %add3A_1029, %get3A_1084 : vector<16xf32>
          %get3A_1086 = arith.constant 18 : i32
          %get3A_1087 = arith.index_cast %scan3A_65 : i32 to index
          %get3A_1088 = arith.index_cast %get3A_1086 : i32 to index
          %get3A_1089 = arith.constant 48 : index
          %get3A_1090 = tpu.vector_load %arg5[%get3A_1087, %get3A_1088, %get3A_1089] {strides = array<i32>} : memref<8x32x128xf32, #tpu.memory_space<vmem>>, vector<1x1x16xf32>,
          %get3A_1091 = vector.shape_cast %get3A_1090 : vector<1x1x16xf32> to vector<16xf32>
          %add3A_1092 = arith.addf %add3A_1036, %get3A_1091 : vector<16xf32>
          %get3A_1093 = arith.constant 18 : i32
          %get3A_1094 = arith.index_cast %scan3A_65 : i32 to index
          %get3A_1095 = arith.index_cast %get3A_1093 : i32 to index
          %get3A_1096 = arith.constant 64 : index
          %get3A_1097 = tpu.vector_load %arg5[%get3A_1094, %get3A_1095, %get3A_1096] {strides = array<i32>} : memref<8x32x128xf32, #tpu.memory_space<vmem>>, vector<1x1x16xf32>,
          %get3A_1098 = vector.shape_cast %get3A_1097 : vector<1x1x16xf32> to vector<16xf32>
          %add3A_1099 = arith.addf %add3A_1043, %get3A_1098 : vector<16xf32>
          %get3A_1100 = arith.constant 18 : i32
          %get3A_1101 = arith.index_cast %scan3A_65 : i32 to index
          %get3A_1102 = arith.index_cast %get3A_1100 : i32 to index
          %get3A_1103 = arith.constant 80 : index
          %get3A_1104 = tpu.vector_load %arg5[%get3A_1101, %get3A_1102, %get3A_1103] {strides = array<i32>} : memref<8x32x128xf32, #tpu.memory_space<vmem>>, vector<1x1x16xf32>,
          %get3A_1105 = vector.shape_cast %get3A_1104 : vector<1x1x16xf32> to vector<16xf32>
          %add3A_1106 = arith.addf %add3A_1050, %get3A_1105 : vector<16xf32>
          %get3A_1107 = arith.constant 18 : i32
          %get3A_1108 = arith.index_cast %scan3A_65 : i32 to index
          %get3A_1109 = arith.index_cast %get3A_1107 : i32 to index
          %get3A_1110 = arith.constant 96 : index
          %get3A_1111 = tpu.vector_load %arg5[%get3A_1108, %get3A_1109, %get3A_1110] {strides = array<i32>} : memref<8x32x128xf32, #tpu.memory_space<vmem>>, vector<1x1x16xf32>,
          %get3A_1112 = vector.shape_cast %get3A_1111 : vector<1x1x16xf32> to vector<16xf32>
          %add3A_1113 = arith.addf %add3A_1057, %get3A_1112 : vector<16xf32>
          %get3A_1114 = arith.constant 18 : i32
          %get3A_1115 = arith.index_cast %scan3A_65 : i32 to index
          %get3A_1116 = arith.index_cast %get3A_1114 : i32 to index
          %get3A_1117 = arith.constant 112 : index
          %get3A_1118 = tpu.vector_load %arg5[%get3A_1115, %get3A_1116, %get3A_1117] {strides = array<i32>} : memref<8x32x128xf32, #tpu.memory_space<vmem>>, vector<1x1x16xf32>,
          %get3A_1119 = vector.shape_cast %get3A_1118 : vector<1x1x16xf32> to vector<16xf32>
          %add3A_1120 = arith.addf %add3A_1064, %get3A_1119 : vector<16xf32>
          %get3A_1121 = arith.constant 19 : i32
          %get3A_1122 = arith.index_cast %scan3A_65 : i32 to index
          %get3A_1123 = arith.index_cast %get3A_1121 : i32 to index
          %get3A_1124 = arith.constant 0 : index
          %get3A_1125 = tpu.vector_load %arg5[%get3A_1122, %get3A_1123, %get3A_1124] {strides = array<i32>} : memref<8x32x128xf32, #tpu.memory_space<vmem>>, vector<1x1x16xf32>,
          %get3A_1126 = vector.shape_cast %get3A_1125 : vector<1x1x16xf32> to vector<16xf32>
          %add3A_1127 = arith.addf %add3A_1071, %get3A_1126 : vector<16xf32>
          %get3A_1128 = arith.constant 19 : i32
          %get3A_1129 = arith.index_cast %scan3A_65 : i32 to index
          %get3A_1130 = arith.index_cast %get3A_1128 : i32 to index
          %get3A_1131 = arith.constant 16 : index
          %get3A_1132 = tpu.vector_load %arg5[%get3A_1129, %get3A_1130, %get3A_1131] {strides = array<i32>} : memref<8x32x128xf32, #tpu.memory_space<vmem>>, vector<1x1x16xf32>,
          %get3A_1133 = vector.shape_cast %get3A_1132 : vector<1x1x16xf32> to vector<16xf32>
          %add3A_1134 = arith.addf %add3A_1078, %get3A_1133 : vector<16xf32>
          %get3A_1135 = arith.constant 19 : i32
          %get3A_1136 = arith.index_cast %scan3A_65 : i32 to index
          %get3A_1137 = arith.index_cast %get3A_1135 : i32 to index
          %get3A_1138 = arith.constant 32 : index
          %get3A_1139 = tpu.vector_load %arg5[%get3A_1136, %get3A_1137, %get3A_1138] {strides = array<i32>} : memref<8x32x128xf32, #tpu.memory_space<vmem>>, vector<1x1x16xf32>,
          %get3A_1140 = vector.shape_cast %get3A_1139 : vector<1x1x16xf32> to vector<16xf32>
          %add3A_1141 = arith.addf %add3A_1085, %get3A_1140 : vector<16xf32>
          %get3A_1142 = arith.constant 19 : i32
          %get3A_1143 = arith.index_cast %scan3A_65 : i32 to index
          %get3A_1144 = arith.index_cast %get3A_1142 : i32 to index
          %get3A_1145 = arith.constant 48 : index
          %get3A_1146 = tpu.vector_load %arg5[%get3A_1143, %get3A_1144, %get3A_1145] {strides = array<i32>} : memref<8x32x128xf32, #tpu.memory_space<vmem>>, vector<1x1x16xf32>,
          %get3A_1147 = vector.shape_cast %get3A_1146 : vector<1x1x16xf32> to vector<16xf32>
          %add3A_1148 = arith.addf %add3A_1092, %get3A_1147 : vector<16xf32>
          %get3A_1149 = arith.constant 19 : i32
          %get3A_1150 = arith.index_cast %scan3A_65 : i32 to index
          %get3A_1151 = arith.index_cast %get3A_1149 : i32 to index
          %get3A_1152 = arith.constant 64 : index
          %get3A_1153 = tpu.vector_load %arg5[%get3A_1150, %get3A_1151, %get3A_1152] {strides = array<i32>} : memref<8x32x128xf32, #tpu.memory_space<vmem>>, vector<1x1x16xf32>,
          %get3A_1154 = vector.shape_cast %get3A_1153 : vector<1x1x16xf32> to vector<16xf32>
          %add3A_1155 = arith.addf %add3A_1099, %get3A_1154 : vector<16xf32>
          %get3A_1156 = arith.constant 19 : i32
          %get3A_1157 = arith.index_cast %scan3A_65 : i32 to index
          %get3A_1158 = arith.index_cast %get3A_1156 : i32 to index
          %get3A_1159 = arith.constant 80 : index
          %get3A_1160 = tpu.vector_load %arg5[%get3A_1157, %get3A_1158, %get3A_1159] {strides = array<i32>} : memref<8x32x128xf32, #tpu.memory_space<vmem>>, vector<1x1x16xf32>,
          %get3A_1161 = vector.shape_cast %get3A_1160 : vector<1x1x16xf32> to vector<16xf32>
          %add3A_1162 = arith.addf %add3A_1106, %get3A_1161 : vector<16xf32>
          %get3A_1163 = arith.constant 19 : i32
          %get3A_1164 = arith.index_cast %scan3A_65 : i32 to index
          %get3A_1165 = arith.index_cast %get3A_1163 : i32 to index
          %get3A_1166 = arith.constant 96 : index
          %get3A_1167 = tpu.vector_load %arg5[%get3A_1164, %get3A_1165, %get3A_1166] {strides = array<i32>} : memref<8x32x128xf32, #tpu.memory_space<vmem>>, vector<1x1x16xf32>,
          %get3A_1168 = vector.shape_cast %get3A_1167 : vector<1x1x16xf32> to vector<16xf32>
          %add3A_1169 = arith.addf %add3A_1113, %get3A_1168 : vector<16xf32>
          %get3A_1170 = arith.constant 19 : i32
          %get3A_1171 = arith.index_cast %scan3A_65 : i32 to index
          %get3A_1172 = arith.index_cast %get3A_1170 : i32 to index
          %get3A_1173 = arith.constant 112 : index
          %get3A_1174 = tpu.vector_load %arg5[%get3A_1171, %get3A_1172, %get3A_1173] {strides = array<i32>} : memref<8x32x128xf32, #tpu.memory_space<vmem>>, vector<1x1x16xf32>,
          %get3A_1175 = vector.shape_cast %get3A_1174 : vector<1x1x16xf32> to vector<16xf32>
          %add3A_1176 = arith.addf %add3A_1120, %get3A_1175 : vector<16xf32>
          %get3A_1177 = arith.constant 20 : i32
          %get3A_1178 = arith.index_cast %scan3A_65 : i32 to index
          %get3A_1179 = arith.index_cast %get3A_1177 : i32 to index
          %get3A_1180 = arith.constant 0 : index
          %get3A_1181 = tpu.vector_load %arg5[%get3A_1178, %get3A_1179, %get3A_1180] {strides = array<i32>} : memref<8x32x128xf32, #tpu.memory_space<vmem>>, vector<1x1x16xf32>,
          %get3A_1182 = vector.shape_cast %get3A_1181 : vector<1x1x16xf32> to vector<16xf32>
          %add3A_1183 = arith.addf %add3A_1127, %get3A_1182 : vector<16xf32>
          %get3A_1184 = arith.constant 20 : i32
          %get3A_1185 = arith.index_cast %scan3A_65 : i32 to index
          %get3A_1186 = arith.index_cast %get3A_1184 : i32 to index
          %get3A_1187 = arith.constant 16 : index
          %get3A_1188 = tpu.vector_load %arg5[%get3A_1185, %get3A_1186, %get3A_1187] {strides = array<i32>} : memref<8x32x128xf32, #tpu.memory_space<vmem>>, vector<1x1x16xf32>,
          %get3A_1189 = vector.shape_cast %get3A_1188 : vector<1x1x16xf32> to vector<16xf32>
          %add3A_1190 = arith.addf %add3A_1134, %get3A_1189 : vector<16xf32>
          %get3A_1191 = arith.constant 20 : i32
          %get3A_1192 = arith.index_cast %scan3A_65 : i32 to index
          %get3A_1193 = arith.index_cast %get3A_1191 : i32 to index
          %get3A_1194 = arith.constant 32 : index
          %get3A_1195 = tpu.vector_load %arg5[%get3A_1192, %get3A_1193, %get3A_1194] {strides = array<i32>} : memref<8x32x128xf32, #tpu.memory_space<vmem>>, vector<1x1x16xf32>,
          %get3A_1196 = vector.shape_cast %get3A_1195 : vector<1x1x16xf32> to vector<16xf32>
          %add3A_1197 = arith.addf %add3A_1141, %get3A_1196 : vector<16xf32>
          %get3A_1198 = arith.constant 20 : i32
          %get3A_1199 = arith.index_cast %scan3A_65 : i32 to index
          %get3A_1200 = arith.index_cast %get3A_1198 : i32 to index
          %get3A_1201 = arith.constant 48 : index
          %get3A_1202 = tpu.vector_load %arg5[%get3A_1199, %get3A_1200, %get3A_1201] {strides = array<i32>} : memref<8x32x128xf32, #tpu.memory_space<vmem>>, vector<1x1x16xf32>,
          %get3A_1203 = vector.shape_cast %get3A_1202 : vector<1x1x16xf32> to vector<16xf32>
          %add3A_1204 = arith.addf %add3A_1148, %get3A_1203 : vector<16xf32>
          %get3A_1205 = arith.constant 20 : i32
          %get3A_1206 = arith.index_cast %scan3A_65 : i32 to index
          %get3A_1207 = arith.index_cast %get3A_1205 : i32 to index
          %get3A_1208 = arith.constant 64 : index
          %get3A_1209 = tpu.vector_load %arg5[%get3A_1206, %get3A_1207, %get3A_1208] {strides = array<i32>} : memref<8x32x128xf32, #tpu.memory_space<vmem>>, vector<1x1x16xf32>,
          %get3A_1210 = vector.shape_cast %get3A_1209 : vector<1x1x16xf32> to vector<16xf32>
          %add3A_1211 = arith.addf %add3A_1155, %get3A_1210 : vector<16xf32>
          %get3A_1212 = arith.constant 20 : i32
          %get3A_1213 = arith.index_cast %scan3A_65 : i32 to index
          %get3A_1214 = arith.index_cast %get3A_1212 : i32 to index
          %get3A_1215 = arith.constant 80 : index
          %get3A_1216 = tpu.vector_load %arg5[%get3A_1213, %get3A_1214, %get3A_1215] {strides = array<i32>} : memref<8x32x128xf32, #tpu.memory_space<vmem>>, vector<1x1x16xf32>,
          %get3A_1217 = vector.shape_cast %get3A_1216 : vector<1x1x16xf32> to vector<16xf32>
          %add3A_1218 = arith.addf %add3A_1162, %get3A_1217 : vector<16xf32>
          %get3A_1219 = arith.constant 20 : i32
          %get3A_1220 = arith.index_cast %scan3A_65 : i32 to index
          %get3A_1221 = arith.index_cast %get3A_1219 : i32 to index
          %get3A_1222 = arith.constant 96 : index
          %get3A_1223 = tpu.vector_load %arg5[%get3A_1220, %get3A_1221, %get3A_1222] {strides = array<i32>} : memref<8x32x128xf32, #tpu.memory_space<vmem>>, vector<1x1x16xf32>,
          %get3A_1224 = vector.shape_cast %get3A_1223 : vector<1x1x16xf32> to vector<16xf32>
          %add3A_1225 = arith.addf %add3A_1169, %get3A_1224 : vector<16xf32>
          %get3A_1226 = arith.constant 20 : i32
          %get3A_1227 = arith.index_cast %scan3A_65 : i32 to index
          %get3A_1228 = arith.index_cast %get3A_1226 : i32 to index
          %get3A_1229 = arith.constant 112 : index
          %get3A_1230 = tpu.vector_load %arg5[%get3A_1227, %get3A_1228, %get3A_1229] {strides = array<i32>} : memref<8x32x128xf32, #tpu.memory_space<vmem>>, vector<1x1x16xf32>,
          %get3A_1231 = vector.shape_cast %get3A_1230 : vector<1x1x16xf32> to vector<16xf32>
          %add3A_1232 = arith.addf %add3A_1176, %get3A_1231 : vector<16xf32>
          %get3A_1233 = arith.constant 21 : i32
          %get3A_1234 = arith.index_cast %scan3A_65 : i32 to index
          %get3A_1235 = arith.index_cast %get3A_1233 : i32 to index
          %get3A_1236 = arith.constant 0 : index
          %get3A_1237 = tpu.vector_load %arg5[%get3A_1234, %get3A_1235, %get3A_1236] {strides = array<i32>} : memref<8x32x128xf32, #tpu.memory_space<vmem>>, vector<1x1x16xf32>,
          %get3A_1238 = vector.shape_cast %get3A_1237 : vector<1x1x16xf32> to vector<16xf32>
          %add3A_1239 = arith.addf %add3A_1183, %get3A_1238 : vector<16xf32>
          %get3A_1240 = arith.constant 21 : i32
          %get3A_1241 = arith.index_cast %scan3A_65 : i32 to index
          %get3A_1242 = arith.index_cast %get3A_1240 : i32 to index
          %get3A_1243 = arith.constant 16 : index
          %get3A_1244 = tpu.vector_load %arg5[%get3A_1241, %get3A_1242, %get3A_1243] {strides = array<i32>} : memref<8x32x128xf32, #tpu.memory_space<vmem>>, vector<1x1x16xf32>,
          %get3A_1245 = vector.shape_cast %get3A_1244 : vector<1x1x16xf32> to vector<16xf32>
          %add3A_1246 = arith.addf %add3A_1190, %get3A_1245 : vector<16xf32>
          %get3A_1247 = arith.constant 21 : i32
          %get3A_1248 = arith.index_cast %scan3A_65 : i32 to index
          %get3A_1249 = arith.index_cast %get3A_1247 : i32 to index
          %get3A_1250 = arith.constant 32 : index
          %get3A_1251 = tpu.vector_load %arg5[%get3A_1248, %get3A_1249, %get3A_1250] {strides = array<i32>} : memref<8x32x128xf32, #tpu.memory_space<vmem>>, vector<1x1x16xf32>,
          %get3A_1252 = vector.shape_cast %get3A_1251 : vector<1x1x16xf32> to vector<16xf32>
          %add3A_1253 = arith.addf %add3A_1197, %get3A_1252 : vector<16xf32>
          %get3A_1254 = arith.constant 21 : i32
          %get3A_1255 = arith.index_cast %scan3A_65 : i32 to index
          %get3A_1256 = arith.index_cast %get3A_1254 : i32 to index
          %get3A_1257 = arith.constant 48 : index
          %get3A_1258 = tpu.vector_load %arg5[%get3A_1255, %get3A_1256, %get3A_1257] {strides = array<i32>} : memref<8x32x128xf32, #tpu.memory_space<vmem>>, vector<1x1x16xf32>,
          %get3A_1259 = vector.shape_cast %get3A_1258 : vector<1x1x16xf32> to vector<16xf32>
          %add3A_1260 = arith.addf %add3A_1204, %get3A_1259 : vector<16xf32>
          %get3A_1261 = arith.constant 21 : i32
          %get3A_1262 = arith.index_cast %scan3A_65 : i32 to index
          %get3A_1263 = arith.index_cast %get3A_1261 : i32 to index
          %get3A_1264 = arith.constant 64 : index
          %get3A_1265 = tpu.vector_load %arg5[%get3A_1262, %get3A_1263, %get3A_1264] {strides = array<i32>} : memref<8x32x128xf32, #tpu.memory_space<vmem>>, vector<1x1x16xf32>,
          %get3A_1266 = vector.shape_cast %get3A_1265 : vector<1x1x16xf32> to vector<16xf32>
          %add3A_1267 = arith.addf %add3A_1211, %get3A_1266 : vector<16xf32>
          %get3A_1268 = arith.constant 21 : i32
          %get3A_1269 = arith.index_cast %scan3A_65 : i32 to index
          %get3A_1270 = arith.index_cast %get3A_1268 : i32 to index
          %get3A_1271 = arith.constant 80 : index
          %get3A_1272 = tpu.vector_load %arg5[%get3A_1269, %get3A_1270, %get3A_1271] {strides = array<i32>} : memref<8x32x128xf32, #tpu.memory_space<vmem>>, vector<1x1x16xf32>,
          %get3A_1273 = vector.shape_cast %get3A_1272 : vector<1x1x16xf32> to vector<16xf32>
          %add3A_1274 = arith.addf %add3A_1218, %get3A_1273 : vector<16xf32>
          %get3A_1275 = arith.constant 21 : i32
          %get3A_1276 = arith.index_cast %scan3A_65 : i32 to index
          %get3A_1277 = arith.index_cast %get3A_1275 : i32 to index
          %get3A_1278 = arith.constant 96 : index
          %get3A_1279 = tpu.vector_load %arg5[%get3A_1276, %get3A_1277, %get3A_1278] {strides = array<i32>} : memref<8x32x128xf32, #tpu.memory_space<vmem>>, vector<1x1x16xf32>,
          %get3A_1280 = vector.shape_cast %get3A_1279 : vector<1x1x16xf32> to vector<16xf32>
          %add3A_1281 = arith.addf %add3A_1225, %get3A_1280 : vector<16xf32>
          %get3A_1282 = arith.constant 21 : i32
          %get3A_1283 = arith.index_cast %scan3A_65 : i32 to index
          %get3A_1284 = arith.index_cast %get3A_1282 : i32 to index
          %get3A_1285 = arith.constant 112 : index
          %get3A_1286 = tpu.vector_load %arg5[%get3A_1283, %get3A_1284, %get3A_1285] {strides = array<i32>} : memref<8x32x128xf32, #tpu.memory_space<vmem>>, vector<1x1x16xf32>,
          %get3A_1287 = vector.shape_cast %get3A_1286 : vector<1x1x16xf32> to vector<16xf32>
          %add3A_1288 = arith.addf %add3A_1232, %get3A_1287 : vector<16xf32>
          %get3A_1289 = arith.constant 22 : i32
          %get3A_1290 = arith.index_cast %scan3A_65 : i32 to index
          %get3A_1291 = arith.index_cast %get3A_1289 : i32 to index
          %get3A_1292 = arith.constant 0 : index
          %get3A_1293 = tpu.vector_load %arg5[%get3A_1290, %get3A_1291, %get3A_1292] {strides = array<i32>} : memref<8x32x128xf32, #tpu.memory_space<vmem>>, vector<1x1x16xf32>,
          %get3A_1294 = vector.shape_cast %get3A_1293 : vector<1x1x16xf32> to vector<16xf32>
          %add3A_1295 = arith.addf %add3A_1239, %get3A_1294 : vector<16xf32>
          %get3A_1296 = arith.constant 22 : i32
          %get3A_1297 = arith.index_cast %scan3A_65 : i32 to index
          %get3A_1298 = arith.index_cast %get3A_1296 : i32 to index
          %get3A_1299 = arith.constant 16 : index
          %get3A_1300 = tpu.vector_load %arg5[%get3A_1297, %get3A_1298, %get3A_1299] {strides = array<i32>} : memref<8x32x128xf32, #tpu.memory_space<vmem>>, vector<1x1x16xf32>,
          %get3A_1301 = vector.shape_cast %get3A_1300 : vector<1x1x16xf32> to vector<16xf32>
          %add3A_1302 = arith.addf %add3A_1246, %get3A_1301 : vector<16xf32>
          %get3A_1303 = arith.constant 22 : i32
          %get3A_1304 = arith.index_cast %scan3A_65 : i32 to index
          %get3A_1305 = arith.index_cast %get3A_1303 : i32 to index
          %get3A_1306 = arith.constant 32 : index
          %get3A_1307 = tpu.vector_load %arg5[%get3A_1304, %get3A_1305, %get3A_1306] {strides = array<i32>} : memref<8x32x128xf32, #tpu.memory_space<vmem>>, vector<1x1x16xf32>,
          %get3A_1308 = vector.shape_cast %get3A_1307 : vector<1x1x16xf32> to vector<16xf32>
          %add3A_1309 = arith.addf %add3A_1253, %get3A_1308 : vector<16xf32>
          %get3A_1310 = arith.constant 22 : i32
          %get3A_1311 = arith.index_cast %scan3A_65 : i32 to index
          %get3A_1312 = arith.index_cast %get3A_1310 : i32 to index
          %get3A_1313 = arith.constant 48 : index
          %get3A_1314 = tpu.vector_load %arg5[%get3A_1311, %get3A_1312, %get3A_1313] {strides = array<i32>} : memref<8x32x128xf32, #tpu.memory_space<vmem>>, vector<1x1x16xf32>,
          %get3A_1315 = vector.shape_cast %get3A_1314 : vector<1x1x16xf32> to vector<16xf32>
          %add3A_1316 = arith.addf %add3A_1260, %get3A_1315 : vector<16xf32>
          %get3A_1317 = arith.constant 22 : i32
          %get3A_1318 = arith.index_cast %scan3A_65 : i32 to index
          %get3A_1319 = arith.index_cast %get3A_1317 : i32 to index
          %get3A_1320 = arith.constant 64 : index
          %get3A_1321 = tpu.vector_load %arg5[%get3A_1318, %get3A_1319, %get3A_1320] {strides = array<i32>} : memref<8x32x128xf32, #tpu.memory_space<vmem>>, vector<1x1x16xf32>,
          %get3A_1322 = vector.shape_cast %get3A_1321 : vector<1x1x16xf32> to vector<16xf32>
          %add3A_1323 = arith.addf %add3A_1267, %get3A_1322 : vector<16xf32>
          %get3A_1324 = arith.constant 22 : i32
          %get3A_1325 = arith.index_cast %scan3A_65 : i32 to index
          %get3A_1326 = arith.index_cast %get3A_1324 : i32 to index
          %get3A_1327 = arith.constant 80 : index
          %get3A_1328 = tpu.vector_load %arg5[%get3A_1325, %get3A_1326, %get3A_1327] {strides = array<i32>} : memref<8x32x128xf32, #tpu.memory_space<vmem>>, vector<1x1x16xf32>,
          %get3A_1329 = vector.shape_cast %get3A_1328 : vector<1x1x16xf32> to vector<16xf32>
          %add3A_1330 = arith.addf %add3A_1274, %get3A_1329 : vector<16xf32>
          %get3A_1331 = arith.constant 22 : i32
          %get3A_1332 = arith.index_cast %scan3A_65 : i32 to index
          %get3A_1333 = arith.index_cast %get3A_1331 : i32 to index
          %get3A_1334 = arith.constant 96 : index
          %get3A_1335 = tpu.vector_load %arg5[%get3A_1332, %get3A_1333, %get3A_1334] {strides = array<i32>} : memref<8x32x128xf32, #tpu.memory_space<vmem>>, vector<1x1x16xf32>,
          %get3A_1336 = vector.shape_cast %get3A_1335 : vector<1x1x16xf32> to vector<16xf32>
          %add3A_1337 = arith.addf %add3A_1281, %get3A_1336 : vector<16xf32>
          %get3A_1338 = arith.constant 22 : i32
          %get3A_1339 = arith.index_cast %scan3A_65 : i32 to index
          %get3A_1340 = arith.index_cast %get3A_1338 : i32 to index
          %get3A_1341 = arith.constant 112 : index
          %get3A_1342 = tpu.vector_load %arg5[%get3A_1339, %get3A_1340, %get3A_1341] {strides = array<i32>} : memref<8x32x128xf32, #tpu.memory_space<vmem>>, vector<1x1x16xf32>,
          %get3A_1343 = vector.shape_cast %get3A_1342 : vector<1x1x16xf32> to vector<16xf32>
          %add3A_1344 = arith.addf %add3A_1288, %get3A_1343 : vector<16xf32>
          %get3A_1345 = arith.constant 23 : i32
          %get3A_1346 = arith.index_cast %scan3A_65 : i32 to index
          %get3A_1347 = arith.index_cast %get3A_1345 : i32 to index
          %get3A_1348 = arith.constant 0 : index
          %get3A_1349 = tpu.vector_load %arg5[%get3A_1346, %get3A_1347, %get3A_1348] {strides = array<i32>} : memref<8x32x128xf32, #tpu.memory_space<vmem>>, vector<1x1x16xf32>,
          %get3A_1350 = vector.shape_cast %get3A_1349 : vector<1x1x16xf32> to vector<16xf32>
          %add3A_1351 = arith.addf %add3A_1295, %get3A_1350 : vector<16xf32>
          %get3A_1352 = arith.constant 23 : i32
          %get3A_1353 = arith.index_cast %scan3A_65 : i32 to index
          %get3A_1354 = arith.index_cast %get3A_1352 : i32 to index
          %get3A_1355 = arith.constant 16 : index
          %get3A_1356 = tpu.vector_load %arg5[%get3A_1353, %get3A_1354, %get3A_1355] {strides = array<i32>} : memref<8x32x128xf32, #tpu.memory_space<vmem>>, vector<1x1x16xf32>,
          %get3A_1357 = vector.shape_cast %get3A_1356 : vector<1x1x16xf32> to vector<16xf32>
          %add3A_1358 = arith.addf %add3A_1302, %get3A_1357 : vector<16xf32>
          %get3A_1359 = arith.constant 23 : i32
          %get3A_1360 = arith.index_cast %scan3A_65 : i32 to index
          %get3A_1361 = arith.index_cast %get3A_1359 : i32 to index
          %get3A_1362 = arith.constant 32 : index
          %get3A_1363 = tpu.vector_load %arg5[%get3A_1360, %get3A_1361, %get3A_1362] {strides = array<i32>} : memref<8x32x128xf32, #tpu.memory_space<vmem>>, vector<1x1x16xf32>,
          %get3A_1364 = vector.shape_cast %get3A_1363 : vector<1x1x16xf32> to vector<16xf32>
          %add3A_1365 = arith.addf %add3A_1309, %get3A_1364 : vector<16xf32>
          %get3A_1366 = arith.constant 23 : i32
          %get3A_1367 = arith.index_cast %scan3A_65 : i32 to index
          %get3A_1368 = arith.index_cast %get3A_1366 : i32 to index
          %get3A_1369 = arith.constant 48 : index
          %get3A_1370 = tpu.vector_load %arg5[%get3A_1367, %get3A_1368, %get3A_1369] {strides = array<i32>} : memref<8x32x128xf32, #tpu.memory_space<vmem>>, vector<1x1x16xf32>,
          %get3A_1371 = vector.shape_cast %get3A_1370 : vector<1x1x16xf32> to vector<16xf32>
          %add3A_1372 = arith.addf %add3A_1316, %get3A_1371 : vector<16xf32>
          %get3A_1373 = arith.constant 23 : i32
          %get3A_1374 = arith.index_cast %scan3A_65 : i32 to index
          %get3A_1375 = arith.index_cast %get3A_1373 : i32 to index
          %get3A_1376 = arith.constant 64 : index
          %get3A_1377 = tpu.vector_load %arg5[%get3A_1374, %get3A_1375, %get3A_1376] {strides = array<i32>} : memref<8x32x128xf32, #tpu.memory_space<vmem>>, vector<1x1x16xf32>,
          %get3A_1378 = vector.shape_cast %get3A_1377 : vector<1x1x16xf32> to vector<16xf32>
          %add3A_1379 = arith.addf %add3A_1323, %get3A_1378 : vector<16xf32>
          %get3A_1380 = arith.constant 23 : i32
          %get3A_1381 = arith.index_cast %scan3A_65 : i32 to index
          %get3A_1382 = arith.index_cast %get3A_1380 : i32 to index
          %get3A_1383 = arith.constant 80 : index
          %get3A_1384 = tpu.vector_load %arg5[%get3A_1381, %get3A_1382, %get3A_1383] {strides = array<i32>} : memref<8x32x128xf32, #tpu.memory_space<vmem>>, vector<1x1x16xf32>,
          %get3A_1385 = vector.shape_cast %get3A_1384 : vector<1x1x16xf32> to vector<16xf32>
          %add3A_1386 = arith.addf %add3A_1330, %get3A_1385 : vector<16xf32>
          %get3A_1387 = arith.constant 23 : i32
          %get3A_1388 = arith.index_cast %scan3A_65 : i32 to index
          %get3A_1389 = arith.index_cast %get3A_1387 : i32 to index
          %get3A_1390 = arith.constant 96 : index
          %get3A_1391 = tpu.vector_load %arg5[%get3A_1388, %get3A_1389, %get3A_1390] {strides = array<i32>} : memref<8x32x128xf32, #tpu.memory_space<vmem>>, vector<1x1x16xf32>,
          %get3A_1392 = vector.shape_cast %get3A_1391 : vector<1x1x16xf32> to vector<16xf32>
          %add3A_1393 = arith.addf %add3A_1337, %get3A_1392 : vector<16xf32>
          %get3A_1394 = arith.constant 23 : i32
          %get3A_1395 = arith.index_cast %scan3A_65 : i32 to index
          %get3A_1396 = arith.index_cast %get3A_1394 : i32 to index
          %get3A_1397 = arith.constant 112 : index
          %get3A_1398 = tpu.vector_load %arg5[%get3A_1395, %get3A_1396, %get3A_1397] {strides = array<i32>} : memref<8x32x128xf32, #tpu.memory_space<vmem>>, vector<1x1x16xf32>,
          %get3A_1399 = vector.shape_cast %get3A_1398 : vector<1x1x16xf32> to vector<16xf32>
          %add3A_1400 = arith.addf %add3A_1344, %get3A_1399 : vector<16xf32>
          %get3A_1401 = arith.constant 24 : i32
          %get3A_1402 = arith.index_cast %scan3A_65 : i32 to index
          %get3A_1403 = arith.index_cast %get3A_1401 : i32 to index
          %get3A_1404 = arith.constant 0 : index
          %get3A_1405 = tpu.vector_load %arg5[%get3A_1402, %get3A_1403, %get3A_1404] {strides = array<i32>} : memref<8x32x128xf32, #tpu.memory_space<vmem>>, vector<1x1x16xf32>,
          %get3A_1406 = vector.shape_cast %get3A_1405 : vector<1x1x16xf32> to vector<16xf32>
          %add3A_1407 = arith.addf %add3A_1351, %get3A_1406 : vector<16xf32>
          %get3A_1408 = arith.constant 24 : i32
          %get3A_1409 = arith.index_cast %scan3A_65 : i32 to index
          %get3A_1410 = arith.index_cast %get3A_1408 : i32 to index
          %get3A_1411 = arith.constant 16 : index
          %get3A_1412 = tpu.vector_load %arg5[%get3A_1409, %get3A_1410, %get3A_1411] {strides = array<i32>} : memref<8x32x128xf32, #tpu.memory_space<vmem>>, vector<1x1x16xf32>,
          %get3A_1413 = vector.shape_cast %get3A_1412 : vector<1x1x16xf32> to vector<16xf32>
          %add3A_1414 = arith.addf %add3A_1358, %get3A_1413 : vector<16xf32>
          %get3A_1415 = arith.constant 24 : i32
          %get3A_1416 = arith.index_cast %scan3A_65 : i32 to index
          %get3A_1417 = arith.index_cast %get3A_1415 : i32 to index
          %get3A_1418 = arith.constant 32 : index
          %get3A_1419 = tpu.vector_load %arg5[%get3A_1416, %get3A_1417, %get3A_1418] {strides = array<i32>} : memref<8x32x128xf32, #tpu.memory_space<vmem>>, vector<1x1x16xf32>,
          %get3A_1420 = vector.shape_cast %get3A_1419 : vector<1x1x16xf32> to vector<16xf32>
          %add3A_1421 = arith.addf %add3A_1365, %get3A_1420 : vector<16xf32>
          %get3A_1422 = arith.constant 24 : i32
          %get3A_1423 = arith.index_cast %scan3A_65 : i32 to index
          %get3A_1424 = arith.index_cast %get3A_1422 : i32 to index
          %get3A_1425 = arith.constant 48 : index
          %get3A_1426 = tpu.vector_load %arg5[%get3A_1423, %get3A_1424, %get3A_1425] {strides = array<i32>} : memref<8x32x128xf32, #tpu.memory_space<vmem>>, vector<1x1x16xf32>,
          %get3A_1427 = vector.shape_cast %get3A_1426 : vector<1x1x16xf32> to vector<16xf32>
          %add3A_1428 = arith.addf %add3A_1372, %get3A_1427 : vector<16xf32>
          %get3A_1429 = arith.constant 24 : i32
          %get3A_1430 = arith.index_cast %scan3A_65 : i32 to index
          %get3A_1431 = arith.index_cast %get3A_1429 : i32 to index
          %get3A_1432 = arith.constant 64 : index
          %get3A_1433 = tpu.vector_load %arg5[%get3A_1430, %get3A_1431, %get3A_1432] {strides = array<i32>} : memref<8x32x128xf32, #tpu.memory_space<vmem>>, vector<1x1x16xf32>,
          %get3A_1434 = vector.shape_cast %get3A_1433 : vector<1x1x16xf32> to vector<16xf32>
          %add3A_1435 = arith.addf %add3A_1379, %get3A_1434 : vector<16xf32>
          %get3A_1436 = arith.constant 24 : i32
          %get3A_1437 = arith.index_cast %scan3A_65 : i32 to index
          %get3A_1438 = arith.index_cast %get3A_1436 : i32 to index
          %get3A_1439 = arith.constant 80 : index
          %get3A_1440 = tpu.vector_load %arg5[%get3A_1437, %get3A_1438, %get3A_1439] {strides = array<i32>} : memref<8x32x128xf32, #tpu.memory_space<vmem>>, vector<1x1x16xf32>,
          %get3A_1441 = vector.shape_cast %get3A_1440 : vector<1x1x16xf32> to vector<16xf32>
          %add3A_1442 = arith.addf %add3A_1386, %get3A_1441 : vector<16xf32>
          %get3A_1443 = arith.constant 24 : i32
          %get3A_1444 = arith.index_cast %scan3A_65 : i32 to index
          %get3A_1445 = arith.index_cast %get3A_1443 : i32 to index
          %get3A_1446 = arith.constant 96 : index
          %get3A_1447 = tpu.vector_load %arg5[%get3A_1444, %get3A_1445, %get3A_1446] {strides = array<i32>} : memref<8x32x128xf32, #tpu.memory_space<vmem>>, vector<1x1x16xf32>,
          %get3A_1448 = vector.shape_cast %get3A_1447 : vector<1x1x16xf32> to vector<16xf32>
          %add3A_1449 = arith.addf %add3A_1393, %get3A_1448 : vector<16xf32>
          %get3A_1450 = arith.constant 24 : i32
          %get3A_1451 = arith.index_cast %scan3A_65 : i32 to index
          %get3A_1452 = arith.index_cast %get3A_1450 : i32 to index
          %get3A_1453 = arith.constant 112 : index
          %get3A_1454 = tpu.vector_load %arg5[%get3A_1451, %get3A_1452, %get3A_1453] {strides = array<i32>} : memref<8x32x128xf32, #tpu.memory_space<vmem>>, vector<1x1x16xf32>,
          %get3A_1455 = vector.shape_cast %get3A_1454 : vector<1x1x16xf32> to vector<16xf32>
          %add3A_1456 = arith.addf %add3A_1400, %get3A_1455 : vector<16xf32>
          %get3A_1457 = arith.constant 25 : i32
          %get3A_1458 = arith.index_cast %scan3A_65 : i32 to index
          %get3A_1459 = arith.index_cast %get3A_1457 : i32 to index
          %get3A_1460 = arith.constant 0 : index
          %get3A_1461 = tpu.vector_load %arg5[%get3A_1458, %get3A_1459, %get3A_1460] {strides = array<i32>} : memref<8x32x128xf32, #tpu.memory_space<vmem>>, vector<1x1x16xf32>,
          %get3A_1462 = vector.shape_cast %get3A_1461 : vector<1x1x16xf32> to vector<16xf32>
          %add3A_1463 = arith.addf %add3A_1407, %get3A_1462 : vector<16xf32>
          %get3A_1464 = arith.constant 25 : i32
          %get3A_1465 = arith.index_cast %scan3A_65 : i32 to index
          %get3A_1466 = arith.index_cast %get3A_1464 : i32 to index
          %get3A_1467 = arith.constant 16 : index
          %get3A_1468 = tpu.vector_load %arg5[%get3A_1465, %get3A_1466, %get3A_1467] {strides = array<i32>} : memref<8x32x128xf32, #tpu.memory_space<vmem>>, vector<1x1x16xf32>,
          %get3A_1469 = vector.shape_cast %get3A_1468 : vector<1x1x16xf32> to vector<16xf32>
          %add3A_1470 = arith.addf %add3A_1414, %get3A_1469 : vector<16xf32>
          %get3A_1471 = arith.constant 25 : i32
          %get3A_1472 = arith.index_cast %scan3A_65 : i32 to index
          %get3A_1473 = arith.index_cast %get3A_1471 : i32 to index
          %get3A_1474 = arith.constant 32 : index
          %get3A_1475 = tpu.vector_load %arg5[%get3A_1472, %get3A_1473, %get3A_1474] {strides = array<i32>} : memref<8x32x128xf32, #tpu.memory_space<vmem>>, vector<1x1x16xf32>,
          %get3A_1476 = vector.shape_cast %get3A_1475 : vector<1x1x16xf32> to vector<16xf32>
          %add3A_1477 = arith.addf %add3A_1421, %get3A_1476 : vector<16xf32>
          %get3A_1478 = arith.constant 25 : i32
          %get3A_1479 = arith.index_cast %scan3A_65 : i32 to index
          %get3A_1480 = arith.index_cast %get3A_1478 : i32 to index
          %get3A_1481 = arith.constant 48 : index
          %get3A_1482 = tpu.vector_load %arg5[%get3A_1479, %get3A_1480, %get3A_1481] {strides = array<i32>} : memref<8x32x128xf32, #tpu.memory_space<vmem>>, vector<1x1x16xf32>,
          %get3A_1483 = vector.shape_cast %get3A_1482 : vector<1x1x16xf32> to vector<16xf32>
          %add3A_1484 = arith.addf %add3A_1428, %get3A_1483 : vector<16xf32>
          %get3A_1485 = arith.constant 25 : i32
          %get3A_1486 = arith.index_cast %scan3A_65 : i32 to index
          %get3A_1487 = arith.index_cast %get3A_1485 : i32 to index
          %get3A_1488 = arith.constant 64 : index
          %get3A_1489 = tpu.vector_load %arg5[%get3A_1486, %get3A_1487, %get3A_1488] {strides = array<i32>} : memref<8x32x128xf32, #tpu.memory_space<vmem>>, vector<1x1x16xf32>,
          %get3A_1490 = vector.shape_cast %get3A_1489 : vector<1x1x16xf32> to vector<16xf32>
          %add3A_1491 = arith.addf %add3A_1435, %get3A_1490 : vector<16xf32>
          %get3A_1492 = arith.constant 25 : i32
          %get3A_1493 = arith.index_cast %scan3A_65 : i32 to index
          %get3A_1494 = arith.index_cast %get3A_1492 : i32 to index
          %get3A_1495 = arith.constant 80 : index
          %get3A_1496 = tpu.vector_load %arg5[%get3A_1493, %get3A_1494, %get3A_1495] {strides = array<i32>} : memref<8x32x128xf32, #tpu.memory_space<vmem>>, vector<1x1x16xf32>,
          %get3A_1497 = vector.shape_cast %get3A_1496 : vector<1x1x16xf32> to vector<16xf32>
          %add3A_1498 = arith.addf %add3A_1442, %get3A_1497 : vector<16xf32>
          %get3A_1499 = arith.constant 25 : i32
          %get3A_1500 = arith.index_cast %scan3A_65 : i32 to index
          %get3A_1501 = arith.index_cast %get3A_1499 : i32 to index
          %get3A_1502 = arith.constant 96 : index
          %get3A_1503 = tpu.vector_load %arg5[%get3A_1500, %get3A_1501, %get3A_1502] {strides = array<i32>} : memref<8x32x128xf32, #tpu.memory_space<vmem>>, vector<1x1x16xf32>,
          %get3A_1504 = vector.shape_cast %get3A_1503 : vector<1x1x16xf32> to vector<16xf32>
          %add3A_1505 = arith.addf %add3A_1449, %get3A_1504 : vector<16xf32>
          %get3A_1506 = arith.constant 25 : i32
          %get3A_1507 = arith.index_cast %scan3A_65 : i32 to index
          %get3A_1508 = arith.index_cast %get3A_1506 : i32 to index
          %get3A_1509 = arith.constant 112 : index
          %get3A_1510 = tpu.vector_load %arg5[%get3A_1507, %get3A_1508, %get3A_1509] {strides = array<i32>} : memref<8x32x128xf32, #tpu.memory_space<vmem>>, vector<1x1x16xf32>,
          %get3A_1511 = vector.shape_cast %get3A_1510 : vector<1x1x16xf32> to vector<16xf32>
          %add3A_1512 = arith.addf %add3A_1456, %get3A_1511 : vector<16xf32>
          %get3A_1513 = arith.constant 26 : i32
          %get3A_1514 = arith.index_cast %scan3A_65 : i32 to index
          %get3A_1515 = arith.index_cast %get3A_1513 : i32 to index
          %get3A_1516 = arith.constant 0 : index
          %get3A_1517 = tpu.vector_load %arg5[%get3A_1514, %get3A_1515, %get3A_1516] {strides = array<i32>} : memref<8x32x128xf32, #tpu.memory_space<vmem>>, vector<1x1x16xf32>,
          %get3A_1518 = vector.shape_cast %get3A_1517 : vector<1x1x16xf32> to vector<16xf32>
          %add3A_1519 = arith.addf %add3A_1463, %get3A_1518 : vector<16xf32>
          %get3A_1520 = arith.constant 26 : i32
          %get3A_1521 = arith.index_cast %scan3A_65 : i32 to index
          %get3A_1522 = arith.index_cast %get3A_1520 : i32 to index
          %get3A_1523 = arith.constant 16 : index
          %get3A_1524 = tpu.vector_load %arg5[%get3A_1521, %get3A_1522, %get3A_1523] {strides = array<i32>} : memref<8x32x128xf32, #tpu.memory_space<vmem>>, vector<1x1x16xf32>,
          %get3A_1525 = vector.shape_cast %get3A_1524 : vector<1x1x16xf32> to vector<16xf32>
          %add3A_1526 = arith.addf %add3A_1470, %get3A_1525 : vector<16xf32>
          %get3A_1527 = arith.constant 26 : i32
          %get3A_1528 = arith.index_cast %scan3A_65 : i32 to index
          %get3A_1529 = arith.index_cast %get3A_1527 : i32 to index
          %get3A_1530 = arith.constant 32 : index
          %get3A_1531 = tpu.vector_load %arg5[%get3A_1528, %get3A_1529, %get3A_1530] {strides = array<i32>} : memref<8x32x128xf32, #tpu.memory_space<vmem>>, vector<1x1x16xf32>,
          %get3A_1532 = vector.shape_cast %get3A_1531 : vector<1x1x16xf32> to vector<16xf32>
          %add3A_1533 = arith.addf %add3A_1477, %get3A_1532 : vector<16xf32>
          %get3A_1534 = arith.constant 26 : i32
          %get3A_1535 = arith.index_cast %scan3A_65 : i32 to index
          %get3A_1536 = arith.index_cast %get3A_1534 : i32 to index
          %get3A_1537 = arith.constant 48 : index
          %get3A_1538 = tpu.vector_load %arg5[%get3A_1535, %get3A_1536, %get3A_1537] {strides = array<i32>} : memref<8x32x128xf32, #tpu.memory_space<vmem>>, vector<1x1x16xf32>,
          %get3A_1539 = vector.shape_cast %get3A_1538 : vector<1x1x16xf32> to vector<16xf32>
          %add3A_1540 = arith.addf %add3A_1484, %get3A_1539 : vector<16xf32>
          %get3A_1541 = arith.constant 26 : i32
          %get3A_1542 = arith.index_cast %scan3A_65 : i32 to index
          %get3A_1543 = arith.index_cast %get3A_1541 : i32 to index
          %get3A_1544 = arith.constant 64 : index
          %get3A_1545 = tpu.vector_load %arg5[%get3A_1542, %get3A_1543, %get3A_1544] {strides = array<i32>} : memref<8x32x128xf32, #tpu.memory_space<vmem>>, vector<1x1x16xf32>,
          %get3A_1546 = vector.shape_cast %get3A_1545 : vector<1x1x16xf32> to vector<16xf32>
          %add3A_1547 = arith.addf %add3A_1491, %get3A_1546 : vector<16xf32>
          %get3A_1548 = arith.constant 26 : i32
          %get3A_1549 = arith.index_cast %scan3A_65 : i32 to index
          %get3A_1550 = arith.index_cast %get3A_1548 : i32 to index
          %get3A_1551 = arith.constant 80 : index
          %get3A_1552 = tpu.vector_load %arg5[%get3A_1549, %get3A_1550, %get3A_1551] {strides = array<i32>} : memref<8x32x128xf32, #tpu.memory_space<vmem>>, vector<1x1x16xf32>,
          %get3A_1553 = vector.shape_cast %get3A_1552 : vector<1x1x16xf32> to vector<16xf32>
          %add3A_1554 = arith.addf %add3A_1498, %get3A_1553 : vector<16xf32>
          %get3A_1555 = arith.constant 26 : i32
          %get3A_1556 = arith.index_cast %scan3A_65 : i32 to index
          %get3A_1557 = arith.index_cast %get3A_1555 : i32 to index
          %get3A_1558 = arith.constant 96 : index
          %get3A_1559 = tpu.vector_load %arg5[%get3A_1556, %get3A_1557, %get3A_1558] {strides = array<i32>} : memref<8x32x128xf32, #tpu.memory_space<vmem>>, vector<1x1x16xf32>,
          %get3A_1560 = vector.shape_cast %get3A_1559 : vector<1x1x16xf32> to vector<16xf32>
          %add3A_1561 = arith.addf %add3A_1505, %get3A_1560 : vector<16xf32>
          %get3A_1562 = arith.constant 26 : i32
          %get3A_1563 = arith.index_cast %scan3A_65 : i32 to index
          %get3A_1564 = arith.index_cast %get3A_1562 : i32 to index
          %get3A_1565 = arith.constant 112 : index
          %get3A_1566 = tpu.vector_load %arg5[%get3A_1563, %get3A_1564, %get3A_1565] {strides = array<i32>} : memref<8x32x128xf32, #tpu.memory_space<vmem>>, vector<1x1x16xf32>,
          %get3A_1567 = vector.shape_cast %get3A_1566 : vector<1x1x16xf32> to vector<16xf32>
          %add3A_1568 = arith.addf %add3A_1512, %get3A_1567 : vector<16xf32>
          %get3A_1569 = arith.constant 27 : i32
          %get3A_1570 = arith.index_cast %scan3A_65 : i32 to index
          %get3A_1571 = arith.index_cast %get3A_1569 : i32 to index
          %get3A_1572 = arith.constant 0 : index
          %get3A_1573 = tpu.vector_load %arg5[%get3A_1570, %get3A_1571, %get3A_1572] {strides = array<i32>} : memref<8x32x128xf32, #tpu.memory_space<vmem>>, vector<1x1x16xf32>,
          %get3A_1574 = vector.shape_cast %get3A_1573 : vector<1x1x16xf32> to vector<16xf32>
          %add3A_1575 = arith.addf %add3A_1519, %get3A_1574 : vector<16xf32>
          %get3A_1576 = arith.constant 27 : i32
          %get3A_1577 = arith.index_cast %scan3A_65 : i32 to index
          %get3A_1578 = arith.index_cast %get3A_1576 : i32 to index
          %get3A_1579 = arith.constant 16 : index
          %get3A_1580 = tpu.vector_load %arg5[%get3A_1577, %get3A_1578, %get3A_1579] {strides = array<i32>} : memref<8x32x128xf32, #tpu.memory_space<vmem>>, vector<1x1x16xf32>,
          %get3A_1581 = vector.shape_cast %get3A_1580 : vector<1x1x16xf32> to vector<16xf32>
          %add3A_1582 = arith.addf %add3A_1526, %get3A_1581 : vector<16xf32>
          %get3A_1583 = arith.constant 27 : i32
          %get3A_1584 = arith.index_cast %scan3A_65 : i32 to index
          %get3A_1585 = arith.index_cast %get3A_1583 : i32 to index
          %get3A_1586 = arith.constant 32 : index
          %get3A_1587 = tpu.vector_load %arg5[%get3A_1584, %get3A_1585, %get3A_1586] {strides = array<i32>} : memref<8x32x128xf32, #tpu.memory_space<vmem>>, vector<1x1x16xf32>,
          %get3A_1588 = vector.shape_cast %get3A_1587 : vector<1x1x16xf32> to vector<16xf32>
          %add3A_1589 = arith.addf %add3A_1533, %get3A_1588 : vector<16xf32>
          %get3A_1590 = arith.constant 27 : i32
          %get3A_1591 = arith.index_cast %scan3A_65 : i32 to index
          %get3A_1592 = arith.index_cast %get3A_1590 : i32 to index
          %get3A_1593 = arith.constant 48 : index
          %get3A_1594 = tpu.vector_load %arg5[%get3A_1591, %get3A_1592, %get3A_1593] {strides = array<i32>} : memref<8x32x128xf32, #tpu.memory_space<vmem>>, vector<1x1x16xf32>,
          %get3A_1595 = vector.shape_cast %get3A_1594 : vector<1x1x16xf32> to vector<16xf32>
          %add3A_1596 = arith.addf %add3A_1540, %get3A_1595 : vector<16xf32>
          %get3A_1597 = arith.constant 27 : i32
          %get3A_1598 = arith.index_cast %scan3A_65 : i32 to index
          %get3A_1599 = arith.index_cast %get3A_1597 : i32 to index
          %get3A_1600 = arith.constant 64 : index
          %get3A_1601 = tpu.vector_load %arg5[%get3A_1598, %get3A_1599, %get3A_1600] {strides = array<i32>} : memref<8x32x128xf32, #tpu.memory_space<vmem>>, vector<1x1x16xf32>,
          %get3A_1602 = vector.shape_cast %get3A_1601 : vector<1x1x16xf32> to vector<16xf32>
          %add3A_1603 = arith.addf %add3A_1547, %get3A_1602 : vector<16xf32>
          %get3A_1604 = arith.constant 27 : i32
          %get3A_1605 = arith.index_cast %scan3A_65 : i32 to index
          %get3A_1606 = arith.index_cast %get3A_1604 : i32 to index
          %get3A_1607 = arith.constant 80 : index
          %get3A_1608 = tpu.vector_load %arg5[%get3A_1605, %get3A_1606, %get3A_1607] {strides = array<i32>} : memref<8x32x128xf32, #tpu.memory_space<vmem>>, vector<1x1x16xf32>,
          %get3A_1609 = vector.shape_cast %get3A_1608 : vector<1x1x16xf32> to vector<16xf32>
          %add3A_1610 = arith.addf %add3A_1554, %get3A_1609 : vector<16xf32>
          %get3A_1611 = arith.constant 27 : i32
          %get3A_1612 = arith.index_cast %scan3A_65 : i32 to index
          %get3A_1613 = arith.index_cast %get3A_1611 : i32 to index
          %get3A_1614 = arith.constant 96 : index
          %get3A_1615 = tpu.vector_load %arg5[%get3A_1612, %get3A_1613, %get3A_1614] {strides = array<i32>} : memref<8x32x128xf32, #tpu.memory_space<vmem>>, vector<1x1x16xf32>,
          %get3A_1616 = vector.shape_cast %get3A_1615 : vector<1x1x16xf32> to vector<16xf32>
          %add3A_1617 = arith.addf %add3A_1561, %get3A_1616 : vector<16xf32>
          %get3A_1618 = arith.constant 27 : i32
          %get3A_1619 = arith.index_cast %scan3A_65 : i32 to index
          %get3A_1620 = arith.index_cast %get3A_1618 : i32 to index
          %get3A_1621 = arith.constant 112 : index
          %get3A_1622 = tpu.vector_load %arg5[%get3A_1619, %get3A_1620, %get3A_1621] {strides = array<i32>} : memref<8x32x128xf32, #tpu.memory_space<vmem>>, vector<1x1x16xf32>,
          %get3A_1623 = vector.shape_cast %get3A_1622 : vector<1x1x16xf32> to vector<16xf32>
          %add3A_1624 = arith.addf %add3A_1568, %get3A_1623 : vector<16xf32>
          %get3A_1625 = arith.constant 28 : i32
          %get3A_1626 = arith.index_cast %scan3A_65 : i32 to index
          %get3A_1627 = arith.index_cast %get3A_1625 : i32 to index
          %get3A_1628 = arith.constant 0 : index
          %get3A_1629 = tpu.vector_load %arg5[%get3A_1626, %get3A_1627, %get3A_1628] {strides = array<i32>} : memref<8x32x128xf32, #tpu.memory_space<vmem>>, vector<1x1x16xf32>,
          %get3A_1630 = vector.shape_cast %get3A_1629 : vector<1x1x16xf32> to vector<16xf32>
          %add3A_1631 = arith.addf %add3A_1575, %get3A_1630 : vector<16xf32>
          %get3A_1632 = arith.constant 28 : i32
          %get3A_1633 = arith.index_cast %scan3A_65 : i32 to index
          %get3A_1634 = arith.index_cast %get3A_1632 : i32 to index
          %get3A_1635 = arith.constant 16 : index
          %get3A_1636 = tpu.vector_load %arg5[%get3A_1633, %get3A_1634, %get3A_1635] {strides = array<i32>} : memref<8x32x128xf32, #tpu.memory_space<vmem>>, vector<1x1x16xf32>,
          %get3A_1637 = vector.shape_cast %get3A_1636 : vector<1x1x16xf32> to vector<16xf32>
          %add3A_1638 = arith.addf %add3A_1582, %get3A_1637 : vector<16xf32>
          %get3A_1639 = arith.constant 28 : i32
          %get3A_1640 = arith.index_cast %scan3A_65 : i32 to index
          %get3A_1641 = arith.index_cast %get3A_1639 : i32 to index
          %get3A_1642 = arith.constant 32 : index
          %get3A_1643 = tpu.vector_load %arg5[%get3A_1640, %get3A_1641, %get3A_1642] {strides = array<i32>} : memref<8x32x128xf32, #tpu.memory_space<vmem>>, vector<1x1x16xf32>,
          %get3A_1644 = vector.shape_cast %get3A_1643 : vector<1x1x16xf32> to vector<16xf32>
          %add3A_1645 = arith.addf %add3A_1589, %get3A_1644 : vector<16xf32>
          %get3A_1646 = arith.constant 28 : i32
          %get3A_1647 = arith.index_cast %scan3A_65 : i32 to index
          %get3A_1648 = arith.index_cast %get3A_1646 : i32 to index
          %get3A_1649 = arith.constant 48 : index
          %get3A_1650 = tpu.vector_load %arg5[%get3A_1647, %get3A_1648, %get3A_1649] {strides = array<i32>} : memref<8x32x128xf32, #tpu.memory_space<vmem>>, vector<1x1x16xf32>,
          %get3A_1651 = vector.shape_cast %get3A_1650 : vector<1x1x16xf32> to vector<16xf32>
          %add3A_1652 = arith.addf %add3A_1596, %get3A_1651 : vector<16xf32>
          %get3A_1653 = arith.constant 28 : i32
          %get3A_1654 = arith.index_cast %scan3A_65 : i32 to index
          %get3A_1655 = arith.index_cast %get3A_1653 : i32 to index
          %get3A_1656 = arith.constant 64 : index
          %get3A_1657 = tpu.vector_load %arg5[%get3A_1654, %get3A_1655, %get3A_1656] {strides = array<i32>} : memref<8x32x128xf32, #tpu.memory_space<vmem>>, vector<1x1x16xf32>,
          %get3A_1658 = vector.shape_cast %get3A_1657 : vector<1x1x16xf32> to vector<16xf32>
          %add3A_1659 = arith.addf %add3A_1603, %get3A_1658 : vector<16xf32>
          %get3A_1660 = arith.constant 28 : i32
          %get3A_1661 = arith.index_cast %scan3A_65 : i32 to index
          %get3A_1662 = arith.index_cast %get3A_1660 : i32 to index
          %get3A_1663 = arith.constant 80 : index
          %get3A_1664 = tpu.vector_load %arg5[%get3A_1661, %get3A_1662, %get3A_1663] {strides = array<i32>} : memref<8x32x128xf32, #tpu.memory_space<vmem>>, vector<1x1x16xf32>,
          %get3A_1665 = vector.shape_cast %get3A_1664 : vector<1x1x16xf32> to vector<16xf32>
          %add3A_1666 = arith.addf %add3A_1610, %get3A_1665 : vector<16xf32>
          %get3A_1667 = arith.constant 28 : i32
          %get3A_1668 = arith.index_cast %scan3A_65 : i32 to index
          %get3A_1669 = arith.index_cast %get3A_1667 : i32 to index
          %get3A_1670 = arith.constant 96 : index
          %get3A_1671 = tpu.vector_load %arg5[%get3A_1668, %get3A_1669, %get3A_1670] {strides = array<i32>} : memref<8x32x128xf32, #tpu.memory_space<vmem>>, vector<1x1x16xf32>,
          %get3A_1672 = vector.shape_cast %get3A_1671 : vector<1x1x16xf32> to vector<16xf32>
          %add3A_1673 = arith.addf %add3A_1617, %get3A_1672 : vector<16xf32>
          %get3A_1674 = arith.constant 28 : i32
          %get3A_1675 = arith.index_cast %scan3A_65 : i32 to index
          %get3A_1676 = arith.index_cast %get3A_1674 : i32 to index
          %get3A_1677 = arith.constant 112 : index
          %get3A_1678 = tpu.vector_load %arg5[%get3A_1675, %get3A_1676, %get3A_1677] {strides = array<i32>} : memref<8x32x128xf32, #tpu.memory_space<vmem>>, vector<1x1x16xf32>,
          %get3A_1679 = vector.shape_cast %get3A_1678 : vector<1x1x16xf32> to vector<16xf32>
          %add3A_1680 = arith.addf %add3A_1624, %get3A_1679 : vector<16xf32>
          %get3A_1681 = arith.constant 29 : i32
          %get3A_1682 = arith.index_cast %scan3A_65 : i32 to index
          %get3A_1683 = arith.index_cast %get3A_1681 : i32 to index
          %get3A_1684 = arith.constant 0 : index
          %get3A_1685 = tpu.vector_load %arg5[%get3A_1682, %get3A_1683, %get3A_1684] {strides = array<i32>} : memref<8x32x128xf32, #tpu.memory_space<vmem>>, vector<1x1x16xf32>,
          %get3A_1686 = vector.shape_cast %get3A_1685 : vector<1x1x16xf32> to vector<16xf32>
          %add3A_1687 = arith.addf %add3A_1631, %get3A_1686 : vector<16xf32>
          %get3A_1688 = arith.constant 29 : i32
          %get3A_1689 = arith.index_cast %scan3A_65 : i32 to index
          %get3A_1690 = arith.index_cast %get3A_1688 : i32 to index
          %get3A_1691 = arith.constant 16 : index
          %get3A_1692 = tpu.vector_load %arg5[%get3A_1689, %get3A_1690, %get3A_1691] {strides = array<i32>} : memref<8x32x128xf32, #tpu.memory_space<vmem>>, vector<1x1x16xf32>,
          %get3A_1693 = vector.shape_cast %get3A_1692 : vector<1x1x16xf32> to vector<16xf32>
          %add3A_1694 = arith.addf %add3A_1638, %get3A_1693 : vector<16xf32>
          %get3A_1695 = arith.constant 29 : i32
          %get3A_1696 = arith.index_cast %scan3A_65 : i32 to index
          %get3A_1697 = arith.index_cast %get3A_1695 : i32 to index
          %get3A_1698 = arith.constant 32 : index
          %get3A_1699 = tpu.vector_load %arg5[%get3A_1696, %get3A_1697, %get3A_1698] {strides = array<i32>} : memref<8x32x128xf32, #tpu.memory_space<vmem>>, vector<1x1x16xf32>,
          %get3A_1700 = vector.shape_cast %get3A_1699 : vector<1x1x16xf32> to vector<16xf32>
          %add3A_1701 = arith.addf %add3A_1645, %get3A_1700 : vector<16xf32>
          %get3A_1702 = arith.constant 29 : i32
          %get3A_1703 = arith.index_cast %scan3A_65 : i32 to index
          %get3A_1704 = arith.index_cast %get3A_1702 : i32 to index
          %get3A_1705 = arith.constant 48 : index
          %get3A_1706 = tpu.vector_load %arg5[%get3A_1703, %get3A_1704, %get3A_1705] {strides = array<i32>} : memref<8x32x128xf32, #tpu.memory_space<vmem>>, vector<1x1x16xf32>,
          %get3A_1707 = vector.shape_cast %get3A_1706 : vector<1x1x16xf32> to vector<16xf32>
          %add3A_1708 = arith.addf %add3A_1652, %get3A_1707 : vector<16xf32>
          %get3A_1709 = arith.constant 29 : i32
          %get3A_1710 = arith.index_cast %scan3A_65 : i32 to index
          %get3A_1711 = arith.index_cast %get3A_1709 : i32 to index
          %get3A_1712 = arith.constant 64 : index
          %get3A_1713 = tpu.vector_load %arg5[%get3A_1710, %get3A_1711, %get3A_1712] {strides = array<i32>} : memref<8x32x128xf32, #tpu.memory_space<vmem>>, vector<1x1x16xf32>,
          %get3A_1714 = vector.shape_cast %get3A_1713 : vector<1x1x16xf32> to vector<16xf32>
          %add3A_1715 = arith.addf %add3A_1659, %get3A_1714 : vector<16xf32>
          %get3A_1716 = arith.constant 29 : i32
          %get3A_1717 = arith.index_cast %scan3A_65 : i32 to index
          %get3A_1718 = arith.index_cast %get3A_1716 : i32 to index
          %get3A_1719 = arith.constant 80 : index
          %get3A_1720 = tpu.vector_load %arg5[%get3A_1717, %get3A_1718, %get3A_1719] {strides = array<i32>} : memref<8x32x128xf32, #tpu.memory_space<vmem>>, vector<1x1x16xf32>,
          %get3A_1721 = vector.shape_cast %get3A_1720 : vector<1x1x16xf32> to vector<16xf32>
          %add3A_1722 = arith.addf %add3A_1666, %get3A_1721 : vector<16xf32>
          %get3A_1723 = arith.constant 29 : i32
          %get3A_1724 = arith.index_cast %scan3A_65 : i32 to index
          %get3A_1725 = arith.index_cast %get3A_1723 : i32 to index
          %get3A_1726 = arith.constant 96 : index
          %get3A_1727 = tpu.vector_load %arg5[%get3A_1724, %get3A_1725, %get3A_1726] {strides = array<i32>} : memref<8x32x128xf32, #tpu.memory_space<vmem>>, vector<1x1x16xf32>,
          %get3A_1728 = vector.shape_cast %get3A_1727 : vector<1x1x16xf32> to vector<16xf32>
          %add3A_1729 = arith.addf %add3A_1673, %get3A_1728 : vector<16xf32>
          %get3A_1730 = arith.constant 29 : i32
          %get3A_1731 = arith.index_cast %scan3A_65 : i32 to index
          %get3A_1732 = arith.index_cast %get3A_1730 : i32 to index
          %get3A_1733 = arith.constant 112 : index
          %get3A_1734 = tpu.vector_load %arg5[%get3A_1731, %get3A_1732, %get3A_1733] {strides = array<i32>} : memref<8x32x128xf32, #tpu.memory_space<vmem>>, vector<1x1x16xf32>,
          %get3A_1735 = vector.shape_cast %get3A_1734 : vector<1x1x16xf32> to vector<16xf32>
          %add3A_1736 = arith.addf %add3A_1680, %get3A_1735 : vector<16xf32>
          %get3A_1737 = arith.constant 30 : i32
          %get3A_1738 = arith.index_cast %scan3A_65 : i32 to index
          %get3A_1739 = arith.index_cast %get3A_1737 : i32 to index
          %get3A_1740 = arith.constant 0 : index
          %get3A_1741 = tpu.vector_load %arg5[%get3A_1738, %get3A_1739, %get3A_1740] {strides = array<i32>} : memref<8x32x128xf32, #tpu.memory_space<vmem>>, vector<1x1x16xf32>,
          %get3A_1742 = vector.shape_cast %get3A_1741 : vector<1x1x16xf32> to vector<16xf32>
          %add3A_1743 = arith.addf %add3A_1687, %get3A_1742 : vector<16xf32>
          %get3A_1744 = arith.constant 30 : i32
          %get3A_1745 = arith.index_cast %scan3A_65 : i32 to index
          %get3A_1746 = arith.index_cast %get3A_1744 : i32 to index
          %get3A_1747 = arith.constant 16 : index
          %get3A_1748 = tpu.vector_load %arg5[%get3A_1745, %get3A_1746, %get3A_1747] {strides = array<i32>} : memref<8x32x128xf32, #tpu.memory_space<vmem>>, vector<1x1x16xf32>,
          %get3A_1749 = vector.shape_cast %get3A_1748 : vector<1x1x16xf32> to vector<16xf32>
          %add3A_1750 = arith.addf %add3A_1694, %get3A_1749 : vector<16xf32>
          %get3A_1751 = arith.constant 30 : i32
          %get3A_1752 = arith.index_cast %scan3A_65 : i32 to index
          %get3A_1753 = arith.index_cast %get3A_1751 : i32 to index
          %get3A_1754 = arith.constant 32 : index
          %get3A_1755 = tpu.vector_load %arg5[%get3A_1752, %get3A_1753, %get3A_1754] {strides = array<i32>} : memref<8x32x128xf32, #tpu.memory_space<vmem>>, vector<1x1x16xf32>,
          %get3A_1756 = vector.shape_cast %get3A_1755 : vector<1x1x16xf32> to vector<16xf32>
          %add3A_1757 = arith.addf %add3A_1701, %get3A_1756 : vector<16xf32>
          %get3A_1758 = arith.constant 30 : i32
          %get3A_1759 = arith.index_cast %scan3A_65 : i32 to index
          %get3A_1760 = arith.index_cast %get3A_1758 : i32 to index
          %get3A_1761 = arith.constant 48 : index
          %get3A_1762 = tpu.vector_load %arg5[%get3A_1759, %get3A_1760, %get3A_1761] {strides = array<i32>} : memref<8x32x128xf32, #tpu.memory_space<vmem>>, vector<1x1x16xf32>,
          %get3A_1763 = vector.shape_cast %get3A_1762 : vector<1x1x16xf32> to vector<16xf32>
          %add3A_1764 = arith.addf %add3A_1708, %get3A_1763 : vector<16xf32>
          %get3A_1765 = arith.constant 30 : i32
          %get3A_1766 = arith.index_cast %scan3A_65 : i32 to index
          %get3A_1767 = arith.index_cast %get3A_1765 : i32 to index
          %get3A_1768 = arith.constant 64 : index
          %get3A_1769 = tpu.vector_load %arg5[%get3A_1766, %get3A_1767, %get3A_1768] {strides = array<i32>} : memref<8x32x128xf32, #tpu.memory_space<vmem>>, vector<1x1x16xf32>,
          %get3A_1770 = vector.shape_cast %get3A_1769 : vector<1x1x16xf32> to vector<16xf32>
          %add3A_1771 = arith.addf %add3A_1715, %get3A_1770 : vector<16xf32>
          %get3A_1772 = arith.constant 30 : i32
          %get3A_1773 = arith.index_cast %scan3A_65 : i32 to index
          %get3A_1774 = arith.index_cast %get3A_1772 : i32 to index
          %get3A_1775 = arith.constant 80 : index
          %get3A_1776 = tpu.vector_load %arg5[%get3A_1773, %get3A_1774, %get3A_1775] {strides = array<i32>} : memref<8x32x128xf32, #tpu.memory_space<vmem>>, vector<1x1x16xf32>,
          %get3A_1777 = vector.shape_cast %get3A_1776 : vector<1x1x16xf32> to vector<16xf32>
          %add3A_1778 = arith.addf %add3A_1722, %get3A_1777 : vector<16xf32>
          %get3A_1779 = arith.constant 30 : i32
          %get3A_1780 = arith.index_cast %scan3A_65 : i32 to index
          %get3A_1781 = arith.index_cast %get3A_1779 : i32 to index
          %get3A_1782 = arith.constant 96 : index
          %get3A_1783 = tpu.vector_load %arg5[%get3A_1780, %get3A_1781, %get3A_1782] {strides = array<i32>} : memref<8x32x128xf32, #tpu.memory_space<vmem>>, vector<1x1x16xf32>,
          %get3A_1784 = vector.shape_cast %get3A_1783 : vector<1x1x16xf32> to vector<16xf32>
          %add3A_1785 = arith.addf %add3A_1729, %get3A_1784 : vector<16xf32>
          %get3A_1786 = arith.constant 30 : i32
          %get3A_1787 = arith.index_cast %scan3A_65 : i32 to index
          %get3A_1788 = arith.index_cast %get3A_1786 : i32 to index
          %get3A_1789 = arith.constant 112 : index
          %get3A_1790 = tpu.vector_load %arg5[%get3A_1787, %get3A_1788, %get3A_1789] {strides = array<i32>} : memref<8x32x128xf32, #tpu.memory_space<vmem>>, vector<1x1x16xf32>,
          %get3A_1791 = vector.shape_cast %get3A_1790 : vector<1x1x16xf32> to vector<16xf32>
          %add3A_1792 = arith.addf %add3A_1736, %get3A_1791 : vector<16xf32>
          %get3A_1793 = arith.constant 31 : i32
          %get3A_1794 = arith.index_cast %scan3A_65 : i32 to index
          %get3A_1795 = arith.index_cast %get3A_1793 : i32 to index
          %get3A_1796 = arith.constant 0 : index
          %get3A_1797 = tpu.vector_load %arg5[%get3A_1794, %get3A_1795, %get3A_1796] {strides = array<i32>} : memref<8x32x128xf32, #tpu.memory_space<vmem>>, vector<1x1x16xf32>,
          %get3A_1798 = vector.shape_cast %get3A_1797 : vector<1x1x16xf32> to vector<16xf32>
          %add3A_1799 = arith.addf %add3A_1743, %get3A_1798 : vector<16xf32>
          %get3A_1800 = arith.constant 31 : i32
          %get3A_1801 = arith.index_cast %scan3A_65 : i32 to index
          %get3A_1802 = arith.index_cast %get3A_1800 : i32 to index
          %get3A_1803 = arith.constant 16 : index
          %get3A_1804 = tpu.vector_load %arg5[%get3A_1801, %get3A_1802, %get3A_1803] {strides = array<i32>} : memref<8x32x128xf32, #tpu.memory_space<vmem>>, vector<1x1x16xf32>,
          %get3A_1805 = vector.shape_cast %get3A_1804 : vector<1x1x16xf32> to vector<16xf32>
          %add3A_1806 = arith.addf %add3A_1750, %get3A_1805 : vector<16xf32>
          %get3A_1807 = arith.constant 31 : i32
          %get3A_1808 = arith.index_cast %scan3A_65 : i32 to index
          %get3A_1809 = arith.index_cast %get3A_1807 : i32 to index
          %get3A_1810 = arith.constant 32 : index
          %get3A_1811 = tpu.vector_load %arg5[%get3A_1808, %get3A_1809, %get3A_1810] {strides = array<i32>} : memref<8x32x128xf32, #tpu.memory_space<vmem>>, vector<1x1x16xf32>,
          %get3A_1812 = vector.shape_cast %get3A_1811 : vector<1x1x16xf32> to vector<16xf32>
          %add3A_1813 = arith.addf %add3A_1757, %get3A_1812 : vector<16xf32>
          %get3A_1814 = arith.constant 31 : i32
          %get3A_1815 = arith.index_cast %scan3A_65 : i32 to index
          %get3A_1816 = arith.index_cast %get3A_1814 : i32 to index
          %get3A_1817 = arith.constant 48 : index
          %get3A_1818 = tpu.vector_load %arg5[%get3A_1815, %get3A_1816, %get3A_1817] {strides = array<i32>} : memref<8x32x128xf32, #tpu.memory_space<vmem>>, vector<1x1x16xf32>,
          %get3A_1819 = vector.shape_cast %get3A_1818 : vector<1x1x16xf32> to vector<16xf32>
          %add3A_1820 = arith.addf %add3A_1764, %get3A_1819 : vector<16xf32>
          %get3A_1821 = arith.constant 31 : i32
          %get3A_1822 = arith.index_cast %scan3A_65 : i32 to index
          %get3A_1823 = arith.index_cast %get3A_1821 : i32 to index
          %get3A_1824 = arith.constant 64 : index
          %get3A_1825 = tpu.vector_load %arg5[%get3A_1822, %get3A_1823, %get3A_1824] {strides = array<i32>} : memref<8x32x128xf32, #tpu.memory_space<vmem>>, vector<1x1x16xf32>,
          %get3A_1826 = vector.shape_cast %get3A_1825 : vector<1x1x16xf32> to vector<16xf32>
          %add3A_1827 = arith.addf %add3A_1771, %get3A_1826 : vector<16xf32>
          %get3A_1828 = arith.constant 31 : i32
          %get3A_1829 = arith.index_cast %scan3A_65 : i32 to index
          %get3A_1830 = arith.index_cast %get3A_1828 : i32 to index
          %get3A_1831 = arith.constant 80 : index
          %get3A_1832 = tpu.vector_load %arg5[%get3A_1829, %get3A_1830, %get3A_1831] {strides = array<i32>} : memref<8x32x128xf32, #tpu.memory_space<vmem>>, vector<1x1x16xf32>,
          %get3A_1833 = vector.shape_cast %get3A_1832 : vector<1x1x16xf32> to vector<16xf32>
          %add3A_1834 = arith.addf %add3A_1778, %get3A_1833 : vector<16xf32>
          %get3A_1835 = arith.constant 31 : i32
          %get3A_1836 = arith.index_cast %scan3A_65 : i32 to index
          %get3A_1837 = arith.index_cast %get3A_1835 : i32 to index
          %get3A_1838 = arith.constant 96 : index
          %get3A_1839 = tpu.vector_load %arg5[%get3A_1836, %get3A_1837, %get3A_1838] {strides = array<i32>} : memref<8x32x128xf32, #tpu.memory_space<vmem>>, vector<1x1x16xf32>,
          %get3A_1840 = vector.shape_cast %get3A_1839 : vector<1x1x16xf32> to vector<16xf32>
          %add3A_1841 = arith.addf %add3A_1785, %get3A_1840 : vector<16xf32>
          %get3A_1842 = arith.constant 31 : i32
          %get3A_1843 = arith.index_cast %scan3A_65 : i32 to index
          %get3A_1844 = arith.index_cast %get3A_1842 : i32 to index
          %get3A_1845 = arith.constant 112 : index
          %get3A_1846 = tpu.vector_load %arg5[%get3A_1843, %get3A_1844, %get3A_1845] {strides = array<i32>} : memref<8x32x128xf32, #tpu.memory_space<vmem>>, vector<1x1x16xf32>,
          %get3A_1847 = vector.shape_cast %get3A_1846 : vector<1x1x16xf32> to vector<16xf32>
          %add3A_1848 = arith.addf %add3A_1792, %get3A_1847 : vector<16xf32>
          %mul3A_1849 = arith.constant 3.125000e-02 : f32
          %mul3A_1850 = vector.broadcast %mul3A_1849 : f32 to vector<16xf32>
          %mul3A_1851 = arith.mulf %add3A_1799, %mul3A_1850 : vector<16xf32>
          %add3A_1852 = arith.addi %mul3A_51, %scan3A_65 : i32
          %swap3A = arith.index_cast %add3A_1852 : i32 to index
          %swap3A_1853 = arith.constant 0 : index
          %swap3A_1854 = tpu.vector_load %arg6[%swap3A, %swap3A_1853] {strides = array<i32>} : memref<200x128xf32, #tpu.memory_space<vmem>>, vector<1x16xf32>,
          %swap3A_1855 = vector.shape_cast %swap3A_1854 : vector<1x16xf32> to vector<16xf32>
          %swap3A_1856 = vector.shape_cast %mul3A_1851 : vector<16xf32> to vector<1x16xf32>
          tpu.vector_store %arg6[%swap3A, %swap3A_1853], %swap3A_1856 {strides = array<i32>} : memref<200x128xf32, #tpu.memory_space<vmem>>, vector<1x16xf32>,
          %mul3A_1857 = arith.constant 3.125000e-02 : f32
          %mul3A_1858 = vector.broadcast %mul3A_1857 : f32 to vector<16xf32>
          %mul3A_1859 = arith.mulf %add3A_1806, %mul3A_1858 : vector<16xf32>
          %add3A_1860 = arith.addi %mul3A_51, %scan3A_65 : i32
          %swap3A_1861 = arith.index_cast %add3A_1860 : i32 to index
          %swap3A_1862 = arith.constant 16 : index
          %swap3A_1863 = tpu.vector_load %arg6[%swap3A_1861, %swap3A_1862] {strides = array<i32>} : memref<200x128xf32, #tpu.memory_space<vmem>>, vector<1x16xf32>,
          %swap3A_1864 = vector.shape_cast %swap3A_1863 : vector<1x16xf32> to vector<16xf32>
          %swap3A_1865 = vector.shape_cast %mul3A_1859 : vector<16xf32> to vector<1x16xf32>
          tpu.vector_store %arg6[%swap3A_1861, %swap3A_1862], %swap3A_1865 {strides = array<i32>} : memref<200x128xf32, #tpu.memory_space<vmem>>, vector<1x16xf32>,
          %mul3A_1866 = arith.constant 3.125000e-02 : f32
          %mul3A_1867 = vector.broadcast %mul3A_1866 : f32 to vector<16xf32>
          %mul3A_1868 = arith.mulf %add3A_1813, %mul3A_1867 : vector<16xf32>
          %add3A_1869 = arith.addi %mul3A_51, %scan3A_65 : i32
          %swap3A_1870 = arith.index_cast %add3A_1869 : i32 to index
          %swap3A_1871 = arith.constant 32 : index
          %swap3A_1872 = tpu.vector_load %arg6[%swap3A_1870, %swap3A_1871] {strides = array<i32>} : memref<200x128xf32, #tpu.memory_space<vmem>>, vector<1x16xf32>,
          %swap3A_1873 = vector.shape_cast %swap3A_1872 : vector<1x16xf32> to vector<16xf32>
          %swap3A_1874 = vector.shape_cast %mul3A_1868 : vector<16xf32> to vector<1x16xf32>
          tpu.vector_store %arg6[%swap3A_1870, %swap3A_1871], %swap3A_1874 {strides = array<i32>} : memref<200x128xf32, #tpu.memory_space<vmem>>, vector<1x16xf32>,
          %mul3A_1875 = arith.constant 3.125000e-02 : f32
          %mul3A_1876 = vector.broadcast %mul3A_1875 : f32 to vector<16xf32>
          %mul3A_1877 = arith.mulf %add3A_1820, %mul3A_1876 : vector<16xf32>
          %add3A_1878 = arith.addi %mul3A_51, %scan3A_65 : i32
          %swap3A_1879 = arith.index_cast %add3A_1878 : i32 to index
          %swap3A_1880 = arith.constant 48 : index
          %swap3A_1881 = tpu.vector_load %arg6[%swap3A_1879, %swap3A_1880] {strides = array<i32>} : memref<200x128xf32, #tpu.memory_space<vmem>>, vector<1x16xf32>,
          %swap3A_1882 = vector.shape_cast %swap3A_1881 : vector<1x16xf32> to vector<16xf32>
          %swap3A_1883 = vector.shape_cast %mul3A_1877 : vector<16xf32> to vector<1x16xf32>
          tpu.vector_store %arg6[%swap3A_1879, %swap3A_1880], %swap3A_1883 {strides = array<i32>} : memref<200x128xf32, #tpu.memory_space<vmem>>, vector<1x16xf32>,
          %mul3A_1884 = arith.constant 3.125000e-02 : f32
          %mul3A_1885 = vector.broadcast %mul3A_1884 : f32 to vector<16xf32>
          %mul3A_1886 = arith.mulf %add3A_1827, %mul3A_1885 : vector<16xf32>
          %add3A_1887 = arith.addi %mul3A_51, %scan3A_65 : i32
          %swap3A_1888 = arith.index_cast %add3A_1887 : i32 to index
          %swap3A_1889 = arith.constant 64 : index
          %swap3A_1890 = tpu.vector_load %arg6[%swap3A_1888, %swap3A_1889] {strides = array<i32>} : memref<200x128xf32, #tpu.memory_space<vmem>>, vector<1x16xf32>,
          %swap3A_1891 = vector.shape_cast %swap3A_1890 : vector<1x16xf32> to vector<16xf32>
          %swap3A_1892 = vector.shape_cast %mul3A_1886 : vector<16xf32> to vector<1x16xf32>
          tpu.vector_store %arg6[%swap3A_1888, %swap3A_1889], %swap3A_1892 {strides = array<i32>} : memref<200x128xf32, #tpu.memory_space<vmem>>, vector<1x16xf32>,
          %mul3A_1893 = arith.constant 3.125000e-02 : f32
          %mul3A_1894 = vector.broadcast %mul3A_1893 : f32 to vector<16xf32>
          %mul3A_1895 = arith.mulf %add3A_1834, %mul3A_1894 : vector<16xf32>
          %add3A_1896 = arith.addi %mul3A_51, %scan3A_65 : i32
          %swap3A_1897 = arith.index_cast %add3A_1896 : i32 to index
          %swap3A_1898 = arith.constant 80 : index
          %swap3A_1899 = tpu.vector_load %arg6[%swap3A_1897, %swap3A_1898] {strides = array<i32>} : memref<200x128xf32, #tpu.memory_space<vmem>>, vector<1x16xf32>,
          %swap3A_1900 = vector.shape_cast %swap3A_1899 : vector<1x16xf32> to vector<16xf32>
          %swap3A_1901 = vector.shape_cast %mul3A_1895 : vector<16xf32> to vector<1x16xf32>
          tpu.vector_store %arg6[%swap3A_1897, %swap3A_1898], %swap3A_1901 {strides = array<i32>} : memref<200x128xf32, #tpu.memory_space<vmem>>, vector<1x16xf32>,
          %mul3A_1902 = arith.constant 3.125000e-02 : f32
          %mul3A_1903 = vector.broadcast %mul3A_1902 : f32 to vector<16xf32>
          %mul3A_1904 = arith.mulf %add3A_1841, %mul3A_1903 : vector<16xf32>
          %add3A_1905 = arith.addi %mul3A_51, %scan3A_65 : i32
          %swap3A_1906 = arith.index_cast %add3A_1905 : i32 to index
          %swap3A_1907 = arith.constant 96 : index
          %swap3A_1908 = tpu.vector_load %arg6[%swap3A_1906, %swap3A_1907] {strides = array<i32>} : memref<200x128xf32, #tpu.memory_space<vmem>>, vector<1x16xf32>,
          %swap3A_1909 = vector.shape_cast %swap3A_1908 : vector<1x16xf32> to vector<16xf32>
          %swap3A_1910 = vector.shape_cast %mul3A_1904 : vector<16xf32> to vector<1x16xf32>
          tpu.vector_store %arg6[%swap3A_1906, %swap3A_1907], %swap3A_1910 {strides = array<i32>} : memref<200x128xf32, #tpu.memory_space<vmem>>, vector<1x16xf32>,
          %mul3A_1911 = arith.constant 3.125000e-02 : f32
          %mul3A_1912 = vector.broadcast %mul3A_1911 : f32 to vector<16xf32>
          %mul3A_1913 = arith.mulf %add3A_1848, %mul3A_1912 : vector<16xf32>
          %add3A_1914 = arith.addi %mul3A_51, %scan3A_65 : i32
          %swap3A_1915 = arith.index_cast %add3A_1914 : i32 to index
          %swap3A_1916 = arith.constant 112 : index
          %swap3A_1917 = tpu.vector_load %arg6[%swap3A_1915, %swap3A_1916] {strides = array<i32>} : memref<200x128xf32, #tpu.memory_space<vmem>>, vector<1x16xf32>,
          %swap3A_1918 = vector.shape_cast %swap3A_1917 : vector<1x16xf32> to vector<16xf32>
          %swap3A_1919 = vector.shape_cast %mul3A_1913 : vector<16xf32> to vector<1x16xf32>
          tpu.vector_store %arg6[%swap3A_1915, %swap3A_1916], %swap3A_1919 {strides = array<i32>} : memref<200x128xf32, #tpu.memory_space<vmem>>, vector<1x16xf32>,
        }
        %scan3A_57 = arith.constant 8 : i32
        %add3A_58 = arith.constant 2 : i32
        %add3A_59 = arith.addi %add3A_37, %add3A_58 : i32
        %lt3A_60 = arith.constant 25 : i32
        %lt3A_61 = arith.cmpi slt, %add3A_59, %lt3A_60 : i32
        %convert_element_type3A_62 = arith.extui %lt3A_61 : i1 to i32
        %cond3A_63 = arith.constant 0 : i32
        %cond3A_64 = arith.cmpi ne, %convert_element_type3A_62, %cond3A_63 : i32
        scf.if %cond3A_64 {
          %add3A_65 = arith.constant 2 : i32
          %add3A_66 = arith.addi %add3A_37, %add3A_65 : i32
          %add3A_67 = arith.constant 3600 : i32
          %add3A_68 = arith.addi %add3A_67, %mul3A_2 : i32
          %mul3A_69 = arith.constant 8 : i32
          %mul3A_70 = arith.muli %add3A_66, %mul3A_69 : i32
          %add3A_71 = arith.addi %add3A_68, %mul3A_70 : i32
          %dma_start3A_72 = arith.constant 0 : i32
          %dma_start3A_73 = arith.constant 0 : i32
          %dma_start3A_74 = tpu.memref_slice %arg2[%add3A_71, %dma_start3A_72, %dma_start3A_73] : memref<10000x32x128xf32, #tpu.memory_space<hbm>> -> memref<8x32x128xf32, #tpu.memory_space<hbm>>
          %dma_start3A_75 = arith.constant 0 : i32
          %dma_start3A_76 = arith.constant 0 : i32
          %dma_start3A_77 = tpu.memref_slice %arg2[%add3A_71, %dma_start3A_75, %dma_start3A_76] : memref<10000x32x128xf32, #tpu.memory_space<hbm>> -> memref<8x32x128xf32, #tpu.memory_space<hbm>>
          tpu.enqueue_dma source(%dma_start3A_77 : memref<8x32x128xf32, #tpu.memory_space<hbm>>) target(%arg5 : memref<8x32x128xf32, #tpu.memory_space<vmem>>) target_semaphore(%arg8 : memref<!tpu.dma_semaphore, #tpu.memory_space<semaphore_mem>>)
        } else {
        }
      } else {
      }
    }
    %scan3A_26 = arith.constant 13 : i32
    "tpu.region"() ({
      %run_scoped3A = tpu.sem_alloc : memref<!tpu.dma_semaphore, #tpu.memory_space<semaphore_mem>>
      %dma_start3A_27 = arith.constant 0 : i32
      %dma_start3A_28 = tpu.memref_slice %arg3[%mul3A_2, %dma_start3A_27] : memref<6400x128xf32, #tpu.memory_space<hbm>> -> memref<200x128xf32, #tpu.memory_space<hbm>>
      %dma_start3A_29 = arith.constant 0 : i32
      %dma_start3A_30 = tpu.memref_slice %arg3[%mul3A_2, %dma_start3A_29] : memref<6400x128xf32, #tpu.memory_space<hbm>> -> memref<200x128xf32, #tpu.memory_space<hbm>>
      tpu.enqueue_dma source(%arg6 : memref<200x128xf32, #tpu.memory_space<vmem>>) target(%dma_start3A_30 : memref<200x128xf32, #tpu.memory_space<hbm>>) target_semaphore(%run_scoped3A : memref<!tpu.dma_semaphore, #tpu.memory_space<semaphore_mem>>)
      %dma_wait3A = arith.constant 0 : i32
      %dma_wait3A_31 = tpu.memref_slice %arg3[%mul3A_2, %dma_wait3A] : memref<6400x128xf32, #tpu.memory_space<hbm>> -> memref<200x128xf32, #tpu.memory_space<hbm>>
      %dma_wait3A_32 = arith.constant 0 : i32
      %dma_wait3A_33 = tpu.memref_slice %arg3[%mul3A_2, %dma_wait3A_32] : memref<6400x128xf32, #tpu.memory_space<hbm>> -> memref<200x128xf32, #tpu.memory_space<hbm>>
      tpu.wait_dma2 semaphore(%run_scoped3A : memref<!tpu.dma_semaphore, #tpu.memory_space<semaphore_mem>>) src(%arg6 : memref<200x128xf32, #tpu.memory_space<vmem>>) dst(%dma_wait3A_33 : memref<200x128xf32, #tpu.memory_space<hbm>>)
      tpu.yield
    }) : () -> ()
    return
  }
}

module attributes {stable_mosaic.version = 14 : i64} {
  func.func @_tc_body(%arg0: i32, %arg1: memref<200x128xf32, #tpu.memory_space<vmem>>, %arg2: memref<200x32x128xf32, #tpu.memory_space<vmem>>, %arg3: memref<72x32x128xf32, #tpu.memory_space<vmem>>, %arg4: memref<128x128xf32, #tpu.memory_space<vmem>>, %arg5: memref<1x128xf32, #tpu.memory_space<vmem>>, %arg6: memref<200x128xf32, #tpu.memory_space<vmem>>, %arg7: memref<72x128xf32, #tpu.memory_space<vmem>>) attributes {dimension_semantics = [#tpu.dimension_semantics<arbitrary>], iteration_bounds = array<i64: 50>, scalar_prefetch = 0 : i64, scratch_operands = 0 : i64, tpu.core_type = #tpu.core_type<tc>, window_params = [{transform_indices = @transform_0, window_bounds = array<i64: 200, 128>}, {transform_indices = @transform_1, window_bounds = array<i64: 200, 32, 128>}, {transform_indices = @transform_2, window_bounds = array<i64: 72, 32, 128>}, {pipeline_mode = #tpu.pipeline_mode<synchronous>, transform_indices = @transform_3, window_bounds = array<i64: 128, 128>}, {pipeline_mode = #tpu.pipeline_mode<synchronous>, transform_indices = @transform_4, window_bounds = array<i64: 1, 128>}, {transform_indices = @transform_5, window_bounds = array<i64: 200, 128>}, {transform_indices = @transform_6, window_bounds = array<i64: 72, 128>}]} {
    %get3A = arith.constant 0 : index
    %get3A_0 = arith.constant 0 : index
    %get3A_1 = arith.constant 0 : index
    %get3A_2 = vector.load %arg2[%get3A, %get3A_0, %get3A_1] : memref<200x32x128xf32, #tpu.memory_space<vmem>>, vector<200x32x128xf32>
    %reduce_sum3A = arith.constant dense<0.000000e+00> : vector<200x128xf32>
    %reduce_sum3A_3 = vector.multi_reduction <add>, %get3A_2, %reduce_sum3A [1] : vector<200x32x128xf32> to vector<200x128xf32>
    %mul3A = arith.constant 3.125000e-02 : f32
    %mul3A_4 = vector.broadcast %mul3A : f32 to vector<200x128xf32>
    %mul3A_5 = arith.mulf %reduce_sum3A_3, %mul3A_4 : vector<200x128xf32>
    %get3A_6 = arith.constant 0 : index
    %get3A_7 = arith.constant 0 : index
    %get3A_8 = arith.constant 0 : index
    %get3A_9 = vector.load %arg3[%get3A_6, %get3A_7, %get3A_8] : memref<72x32x128xf32, #tpu.memory_space<vmem>>, vector<72x32x128xf32>
    %reduce_sum3A_10 = arith.constant dense<0.000000e+00> : vector<72x128xf32>
    %reduce_sum3A_11 = vector.multi_reduction <add>, %get3A_9, %reduce_sum3A_10 [1] : vector<72x32x128xf32> to vector<72x128xf32>
    %mul3A_12 = arith.constant 3.125000e-02 : f32
    %mul3A_13 = vector.broadcast %mul3A_12 : f32 to vector<72x128xf32>
    %mul3A_14 = arith.mulf %reduce_sum3A_11, %mul3A_13 : vector<72x128xf32>
    %swap3A = arith.constant 0 : index
    %swap3A_15 = arith.constant 0 : index
    %swap3A_16 = vector.load %arg7[%swap3A, %swap3A_15] : memref<72x128xf32, #tpu.memory_space<vmem>>, vector<72x128xf32>
    tpu.vector_store %arg7[%swap3A, %swap3A_15], %mul3A_14 {strides = array<i32>} : memref<72x128xf32, #tpu.memory_space<vmem>>, vector<72x128xf32>,
    %get3A_17 = arith.constant 0 : index
    %get3A_18 = arith.constant 0 : index
    %get3A_19 = vector.load %arg1[%get3A_17, %get3A_18] : memref<200x128xf32, #tpu.memory_space<vmem>>, vector<200x128xf32>
    %get3A_20 = arith.constant 0 : index
    %get3A_21 = arith.constant 0 : index
    %get3A_22 = vector.load %arg4[%get3A_20, %get3A_21] : memref<128x128xf32, #tpu.memory_space<vmem>>, vector<128x128xf32>
    %dot_general3A = arith.constant dense<0.000000e+00> : vector<200x128xf32>
    %dot_general3A_23 = tpu.matmul %get3A_19, %get3A_22, %dot_general3A {dimension_numbers = #tpu.dot_dimension_numbers<[1], [0], [0], [1], [0, 0, 1, 1], [], []>, transpose_lhs_hint = false} : vector<200x128xf32>, vector<128x128xf32>, vector<200x128xf32> -> vector<200x128xf32>
    %get3A_24 = arith.constant 0 : index
    %get3A_25 = arith.constant 0 : index
    %get3A_26 = vector.load %arg5[%get3A_24, %get3A_25] : memref<1x128xf32, #tpu.memory_space<vmem>>, vector<1x128xf32>
    %add3A = vector.broadcast %get3A_26 : vector<1x128xf32> to vector<200x128xf32>
    %add3A_27 = arith.addf %dot_general3A_23, %add3A : vector<200x128xf32>
    %add3A_28 = arith.addf %add3A_27, %mul3A_5 : vector<200x128xf32>
    %max3A = arith.constant 0.000000e+00 : f32
    %max3A_29 = vector.broadcast %max3A : f32 to vector<200x128xf32>
    %max3A_30 = arith.maximumf %add3A_28, %max3A_29 : vector<200x128xf32>
    %swap3A_31 = arith.constant 0 : index
    %swap3A_32 = arith.constant 0 : index
    %swap3A_33 = vector.load %arg6[%swap3A_31, %swap3A_32] : memref<200x128xf32, #tpu.memory_space<vmem>>, vector<200x128xf32>
    tpu.vector_store %arg6[%swap3A_31, %swap3A_32], %max3A_30 {strides = array<i32>} : memref<200x128xf32, #tpu.memory_space<vmem>>, vector<200x128xf32>,
    return
  }
  func.func @transform_0(%arg0: i32) -> (i32, i32) {
    %c0_i32 = arith.constant 0 : i32
    %c0_i32_0 = arith.constant 0 : i32
    return %arg0, %c0_i32 : i32, i32
  }
  func.func @transform_1(%arg0: i32) -> (i32, i32, i32) {
    %c0_i32 = arith.constant 0 : i32
    %c0_i32_0 = arith.constant 0 : i32
    %c0_i32_1 = arith.constant 0 : i32
    return %arg0, %c0_i32, %c0_i32_0 : i32, i32, i32
  }
  func.func @transform_2(%arg0: i32) -> (i32, i32, i32) {
    %c0_i32 = arith.constant 0 : i32
    %c0_i32_0 = arith.constant 0 : i32
    %c0_i32_1 = arith.constant 0 : i32
    return %arg0, %c0_i32, %c0_i32_0 : i32, i32, i32
  }
  func.func @transform_3(%arg0: i32) -> (i32, i32) {
    %c0_i32 = arith.constant 0 : i32
    %c0_i32_0 = arith.constant 0 : i32
    %c0_i32_1 = arith.constant 0 : i32
    return %c0_i32, %c0_i32_0 : i32, i32
  }
  func.func @transform_4(%arg0: i32) -> (i32, i32) {
    %c0_i32 = arith.constant 0 : i32
    %c0_i32_0 = arith.constant 0 : i32
    %c0_i32_1 = arith.constant 0 : i32
    return %c0_i32, %c0_i32_0 : i32, i32
  }
  func.func @transform_5(%arg0: i32) -> (i32, i32) {
    %c0_i32 = arith.constant 0 : i32
    %c0_i32_0 = arith.constant 0 : i32
    return %arg0, %c0_i32 : i32, i32
  }
  func.func @transform_6(%arg0: i32) -> (i32, i32) {
    %c0_i32 = arith.constant 0 : i32
    %c0_i32_0 = arith.constant 0 : i32
    return %arg0, %c0_i32 : i32, i32
  }
}

</mosaic_0001>

<sc_bundles>
// kernel: kernel.4.cloned.1.call-start
scs
__scs_entry_jumppad:
0x0: {  	(pc) =	sbr.rel $0x88, $3  }
0x1: {  	(tag) =	ssettag $0x0;
	lr =	simm.s32 $0x1  }
0x2: {  	[smem:$0x3F9C] =	sst lr;
	_ =	strace $0xD0000000  }
0x3: {  	_ = 	snop  }
0x4: {  	_ = 	snop  }
0x5: {  	_ = 	snop  }
0x6: {  	_ = 	snop  }
0x7: {  	_ = 	snop  }
__scs_overlays_trampoline_lowered:
0x8: {  	[smem:$0x3FAB] =	sst s0  }
0x9: {  	[smem:$0x3FAC] =	sst s1  }
0xa: {  	[smem:$0x3FAD] =	sst s2  }
0xb: {  	[smem:$0x3FAE] =	sst s3  }
0xc: {  	[smem:$0x3FAF] =	sst s4  }
0xd: {  	[smem:$0x3FB0] =	sst s5  }
0xe: {  	[smem:$0x3FB1] =	sst s6  }
0xf: {  	[smem:$0x3FB2] =	sst s7  }
0x10: {  	[smem:$0x3FB3] =	sst s8  }
0x11: {  	[smem:$0x3FB4] =	sst s9;
	s0 =	simm.s32 @!p0 $0x0  }
0x12: {  	s1 =	sld [smem:$0x3F9A];
	s0 =	simm.s32 @p0 $0x1  }
0x13: {  	[smem:$0x3FB5] =	sst s0;
	s0 =	simm.s32 @!p1 $0x0  }
0x14: {  	s2 =	sld [smem:$0x3F99];
	s0 =	simm.s32 @p1 $0x1  }
0x15: {  	[smem:$0x3FB6] =	sst s0;
	s0 =	simm.s32 @!p2 $0x0  }
0x16: {  	s3 =	sld [smem:$0x3FDB];
	s0 =	simm.s32 @p2 $0x1  }
0x17: {  	s4 =	simm.s32 $0x1BF5;
	[smem:$0x3FB8] =	sst s0  }
0x18: {  	s0 =	sld [smem:$0x3F9B];
	_ =	swait.ge [sflag:s4], $0x0  }
0x19: {  	s7 =	sld [smem:$0x3F9C]  }
0x1a: {  	s8 =	sadd.s32 $0xFFFFE003, lr  }
0x1b: {  	s9 =	sadd.s32 $0xFFFFFEF7, lr;
	s5 =	simm.s32 $0xFFFFFFFF;
	p2 =	slt.u32 s8, $0xFFFFF086  }
0x1c: {  	p1 =	slt.u32 s9, $0xF7A;
	s5 =	simm.s32 @!p2 $0x0  }
0x1d: {  	s5 =	simm.s32 @p1 $0x1;
	p0 =	seq.s32 s7, s2  }
0x1e: {  	s7 =	smul.u32 @!p0 $0xF7A, s2;
	p2 =	seq.s32 @!p0 s5, $0x0  }
0x1f: {  	s9 =	smul.u32 $0xF7A, s1;
	s8 =	simm.s32 @!p0 $0x1BF5;
	p2 =	por !p2, p0  }
0x20: {  	[sflag:s8] =	ssyncset.s32 @!p0 $0xFFFFF086;
	s6 =	sadd.s32 @!p0 s3, s7;
	s7 =	simm.s32 @!p0 $0x108  }
0x21: {  	s3 =	sadd.s32 s3, s9;
	s6 =	sadd.s32 @!p0 $0x88, s6;
	s7 =	simm.s32 @p2 $0x1082  }
0x22: {  	[simem:s7], [sflag:s8] =	dma.local @!p0 [hbm:s6], $0xF7A  }
0x23: {  	s9 =	sor.u32 $0xD0000000, s2;
	s6 =	simm.s32 $0x108;
	_ =	swait.ge @!p0 [sflag:s8], $0x0  }
0x24: {  	s3 =	sadd.s32 $0x88, s3;
	s6 =	simm.s32 @!p1 $0x1082;
	[sflag:s4] =	ssyncset.s32 $0xFFFFF086  }
0x25: {  	[simem:s6], [sflag:s4] =	dma.local [hbm:s3], $0xF7A  }
0x26: {  	[smem:$0x3F9C] =	sst s1;
	(tag) =	ssettag s2;
	_ =	strace s9  }
0x27: {  	s1 =	sld [smem:$0x3FAC]  }
0x28: {  	s2 =	sld [smem:$0x3FAD]  }
0x29: {  	s4 =	sld [smem:$0x3FAF]  }
0x2a: {  	p0 =	seq.s32 s5, $0x0;
	s5 =	sld [smem:$0x3FB0]  }
0x2b: {  	s6 =	sld [smem:$0x3FB1]  }
0x2c: {  	s7 =	sld [smem:$0x3FB2]  }
0x2d: {  	s3 =	simm.s32 $0x108;
	s8 =	sld [smem:$0x3FB3]  }
0x2e: {  	s3 =	simm.s32 @!p0 $0x1082;
	s9 =	sld [smem:$0x3FB4]  }
0x2f: {  	lr =	sadd.s32 s0, s3;
	s0 =	sld [smem:$0x3FAB]  }
0x30: {  	s3 =	sld [smem:$0x3FAE]  }
0x31: {  	[smem:$0x3FB7] =	sst s10  }
0x32: {  	s10 =	sld [smem:$0x3FB5];
	_ =	sdelay $0x3  }
0x33: {  	p0 =	seq.s32 s10, $0x1;
	s10 =	sld [smem:$0x3FB7];
	_ =	sdelay $0x3  }
0x34: {  	[smem:$0x3FB7] =	sst s10  }
0x35: {  	s10 =	sld [smem:$0x3FB6];
	_ =	sdelay $0x3  }
0x36: {  	p1 =	seq.s32 s10, $0x1;
	s10 =	sld [smem:$0x3FB7];
	_ =	sdelay $0x3  }
0x37: {  	[smem:$0x3FB7] =	sst s10  }
0x38: {  	s10 =	sld [smem:$0x3FB8]  }
0x39: {  	_ = 	snop;
	(pc) =	sbr.ind lr, $3  }
0x3a: {  	_ = 	snop  }
0x3b: {  	_ = 	snop  }
0x3c: {  	p2 =	seq.s32 s10, $0x1;
	s10 =	sld [smem:$0x3FB7]  }
0x3d: {  	_ =	shalt  }
0x3e: {  	_ =	shalt  }
0x3f: {  	_ =	shalt  }
0x40: {  	_ =	shalt  }
0x41: {  	_ =	shalt  }
0x42: {  	_ =	shalt  }
0x43: {  	_ =	shalt  }
0x44: {  	_ =	shalt  }
0x45: {  	_ =	shalt  }
0x46: {  	_ =	shalt  }
0x47: {  	_ =	shalt  }
0x48: {  	_ =	shalt  }
0x49: {  	_ =	shalt  }
0x4a: {  	_ =	shalt  }
0x4b: {  	_ =	shalt  }
0x4c: {  	_ =	shalt  }
0x4d: {  	_ =	shalt  }
0x4e: {  	_ =	shalt  }
0x4f: {  	_ =	shalt  }
0x50: {  	_ =	shalt  }
0x51: {  	_ =	shalt  }
0x52: {  	_ =	shalt  }
0x53: {  	_ =	shalt  }
0x54: {  	_ =	shalt  }
0x55: {  	_ =	shalt  }
0x56: {  	_ =	shalt  }
0x57: {  	_ =	shalt  }
0x58: {  	_ =	shalt  }
0x59: {  	_ =	shalt  }
0x5a: {  	_ =	shalt  }
0x5b: {  	_ =	shalt  }
0x5c: {  	_ =	shalt  }
0x5d: {  	_ =	shalt  }
0x5e: {  	_ =	shalt  }
0x5f: {  	_ =	shalt  }
0x60: {  	_ =	shalt  }
0x61: {  	_ =	shalt  }
0x62: {  	_ =	shalt  }
0x63: {  	_ =	shalt  }
0x64: {  	_ =	shalt  }
0x65: {  	_ =	shalt  }
0x66: {  	_ =	shalt  }
0x67: {  	_ =	shalt  }
0x68: {  	_ =	shalt  }
0x69: {  	_ =	shalt  }
0x6a: {  	_ =	shalt  }
0x6b: {  	_ =	shalt  }
0x6c: {  	_ =	shalt  }
0x6d: {  	_ =	shalt  }
0x6e: {  	_ =	shalt  }
0x6f: {  	_ =	shalt  }
0x70: {  	_ =	shalt  }
0x71: {  	_ =	shalt  }
0x72: {  	_ =	shalt  }
0x73: {  	_ =	shalt  }
0x74: {  	_ =	shalt  }
0x75: {  	_ =	shalt  }
0x76: {  	_ =	shalt  }
0x77: {  	_ =	shalt  }
0x78: {  	_ =	shalt  }
0x79: {  	_ =	shalt  }
0x7a: {  	_ =	shalt  }
0x7b: {  	_ =	shalt  }
0x7c: {  	_ =	shalt  }
0x7d: {  	_ =	shalt  }
0x7e: {  	_ =	shalt  }
0x7f: {  	_ =	shalt  }
0x80: {  	_ =	shalt  }
0x81: {  	_ =	shalt  }
0x82: {  	_ =	shalt  }
0x83: {  	_ =	shalt  }
0x84: {  	_ =	shalt  }
0x85: {  	_ =	shalt  }
0x86: {  	_ =	shalt  }
0x87: {  	_ =	shalt  }
.Lfunc_end0:
.L_simem_size_0:
called_computation_lowered:
.L_overlay_start_0:
0x88: {  	s2 =	sld [smem:$0x3FD9]  }
0x89: {  	s3 =	sld [smem:$0x3FFE];
	_ =	sdelay $0x1  }
0x8a: {  	s1 =	srdreg.scid  }
0x8b: {  	s0 =	sand.u32 $0x1, s1  }
0x8c: {  	s17 =	sshll.u32 s0, $0xA;
	s2 =	sadd.s32 s3, s2  }
0x8d: {  	s2 =	sadd.s32 s2, s17  }
0x8e: {  	[smem:$0x3FC3] =	sst s2  }
0x8f: {  	_ = 	snop  }
0x90: {  	s2 =	sld [smem:$0x3FC7];
	(tm) =	ssettm $0x1  }
0x91: {  	s18 =	sld [smem:$0x3FFB];
	_ =	sdelay $0x3  }
0x92: {  	_ =	strace s18  }
0x93: {  	s3 =	sld [smem:$0x3FFC];
	_ =	sdelay $0x3  }
0x94: {  	_ =	strace s3  }
0x95: {  	s3 =	sld [smem:$0x3FFD];
	_ =	sdelay $0x3  }
0x96: {  	_ =	strace s3  }
0x97: {  	_ =	strace $0x8FFFFFFF  }
0x98: {  	s19 =	sld [smem:$0x3FDB];
	_ =	sdelay $0x1  }
0x99: {  	s4 =	simm.s32 $_scs_section_size  }
0x9a: {  	s5 =	simm.s32 $_size__tile_overlayer_lowered;
	s6 =	simm.s32 $_tile_overlayer_lowered  }
0x9b: {  	s22 =	simm.s32 $0x1BFF;
	s21 =	sshll.u32 s6, $0x1;
	s3 =	sadd.s32 s4, s19  }
0x9c: {  	s7 =	simm.s32 $0x0;
	s20 =	sshll.u32 s5, $0x1;
	s5 =	sadd.s32 s21, s3  }
0x9d: {  	[timem:s7], [sflag:s22] =	dma.local [hbm:s5], s20  }
0x9e: {  	_ =	swait.ge [sflag:s22], s20  }
0x9f: {  	s4 =	ssub.s32 $0x0, s20;
	[sflag:s22] =	ssyncset.done $0x0  }
0xa0: {  	[sflag:s22] =	ssyncadd.s32 s4;
	_ =	sdelay $0x1  }
0xa1: {  	s23 =	simm.s32 $0x1B8B  }
0xa2: {  	_ =	swait.ge [sflag:s23], $0x1  }
0xa3: {  	[sflag:s23] =	ssyncset.done $0x0  }
0xa4: {  	s25 =	simm.s32 $0x1B8E;
	s24 =	sld [smem:$0x3FFE];
	[sflag:s23] =	ssyncadd.s32 $0xFFFFFFFF  }
0xa5: {  	s26 =	simm.s32 $execute0_lowered;
	[smem:$0x3FD2] =	sst s25  }
0xa6: {  	s5 =	sshll.u32 s26, $0x1;
	_ =	strace $0x80000046;
	[dreg:$0x1] =	wrdreg $0xFFFFFFFF  }
0xa7: {  	s28 =	simm.s32 $_size_execute0_lowered;
	s3 =	sadd.s32 s3, s5;
	[dreg:$0x0] =	wrdreg $0x0  }
0xa8: {  	s5 =	sshll.u32 s28, $0x1;
	[dreg:$0x2] =	wrdreg s3  }
0xa9: {  	[dreg:$0x3] =	wrdreg s5  }
0xaa: {  	[dreg:$0x4] =	wrdreg $0xC0  }
0xab: {  	_ =	task [dreg:s7], $0x5FFFF  }
0xac: {  	[dreg:$0x1] =	wrdreg $0xFFFFFFFF  }
0xad: {  	[dreg:$0x0] =	wrdreg $0x60  }
0xae: {  	[dreg:$0x2] =	wrdreg s2  }
0xaf: {  	[dreg:$0x3] =	wrdreg s24  }
0xb0: {  	[dreg:$0x4] =	wrdreg $0x9  }
0xb1: {  	_ =	task.clear_ibuf [dreg:s7], $0x5FFFF;
	_ =	strace $0x90000046  }
0xb2: {  	s29 =	simm.s32 $0x9;
	_ =	strace $0x80000048  }
0xb3: {  	_ =	swait.ge [sflag:s29], $0x1  }
0xb4: {  	[sflag:s29] =	ssyncadd.s32 $0xFFFFFFFF  }
0xb5: {  	_ =	strace $0x90000048  }
0xb6: {  	_ =	sfence  }
0xb7: {  	s30 =	sld [smem:$0x0];
	_ =	sdelay $0x2  }
0xb8: {  	s31 =	sshll.u32 s1, $0xD;
	s1 =	sshrl.u32 s1, $0x2  }
0xb9: {  	s3 =	sand.u32 $0x4000, s31;
	s1 =	sadd.s32 s1, s30  }
0xba: {  	s0 =	sor.u32 s3, s0;
	s1 =	sshll.u32 s1, $0x11  }
0xbb: {  	s0 =	sor.u32 s1, s0  }
0xbc: {  	s0 =	sadd.s32 $0x8F2B, s0  }
0xbd: {  	[sflag:s0] =	ssyncadd.remote.s32 $0x1  }
0xbe: {  	_ =	sfence.sel $0xFFFF  }
0xbf: {  	[dreg:$0x0] =	wrdreg $0xFFFFFFFF;
	(pc) =	sbr.abs _section_cstart, $3  }
0xc0: {  	[dreg:$0x1] =	wrdreg $0xFFFFFFFF  }
0xc1: {  	_ =	task.clear_ibuf [dreg:s7], $0x2FFFF;
	_ =	strace $0x9FFFFFFF  }
0xc2: {  	(tm) =	ssettm $0x7FFFFFFF  }
0xc3: {  	_ =	shalt  }
tec
execute0_lowered:
.L_overlay_start_1:
0x0: {  	(tag) =	ssettag $0x1  }
0x1: {  	s1 =	srdreg.scid;
	s3 =	rddreg [dreg:$0x0]  }
0x2: {  	s0 =	stileid.u32;
	s5 =	rddreg [dreg:$0x1]  }
0x3: {  	s2 =	simm.s32 $0x0;
	s4 =	sand.u32 $0x1, s1;
	s29 =	sshll.u32 s0, $0x1  }
0x4: {  	s10 =	simm.s32 $0x1;
	s11 =	simm.s32 $0x10000;
	s6 =	sor.u32 s4, s29  }
0x5: {  	s12 =	simm.s32 $0x3;
	s13 =	simm.s32 $0x2;
	s7 =	smul.u32 $0xC80, s6  }
0x6: {  	s14 =	simm.s32 $0x0;
	s1 =	rddreg [dreg:$0x2];
	s8 =	smul.u32 $0xC8000, s6  }
0x7: {  	[smem:$0x7FF] =	sst s2;
	s4 =	ssub.s32 $0x2, s4;
	s6 =	smul.u32 $0x19000, s6  }
.Ltmp0:
0x8: {  	_ =	strace $0x80000047;
	s30 =	sshrl.u32 s4, $0x1;
	(pc) =	sbr.rel .LBB2_1-.Ltmp0, $4  }
0x9: {  	s9 =	ssub.s32 s4, s30;
	s8 =	sshrl.u32 s8, $0x3;
	s6 =	sadd.s32 s3, s6  }
0xa: {  	s7 =	sadd.s32 s7, s5;
	s31 =	sadd.s32 s3, s8;
	s3 =	sadd.s32 $0x1C2000, s6  }
0xb: {  	s5 =	sadd.s32 $0x1C4000, s6;
	s6 =	sadd.s32 $0x1C5000, s6;
	s7 =	sadd.s32 $0xC00, s7  }
0xc: {  	s8 =	smax.u32 s9, $0x1;
	s9 =	simm.s32 $0x8000;
	s4 =	sadd.s32 $0x1C3000, s31  }
.LBB2_10:
0xd: {  	s14 =	sadd.s32 $0x1, s14  }
0xe: {  	p0 =	sne.s32 s14, s8  }
.Ltmp1:
0xf: {  	_ = 	snop;
	(pc) =	sbr.rel @!p0 .LBB2_11-.Ltmp1, $4  }
0x10: {  	[hbm4b:s7+s2] =	stream.linear.scatter [tilespmem:s11], [sflag:$0x3], $0x6400, $0x38;
	[tilespmem:$0x16400] =	vst v63  }
0x11: {  	_ =	swait.ge [sflag:s12], $0x6400  }
0x12: {  	[sflag:s12] =	ssyncset.done $0x0  }
0x13: {  	[sflag:s12] =	ssyncadd.s32 $0xFFFF9C00  }
.LBB2_1:
.Ltmp2:
0x14: {  	(pc) =	sbr.rel .LBB2_2-.Ltmp2, $4  }
0x15: {  	_ = 	snop  }
0x16: {  	[tilespmem:s2], [sflag:$0x1] =	stream.linear.gather [hbm4b:s3+s2], $0x8000, $0x38;
	[tilespmem:$0x16400] =	vst v63  }
0x17: {  	s15 =	simm.s32 $0x0  }
0x18: {  	[tilespmem:s9], [sflag:$0x2] =	stream.linear.gather [hbm4b:s4+s2], $0x8000, $0x38;
	[tilespmem:$0x16400] =	vst v63  }
.LBB2_9:
0x19: {  	s15 =	sadd.s32 $0x1, s15  }
0x1a: {  	p0 =	sne.s32 s15, $0xD  }
.Ltmp3:
0x1b: {  	_ = 	snop;
	(pc) =	sbr.rel @!p0 .LBB2_10-.Ltmp3, $1  }
0x1c: {  	_ =	sdelay $0x3  }
.LBB2_2:
0x1d: {  	s16 =	sshll.u32 s15, $0xD  }
0x1e: {  	_ =	swait.ge [sflag:s10], $0x8000;
	s17 =	sshrl.u32 s16, $0x2  }
0x1f: {  	[sflag:s10] =	ssyncset.done $0x0;
	s18 =	sadd.s32 $0x10000, s17  }
0x20: {  	[sflag:s10] =	ssyncadd.s32 $0xFFFF8000;
	s17 =	simm.s32 $0x0;
	v58 =	vmov s18  }
.LBB2_3:
0x21: {  	s18 =	sshll.u32 s17, $0xC  }
0x22: {  	s18 =	sand.u32 $0x3FFFF000, s18  }
0x23: {  	v63 =	vld [tilespmem:s18+$0x3E0];
	_ =	sdelay $0x4  }
0x24: {  	[tilespmem:$0x1FA60] =	vst v63;
	v63 =	vld [tilespmem:s18+$0x3F0];
	_ =	sdelay $0x4  }
0x25: {  	[tilespmem:$0x1FA70] =	vst v63;
	v63 =	vld [tilespmem:s18+$0x400];
	_ =	sdelay $0x4  }
0x26: {  	[tilespmem:$0x1FA80] =	vst v63;
	v63 =	vld [tilespmem:s18+$0x410];
	_ =	sdelay $0x4  }
0x27: {  	[tilespmem:$0x1FA90] =	vst v63;
	v63 =	vld [tilespmem:s18+$0x420];
	_ =	sdelay $0x4  }
0x28: {  	[tilespmem:$0x1FAA0] =	vst v63;
	v63 =	vld [tilespmem:s18+$0x430];
	_ =	sdelay $0x4  }
0x29: {  	[tilespmem:$0x1FAB0] =	vst v63;
	v63 =	vld [tilespmem:s18+$0x440];
	_ =	sdelay $0x4  }
0x2a: {  	[tilespmem:$0x1FAC0] =	vst v63;
	v63 =	vld [tilespmem:s18+$0x450];
	_ =	sdelay $0x4  }
0x2b: {  	[tilespmem:$0x1FAD0] =	vst v63;
	v63 =	vld [tilespmem:s18+$0x460];
	_ =	sdelay $0x4  }
0x2c: {  	[tilespmem:$0x1FAE0] =	vst v63;
	v63 =	vld [tilespmem:s18+$0x470];
	_ =	sdelay $0x4  }
0x2d: {  	[tilespmem:$0x1FAF0] =	vst v63;
	v63 =	vld [tilespmem:s18+$0x480];
	_ =	sdelay $0x4  }
0x2e: {  	[tilespmem:$0x1FB00] =	vst v63;
	v63 =	vld [tilespmem:s18+$0x490];
	_ =	sdelay $0x4  }
0x2f: {  	[tilespmem:$0x1FB10] =	vst v63;
	v63 =	vld [tilespmem:s18+$0x4A0];
	_ =	sdelay $0x4  }
0x30: {  	[tilespmem:$0x1FB20] =	vst v63;
	v63 =	vld [tilespmem:s18+$0x4B0];
	_ =	sdelay $0x4  }
0x31: {  	[tilespmem:$0x1FB30] =	vst v63;
	v63 =	vld [tilespmem:s18+$0x4C0];
	_ =	sdelay $0x4  }
0x32: {  	[tilespmem:$0x1FB40] =	vst v63;
	v63 =	vld [tilespmem:s18+$0x4D0];
	_ =	sdelay $0x4  }
0x33: {  	[tilespmem:$0x1FB50] =	vst v63;
	v63 =	vld [tilespmem:s18+$0x4E0];
	_ =	sdelay $0x4  }
0x34: {  	[tilespmem:$0x1FB60] =	vst v63;
	v63 =	vld [tilespmem:s18+$0x4F0];
	_ =	sdelay $0x4  }
0x35: {  	[tilespmem:$0x1FB70] =	vst v63;
	v63 =	vld [tilespmem:s18+$0x500];
	_ =	sdelay $0x4  }
0x36: {  	[tilespmem:$0x1FB80] =	vst v63;
	v63 =	vld [tilespmem:s18+$0x510];
	_ =	sdelay $0x4  }
0x37: {  	[tilespmem:$0x1FB90] =	vst v63;
	v63 =	vld [tilespmem:s18+$0x520];
	_ =	sdelay $0x4  }
0x38: {  	[tilespmem:$0x1FBA0] =	vst v63;
	v63 =	vld [tilespmem:s18+$0x530];
	_ =	sdelay $0x1  }
0x39: {  	v17 =	vld [tilespmem:s18+$0x0]  }
0x3a: {  	v18 =	vld [tilespmem:s18+$0x10]  }
0x3b: {  	v21 =	vld [tilespmem:s18+$0x20]  }
0x3c: {  	[tilespmem:$0x1FBB0] =	vst v63;
	v63 =	vld [tilespmem:s18+$0x540]  }
0x3d: {  	v22 =	vld [tilespmem:s18+$0x30]  }
0x3e: {  	v25 =	vld [tilespmem:s18+$0x40]  }
0x3f: {  	v26 =	vld [tilespmem:s18+$0x50]  }
0x40: {  	v29 =	vld [tilespmem:s18+$0x60]  }
0x41: {  	[tilespmem:$0x1FBC0] =	vst v63;
	v63 =	vld [tilespmem:s18+$0x550]  }
0x42: {  	v30 =	vld [tilespmem:s18+$0x70]  }
0x43: {  	v1 =	vld [tilespmem:s18+$0x80]  }
0x44: {  	v2 =	vld [tilespmem:s18+$0x90]  }
0x45: {  	v3 =	vld [tilespmem:s18+$0xA0]  }
0x46: {  	[tilespmem:$0x1FBD0] =	vst v63;
	v63 =	vld [tilespmem:s18+$0x560]  }
0x47: {  	v4 =	vld [tilespmem:s18+$0xB0]  }
0x48: {  	v5 =	vld [tilespmem:s18+$0xC0]  }
0x49: {  	v6 =	vld [tilespmem:s18+$0xD0]  }
0x4a: {  	v7 =	vld [tilespmem:s18+$0xE0]  }
0x4b: {  	[tilespmem:$0x1FBE0] =	vst v63;
	v63 =	vld [tilespmem:s18+$0x570]  }
0x4c: {  	v8 =	vld [tilespmem:s18+$0xF0]  }
0x4d: {  	v9 =	vld [tilespmem:s18+$0x100]  }
0x4e: {  	v10 =	vld [tilespmem:s18+$0x110]  }
0x4f: {  	v11 =	vld [tilespmem:s18+$0x120]  }
0x50: {  	[tilespmem:$0x1FBF0] =	vst v63;
	v63 =	vld [tilespmem:s18+$0x580]  }
0x51: {  	v12 =	vld [tilespmem:s18+$0x130]  }
0x52: {  	v13 =	vld [tilespmem:s18+$0x140]  }
0x53: {  	v14 =	vld [tilespmem:s18+$0x150]  }
0x54: {  	v15 =	vld [tilespmem:s18+$0x160]  }
0x55: {  	[tilespmem:$0x1FC00] =	vst v63;
	v63 =	vld [tilespmem:s18+$0x590]  }
0x56: {  	v16 =	vld [tilespmem:s18+$0x170]  }
0x57: {  	v19 =	vld [tilespmem:s18+$0x180]  }
0x58: {  	v20 =	vld [tilespmem:s18+$0x190]  }
0x59: {  	v23 =	vld [tilespmem:s18+$0x1A0]  }
0x5a: {  	[tilespmem:$0x1FC10] =	vst v63;
	v63 =	vld [tilespmem:s18+$0x5A0]  }
0x5b: {  	v24 =	vld [tilespmem:s18+$0x1B0]  }
0x5c: {  	v27 =	vld [tilespmem:s18+$0x1C0]  }
0x5d: {  	v28 =	vld [tilespmem:s18+$0x1D0]  }
0x5e: {  	v31 =	vld [tilespmem:s18+$0x1E0]  }
0x5f: {  	[tilespmem:$0x1FC20] =	vst v63;
	v63 =	vld [tilespmem:s18+$0x5B0]  }
0x60: {  	v32 =	vld [tilespmem:s18+$0x1F0]  }
0x61: {  	v53 =	vld [tilespmem:s18+$0x200]  }
0x62: {  	v33 =	vld [tilespmem:s18+$0x210]  }
0x63: {  	v61 =	vld [tilespmem:s18+$0x220]  }
0x64: {  	[tilespmem:$0x1FC30] =	vst v63;
	v63 =	vld [tilespmem:s18+$0x5C0]  }
0x65: {  	v34 =	vld [tilespmem:s18+$0x230]  }
0x66: {  	v48 =	vld [tilespmem:s18+$0x240]  }
0x67: {  	v35 =	vld [tilespmem:s18+$0x250]  }
0x68: {  	v45 =	vld [tilespmem:s18+$0x260]  }
0x69: {  	[tilespmem:$0x1FC40] =	vst v63;
	v63 =	vld [tilespmem:s18+$0x5D0]  }
0x6a: {  	v36 =	vld [tilespmem:s18+$0x270]  }
0x6b: {  	v39 =	vld [tilespmem:s18+$0x280]  }
0x6c: {  	v37 =	vld [tilespmem:s18+$0x290]  }
0x6d: {  	v0 =	vld [tilespmem:s18+$0x2A0]  }
0x6e: {  	[tilespmem:$0x1FC50] =	vst v63;
	v63 =	vld [tilespmem:s18+$0x5E0]  }
0x6f: {  	v38 =	vld [tilespmem:s18+$0x2B0]  }
0x70: {  	v40 =	vld [tilespmem:s18+$0x2C0]  }
0x71: {  	v41 =	vld [tilespmem:s18+$0x2D0]  }
0x72: {  	v43 =	vld [tilespmem:s18+$0x2E0]  }
0x73: {  	[tilespmem:$0x1FC60] =	vst v63;
	v63 =	vld [tilespmem:s18+$0x5F0]  }
0x74: {  	v42 =	vld [tilespmem:s18+$0x2F0]  }
0x75: {  	v46 =	vld [tilespmem:s18+$0x300]  }
0x76: {  	v44 =	vld [tilespmem:s18+$0x310]  }
0x77: {  	v47 =	vld [tilespmem:s18+$0x320]  }
0x78: {  	[tilespmem:$0x1FC70] =	vst v63;
	v63 =	vld [tilespmem:s18+$0x600]  }
0x79: {  	v49 =	vld [tilespmem:s18+$0x330]  }
0x7a: {  	v50 =	vld [tilespmem:s18+$0x340]  }
0x7b: {  	v51 =	vld [tilespmem:s18+$0x350]  }
0x7c: {  	v54 =	vld [tilespmem:s18+$0x360]  }
0x7d: {  	[tilespmem:$0x1FC80] =	vst v63;
	v63 =	vld [tilespmem:s18+$0x610]  }
0x7e: {  	v52 =	vld [tilespmem:s18+$0x370]  }
0x7f: {  	v55 =	vld [tilespmem:s18+$0x380]  }
0x80: {  	v56 =	vld [tilespmem:s18+$0x390]  }
0x81: {  	v59 =	vld [tilespmem:s18+$0x3A0]  }
0x82: {  	[tilespmem:$0x1FC90] =	vst v63;
	v63 =	vld [tilespmem:s18+$0x620]  }
0x83: {  	v57 =	vld [tilespmem:s18+$0x3B0]  }
0x84: {  	v62 =	vld [tilespmem:s18+$0x3C0]  }
0x85: {  	v60 =	vld [tilespmem:s18+$0x3D0]  }
0x86: {  	v1 =	vadd.f32 v1, v17;
	v17 =	vld [tilespmem:s18+$0x880]  }
0x87: {  	[tilespmem:$0x1FCA0] =	vst v63;
	v63 =	vld [tilespmem:s18+$0x630]  }
0x88: {  	v4 =	vadd.f32 v4, v22;
	v22 =	vld [tilespmem:s18+$0x890]  }
0x89: {  	v3 =	vadd.f32 v3, v21;
	v21 =	vld [tilespmem:s18+$0x8A0]  }
0x8a: {  	v5 =	vadd.f32 v5, v25;
	v25 =	vld [tilespmem:s18+$0x8C0]  }
0x8b: {  	v6 =	vadd.f32 v6, v26;
	v26 =	vld [tilespmem:s18+$0x8D0]  }
0x8c: {  	[tilespmem:$0x1FCB0] =	vst v63;
	v63 =	vld [tilespmem:s18+$0x640]  }
0x8d: {  	v7 =	vadd.f32 v7, v29;
	v29 =	vld [tilespmem:s18+$0x8E0]  }
0x8e: {  	v8 =	vadd.f32 v8, v30;
	v30 =	vld [tilespmem:s18+$0x8F0]  }
0x8f: {  	v2 =	vadd.f32 v2, v18;
	v18 =	vld [tilespmem:s18+$0x970]  }
0x90: {  	v4 =	vadd.f32 v12, v4;
	v12 =	vld [tilespmem:s18+$0x900]  }
0x91: {  	[tilespmem:$0x1FCC0] =	vst v63;
	v63 =	vld [tilespmem:s18+$0x650]  }
0x92: {  	v5 =	vadd.f32 v13, v5;
	v13 =	vld [tilespmem:s18+$0x910]  }
0x93: {  	v6 =	vadd.f32 v14, v6;
	v14 =	vld [tilespmem:s18+$0x920]  }
0x94: {  	v7 =	vadd.f32 v15, v7;
	v15 =	vld [tilespmem:s18+$0x930]  }
0x95: {  	v8 =	vadd.f32 v16, v8;
	v16 =	vld [tilespmem:s18+$0x940]  }
0x96: {  	v1 =	vadd.f32 v9, v1;
	[tilespmem:$0x1FCD0] =	vst v63;
	v63 =	vld [tilespmem:s18+$0x660]  }
0x97: {  	v2 =	vadd.f32 v10, v2;
	v9 =	vld [tilespmem:s18+$0x9F0]  }
0x98: {  	v1 =	vadd.f32 v19, v1;
	v19 =	vld [tilespmem:s18+$0x980]  }
0x99: {  	v2 =	vadd.f32 v20, v2;
	v20 =	vld [tilespmem:s18+$0x990]  }
0x9a: {  	v5 =	vadd.f32 v27, v5;
	v27 =	vld [tilespmem:s18+$0x9B0]  }
0x9b: {  	[tilespmem:$0x1FCE0] =	vst v63;
	v63 =	vld [tilespmem:s18+$0x670]  }
0x9c: {  	v4 =	vadd.f32 v24, v4;
	v24 =	vld [tilespmem:s18+$0x9C0]  }
0x9d: {  	[tilespmem:$0x1FF00] =	vst v22;
	v22 =	vld [tilespmem:s18+$0x8B0]  }
0x9e: {  	v3 =	vadd.f32 v11, v3;
	[tilespmem:$0x1FEF0] =	vst v17;
	v17 =	vld [tilespmem:s18+$0x960]  }
0x9f: {  	[tilespmem:$0x1FFD0] =	vst v18;
	v18 =	vld [tilespmem:s18+$0x9D0]  }
0xa0: {  	v3 =	vadd.f32 v23, v3;
	[tilespmem:$0x1FCF0] =	vst v63;
	v63 =	vld [tilespmem:s18+$0x680]  }
0xa1: {  	v6 =	vadd.f32 v28, v6;
	v7 =	vadd.f32 v31, v7;
	[tilespmem:$0x1FF50] =	vst v29;
	v29 =	vld [tilespmem:$0x1FA60]  }
0xa2: {  	v8 =	vadd.f32 v32, v8;
	v3 =	vadd.f32 v61, v3;
	v61 =	vld [tilespmem:s18+$0x950]  }
0xa3: {  	v1 =	vadd.f32 v53, v1;
	v2 =	vadd.f32 v33, v2;
	v33 =	vld [tilespmem:s18+$0x9A0]  }
0xa4: {  	v4 =	vadd.f32 v34, v4;
	v5 =	vadd.f32 v48, v5;
	v31 =	vld [tilespmem:$0x1FA70]  }
0xa5: {  	v6 =	vadd.f32 v35, v6;
	v7 =	vadd.f32 v45, v7;
	[tilespmem:$0x1FD00] =	vst v63;
	v63 =	vld [tilespmem:s18+$0x690]  }
0xa6: {  	v8 =	vadd.f32 v36, v8;
	[tilespmem:$0x1FFA0] =	vst v15;
	v15 =	vld [tilespmem:s18+$0x9E0];
	v3 =	vadd.f32 v0, v3  }
0xa7: {  	v1 =	vadd.f32 v39, v1;
	v2 =	vadd.f32 v37, v2;
	v0 =	vld [tilespmem:s18+$0xCB0]  }
0xa8: {  	[tilespmem:$0x1FF10] =	vst v21;
	v4 =	vadd.f32 v38, v4;
	v21 =	vadd.f32 v47, v3;
	v3 =	vld [tilespmem:s18+$0xA00]  }
0xa9: {  	v5 =	vadd.f32 v40, v5;
	v1 =	vadd.f32 v46, v1;
	v32 =	vld [tilespmem:$0x1FA80]  }
0xaa: {  	v6 =	vadd.f32 v41, v6;
	v2 =	vadd.f32 v44, v2;
	[tilespmem:$0x1FD10] =	vst v63;
	v63 =	vld [tilespmem:s18+$0x6A0]  }
0xab: {  	[tilespmem:$0x1FF20] =	vst v22;
	v4 =	vadd.f32 v49, v4;
	v22 =	vadd.f32 v55, v1;
	v1 =	vld [tilespmem:s18+$0xA10]  }
0xac: {  	v5 =	vadd.f32 v50, v5;
	v23 =	vadd.f32 v56, v2;
	v2 =	vld [tilespmem:s18+$0xA20]  }
0xad: {  	[tilespmem:$0x1FF30] =	vst v25;
	v7 =	vadd.f32 v43, v7;
	v25 =	vadd.f32 v57, v4;
	v4 =	vld [tilespmem:s18+$0xA30]  }
0xae: {  	[tilespmem:$0x1FF40] =	vst v26;
	v6 =	vadd.f32 v51, v6;
	v26 =	vadd.f32 v62, v5;
	v5 =	vld [tilespmem:s18+$0xA40]  }
0xaf: {  	v8 =	vadd.f32 v42, v8;
	v7 =	vadd.f32 v54, v7;
	[tilespmem:$0x1FD20] =	vst v63;
	v63 =	vld [tilespmem:s18+$0x6B0]  }
0xb0: {  	v28 =	vadd.f32 v60, v6;
	v6 =	vld [tilespmem:s18+$0xA50]  }
0xb1: {  	[tilespmem:$0x1FF60] =	vst v30;
	v8 =	vadd.f32 v52, v8;
	v30 =	vadd.f32 v29, v7;
	v7 =	vld [tilespmem:s18+$0xA60]  }
0xb2: {  	v35 =	vld [tilespmem:$0x1FAA0]  }
0xb3: {  	v8 =	vadd.f32 v31, v8;
	v31 =	vld [tilespmem:s18+$0xB10]  }
0xb4: {  	[tilespmem:$0x1FD30] =	vst v63;
	v63 =	vld [tilespmem:s18+$0x6C0]  }
0xb5: {  	v10 =	vadd.f32 v59, v21;
	v34 =	vld [tilespmem:$0x1FA90]  }
0xb6: {  	v37 =	vld [tilespmem:$0x1FAB0]  }
0xb7: {  	v36 =	vadd.f32 v35, v10;
	v10 =	vld [tilespmem:s18+$0xA80]  }
0xb8: {  	v38 =	vld [tilespmem:$0x1FAC0]  }
0xb9: {  	[tilespmem:$0x1FD40] =	vst v63;
	v63 =	vld [tilespmem:s18+$0x6D0]  }
0xba: {  	v41 =	vld [tilespmem:$0x1FAF0]  }
0xbb: {  	v39 =	vld [tilespmem:$0x1FAD0]  }
0xbc: {  	v43 =	vld [tilespmem:$0x1FB00]  }
0xbd: {  	v40 =	vld [tilespmem:$0x1FAE0]  }
0xbe: {  	[tilespmem:$0x1FD50] =	vst v63;
	v63 =	vld [tilespmem:s18+$0x6E0]  }
0xbf: {  	v11 =	vadd.f32 v32, v22;
	v42 =	vadd.f32 v41, v8;
	v8 =	vld [tilespmem:s18+$0xA70]  }
0xc0: {  	v45 =	vld [tilespmem:$0x1FB10]  }
0xc1: {  	v44 =	vadd.f32 v43, v11;
	v11 =	vld [tilespmem:s18+$0xA90]  }
0xc2: {  	[tilespmem:$0x1FF70] =	vst v12;
	v47 =	vld [tilespmem:$0x1FB20]  }
0xc3: {  	v12 =	vadd.f32 v34, v23;
	[tilespmem:$0x1FD60] =	vst v63;
	v63 =	vld [tilespmem:s18+$0x6F0]  }
0xc4: {  	v48 =	vld [tilespmem:$0x1FB30]  }
0xc5: {  	v46 =	vadd.f32 v45, v12;
	v12 =	vld [tilespmem:s18+$0xAA0]  }
0xc6: {  	v50 =	vld [tilespmem:$0x1FB40]  }
0xc7: {  	[tilespmem:$0x1FF80] =	vst v13;
	v13 =	vadd.f32 v37, v25;
	v52 =	vld [tilespmem:$0x1FB50]  }
0xc8: {  	[tilespmem:$0x1FD70] =	vst v63;
	v63 =	vld [tilespmem:s18+$0x700]  }
0xc9: {  	[tilespmem:$0x1FF90] =	vst v14;
	v14 =	vadd.f32 v38, v26;
	v49 =	vadd.f32 v48, v13;
	v13 =	vld [tilespmem:s18+$0xAB0]  }
0xca: {  	[tilespmem:$0x1FFB0] =	vst v16;
	v16 =	vadd.f32 v39, v28;
	v54 =	vld [tilespmem:$0x1FB60]  }
0xcb: {  	v51 =	vadd.f32 v50, v14;
	v14 =	vld [tilespmem:s18+$0xAC0]  }
0xcc: {  	[tilespmem:$0x1FFC0] =	vst v17;
	v53 =	vadd.f32 v52, v16;
	v16 =	vld [tilespmem:s18+$0xAD0]  }
0xcd: {  	v17 =	vadd.f32 v40, v30;
	[tilespmem:$0x1FD80] =	vst v63;
	v63 =	vld [tilespmem:s18+$0x710]  }
0xce: {  	v56 =	vld [tilespmem:$0x1FB70]  }
0xcf: {  	v55 =	vadd.f32 v54, v17;
	v17 =	vld [tilespmem:s18+$0xAE0]  }
0xd0: {  	v60 =	vld [tilespmem:$0x1FBA0]  }
0xd1: {  	v57 =	vld [tilespmem:$0x1FB80]  }
0xd2: {  	[tilespmem:$0x1FD90] =	vst v63;
	v63 =	vld [tilespmem:s18+$0x720]  }
0xd3: {  	[tilespmem:$0x1FFE0] =	vst v19;
	v19 =	vadd.f32 v47, v36;
	v32 =	vld [tilespmem:$0x1FBB0]  }
0xd4: {  	v59 =	vld [tilespmem:$0x1FB90]  }
0xd5: {  	v62 =	vadd.f32 v60, v19;
	v19 =	vld [tilespmem:s18+$0xAF0]  }
0xd6: {  	v34 =	vld [tilespmem:$0x1FBC0]  }
0xd7: {  	[tilespmem:$0x1FDA0] =	vst v63;
	v63 =	vld [tilespmem:s18+$0x730]  }
0xd8: {  	v23 =	vadd.f32 v32, v49;
	v32 =	vld [tilespmem:s18+$0xB20]  }
0xd9: {  	v35 =	vld [tilespmem:$0x1FBD0]  }
0xda: {  	v36 =	vld [tilespmem:$0x1FBE0]  }
0xdb: {  	v25 =	vadd.f32 v34, v51;
	v34 =	vld [tilespmem:s18+$0xB30]  }
0xdc: {  	[tilespmem:$0x1FDB0] =	vst v63;
	v63 =	vld [tilespmem:s18+$0x740]  }
0xdd: {  	v37 =	vld [tilespmem:$0x1FBF0]  }
0xde: {  	v26 =	vadd.f32 v35, v53;
	v35 =	vld [tilespmem:s18+$0xB40]  }
0xdf: {  	v28 =	vadd.f32 v36, v55;
	v36 =	vld [tilespmem:s18+$0xB50]  }
0xe0: {  	[tilespmem:$0x1FFF0] =	vst v20;
	v20 =	vadd.f32 v56, v42;
	v39 =	vld [tilespmem:$0x1FC00]  }
0xe1: {  	[tilespmem:$0x1FDC0] =	vst v63;
	v63 =	vld [tilespmem:s18+$0x750]  }
0xe2: {  	v38 =	vadd.f32 v37, v20;
	v20 =	vld [tilespmem:s18+$0xB00]  }
0xe3: {  	v40 =	vld [tilespmem:$0x1FC10]  }
0xe4: {  	v41 =	vld [tilespmem:$0x1FC20]  }
0xe5: {  	v37 =	vld [tilespmem:s18+$0xB60]  }
0xe6: {  	v22 =	vadd.f32 v59, v46;
	[tilespmem:$0x1FDD0] =	vst v63;
	v63 =	vld [tilespmem:s18+$0x760]  }
0xe7: {  	v42 =	vld [tilespmem:$0x1FC30]  }
0xe8: {  	v22 =	vadd.f32 v40, v22;
	v40 =	vld [tilespmem:s18+$0xB80]  }
0xe9: {  	v29 =	vadd.f32 v41, v62;
	v41 =	vld [tilespmem:s18+$0xB90]  }
0xea: {  	v43 =	vld [tilespmem:$0x1FC40]  }
0xeb: {  	[tilespmem:$0x1FDE0] =	vst v63;
	v63 =	vld [tilespmem:s18+$0x770]  }
0xec: {  	v23 =	vadd.f32 v42, v23;
	v42 =	vld [tilespmem:s18+$0xBA0]  }
0xed: {  	v46 =	vld [tilespmem:$0x1FC70]  }
0xee: {  	v21 =	vadd.f32 v57, v44;
	v44 =	vld [tilespmem:$0x1FC50]  }
0xef: {  	v45 =	vld [tilespmem:$0x1FC60]  }
0xf0: {  	[tilespmem:$0x1FDF0] =	vst v63;
	v63 =	vld [tilespmem:s18+$0x780]  }
0xf1: {  	v47 =	vld [tilespmem:$0x1FC80]  }
0xf2: {  	v30 =	vadd.f32 v46, v38;
	v38 =	vld [tilespmem:s18+$0xB70]  }
0xf3: {  	v48 =	vld [tilespmem:$0x1FC90]  }
0xf4: {  	v49 =	vld [tilespmem:$0x1FCA0]  }
0xf5: {  	[tilespmem:$0x1FE00] =	vst v63;
	v63 =	vld [tilespmem:s18+$0x790]  }
0xf6: {  	v50 =	vld [tilespmem:$0x1FCB0]  }
0xf7: {  	v51 =	vld [tilespmem:$0x1FCC0]  }
0xf8: {  	v52 =	vld [tilespmem:$0x1FCD0]  }
0xf9: {  	v53 =	vld [tilespmem:$0x1FCE0]  }
0xfa: {  	[tilespmem:$0x1FE10] =	vst v63;
	v63 =	vld [tilespmem:s18+$0x7A0]  }
0xfb: {  	v54 =	vld [tilespmem:$0x1FCF0]  }
0xfc: {  	v55 =	vld [tilespmem:$0x1FD00]  }
0xfd: {  	v56 =	vld [tilespmem:$0x1FD10]  }
0xfe: {  	v57 =	vld [tilespmem:$0x1FD20]  }
0xff: {  	[tilespmem:$0x1FE20] =	vst v63;
	v63 =	vld [tilespmem:s18+$0x7B0]  }
0x100: {  	v59 =	vld [tilespmem:$0x1FD30]  }
0x101: {  	v60 =	vld [tilespmem:$0x1FD40]  }
0x102: {  	v25 =	vadd.f32 v43, v25;
	v43 =	vld [tilespmem:$0x1FD70]  }
0x103: {  	v62 =	vld [tilespmem:$0x1FD50]  }
0x104: {  	[tilespmem:$0x1FE30] =	vst v63;
	v63 =	vld [tilespmem:s18+$0x7C0]  }
0x105: {  	v21 =	vadd.f32 v39, v21;
	v30 =	vadd.f32 v54, v30;
	v39 =	vld [tilespmem:$0x1FD60]  }
0x106: {  	v26 =	vadd.f32 v44, v26;
	v44 =	vld [tilespmem:$0x1FD80]  }
0x107: {  	v21 =	vadd.f32 v47, v21;
	v30 =	vadd.f32 v43, v30;
	v43 =	vld [tilespmem:s18+$0xBB0]  }
0x108: {  	v46 =	vld [tilespmem:$0x1FDA0]  }
0x109: {  	v29 =	vadd.f32 v49, v29;
	v21 =	vadd.f32 v55, v21;
	[tilespmem:$0x1FE40] =	vst v63;
	v63 =	vld [tilespmem:s18+$0x7D0]  }
0x10a: {  	v28 =	vadd.f32 v45, v28;
	v45 =	vld [tilespmem:$0x1FD90]  }
0x10b: {  	v29 =	vadd.f32 v57, v29;
	v21 =	vadd.f32 v44, v21;
	v44 =	vld [tilespmem:s18+$0xBC0]  }
0x10c: {  	v47 =	vld [tilespmem:$0x1FDB0]  }
0x10d: {  	v29 =	vadd.f32 v46, v29;
	v46 =	vld [tilespmem:s18+$0xBD0]  }
0x10e: {  	v23 =	vadd.f32 v50, v23;
	[tilespmem:$0x1FE50] =	vst v63;
	v63 =	vld [tilespmem:s18+$0x7E0]  }
0x10f: {  	v22 =	vadd.f32 v48, v22;
	v48 =	vld [tilespmem:$0x1FDC0]  }
0x110: {  	v23 =	vadd.f32 v59, v23;
	v49 =	vld [tilespmem:$0x1FDD0]  }
0x111: {  	v26 =	vadd.f32 v52, v26;
	v50 =	vld [tilespmem:$0x1FDE0]  }
0x112: {  	v28 =	vadd.f32 v53, v28;
	v23 =	vadd.f32 v47, v23;
	v47 =	vld [tilespmem:s18+$0xBE0]  }
0x113: {  	v26 =	vadd.f32 v62, v26;
	[tilespmem:$0x1FE60] =	vst v63;
	v63 =	vld [tilespmem:s18+$0x7F0]  }
0x114: {  	v25 =	vadd.f32 v51, v25;
	v28 =	vadd.f32 v39, v28;
	v51 =	vld [tilespmem:$0x1FDF0]  }
0x115: {  	v26 =	vadd.f32 v49, v26;
	v49 =	vld [tilespmem:s18+$0xBF0]  }
0x116: {  	v28 =	vadd.f32 v50, v28;
	v50 =	vld [tilespmem:s18+$0xC00]  }
0x117: {  	v52 =	vld [tilespmem:$0x1FE00]  }
0x118: {  	[tilespmem:$0x1FE70] =	vst v63;
	v63 =	vld [tilespmem:s18+$0x800]  }
0x119: {  	v30 =	vadd.f32 v51, v30;
	v51 =	vld [tilespmem:s18+$0xC10]  }
0x11a: {  	v54 =	vld [tilespmem:$0x1FE20]  }
0x11b: {  	v53 =	vld [tilespmem:$0x1FE10]  }
0x11c: {  	v55 =	vld [tilespmem:$0x1FE30]  }
0x11d: {  	[tilespmem:$0x1FE80] =	vst v63;
	v63 =	vld [tilespmem:s18+$0x810]  }
0x11e: {  	v21 =	vadd.f32 v52, v21;
	v52 =	vld [tilespmem:s18+$0xC20]  }
0x11f: {  	v29 =	vadd.f32 v54, v29;
	v54 =	vld [tilespmem:s18+$0xC30]  }
0x120: {  	v22 =	vadd.f32 v56, v22;
	v56 =	vld [tilespmem:$0x1FE40]  }
0x121: {  	v25 =	vadd.f32 v60, v25;
	v23 =	vadd.f32 v55, v23;
	v55 =	vld [tilespmem:s18+$0xC40]  }
0x122: {  	[tilespmem:$0x1FE90] =	vst v63;
	v63 =	vld [tilespmem:s18+$0x820]  }
0x123: {  	v25 =	vadd.f32 v48, v25;
	v60 =	vld [tilespmem:$0x1FE70]  }
0x124: {  	v57 =	vld [tilespmem:$0x1FE50]  }
0x125: {  	v25 =	vadd.f32 v56, v25;
	v56 =	vld [tilespmem:s18+$0xC50]  }
0x126: {  	v62 =	vld [tilespmem:$0x1FE80]  }
0x127: {  	[tilespmem:$0x1FEA0] =	vst v63;
	v63 =	vld [tilespmem:s18+$0x830]  }
0x128: {  	v30 =	vadd.f32 v60, v30;
	v60 =	vld [tilespmem:$0x1FEF0]  }
0x129: {  	v59 =	vld [tilespmem:$0x1FE60]  }
0x12a: {  	v39 =	vld [tilespmem:$0x1FE90]  }
0x12b: {  	v22 =	vadd.f32 v45, v22;
	v21 =	vadd.f32 v62, v21;
	v62 =	vld [tilespmem:$0x1FF00]  }
0x12c: {  	[tilespmem:$0x1FEB0] =	vst v63;
	v63 =	vld [tilespmem:s18+$0x840]  }
0x12d: {  	v22 =	vadd.f32 v53, v22;
	v21 =	vadd.f32 v60, v21;
	v60 =	vld [tilespmem:s18+$0xC80]  }
0x12e: {  	v45 =	vld [tilespmem:$0x1FEA0]  }
0x12f: {  	v22 =	vadd.f32 v39, v22;
	v39 =	vld [tilespmem:$0x1FF20]  }
0x130: {  	v48 =	vld [tilespmem:$0x1FEB0]  }
0x131: {  	[tilespmem:$0x1FEC0] =	vst v63;
	v63 =	vld [tilespmem:s18+$0x850]  }
0x132: {  	v22 =	vadd.f32 v62, v22;
	v62 =	vld [tilespmem:s18+$0xC90]  }
0x133: {  	v53 =	vld [tilespmem:$0x1FEC0]  }
0x134: {  	v29 =	vadd.f32 v45, v29;
	v45 =	vld [tilespmem:$0x1FF30]  }
0x135: {  	v23 =	vadd.f32 v48, v23;
	v48 =	vld [tilespmem:$0x1FF40]  }
0x136: {  	[tilespmem:$0x1FED0] =	vst v63;
	v63 =	vld [tilespmem:s18+$0x860]  }
0x137: {  	v26 =	vadd.f32 v57, v26;
	v57 =	vld [tilespmem:$0x1FED0]  }
0x138: {  	v23 =	vadd.f32 v39, v23;
	v39 =	vld [tilespmem:$0x1FF60];
	v25 =	vadd.f32 v53, v25  }
0x139: {  	v53 =	vld [tilespmem:$0x1FF50]  }
0x13a: {  	v25 =	vadd.f32 v45, v25;
	v45 =	vld [tilespmem:$0x1FF70]  }
0x13b: {  	[tilespmem:$0x1FEE0] =	vst v63;
	v63 =	vld [tilespmem:s18+$0x870]  }
0x13c: {  	v26 =	vadd.f32 v57, v26;
	v57 =	vld [tilespmem:s18+$0xC60]  }
0x13d: {  	v28 =	vadd.f32 v59, v28;
	v59 =	vld [tilespmem:$0x1FEE0]  }
0x13e: {  	v26 =	vadd.f32 v48, v26;
	v48 =	vld [tilespmem:$0x1FF80]  }
0x13f: {  	v21 =	vadd.f32 v45, v21;
	v45 =	vld [tilespmem:s18+$0xCD0]  }
0x140: {  	v30 =	vadd.f32 v63, v30;
	v63 =	vld [tilespmem:$0x1FF10]  }
0x141: {  	v26 =	vadd.f32 v61, v26;
	v61 =	vld [tilespmem:s18+$0xCF0]  }
0x142: {  	v28 =	vadd.f32 v59, v28;
	v59 =	vld [tilespmem:s18+$0xC70]  }
0x143: {  	v30 =	vadd.f32 v39, v30;
	v39 =	vld [tilespmem:s18+$0xCC0]  }
0x144: {  	v18 =	vadd.f32 v18, v26;
	v26 =	vld [tilespmem:s18+$0xD30]  }
0x145: {  	v28 =	vadd.f32 v53, v28;
	v53 =	vld [tilespmem:$0x1FF90]  }
0x146: {  	v22 =	vadd.f32 v48, v22;
	v48 =	vld [tilespmem:$0x1FFA0]  }
0x147: {  	v6 =	vadd.f32 v6, v18;
	v18 =	vld [tilespmem:s18+$0xD60]  }
0x148: {  	v29 =	vadd.f32 v63, v29;
	v63 =	vld [tilespmem:s18+$0xCA0]  }
0x149: {  	v6 =	vadd.f32 v16, v6;
	v16 =	vld [tilespmem:s18+$0xDE0]  }
0x14a: {  	v29 =	vadd.f32 v53, v29;
	v53 =	vld [tilespmem:$0x1FFB0]  }
0x14b: {  	v23 =	vadd.f32 v48, v23;
	v48 =	vld [tilespmem:s18+$0xCE0]  }
0x14c: {  	v6 =	vadd.f32 v36, v6;
	v36 =	vld [tilespmem:s18+$0xEA0];
	v29 =	vadd.f32 v33, v29  }
0x14d: {  	v23 =	vadd.f32 v27, v23;
	v27 =	vld [tilespmem:s18+$0xD10]  }
0x14e: {  	v6 =	vadd.f32 v46, v6;
	v46 =	vld [tilespmem:s18+$0xF40];
	v2 =	vadd.f32 v2, v29  }
0x14f: {  	v4 =	vadd.f32 v4, v23;
	v25 =	vadd.f32 v53, v25;
	v53 =	vld [tilespmem:$0x1FFC0]  }
0x150: {  	v23 =	vld [tilespmem:s18+$0xE20];
	v6 =	vadd.f32 v56, v6  }
0x151: {  	v56 =	vld [tilespmem:s18+$0xE60];
	v2 =	vadd.f32 v12, v2;
	v4 =	vadd.f32 v13, v4  }
0x152: {  	v12 =	vld [tilespmem:s18+$0xDA0];
	v6 =	vadd.f32 v45, v6;
	v24 =	vadd.f32 v24, v25  }
0x153: {  	v13 =	vld [tilespmem:s18+$0xDB0];
	v2 =	vadd.f32 v32, v2;
	v4 =	vadd.f32 v34, v4  }
0x154: {  	v5 =	vadd.f32 v5, v24;
	v28 =	vadd.f32 v53, v28;
	v53 =	vld [tilespmem:$0x1FFD0]  }
0x155: {  	v45 =	vld [tilespmem:s18+$0xF30];
	v2 =	vadd.f32 v42, v2;
	v4 =	vadd.f32 v43, v4  }
0x156: {  	v25 =	vld [tilespmem:s18+$0xD20];
	v5 =	vadd.f32 v14, v5;
	v15 =	vadd.f32 v15, v28  }
0x157: {  	v42 =	vld [tilespmem:s18+$0xF00];
	v2 =	vadd.f32 v52, v2;
	v4 =	vadd.f32 v54, v4  }
0x158: {  	v43 =	vld [tilespmem:s18+$0xF10];
	v5 =	vadd.f32 v35, v5;
	v7 =	vadd.f32 v7, v15  }
0x159: {  	v2 =	vadd.f32 v63, v2;
	v30 =	vadd.f32 v53, v30;
	v53 =	vld [tilespmem:$0x1FFE0]  }
0x15a: {  	v14 =	vld [tilespmem:s18+$0xDC0];
	v0 =	vadd.f32 v0, v4;
	v5 =	vadd.f32 v44, v5  }
0x15b: {  	v54 =	vld [tilespmem:s18+$0xE50];
	v7 =	vadd.f32 v17, v7;
	v2 =	vadd.f32 v25, v2  }
0x15c: {  	v52 =	vld [tilespmem:s18+$0xFA0];
	v0 =	vadd.f32 v26, v0;
	v9 =	vadd.f32 v9, v30  }
0x15d: {  	v15 =	vld [tilespmem:s18+$0xDD0];
	v5 =	vadd.f32 v55, v5;
	v7 =	vadd.f32 v37, v7  }
0x15e: {  	v2 =	vadd.f32 v12, v2;
	v21 =	vadd.f32 v53, v21;
	v53 =	vld [tilespmem:$0x1FFF0]  }
0x15f: {  	v63 =	vld [tilespmem:s18+$0xE90];
	v0 =	vadd.f32 v13, v0;
	v8 =	vadd.f32 v8, v9  }
0x160: {  	v44 =	vld [tilespmem:s18+$0xF20];
	v5 =	vadd.f32 v39, v5;
	v7 =	vadd.f32 v47, v7  }
0x161: {  	v17 =	vld [tilespmem:s18+$0xDF0];
	v2 =	vadd.f32 v23, v2;
	v8 =	vadd.f32 v19, v8  }
0x162: {  	v55 =	vld [tilespmem:s18+$0xFD0];
	v3 =	vadd.f32 v3, v21;
	v7 =	vadd.f32 v57, v7  }
0x163: {  	v37 =	vld [tilespmem:s18+$0xEB0];
	v2 =	vadd.f32 v36, v2;
	v22 =	vadd.f32 v53, v22  }
0x164: {  	v9 =	vld [tilespmem:s18+$0xD70];
	v8 =	vadd.f32 v38, v8;
	v3 =	vadd.f32 v10, v3  }
0x165: {  	v21 =	vld [tilespmem:s18+$0xD40];
	v7 =	vadd.f32 v48, v7;
	v1 =	vadd.f32 v1, v22  }
0x166: {  	v39 =	vld [tilespmem:s18+$0xED0];
	v2 =	vadd.f32 v44, v2;
	v8 =	vadd.f32 v49, v8  }
0x167: {  	v47 =	vld [tilespmem:s18+$0xF50];
	v3 =	vadd.f32 v20, v3;
	v1 =	vadd.f32 v11, v1  }
0x168: {  	v19 =	vld [tilespmem:s18+$0xE00];
	v7 =	vadd.f32 v18, v7;
	v2 =	vadd.f32 v52, v2  }
0x169: {  	v49 =	vld [tilespmem:s18+$0xE30];
	v8 =	vadd.f32 v59, v8;
	v1 =	vadd.f32 v31, v1  }
0x16a: {  	v10 =	vld [tilespmem:s18+$0xD80];
	v5 =	vadd.f32 v21, v5;
	v3 =	vadd.f32 v40, v3  }
0x16b: {  	v53 =	vld [tilespmem:s18+$0xD00];
	v7 =	vadd.f32 v16, v7;
	v1 =	vadd.f32 v41, v1  }
0x16c: {  	v22 =	vld [tilespmem:s18+$0xD50];
	v8 =	vadd.f32 v61, v8;
	v3 =	vadd.f32 v50, v3  }
0x16d: {  	v20 =	vld [tilespmem:s18+$0xE10];
	v5 =	vadd.f32 v14, v5;
	v1 =	vadd.f32 v51, v1  }
0x16e: {  	v11 =	vld [tilespmem:s18+$0xD90];
	v0 =	vadd.f32 v49, v0;
	v3 =	vadd.f32 v60, v3  }
0x16f: {  	v40 =	vld [tilespmem:s18+$0xEE0];
	v7 =	vadd.f32 v56, v7;
	v1 =	vadd.f32 v62, v1  }
0x170: {  	v8 =	vadd.f32 v9, v8;
	v3 =	vadd.f32 v53, v3;
	v51 =	vld [tilespmem:s18+$0xE40]  }
0x171: {  	v6 =	vadd.f32 v22, v6;
	v62 =	vld [tilespmem:s18+$0xE80];
	v1 =	vadd.f32 v27, v1  }
0x172: {  	v38 =	vld [tilespmem:s18+$0xEC0];
	v0 =	vadd.f32 v37, v0;
	v3 =	vadd.f32 v10, v3  }
0x173: {  	v59 =	vld [tilespmem:s18+$0xE70];
	v8 =	vadd.f32 v17, v8;
	v1 =	vadd.f32 v11, v1  }
0x174: {  	v48 =	vld [tilespmem:s18+$0xF60];
	v7 =	vadd.f32 v40, v7;
	v3 =	vadd.f32 v19, v3  }
0x175: {  	v50 =	vld [tilespmem:s18+$0xF80];
	v6 =	vadd.f32 v15, v6;
	v1 =	vadd.f32 v20, v1  }
0x176: {  	v5 =	vadd.f32 v51, v5;
	v51 =	vld [tilespmem:s18+$0xF90];
	v3 =	vadd.f32 v62, v3  }
0x177: {  	v41 =	vld [tilespmem:s18+$0xEF0];
	v0 =	vadd.f32 v45, v0;
	v1 =	vadd.f32 v63, v1  }
0x178: {  	v53 =	vld [tilespmem:s18+$0xFB0];
	v8 =	vadd.f32 v59, v8;
	v3 =	vadd.f32 v42, v3  }
0x179: {  	v6 =	vadd.f32 v54, v6;
	v54 =	vld [tilespmem:s18+$0xFC0];
	v1 =	vadd.f32 v43, v1  }
0x17a: {  	v49 =	vld [tilespmem:s18+$0xF70];
	v5 =	vadd.f32 v38, v5;
	v3 =	vadd.f32 v50, v3  }
0x17b: {  	v56 =	vld [tilespmem:s18+$0xFE0];
	v6 =	vadd.f32 v39, v6;
	v1 =	vadd.f32 v51, v1  }
0x17c: {  	s31 =	sshll.u32 s17, $0x7;
	v57 =	vld [tilespmem:s18+$0xFF0];
	v8 =	vadd.f32 v41, v8;
	v5 =	vadd.f32 v46, v5;
	v3 =	vmul.f32 $3.125000000e-02, v3  }
0x17d: {  	v0 =	vadd.f32 v53, v0;
	v6 =	vadd.f32 v47, v6;
	s18 =	sand.u32 $0x3FFFFF80, s31;
	v1 =	vmul.f32 $3.125000000e-02, v1  }
0x17e: {  	v2 =	vmul.f32 $3.125000000e-02, v2;
	v7 =	vadd.f32 v48, v7;
	v5 =	vadd.f32 v54, v5;
	[tilespmem:v58+s18+$0x0 ss:$0x1] =	vst.idx.msk $0xffff, v3  }
0x17f: {  	v59 =	vadd.f32 v49, v8;
	v0 =	vmul.f32 $3.125000000e-02, v0;
	v4 =	vadd.f32 v55, v6;
	[tilespmem:v58+s18+$0x10 ss:$0x1] =	vst.idx.msk $0xffff, v1  }
0x180: {  	p0 =	sne.s32 s17, $0x7;
	v60 =	vadd.f32 v56, v7;
	v61 =	vmul.f32 $3.125000000e-02, v5;
	[tilespmem:v58+s18+$0x20 ss:$0x1] =	vst.idx.msk $0xffff, v2  }
.Ltmp4:
0x181: {  	v62 =	vmul.f32 $3.125000000e-02, v4;
	v3 =	vadd.f32 v57, v59;
	[tilespmem:v58+s18+$0x30 ss:$0x1] =	vst.idx.msk $0xffff, v0;
	(pc) =	sbr.rel @p0 .LBB2_3-.Ltmp4, $4  }
0x182: {  	v1 =	vmul.f32 $3.125000000e-02, v60;
	[tilespmem:v58+s18+$0x40 ss:$0x1] =	vst.idx.msk $0xffff, v61  }
0x183: {  	v63 =	vmul.f32 $3.125000000e-02, v3;
	[tilespmem:v58+s18+$0x50 ss:$0x1] =	vst.idx.msk $0xffff, v62  }
0x184: {  	[tilespmem:v58+s18+$0x60 ss:$0x1] =	vst.idx.msk $0xffff, v1  }
0x185: {  	s17 =	sadd.s32 $0x1, s17;
	[tilespmem:v58+s18+$0x70 ss:$0x1] =	vst.idx.msk $0xffff, v63  }
0x186: {  	p0 =	seq.s32 s15, $0xC  }
.Ltmp5:
0x187: {  	_ = 	snop;
	(pc) =	sbr.rel @p0 .LBB2_10-.Ltmp5, $1  }
0x188: {  	_ =	sdelay $0x3  }
0x189: {  	s17 =	sadd.s32 s16, s5  }
0x18a: {  	[tilespmem:s2], [sflag:$0x1] =	stream.linear.gather [hbm4b:s17+s2], $0x8000, $0x38;
	[tilespmem:$0x16400] =	vst v63  }
0x18b: {  	s17 =	sshllo.u32 s15, $0x1  }
0x18c: {  	p0 =	sgt.u32 s17, $0x18  }
.Ltmp6:
0x18d: {  	_ = 	snop;
	(pc) =	sbr.rel @p0 .LBB2_9-.Ltmp6, $1  }
0x18e: {  	_ =	sdelay $0x3  }
0x18f: {  	s17 =	sshll.u32 s17, $0xA  }
0x190: {  	_ =	swait.ge [sflag:s13], $0x8000;
	s17 =	sand.u32 $0x3FFFFC00, s17  }
0x191: {  	[sflag:s13] =	ssyncset.done $0x0;
	s18 =	sadd.s32 $0x10000, s17  }
0x192: {  	[sflag:s13] =	ssyncadd.s32 $0xFFFF8000;
	s17 =	simm.s32 $0x0;
	v58 =	vmov s18  }
.LBB2_7:
0x193: {  	s18 =	sshll.u32 s17, $0xC  }
0x194: {  	s18 =	sand.u32 $0x3FFFF000, s18  }
0x195: {  	v63 =	vld [tilespmem:s18+$0x83E0];
	_ =	sdelay $0x4  }
0x196: {  	[tilespmem:$0x1F4C0] =	vst v63;
	v63 =	vld [tilespmem:s18+$0x83F0];
	_ =	sdelay $0x4  }
0x197: {  	[tilespmem:$0x1F4D0] =	vst v63;
	v63 =	vld [tilespmem:s18+$0x8400];
	_ =	sdelay $0x4  }
0x198: {  	[tilespmem:$0x1F4E0] =	vst v63;
	v63 =	vld [tilespmem:s18+$0x8410];
	_ =	sdelay $0x4  }
0x199: {  	[tilespmem:$0x1F4F0] =	vst v63;
	v63 =	vld [tilespmem:s18+$0x8420];
	_ =	sdelay $0x4  }
0x19a: {  	[tilespmem:$0x1F500] =	vst v63;
	v63 =	vld [tilespmem:s18+$0x8430];
	_ =	sdelay $0x4  }
0x19b: {  	[tilespmem:$0x1F510] =	vst v63;
	v63 =	vld [tilespmem:s18+$0x8440];
	_ =	sdelay $0x4  }
0x19c: {  	[tilespmem:$0x1F520] =	vst v63;
	v63 =	vld [tilespmem:s18+$0x8450];
	_ =	sdelay $0x4  }
0x19d: {  	[tilespmem:$0x1F530] =	vst v63;
	v63 =	vld [tilespmem:s18+$0x8460];
	_ =	sdelay $0x4  }
0x19e: {  	[tilespmem:$0x1F540] =	vst v63;
	v63 =	vld [tilespmem:s18+$0x8470];
	_ =	sdelay $0x4  }
0x19f: {  	[tilespmem:$0x1F550] =	vst v63;
	v63 =	vld [tilespmem:s18+$0x8480];
	_ =	sdelay $0x4  }
0x1a0: {  	[tilespmem:$0x1F560] =	vst v63;
	v63 =	vld [tilespmem:s18+$0x8490];
	_ =	sdelay $0x4  }
0x1a1: {  	[tilespmem:$0x1F570] =	vst v63;
	v63 =	vld [tilespmem:s18+$0x84A0];
	_ =	sdelay $0x4  }
0x1a2: {  	[tilespmem:$0x1F580] =	vst v63;
	v63 =	vld [tilespmem:s18+$0x84B0];
	_ =	sdelay $0x4  }
0x1a3: {  	[tilespmem:$0x1F590] =	vst v63;
	v63 =	vld [tilespmem:s18+$0x84C0];
	_ =	sdelay $0x4  }
0x1a4: {  	[tilespmem:$0x1F5A0] =	vst v63;
	v63 =	vld [tilespmem:s18+$0x84D0];
	_ =	sdelay $0x4  }
0x1a5: {  	[tilespmem:$0x1F5B0] =	vst v63;
	v63 =	vld [tilespmem:s18+$0x84E0];
	_ =	sdelay $0x4  }
0x1a6: {  	[tilespmem:$0x1F5C0] =	vst v63;
	v63 =	vld [tilespmem:s18+$0x84F0];
	_ =	sdelay $0x4  }
0x1a7: {  	[tilespmem:$0x1F5D0] =	vst v63;
	v63 =	vld [tilespmem:s18+$0x8500];
	_ =	sdelay $0x4  }
0x1a8: {  	[tilespmem:$0x1F5E0] =	vst v63;
	v63 =	vld [tilespmem:s18+$0x8510];
	_ =	sdelay $0x4  }
0x1a9: {  	[tilespmem:$0x1F5F0] =	vst v63;
	v63 =	vld [tilespmem:s18+$0x8520];
	_ =	sdelay $0x4  }
0x1aa: {  	[tilespmem:$0x1F600] =	vst v63;
	v63 =	vld [tilespmem:s18+$0x8530];
	_ =	sdelay $0x1  }
0x1ab: {  	v17 =	vld [tilespmem:s18+$0x8000]  }
0x1ac: {  	v18 =	vld [tilespmem:s18+$0x8010]  }
0x1ad: {  	v21 =	vld [tilespmem:s18+$0x8020]  }
0x1ae: {  	[tilespmem:$0x1F610] =	vst v63;
	v63 =	vld [tilespmem:s18+$0x8540]  }
0x1af: {  	v22 =	vld [tilespmem:s18+$0x8030]  }
0x1b0: {  	v25 =	vld [tilespmem:s18+$0x8040]  }
0x1b1: {  	v26 =	vld [tilespmem:s18+$0x8050]  }
0x1b2: {  	v29 =	vld [tilespmem:s18+$0x8060]  }
0x1b3: {  	[tilespmem:$0x1F620] =	vst v63;
	v63 =	vld [tilespmem:s18+$0x8550]  }
0x1b4: {  	v30 =	vld [tilespmem:s18+$0x8070]  }
0x1b5: {  	v1 =	vld [tilespmem:s18+$0x8080]  }
0x1b6: {  	v2 =	vld [tilespmem:s18+$0x8090]  }
0x1b7: {  	v3 =	vld [tilespmem:s18+$0x80A0]  }
0x1b8: {  	[tilespmem:$0x1F630] =	vst v63;
	v63 =	vld [tilespmem:s18+$0x8560]  }
0x1b9: {  	v4 =	vld [tilespmem:s18+$0x80B0]  }
0x1ba: {  	v5 =	vld [tilespmem:s18+$0x80C0]  }
0x1bb: {  	v6 =	vld [tilespmem:s18+$0x80D0]  }
0x1bc: {  	v7 =	vld [tilespmem:s18+$0x80E0]  }
0x1bd: {  	[tilespmem:$0x1F640] =	vst v63;
	v63 =	vld [tilespmem:s18+$0x8570]  }
0x1be: {  	v8 =	vld [tilespmem:s18+$0x80F0]  }
0x1bf: {  	v9 =	vld [tilespmem:s18+$0x8100]  }
0x1c0: {  	v10 =	vld [tilespmem:s18+$0x8110]  }
0x1c1: {  	v11 =	vld [tilespmem:s18+$0x8120]  }
0x1c2: {  	[tilespmem:$0x1F650] =	vst v63;
	v63 =	vld [tilespmem:s18+$0x8580]  }
0x1c3: {  	v12 =	vld [tilespmem:s18+$0x8130]  }
0x1c4: {  	v13 =	vld [tilespmem:s18+$0x8140]  }
0x1c5: {  	v14 =	vld [tilespmem:s18+$0x8150]  }
0x1c6: {  	v15 =	vld [tilespmem:s18+$0x8160]  }
0x1c7: {  	[tilespmem:$0x1F660] =	vst v63;
	v63 =	vld [tilespmem:s18+$0x8590]  }
0x1c8: {  	v16 =	vld [tilespmem:s18+$0x8170]  }
0x1c9: {  	v19 =	vld [tilespmem:s18+$0x8180]  }
0x1ca: {  	v20 =	vld [tilespmem:s18+$0x8190]  }
0x1cb: {  	v23 =	vld [tilespmem:s18+$0x81A0]  }
0x1cc: {  	[tilespmem:$0x1F670] =	vst v63;
	v63 =	vld [tilespmem:s18+$0x85A0]  }
0x1cd: {  	v24 =	vld [tilespmem:s18+$0x81B0]  }
0x1ce: {  	v27 =	vld [tilespmem:s18+$0x81C0]  }
0x1cf: {  	v28 =	vld [tilespmem:s18+$0x81D0]  }
0x1d0: {  	v31 =	vld [tilespmem:s18+$0x81E0]  }
0x1d1: {  	[tilespmem:$0x1F680] =	vst v63;
	v63 =	vld [tilespmem:s18+$0x85B0]  }
0x1d2: {  	v32 =	vld [tilespmem:s18+$0x81F0]  }
0x1d3: {  	v53 =	vld [tilespmem:s18+$0x8200]  }
0x1d4: {  	v33 =	vld [tilespmem:s18+$0x8210]  }
0x1d5: {  	v61 =	vld [tilespmem:s18+$0x8220]  }
0x1d6: {  	[tilespmem:$0x1F690] =	vst v63;
	v63 =	vld [tilespmem:s18+$0x85C0]  }
0x1d7: {  	v34 =	vld [tilespmem:s18+$0x8230]  }
0x1d8: {  	v48 =	vld [tilespmem:s18+$0x8240]  }
0x1d9: {  	v35 =	vld [tilespmem:s18+$0x8250]  }
0x1da: {  	v45 =	vld [tilespmem:s18+$0x8260]  }
0x1db: {  	[tilespmem:$0x1F6A0] =	vst v63;
	v63 =	vld [tilespmem:s18+$0x85D0]  }
0x1dc: {  	v36 =	vld [tilespmem:s18+$0x8270]  }
0x1dd: {  	v39 =	vld [tilespmem:s18+$0x8280]  }
0x1de: {  	v37 =	vld [tilespmem:s18+$0x8290]  }
0x1df: {  	v0 =	vld [tilespmem:s18+$0x82A0]  }
0x1e0: {  	[tilespmem:$0x1F6B0] =	vst v63;
	v63 =	vld [tilespmem:s18+$0x85E0]  }
0x1e1: {  	v38 =	vld [tilespmem:s18+$0x82B0]  }
0x1e2: {  	v40 =	vld [tilespmem:s18+$0x82C0]  }
0x1e3: {  	v41 =	vld [tilespmem:s18+$0x82D0]  }
0x1e4: {  	v43 =	vld [tilespmem:s18+$0x82E0]  }
0x1e5: {  	[tilespmem:$0x1F6C0] =	vst v63;
	v63 =	vld [tilespmem:s18+$0x85F0]  }
0x1e6: {  	v42 =	vld [tilespmem:s18+$0x82F0]  }
0x1e7: {  	v46 =	vld [tilespmem:s18+$0x8300]  }
0x1e8: {  	v44 =	vld [tilespmem:s18+$0x8310]  }
0x1e9: {  	v47 =	vld [tilespmem:s18+$0x8320]  }
0x1ea: {  	[tilespmem:$0x1F6D0] =	vst v63;
	v63 =	vld [tilespmem:s18+$0x8600]  }
0x1eb: {  	v49 =	vld [tilespmem:s18+$0x8330]  }
0x1ec: {  	v50 =	vld [tilespmem:s18+$0x8340]  }
0x1ed: {  	v51 =	vld [tilespmem:s18+$0x8350]  }
0x1ee: {  	v54 =	vld [tilespmem:s18+$0x8360]  }
0x1ef: {  	[tilespmem:$0x1F6E0] =	vst v63;
	v63 =	vld [tilespmem:s18+$0x8610]  }
0x1f0: {  	v52 =	vld [tilespmem:s18+$0x8370]  }
0x1f1: {  	v55 =	vld [tilespmem:s18+$0x8380]  }
0x1f2: {  	v56 =	vld [tilespmem:s18+$0x8390]  }
0x1f3: {  	v59 =	vld [tilespmem:s18+$0x83A0]  }
0x1f4: {  	[tilespmem:$0x1F6F0] =	vst v63;
	v63 =	vld [tilespmem:s18+$0x8620]  }
0x1f5: {  	v57 =	vld [tilespmem:s18+$0x83B0]  }
0x1f6: {  	v62 =	vld [tilespmem:s18+$0x83C0]  }
0x1f7: {  	v60 =	vld [tilespmem:s18+$0x83D0]  }
0x1f8: {  	v1 =	vadd.f32 v1, v17;
	v17 =	vld [tilespmem:s18+$0x8880]  }
0x1f9: {  	[tilespmem:$0x1F700] =	vst v63;
	v63 =	vld [tilespmem:s18+$0x8630]  }
0x1fa: {  	v4 =	vadd.f32 v4, v22;
	v22 =	vld [tilespmem:s18+$0x8890]  }
0x1fb: {  	v3 =	vadd.f32 v3, v21;
	v21 =	vld [tilespmem:s18+$0x88A0]  }
0x1fc: {  	v5 =	vadd.f32 v5, v25;
	v25 =	vld [tilespmem:s18+$0x88C0]  }
0x1fd: {  	v6 =	vadd.f32 v6, v26;
	v26 =	vld [tilespmem:s18+$0x88D0]  }
0x1fe: {  	[tilespmem:$0x1F710] =	vst v63;
	v63 =	vld [tilespmem:s18+$0x8640]  }
0x1ff: {  	v7 =	vadd.f32 v7, v29;
	v29 =	vld [tilespmem:s18+$0x88E0]  }
0x200: {  	v8 =	vadd.f32 v8, v30;
	v30 =	vld [tilespmem:s18+$0x88F0]  }
0x201: {  	v2 =	vadd.f32 v2, v18;
	v18 =	vld [tilespmem:s18+$0x8970]  }
0x202: {  	v4 =	vadd.f32 v12, v4;
	v12 =	vld [tilespmem:s18+$0x8900]  }
0x203: {  	[tilespmem:$0x1F720] =	vst v63;
	v63 =	vld [tilespmem:s18+$0x8650]  }
0x204: {  	v5 =	vadd.f32 v13, v5;
	v13 =	vld [tilespmem:s18+$0x8910]  }
0x205: {  	v6 =	vadd.f32 v14, v6;
	v14 =	vld [tilespmem:s18+$0x8920]  }
0x206: {  	v7 =	vadd.f32 v15, v7;
	v15 =	vld [tilespmem:s18+$0x8930]  }
0x207: {  	v8 =	vadd.f32 v16, v8;
	v16 =	vld [tilespmem:s18+$0x8940]  }
0x208: {  	v1 =	vadd.f32 v9, v1;
	[tilespmem:$0x1F730] =	vst v63;
	v63 =	vld [tilespmem:s18+$0x8660]  }
0x209: {  	v2 =	vadd.f32 v10, v2;
	v9 =	vld [tilespmem:s18+$0x89F0]  }
0x20a: {  	v1 =	vadd.f32 v19, v1;
	v19 =	vld [tilespmem:s18+$0x8980]  }
0x20b: {  	v2 =	vadd.f32 v20, v2;
	v20 =	vld [tilespmem:s18+$0x8990]  }
0x20c: {  	v5 =	vadd.f32 v27, v5;
	v27 =	vld [tilespmem:s18+$0x89B0]  }
0x20d: {  	[tilespmem:$0x1F740] =	vst v63;
	v63 =	vld [tilespmem:s18+$0x8670]  }
0x20e: {  	v4 =	vadd.f32 v24, v4;
	v24 =	vld [tilespmem:s18+$0x89C0]  }
0x20f: {  	[tilespmem:$0x1F960] =	vst v22;
	v22 =	vld [tilespmem:s18+$0x88B0]  }
0x210: {  	v3 =	vadd.f32 v11, v3;
	[tilespmem:$0x1F950] =	vst v17;
	v17 =	vld [tilespmem:s18+$0x8960]  }
0x211: {  	[tilespmem:$0x1FA30] =	vst v18;
	v18 =	vld [tilespmem:s18+$0x89D0]  }
0x212: {  	v3 =	vadd.f32 v23, v3;
	[tilespmem:$0x1F750] =	vst v63;
	v63 =	vld [tilespmem:s18+$0x8680]  }
0x213: {  	v6 =	vadd.f32 v28, v6;
	v7 =	vadd.f32 v31, v7;
	[tilespmem:$0x1F9B0] =	vst v29;
	v29 =	vld [tilespmem:$0x1F4C0]  }
0x214: {  	v8 =	vadd.f32 v32, v8;
	v3 =	vadd.f32 v61, v3;
	v61 =	vld [tilespmem:s18+$0x8950]  }
0x215: {  	v1 =	vadd.f32 v53, v1;
	v2 =	vadd.f32 v33, v2;
	v33 =	vld [tilespmem:s18+$0x89A0]  }
0x216: {  	v4 =	vadd.f32 v34, v4;
	v5 =	vadd.f32 v48, v5;
	v31 =	vld [tilespmem:$0x1F4D0]  }
0x217: {  	v6 =	vadd.f32 v35, v6;
	v7 =	vadd.f32 v45, v7;
	[tilespmem:$0x1F760] =	vst v63;
	v63 =	vld [tilespmem:s18+$0x8690]  }
0x218: {  	v8 =	vadd.f32 v36, v8;
	[tilespmem:$0x1FA00] =	vst v15;
	v15 =	vld [tilespmem:s18+$0x89E0];
	v3 =	vadd.f32 v0, v3  }
0x219: {  	v1 =	vadd.f32 v39, v1;
	v2 =	vadd.f32 v37, v2;
	v0 =	vld [tilespmem:s18+$0x8CB0]  }
0x21a: {  	[tilespmem:$0x1F970] =	vst v21;
	v4 =	vadd.f32 v38, v4;
	v21 =	vadd.f32 v47, v3;
	v3 =	vld [tilespmem:s18+$0x8A00]  }
0x21b: {  	v5 =	vadd.f32 v40, v5;
	v1 =	vadd.f32 v46, v1;
	v32 =	vld [tilespmem:$0x1F4E0]  }
0x21c: {  	v6 =	vadd.f32 v41, v6;
	v2 =	vadd.f32 v44, v2;
	[tilespmem:$0x1F770] =	vst v63;
	v63 =	vld [tilespmem:s18+$0x86A0]  }
0x21d: {  	[tilespmem:$0x1F980] =	vst v22;
	v4 =	vadd.f32 v49, v4;
	v22 =	vadd.f32 v55, v1;
	v1 =	vld [tilespmem:s18+$0x8A10]  }
0x21e: {  	v5 =	vadd.f32 v50, v5;
	v23 =	vadd.f32 v56, v2;
	v2 =	vld [tilespmem:s18+$0x8A20]  }
0x21f: {  	[tilespmem:$0x1F990] =	vst v25;
	v7 =	vadd.f32 v43, v7;
	v25 =	vadd.f32 v57, v4;
	v4 =	vld [tilespmem:s18+$0x8A30]  }
0x220: {  	[tilespmem:$0x1F9A0] =	vst v26;
	v6 =	vadd.f32 v51, v6;
	v26 =	vadd.f32 v62, v5;
	v5 =	vld [tilespmem:s18+$0x8A40]  }
0x221: {  	v8 =	vadd.f32 v42, v8;
	v7 =	vadd.f32 v54, v7;
	[tilespmem:$0x1F780] =	vst v63;
	v63 =	vld [tilespmem:s18+$0x86B0]  }
0x222: {  	v28 =	vadd.f32 v60, v6;
	v6 =	vld [tilespmem:s18+$0x8A50]  }
0x223: {  	[tilespmem:$0x1F9C0] =	vst v30;
	v8 =	vadd.f32 v52, v8;
	v30 =	vadd.f32 v29, v7;
	v7 =	vld [tilespmem:s18+$0x8A60]  }
0x224: {  	v35 =	vld [tilespmem:$0x1F500]  }
0x225: {  	v8 =	vadd.f32 v31, v8;
	v31 =	vld [tilespmem:s18+$0x8B10]  }
0x226: {  	[tilespmem:$0x1F790] =	vst v63;
	v63 =	vld [tilespmem:s18+$0x86C0]  }
0x227: {  	v10 =	vadd.f32 v59, v21;
	v34 =	vld [tilespmem:$0x1F4F0]  }
0x228: {  	v37 =	vld [tilespmem:$0x1F510]  }
0x229: {  	v36 =	vadd.f32 v35, v10;
	v10 =	vld [tilespmem:s18+$0x8A80]  }
0x22a: {  	v38 =	vld [tilespmem:$0x1F520]  }
0x22b: {  	[tilespmem:$0x1F7A0] =	vst v63;
	v63 =	vld [tilespmem:s18+$0x86D0]  }
0x22c: {  	v41 =	vld [tilespmem:$0x1F550]  }
0x22d: {  	v39 =	vld [tilespmem:$0x1F530]  }
0x22e: {  	v43 =	vld [tilespmem:$0x1F560]  }
0x22f: {  	v40 =	vld [tilespmem:$0x1F540]  }
0x230: {  	[tilespmem:$0x1F7B0] =	vst v63;
	v63 =	vld [tilespmem:s18+$0x86E0]  }
0x231: {  	v11 =	vadd.f32 v32, v22;
	v42 =	vadd.f32 v41, v8;
	v8 =	vld [tilespmem:s18+$0x8A70]  }
0x232: {  	v45 =	vld [tilespmem:$0x1F570]  }
0x233: {  	v44 =	vadd.f32 v43, v11;
	v11 =	vld [tilespmem:s18+$0x8A90]  }
0x234: {  	[tilespmem:$0x1F9D0] =	vst v12;
	v47 =	vld [tilespmem:$0x1F580]  }
0x235: {  	v12 =	vadd.f32 v34, v23;
	[tilespmem:$0x1F7C0] =	vst v63;
	v63 =	vld [tilespmem:s18+$0x86F0]  }
0x236: {  	v48 =	vld [tilespmem:$0x1F590]  }
0x237: {  	v46 =	vadd.f32 v45, v12;
	v12 =	vld [tilespmem:s18+$0x8AA0]  }
0x238: {  	v50 =	vld [tilespmem:$0x1F5A0]  }
0x239: {  	[tilespmem:$0x1F9E0] =	vst v13;
	v13 =	vadd.f32 v37, v25;
	v52 =	vld [tilespmem:$0x1F5B0]  }
0x23a: {  	[tilespmem:$0x1F7D0] =	vst v63;
	v63 =	vld [tilespmem:s18+$0x8700]  }
0x23b: {  	[tilespmem:$0x1F9F0] =	vst v14;
	v14 =	vadd.f32 v38, v26;
	v49 =	vadd.f32 v48, v13;
	v13 =	vld [tilespmem:s18+$0x8AB0]  }
0x23c: {  	[tilespmem:$0x1FA10] =	vst v16;
	v16 =	vadd.f32 v39, v28;
	v54 =	vld [tilespmem:$0x1F5C0]  }
0x23d: {  	v51 =	vadd.f32 v50, v14;
	v14 =	vld [tilespmem:s18+$0x8AC0]  }
0x23e: {  	[tilespmem:$0x1FA20] =	vst v17;
	v53 =	vadd.f32 v52, v16;
	v16 =	vld [tilespmem:s18+$0x8AD0]  }
0x23f: {  	v17 =	vadd.f32 v40, v30;
	[tilespmem:$0x1F7E0] =	vst v63;
	v63 =	vld [tilespmem:s18+$0x8710]  }
0x240: {  	v56 =	vld [tilespmem:$0x1F5D0]  }
0x241: {  	v55 =	vadd.f32 v54, v17;
	v17 =	vld [tilespmem:s18+$0x8AE0]  }
0x242: {  	v60 =	vld [tilespmem:$0x1F600]  }
0x243: {  	v57 =	vld [tilespmem:$0x1F5E0]  }
0x244: {  	[tilespmem:$0x1F7F0] =	vst v63;
	v63 =	vld [tilespmem:s18+$0x8720]  }
0x245: {  	[tilespmem:$0x1FA40] =	vst v19;
	v19 =	vadd.f32 v47, v36;
	v32 =	vld [tilespmem:$0x1F610]  }
0x246: {  	v59 =	vld [tilespmem:$0x1F5F0]  }
0x247: {  	v62 =	vadd.f32 v60, v19;
	v19 =	vld [tilespmem:s18+$0x8AF0]  }
0x248: {  	v34 =	vld [tilespmem:$0x1F620]  }
0x249: {  	[tilespmem:$0x1F800] =	vst v63;
	v63 =	vld [tilespmem:s18+$0x8730]  }
0x24a: {  	v23 =	vadd.f32 v32, v49;
	v32 =	vld [tilespmem:s18+$0x8B20]  }
0x24b: {  	v35 =	vld [tilespmem:$0x1F630]  }
0x24c: {  	v36 =	vld [tilespmem:$0x1F640]  }
0x24d: {  	v25 =	vadd.f32 v34, v51;
	v34 =	vld [tilespmem:s18+$0x8B30]  }
0x24e: {  	[tilespmem:$0x1F810] =	vst v63;
	v63 =	vld [tilespmem:s18+$0x8740]  }
0x24f: {  	v37 =	vld [tilespmem:$0x1F650]  }
0x250: {  	v26 =	vadd.f32 v35, v53;
	v35 =	vld [tilespmem:s18+$0x8B40]  }
0x251: {  	v28 =	vadd.f32 v36, v55;
	v36 =	vld [tilespmem:s18+$0x8B50]  }
0x252: {  	[tilespmem:$0x1FA50] =	vst v20;
	v20 =	vadd.f32 v56, v42;
	v39 =	vld [tilespmem:$0x1F660]  }
0x253: {  	[tilespmem:$0x1F820] =	vst v63;
	v63 =	vld [tilespmem:s18+$0x8750]  }
0x254: {  	v38 =	vadd.f32 v37, v20;
	v20 =	vld [tilespmem:s18+$0x8B00]  }
0x255: {  	v40 =	vld [tilespmem:$0x1F670]  }
0x256: {  	v41 =	vld [tilespmem:$0x1F680]  }
0x257: {  	v37 =	vld [tilespmem:s18+$0x8B60]  }
0x258: {  	v22 =	vadd.f32 v59, v46;
	[tilespmem:$0x1F830] =	vst v63;
	v63 =	vld [tilespmem:s18+$0x8760]  }
0x259: {  	v42 =	vld [tilespmem:$0x1F690]  }
0x25a: {  	v22 =	vadd.f32 v40, v22;
	v40 =	vld [tilespmem:s18+$0x8B80]  }
0x25b: {  	v29 =	vadd.f32 v41, v62;
	v41 =	vld [tilespmem:s18+$0x8B90]  }
0x25c: {  	v43 =	vld [tilespmem:$0x1F6A0]  }
0x25d: {  	[tilespmem:$0x1F840] =	vst v63;
	v63 =	vld [tilespmem:s18+$0x8770]  }
0x25e: {  	v23 =	vadd.f32 v42, v23;
	v42 =	vld [tilespmem:s18+$0x8BA0]  }
0x25f: {  	v46 =	vld [tilespmem:$0x1F6D0]  }
0x260: {  	v21 =	vadd.f32 v57, v44;
	v44 =	vld [tilespmem:$0x1F6B0]  }
0x261: {  	v45 =	vld [tilespmem:$0x1F6C0]  }
0x262: {  	[tilespmem:$0x1F850] =	vst v63;
	v63 =	vld [tilespmem:s18+$0x8780]  }
0x263: {  	v47 =	vld [tilespmem:$0x1F6E0]  }
0x264: {  	v30 =	vadd.f32 v46, v38;
	v38 =	vld [tilespmem:s18+$0x8B70]  }
0x265: {  	v48 =	vld [tilespmem:$0x1F6F0]  }
0x266: {  	v49 =	vld [tilespmem:$0x1F700]  }
0x267: {  	[tilespmem:$0x1F860] =	vst v63;
	v63 =	vld [tilespmem:s18+$0x8790]  }
0x268: {  	v50 =	vld [tilespmem:$0x1F710]  }
0x269: {  	v51 =	vld [tilespmem:$0x1F720]  }
0x26a: {  	v52 =	vld [tilespmem:$0x1F730]  }
0x26b: {  	v53 =	vld [tilespmem:$0x1F740]  }
0x26c: {  	[tilespmem:$0x1F870] =	vst v63;
	v63 =	vld [tilespmem:s18+$0x87A0]  }
0x26d: {  	v54 =	vld [tilespmem:$0x1F750]  }
0x26e: {  	v55 =	vld [tilespmem:$0x1F760]  }
0x26f: {  	v56 =	vld [tilespmem:$0x1F770]  }
0x270: {  	v57 =	vld [tilespmem:$0x1F780]  }
0x271: {  	[tilespmem:$0x1F880] =	vst v63;
	v63 =	vld [tilespmem:s18+$0x87B0]  }
0x272: {  	v59 =	vld [tilespmem:$0x1F790]  }
0x273: {  	v60 =	vld [tilespmem:$0x1F7A0]  }
0x274: {  	v25 =	vadd.f32 v43, v25;
	v43 =	vld [tilespmem:$0x1F7D0]  }
0x275: {  	v62 =	vld [tilespmem:$0x1F7B0]  }
0x276: {  	[tilespmem:$0x1F890] =	vst v63;
	v63 =	vld [tilespmem:s18+$0x87C0]  }
0x277: {  	v21 =	vadd.f32 v39, v21;
	v30 =	vadd.f32 v54, v30;
	v39 =	vld [tilespmem:$0x1F7C0]  }
0x278: {  	v26 =	vadd.f32 v44, v26;
	v44 =	vld [tilespmem:$0x1F7E0]  }
0x279: {  	v21 =	vadd.f32 v47, v21;
	v30 =	vadd.f32 v43, v30;
	v43 =	vld [tilespmem:s18+$0x8BB0]  }
0x27a: {  	v46 =	vld [tilespmem:$0x1F800]  }
0x27b: {  	v29 =	vadd.f32 v49, v29;
	v21 =	vadd.f32 v55, v21;
	[tilespmem:$0x1F8A0] =	vst v63;
	v63 =	vld [tilespmem:s18+$0x87D0]  }
0x27c: {  	v28 =	vadd.f32 v45, v28;
	v45 =	vld [tilespmem:$0x1F7F0]  }
0x27d: {  	v29 =	vadd.f32 v57, v29;
	v21 =	vadd.f32 v44, v21;
	v44 =	vld [tilespmem:s18+$0x8BC0]  }
0x27e: {  	v47 =	vld [tilespmem:$0x1F810]  }
0x27f: {  	v29 =	vadd.f32 v46, v29;
	v46 =	vld [tilespmem:s18+$0x8BD0]  }
0x280: {  	v23 =	vadd.f32 v50, v23;
	[tilespmem:$0x1F8B0] =	vst v63;
	v63 =	vld [tilespmem:s18+$0x87E0]  }
0x281: {  	v22 =	vadd.f32 v48, v22;
	v48 =	vld [tilespmem:$0x1F820]  }
0x282: {  	v23 =	vadd.f32 v59, v23;
	v49 =	vld [tilespmem:$0x1F830]  }
0x283: {  	v26 =	vadd.f32 v52, v26;
	v50 =	vld [tilespmem:$0x1F840]  }
0x284: {  	v28 =	vadd.f32 v53, v28;
	v23 =	vadd.f32 v47, v23;
	v47 =	vld [tilespmem:s18+$0x8BE0]  }
0x285: {  	v26 =	vadd.f32 v62, v26;
	[tilespmem:$0x1F8C0] =	vst v63;
	v63 =	vld [tilespmem:s18+$0x87F0]  }
0x286: {  	v25 =	vadd.f32 v51, v25;
	v28 =	vadd.f32 v39, v28;
	v51 =	vld [tilespmem:$0x1F850]  }
0x287: {  	v26 =	vadd.f32 v49, v26;
	v49 =	vld [tilespmem:s18+$0x8BF0]  }
0x288: {  	v28 =	vadd.f32 v50, v28;
	v50 =	vld [tilespmem:s18+$0x8C00]  }
0x289: {  	v52 =	vld [tilespmem:$0x1F860]  }
0x28a: {  	[tilespmem:$0x1F8D0] =	vst v63;
	v63 =	vld [tilespmem:s18+$0x8800]  }
0x28b: {  	v30 =	vadd.f32 v51, v30;
	v51 =	vld [tilespmem:s18+$0x8C10]  }
0x28c: {  	v54 =	vld [tilespmem:$0x1F880]  }
0x28d: {  	v53 =	vld [tilespmem:$0x1F870]  }
0x28e: {  	v55 =	vld [tilespmem:$0x1F890]  }
0x28f: {  	[tilespmem:$0x1F8E0] =	vst v63;
	v63 =	vld [tilespmem:s18+$0x8810]  }
0x290: {  	v21 =	vadd.f32 v52, v21;
	v52 =	vld [tilespmem:s18+$0x8C20]  }
0x291: {  	v29 =	vadd.f32 v54, v29;
	v54 =	vld [tilespmem:s18+$0x8C30]  }
0x292: {  	v22 =	vadd.f32 v56, v22;
	v56 =	vld [tilespmem:$0x1F8A0]  }
0x293: {  	v25 =	vadd.f32 v60, v25;
	v23 =	vadd.f32 v55, v23;
	v55 =	vld [tilespmem:s18+$0x8C40]  }
0x294: {  	[tilespmem:$0x1F8F0] =	vst v63;
	v63 =	vld [tilespmem:s18+$0x8820]  }
0x295: {  	v25 =	vadd.f32 v48, v25;
	v60 =	vld [tilespmem:$0x1F8D0]  }
0x296: {  	v57 =	vld [tilespmem:$0x1F8B0]  }
0x297: {  	v25 =	vadd.f32 v56, v25;
	v56 =	vld [tilespmem:s18+$0x8C50]  }
0x298: {  	v62 =	vld [tilespmem:$0x1F8E0]  }
0x299: {  	[tilespmem:$0x1F900] =	vst v63;
	v63 =	vld [tilespmem:s18+$0x8830]  }
0x29a: {  	v30 =	vadd.f32 v60, v30;
	v60 =	vld [tilespmem:$0x1F950]  }
0x29b: {  	v59 =	vld [tilespmem:$0x1F8C0]  }
0x29c: {  	v39 =	vld [tilespmem:$0x1F8F0]  }
0x29d: {  	v22 =	vadd.f32 v45, v22;
	v21 =	vadd.f32 v62, v21;
	v62 =	vld [tilespmem:$0x1F960]  }
0x29e: {  	[tilespmem:$0x1F910] =	vst v63;
	v63 =	vld [tilespmem:s18+$0x8840]  }
0x29f: {  	v22 =	vadd.f32 v53, v22;
	v21 =	vadd.f32 v60, v21;
	v60 =	vld [tilespmem:s18+$0x8C80]  }
0x2a0: {  	v45 =	vld [tilespmem:$0x1F900]  }
0x2a1: {  	v22 =	vadd.f32 v39, v22;
	v39 =	vld [tilespmem:$0x1F980]  }
0x2a2: {  	v48 =	vld [tilespmem:$0x1F910]  }
0x2a3: {  	[tilespmem:$0x1F920] =	vst v63;
	v63 =	vld [tilespmem:s18+$0x8850]  }
0x2a4: {  	v22 =	vadd.f32 v62, v22;
	v62 =	vld [tilespmem:s18+$0x8C90]  }
0x2a5: {  	v53 =	vld [tilespmem:$0x1F920]  }
0x2a6: {  	v29 =	vadd.f32 v45, v29;
	v45 =	vld [tilespmem:$0x1F990]  }
0x2a7: {  	v23 =	vadd.f32 v48, v23;
	v48 =	vld [tilespmem:$0x1F9A0]  }
0x2a8: {  	[tilespmem:$0x1F930] =	vst v63;
	v63 =	vld [tilespmem:s18+$0x8860]  }
0x2a9: {  	v26 =	vadd.f32 v57, v26;
	v57 =	vld [tilespmem:$0x1F930]  }
0x2aa: {  	v23 =	vadd.f32 v39, v23;
	v39 =	vld [tilespmem:$0x1F9C0];
	v25 =	vadd.f32 v53, v25  }
0x2ab: {  	v53 =	vld [tilespmem:$0x1F9B0]  }
0x2ac: {  	v25 =	vadd.f32 v45, v25;
	v45 =	vld [tilespmem:$0x1F9D0]  }
0x2ad: {  	[tilespmem:$0x1F940] =	vst v63;
	v63 =	vld [tilespmem:s18+$0x8870]  }
0x2ae: {  	v26 =	vadd.f32 v57, v26;
	v57 =	vld [tilespmem:s18+$0x8C60]  }
0x2af: {  	v28 =	vadd.f32 v59, v28;
	v59 =	vld [tilespmem:$0x1F940]  }
0x2b0: {  	v26 =	vadd.f32 v48, v26;
	v48 =	vld [tilespmem:$0x1F9E0]  }
0x2b1: {  	v21 =	vadd.f32 v45, v21;
	v45 =	vld [tilespmem:s18+$0x8CD0]  }
0x2b2: {  	v30 =	vadd.f32 v63, v30;
	v63 =	vld [tilespmem:$0x1F970]  }
0x2b3: {  	v26 =	vadd.f32 v61, v26;
	v61 =	vld [tilespmem:s18+$0x8CF0]  }
0x2b4: {  	v28 =	vadd.f32 v59, v28;
	v59 =	vld [tilespmem:s18+$0x8C70]  }
0x2b5: {  	v30 =	vadd.f32 v39, v30;
	v39 =	vld [tilespmem:s18+$0x8CC0]  }
0x2b6: {  	v18 =	vadd.f32 v18, v26;
	v26 =	vld [tilespmem:s18+$0x8D30]  }
0x2b7: {  	v28 =	vadd.f32 v53, v28;
	v53 =	vld [tilespmem:$0x1F9F0]  }
0x2b8: {  	v22 =	vadd.f32 v48, v22;
	v48 =	vld [tilespmem:$0x1FA00]  }
0x2b9: {  	v6 =	vadd.f32 v6, v18;
	v18 =	vld [tilespmem:s18+$0x8D60]  }
0x2ba: {  	v29 =	vadd.f32 v63, v29;
	v63 =	vld [tilespmem:s18+$0x8CA0]  }
0x2bb: {  	v6 =	vadd.f32 v16, v6;
	v16 =	vld [tilespmem:s18+$0x8DE0]  }
0x2bc: {  	v29 =	vadd.f32 v53, v29;
	v53 =	vld [tilespmem:$0x1FA10]  }
0x2bd: {  	v23 =	vadd.f32 v48, v23;
	v48 =	vld [tilespmem:s18+$0x8CE0]  }
0x2be: {  	v6 =	vadd.f32 v36, v6;
	v36 =	vld [tilespmem:s18+$0x8EA0];
	v29 =	vadd.f32 v33, v29  }
0x2bf: {  	v23 =	vadd.f32 v27, v23;
	v27 =	vld [tilespmem:s18+$0x8D10]  }
0x2c0: {  	v6 =	vadd.f32 v46, v6;
	v46 =	vld [tilespmem:s18+$0x8F40];
	v2 =	vadd.f32 v2, v29  }
0x2c1: {  	v4 =	vadd.f32 v4, v23;
	v25 =	vadd.f32 v53, v25;
	v53 =	vld [tilespmem:$0x1FA20]  }
0x2c2: {  	v23 =	vld [tilespmem:s18+$0x8E20];
	v6 =	vadd.f32 v56, v6  }
0x2c3: {  	v56 =	vld [tilespmem:s18+$0x8E60];
	v2 =	vadd.f32 v12, v2;
	v4 =	vadd.f32 v13, v4  }
0x2c4: {  	v12 =	vld [tilespmem:s18+$0x8DA0];
	v6 =	vadd.f32 v45, v6;
	v24 =	vadd.f32 v24, v25  }
0x2c5: {  	v13 =	vld [tilespmem:s18+$0x8DB0];
	v2 =	vadd.f32 v32, v2;
	v4 =	vadd.f32 v34, v4  }
0x2c6: {  	v5 =	vadd.f32 v5, v24;
	v28 =	vadd.f32 v53, v28;
	v53 =	vld [tilespmem:$0x1FA30]  }
0x2c7: {  	v45 =	vld [tilespmem:s18+$0x8F30];
	v2 =	vadd.f32 v42, v2;
	v4 =	vadd.f32 v43, v4  }
0x2c8: {  	v25 =	vld [tilespmem:s18+$0x8D20];
	v5 =	vadd.f32 v14, v5;
	v15 =	vadd.f32 v15, v28  }
0x2c9: {  	v42 =	vld [tilespmem:s18+$0x8F00];
	v2 =	vadd.f32 v52, v2;
	v4 =	vadd.f32 v54, v4  }
0x2ca: {  	v43 =	vld [tilespmem:s18+$0x8F10];
	v5 =	vadd.f32 v35, v5;
	v7 =	vadd.f32 v7, v15  }
0x2cb: {  	v2 =	vadd.f32 v63, v2;
	v30 =	vadd.f32 v53, v30;
	v53 =	vld [tilespmem:$0x1FA40]  }
0x2cc: {  	v14 =	vld [tilespmem:s18+$0x8DC0];
	v0 =	vadd.f32 v0, v4;
	v5 =	vadd.f32 v44, v5  }
0x2cd: {  	v54 =	vld [tilespmem:s18+$0x8E50];
	v7 =	vadd.f32 v17, v7;
	v2 =	vadd.f32 v25, v2  }
0x2ce: {  	v52 =	vld [tilespmem:s18+$0x8FA0];
	v0 =	vadd.f32 v26, v0;
	v9 =	vadd.f32 v9, v30  }
0x2cf: {  	v15 =	vld [tilespmem:s18+$0x8DD0];
	v5 =	vadd.f32 v55, v5;
	v7 =	vadd.f32 v37, v7  }
0x2d0: {  	v2 =	vadd.f32 v12, v2;
	v21 =	vadd.f32 v53, v21;
	v53 =	vld [tilespmem:$0x1FA50]  }
0x2d1: {  	v63 =	vld [tilespmem:s18+$0x8E90];
	v0 =	vadd.f32 v13, v0;
	v8 =	vadd.f32 v8, v9  }
0x2d2: {  	v44 =	vld [tilespmem:s18+$0x8F20];
	v5 =	vadd.f32 v39, v5;
	v7 =	vadd.f32 v47, v7  }
0x2d3: {  	v17 =	vld [tilespmem:s18+$0x8DF0];
	v2 =	vadd.f32 v23, v2;
	v8 =	vadd.f32 v19, v8  }
0x2d4: {  	v55 =	vld [tilespmem:s18+$0x8FD0];
	v3 =	vadd.f32 v3, v21;
	v7 =	vadd.f32 v57, v7  }
0x2d5: {  	v37 =	vld [tilespmem:s18+$0x8EB0];
	v2 =	vadd.f32 v36, v2;
	v22 =	vadd.f32 v53, v22  }
0x2d6: {  	v9 =	vld [tilespmem:s18+$0x8D70];
	v8 =	vadd.f32 v38, v8;
	v3 =	vadd.f32 v10, v3  }
0x2d7: {  	v21 =	vld [tilespmem:s18+$0x8D40];
	v7 =	vadd.f32 v48, v7;
	v1 =	vadd.f32 v1, v22  }
0x2d8: {  	v39 =	vld [tilespmem:s18+$0x8ED0];
	v2 =	vadd.f32 v44, v2;
	v8 =	vadd.f32 v49, v8  }
0x2d9: {  	v47 =	vld [tilespmem:s18+$0x8F50];
	v3 =	vadd.f32 v20, v3;
	v1 =	vadd.f32 v11, v1  }
0x2da: {  	v19 =	vld [tilespmem:s18+$0x8E00];
	v7 =	vadd.f32 v18, v7;
	v2 =	vadd.f32 v52, v2  }
0x2db: {  	v49 =	vld [tilespmem:s18+$0x8E30];
	v8 =	vadd.f32 v59, v8;
	v1 =	vadd.f32 v31, v1  }
0x2dc: {  	v10 =	vld [tilespmem:s18+$0x8D80];
	v5 =	vadd.f32 v21, v5;
	v3 =	vadd.f32 v40, v3  }
0x2dd: {  	v53 =	vld [tilespmem:s18+$0x8D00];
	v7 =	vadd.f32 v16, v7;
	v1 =	vadd.f32 v41, v1  }
0x2de: {  	v22 =	vld [tilespmem:s18+$0x8D50];
	v8 =	vadd.f32 v61, v8;
	v3 =	vadd.f32 v50, v3  }
0x2df: {  	v20 =	vld [tilespmem:s18+$0x8E10];
	v5 =	vadd.f32 v14, v5;
	v1 =	vadd.f32 v51, v1  }
0x2e0: {  	v11 =	vld [tilespmem:s18+$0x8D90];
	v0 =	vadd.f32 v49, v0;
	v3 =	vadd.f32 v60, v3  }
0x2e1: {  	v40 =	vld [tilespmem:s18+$0x8EE0];
	v7 =	vadd.f32 v56, v7;
	v1 =	vadd.f32 v62, v1  }
0x2e2: {  	v8 =	vadd.f32 v9, v8;
	v3 =	vadd.f32 v53, v3;
	v51 =	vld [tilespmem:s18+$0x8E40]  }
0x2e3: {  	v6 =	vadd.f32 v22, v6;
	v62 =	vld [tilespmem:s18+$0x8E80];
	v1 =	vadd.f32 v27, v1  }
0x2e4: {  	v38 =	vld [tilespmem:s18+$0x8EC0];
	v0 =	vadd.f32 v37, v0;
	v3 =	vadd.f32 v10, v3  }
0x2e5: {  	v59 =	vld [tilespmem:s18+$0x8E70];
	v8 =	vadd.f32 v17, v8;
	v1 =	vadd.f32 v11, v1  }
0x2e6: {  	v48 =	vld [tilespmem:s18+$0x8F60];
	v7 =	vadd.f32 v40, v7;
	v3 =	vadd.f32 v19, v3  }
0x2e7: {  	v50 =	vld [tilespmem:s18+$0x8F80];
	v6 =	vadd.f32 v15, v6;
	v1 =	vadd.f32 v20, v1  }
0x2e8: {  	v5 =	vadd.f32 v51, v5;
	v51 =	vld [tilespmem:s18+$0x8F90];
	v3 =	vadd.f32 v62, v3  }
0x2e9: {  	v41 =	vld [tilespmem:s18+$0x8EF0];
	v0 =	vadd.f32 v45, v0;
	v1 =	vadd.f32 v63, v1  }
0x2ea: {  	v53 =	vld [tilespmem:s18+$0x8FB0];
	v8 =	vadd.f32 v59, v8;
	v3 =	vadd.f32 v42, v3  }
0x2eb: {  	v6 =	vadd.f32 v54, v6;
	v54 =	vld [tilespmem:s18+$0x8FC0];
	v1 =	vadd.f32 v43, v1  }
0x2ec: {  	v49 =	vld [tilespmem:s18+$0x8F70];
	v5 =	vadd.f32 v38, v5;
	v3 =	vadd.f32 v50, v3  }
0x2ed: {  	v56 =	vld [tilespmem:s18+$0x8FE0];
	v6 =	vadd.f32 v39, v6;
	v1 =	vadd.f32 v51, v1  }
0x2ee: {  	s31 =	sshll.u32 s17, $0x7;
	v57 =	vld [tilespmem:s18+$0x8FF0];
	v8 =	vadd.f32 v41, v8;
	v5 =	vadd.f32 v46, v5;
	v3 =	vmul.f32 $3.125000000e-02, v3  }
0x2ef: {  	v0 =	vadd.f32 v53, v0;
	v6 =	vadd.f32 v47, v6;
	s18 =	sand.u32 $0x3FFFFF80, s31;
	v1 =	vmul.f32 $3.125000000e-02, v1  }
0x2f0: {  	v2 =	vmul.f32 $3.125000000e-02, v2;
	v7 =	vadd.f32 v48, v7;
	v5 =	vadd.f32 v54, v5;
	[tilespmem:v58+s18+$0x0 ss:$0x1] =	vst.idx.msk $0xffff, v3  }
0x2f1: {  	v59 =	vadd.f32 v49, v8;
	v0 =	vmul.f32 $3.125000000e-02, v0;
	v4 =	vadd.f32 v55, v6;
	[tilespmem:v58+s18+$0x10 ss:$0x1] =	vst.idx.msk $0xffff, v1  }
0x2f2: {  	p0 =	sne.s32 s17, $0x7;
	v60 =	vadd.f32 v56, v7;
	v61 =	vmul.f32 $3.125000000e-02, v5;
	[tilespmem:v58+s18+$0x20 ss:$0x1] =	vst.idx.msk $0xffff, v2  }
.Ltmp7:
0x2f3: {  	v62 =	vmul.f32 $3.125000000e-02, v4;
	v3 =	vadd.f32 v57, v59;
	[tilespmem:v58+s18+$0x30 ss:$0x1] =	vst.idx.msk $0xffff, v0;
	(pc) =	sbr.rel @p0 .LBB2_7-.Ltmp7, $4  }
0x2f4: {  	v1 =	vmul.f32 $3.125000000e-02, v60;
	[tilespmem:v58+s18+$0x40 ss:$0x1] =	vst.idx.msk $0xffff, v61  }
0x2f5: {  	v63 =	vmul.f32 $3.125000000e-02, v3;
	[tilespmem:v58+s18+$0x50 ss:$0x1] =	vst.idx.msk $0xffff, v62  }
0x2f6: {  	[tilespmem:v58+s18+$0x60 ss:$0x1] =	vst.idx.msk $0xffff, v1  }
0x2f7: {  	s17 =	sadd.s32 $0x1, s17;
	[tilespmem:v58+s18+$0x70 ss:$0x1] =	vst.idx.msk $0xffff, v63  }
.Ltmp8:
0x2f8: {  	(pc) =	sbr.rel .LBB2_9-.Ltmp8, $4  }
0x2f9: {  	_ = 	snop  }
0x2fa: {  	p0 =	sgt.u32 s15, $0xA  }
0x2fb: {  	s16 =	sadd.s32 @!p0 s16, s6;
	s17 =	simm.s32 @!p0 $0x0;
	s18 =	simm.s32 @!p0 $0x8000  }
0x2fc: {  	[tilespmem:s18], [sflag:$0x2] =	stream.linear.gather @!p0 [hbm4b:s16+s17], $0x8000, $0x38;
	[tilespmem:$0x16400] =	vst v63  }
.LBB2_11:
0x2fd: {  	_ =	sfence.sel $0x180000  }
0x2fe: {  	[bflag:$0x0] =	sbarrier.arrive $0xFFFF  }
0x2ff: {  	p0 =	sne.s32 s0, $0x0;
	_ =	strace $0x90000047  }
0x300: {  	s0 =	sadd.s32 @!p0 $0x100000, s1;
	[bflag:$0x2] =	sbarrier.arrive $0xFFFF  }
0x301: {  	[sflag:s0] =	ssyncadd.tile.s32 @!p0 $0x1;
	_ =	shalt  }
.Lfunc_end2:
_tile_overlayer_lowered:
.L_overlay_start_2:
0x302: {  	(tag) =	ssettag $0x2  }
0x303: {  	s0 =	rddreg [dreg:$0x0];
	s2 =	stileid.u32  }
0x304: {  	s1 =	rddreg [dreg:$0x1];
	p0 =	sne.s32 s2, $0x0  }
0x305: {  	s3 =	rddreg [dreg:$0x2];
	[bflag:$0x3] =	sbarrier.arrive $0xFFFF;
	s2 =	simm.s32 @!p0 $0x1C03  }
0x306: {  	[timem:s3], [sflag:s2] =	dma.local @!p0 [hbm:s0], s1  }
0x307: {  	s0 =	simm.s32 @!p0 $0x3  }
0x308: {  	_ =	swait.ge @!p0 [sflag:s0], s1  }
0x309: {  	s1 =	ssub.s32 @!p0 $0x0, s1;
	[sflag:s0] =	ssyncset.done @!p0 $0x0  }
0x30a: {  	[sflag:s0] =	ssyncadd.s32 @!p0 s1  }
0x30b: {  	[bflag:$0x3] =	sbarrier.arrive $0xFFFF  }
0x30c: {  	_ =	shalt  }

</sc_bundles>
